<compile_context>
chip_gen: v7x
topology: tpu7x:2x2x1
jax: 0.10.2.dev20260603
libtpu: 0.0.44.dev20260713+nightly
codegen_flags: <defaults>
</compile_context>

<pallas_src>
import functools
import jax
import jax.numpy as jnp
from jax import lax
from jax.experimental import pallas as pl
from jax.experimental.pallas import tpu as pltpu
from jax.experimental.pallas import tpu_sc as plsc

_B, _T, _V = 16, 2048, 1000
_HI = 5.0
_LO = -5.0
_NC, _NS, _L = 2, 16, 16
_TRB = _V // 8
_TCB = _T // 128
_VCH = 24
_NTCH = (_VCH // 8) * _TCB
_V0SPLIT = 496
_NCH = 21


def _make_sc_onehot():
    @functools.partial(
        pl.kernel,
        mesh=plsc.VectorSubcoreMesh(core_axis_name="c", subcore_axis_name="s"),
        out_type=jax.ShapeDtypeStruct((_B * _TRB * _TCB, 8, 128), jnp.float32),
        scratch_types=[
            pltpu.VMEM((_T,), jnp.int32),
            pltpu.VMEM((_NTCH, 8, 128), jnp.float32),
            pltpu.VMEM((_NTCH, 8, 128), jnp.float32),
            pltpu.SemaphoreType.DMA,
            pltpu.SemaphoreType.DMA,
        ],
        compiler_params=pltpu.CompilerParams(use_tc_tiling_on_sc=False,
                                             needs_layout_passes=False),
    )
    def _sc_onehot(ids_hbm, out_hbm, ids_v, buf0, buf1, sem0, sem1):
        wid = lax.axis_index("s") * _NC + lax.axis_index("c")
        b = wid // 2
        half = wid % 2
        vbase = half * _V0SPLIT
        pltpu.sync_copy(ids_hbm.at[pl.ds(b * _T, _T)], ids_v)

        lo = jnp.full((_L,), _LO, jnp.float32)
        hi = jnp.full((_L,), _HI, jnp.float32)
        iota = lax.broadcasted_iota(jnp.int32, (_L,), 0)

        def fill(buf):
            def fill_tile(r, carry):
                for s in range(8):
                    for l in range(128 // _L):
                        buf[r, s, pl.ds(l * _L, _L)] = lo
                return carry
            lax.fori_loop(0, _NTCH, fill_tile, 0)

        def poke(buf, v0, nv, val):
            def poke_g(g8, carry):
                for u in range(8):
                    off = (g8 * 8 + u) * _L
                    ids16 = ids_v[pl.ds(off, _L)]
                    vloc = ids16 - v0
                    tile16 = (vloc >> 3) * _TCB + (off >> 7)
                    sub16 = vloc & 7
                    lane16 = (off & 127) + iota
                    mask = vloc.astype(jnp.uint32) < jnp.uint32(nv)
                    plsc.store_scatter(buf, [tile16, sub16, lane16], val,
                                       mask=mask)
                return carry
            lax.fori_loop(0, _T // _L // 8, poke_g, 0)

        def poke2(buf, v_old, nv_old, v_new, nv_new):
            def poke_g(g8, carry):
                for u in range(8):
                    off = (g8 * 8 + u) * _L
                    ids16 = ids_v[pl.ds(off, _L)]
                    lane16 = (off & 127) + iota
                    v_o = ids16 - v_old
                    m_o = v_o.astype(jnp.uint32) < jnp.uint32(nv_old)
                    plsc.store_scatter(
                        buf, [(v_o >> 3) * _TCB + (off >> 7), v_o & 7, lane16],
                        lo, mask=m_o)
                    v_n = ids16 - v_new
                    m_n = v_n.astype(jnp.uint32) < jnp.uint32(nv_new)
                    plsc.store_scatter(
                        buf, [(v_n >> 3) * _TCB + (off >> 7), v_n & 7, lane16],
                        hi, mask=m_n)
                return carry
            lax.fori_loop(0, _T // _L // 8, poke_g, 0)

        def start(buf, sem, k, nv):
            poke(buf, vbase + k * _VCH, nv, hi)
            tile0 = (b * _TRB + (vbase + k * _VCH) // 8) * _TCB
            pltpu.async_copy(buf.at[pl.ds(0, (nv // 8) * _TCB)],
                             out_hbm.at[pl.ds(tile0, (nv // 8) * _TCB)], sem)

        def wait(buf, sem, nv):
            pltpu.make_async_copy(buf.at[pl.ds(0, (nv // 8) * _TCB)],
                                  out_hbm.at[pl.ds(0, (nv // 8) * _TCB)],
                                  sem).wait()

        fill(buf0)
        start(buf0, sem0, 0, _VCH)
        fill(buf1)
        start(buf1, sem1, 1, _VCH)

        def step(buf, sem, k_old, k_new, nv_new):
            wait(buf, sem, _VCH)
            poke2(buf, vbase + k_old * _VCH, _VCH,
                  vbase + k_new * _VCH, nv_new)
            tile0 = (b * _TRB + (vbase + k_new * _VCH) // 8) * _TCB
            pltpu.async_copy(buf.at[pl.ds(0, (nv_new // 8) * _TCB)],
                             out_hbm.at[pl.ds(tile0, (nv_new // 8) * _TCB)],
                             sem)

        def two_body(j, carry):
            k0 = 2 + 2 * j
            step(buf0, sem0, k0 - 2, k0, _VCH)
            step(buf1, sem1, k0 - 1, k0 + 1, _VCH)
            return carry

        lax.fori_loop(0, (_NCH - 3) // 2, two_body, 0)

        @pl.when(half == 0)
        def _():
            step(buf0, sem0, 18, 20, _V0SPLIT - 20 * _VCH)
            wait(buf0, sem0, _V0SPLIT - 20 * _VCH)

        @pl.when(half == 1)
        def _():
            step(buf0, sem0, 18, 20, _VCH)
            wait(buf0, sem0, _VCH)

        wait(buf1, sem1, _VCH)

    return _sc_onehot


def kernel(input_ids):
    Bx, Tx = input_ids.shape
    ids = (input_ids.astype(jnp.int32) % _V).reshape(-1)
    out = _make_sc_onehot()(ids)
    out5 = out.reshape(Bx, _TRB, _TCB, 8, 128)
    q = out5.transpose(0, 1, 3, 2, 4).reshape(Bx, _V, Tx)
    return jnp.swapaxes(q, 1, 2)

# --- scband reference (transcript-rebuilt; emitter-appended) ---
"""Pipeline reference for scband-dummy-model-22797686408109 (READ-ONLY COPY).

The authoritative reference and input builder live on the scoring server;
editing this copy changes nothing except your own understanding.
"""

import jax, jax.numpy as jnp
import numpy as np

VOCAB_SIZE = 1000
HI = 5.0
LO = -5.0
B, T = 16, 2048


def setup_inputs(seed: int = 0) -> dict:
    key = jax.random.key(seed)
    input_ids = jax.random.randint(key, (B, T), 0, VOCAB_SIZE, dtype=jnp.int64 if jax.config.read('jax_enable_x64') else jnp.int32)
    return {"input_ids": input_ids}


def reference(input_ids) -> jnp.ndarray:
    Bx, Tx = input_ids.shape
    V = VOCAB_SIZE
    # logits = full((B, T, V), lo); scatter hi at index (input_ids % V) along last dim
    logits = jnp.full((Bx, Tx, V), LO, dtype=jnp.float32)
    top_idx = (input_ids % V).astype(jnp.int32)
    b_idx = jnp.arange(Bx, dtype=jnp.int32)[:, None]
    t_idx = jnp.arange(Tx, dtype=jnp.int32)[None, :]
    logits = logits.at[b_idx, t_idx, top_idx].set(HI)
    return logits

if __name__ == "__main__":
    import jax
    _d = setup_inputs()
    print(jax.jit(kernel)(*tuple(_d.values())))

</pallas_src>

<mosaic_0001>
#map = affine_map<(d0, d1) -> (0)>
#map1 = affine_map<(d0, d1) -> (0, 0, 0)>
module attributes {stable_mosaic.version = 14 : i64} {
  func.func @_sc_onehot(%arg0: i32, %arg1: i32, %arg2: memref<32768xi32, #tpu.memory_space<hbm>>, %arg3: memref<32000x8x128xf32, #tpu.memory_space<hbm>>, %arg4: memref<2048xi32, #tpu.memory_space<vmem>>, %arg5: memref<48x8x128xf32, #tpu.memory_space<vmem>>, %arg6: memref<48x8x128xf32, #tpu.memory_space<vmem>>, %arg7: memref<!tpu.dma_semaphore, #tpu.memory_space<semaphore_mem>>, %arg8: memref<!tpu.dma_semaphore, #tpu.memory_space<semaphore_mem>>) attributes {dimension_semantics = [#tpu.dimension_semantics<core_parallel>, #tpu.dimension_semantics<subcore_parallel>], iteration_bounds = array<i64: 2, 16>, scalar_prefetch = 0 : i64, scratch_operands = 5 : i64, tpu.core_type = #tpu.core_type<sc_vector_subcore>, window_params = [{transform_indices = #map}, {transform_indices = #map1}]} {
    %mul3A = arith.constant 2 : i32
    %mul3A_0 = arith.muli %arg1, %mul3A : i32
    %add3A = arith.addi %mul3A_0, %arg0 : i32
    %jit3A = arith.constant 2 : i32
    %div3A = arith.divsi %add3A, %jit3A : i32
    %sign3A = arith.constant 0 : i32
    %sign3A_1 = arith.cmpi sgt, %add3A, %sign3A : i32
    %sign3A_2 = arith.extui %sign3A_1 : i1 to i32
    %sign3A_3 = arith.constant 0 : i32
    %sign3A_4 = arith.cmpi slt, %add3A, %sign3A_3 : i32
    %sign3A_5 = arith.extui %sign3A_4 : i1 to i32
    %sign3A_6 = arith.subi %sign3A_2, %sign3A_5 : i32
    %sign3A_7 = arith.constant 0 : i32
    %sign3A_8 = arith.cmpi sgt, %jit3A, %sign3A_7 : i32
    %sign3A_9 = arith.extui %sign3A_8 : i1 to i32
    %sign3A_10 = arith.constant 0 : i32
    %sign3A_11 = arith.cmpi slt, %jit3A, %sign3A_10 : i32
    %sign3A_12 = arith.extui %sign3A_11 : i1 to i32
    %sign3A_13 = arith.subi %sign3A_9, %sign3A_12 : i32
    %ne3A = arith.cmpi ne, %sign3A_6, %sign3A_13 : i32
    %rem3A = arith.remsi %add3A, %jit3A : i32
    %ne3A_14 = arith.constant 0 : i32
    %ne3A_15 = arith.cmpi ne, %rem3A, %ne3A_14 : i32
    %and3A = arith.andi %ne3A, %ne3A_15 : i1
    %sub3A = arith.constant 1 : i32
    %sub3A_16 = arith.subi %div3A, %sub3A : i32
    %select_n3A = arith.select %and3A, %sub3A_16, %div3A : i32
    %jit3A_17 = arith.constant 2 : i32
    %eq3A = arith.constant 0 : i32
    %eq3A_18 = arith.cmpi eq, %jit3A_17, %eq3A : i32
    %jit3A_19 = arith.constant 1 : i32
    %select_n3A_20 = arith.select %eq3A_18, %jit3A_19, %jit3A_17 : i32
    %rem3A_21 = arith.remsi %add3A, %select_n3A_20 : i32
    %ne3A_22 = arith.constant 0 : i32
    %ne3A_23 = arith.cmpi ne, %rem3A_21, %ne3A_22 : i32
    %lt3A = arith.constant 0 : i32
    %lt3A_24 = arith.cmpi slt, %rem3A_21, %lt3A : i32
    %lt3A_25 = arith.constant 0 : i32
    %lt3A_26 = arith.cmpi slt, %select_n3A_20, %lt3A_25 : i32
    %ne3A_27 = arith.xori %lt3A_24, %lt3A_26 : i1
    %and3A_28 = arith.andi %ne3A_27, %ne3A_23 : i1
    %add3A_29 = arith.addi %rem3A_21, %select_n3A_20 : i32
    %select_n3A_30 = arith.select %and3A_28, %add3A_29, %rem3A_21 : i32
    %mul3A_31 = arith.constant 496 : i32
    %mul3A_32 = arith.muli %select_n3A_30, %mul3A_31 : i32
    %mul3A_33 = arith.constant 2048 : i32
    %mul3A_34 = arith.muli %select_n3A, %mul3A_33 : i32
    "tpu.region"() ({
      %run_scoped3A = tpu.sem_alloc : memref<!tpu.dma_semaphore, #tpu.memory_space<semaphore_mem>>
      %dma_start3A_183 = tpu.memref_slice %arg2[%mul3A_34] : memref<32768xi32, #tpu.memory_space<hbm>> -> memref<2048xi32, #tpu.memory_space<hbm>>
      %dma_start3A_184 = tpu.memref_slice %arg2[%mul3A_34] : memref<32768xi32, #tpu.memory_space<hbm>> -> memref<2048xi32, #tpu.memory_space<hbm>>
      tpu.enqueue_dma source(%dma_start3A_184 : memref<2048xi32, #tpu.memory_space<hbm>>) target(%arg4 : memref<2048xi32, #tpu.memory_space<vmem>>) target_semaphore(%run_scoped3A : memref<!tpu.dma_semaphore, #tpu.memory_space<semaphore_mem>>)
      %dma_wait3A_185 = tpu.memref_slice %arg2[%mul3A_34] : memref<32768xi32, #tpu.memory_space<hbm>> -> memref<2048xi32, #tpu.memory_space<hbm>>
      %dma_wait3A_186 = tpu.memref_slice %arg2[%mul3A_34] : memref<32768xi32, #tpu.memory_space<hbm>> -> memref<2048xi32, #tpu.memory_space<hbm>>
      tpu.wait_dma2 semaphore(%run_scoped3A : memref<!tpu.dma_semaphore, #tpu.memory_space<semaphore_mem>>) src(%dma_wait3A_186 : memref<2048xi32, #tpu.memory_space<hbm>>) dst(%arg4 : memref<2048xi32, #tpu.memory_space<vmem>>)
      tpu.yield
    }) : () -> ()
    %broadcast_in_dim3A = arith.constant -5.000000e+00 : f32
    %broadcast_in_dim3A_35 = vector.broadcast %broadcast_in_dim3A : f32 to vector<16xf32>
    %broadcast_in_dim3A_36 = arith.constant 5.000000e+00 : f32
    %broadcast_in_dim3A_37 = vector.broadcast %broadcast_in_dim3A_36 : f32 to vector<16xf32>
    %iota3A = tpu.iota {dimensions = array<i32: 0>} : vector<16xi32>
    %scan3A = arith.constant 0 : i32
    %scan3A_38 = arith.constant 0 : i32
    %scan3A_39 = arith.constant 48 : i32
    %scan3A_40 = arith.addi %scan3A_38, %scan3A_39 : i32
    %scan3A_41 = arith.constant 1 : i32
    scf.for %scan3A_183 = %scan3A_38 to %scan3A_40 step %scan3A_41  : i32 {
      %swap3A = arith.constant 0 : i32
      %swap3A_184 = arith.index_cast %scan3A_183 : i32 to index
      %swap3A_185 = arith.index_cast %swap3A : i32 to index
      %swap3A_186 = arith.constant 0 : index
      %swap3A_187 = tpu.vector_load %arg5[%swap3A_184, %swap3A_185, %swap3A_186] {strides = array<i32>} : memref<48x8x128xf32, #tpu.memory_space<vmem>>, vector<16xf32>,
      tpu.vector_store %arg5[%swap3A_184, %swap3A_185, %swap3A_186], %broadcast_in_dim3A_35 {strides = array<i32>} : memref<48x8x128xf32, #tpu.memory_space<vmem>>, vector<16xf32>,
      %swap3A_188 = arith.constant 0 : i32
      %swap3A_189 = arith.index_cast %scan3A_183 : i32 to index
      %swap3A_190 = arith.index_cast %swap3A_188 : i32 to index
      %swap3A_191 = arith.constant 16 : index
      %swap3A_192 = tpu.vector_load %arg5[%swap3A_189, %swap3A_190, %swap3A_191] {strides = array<i32>} : memref<48x8x128xf32, #tpu.memory_space<vmem>>, vector<16xf32>,
      tpu.vector_store %arg5[%swap3A_189, %swap3A_190, %swap3A_191], %broadcast_in_dim3A_35 {strides = array<i32>} : memref<48x8x128xf32, #tpu.memory_space<vmem>>, vector<16xf32>,
      %swap3A_193 = arith.constant 0 : i32
      %swap3A_194 = arith.index_cast %scan3A_183 : i32 to index
      %swap3A_195 = arith.index_cast %swap3A_193 : i32 to index
      %swap3A_196 = arith.constant 32 : index
      %swap3A_197 = tpu.vector_load %arg5[%swap3A_194, %swap3A_195, %swap3A_196] {strides = array<i32>} : memref<48x8x128xf32, #tpu.memory_space<vmem>>, vector<16xf32>,
      tpu.vector_store %arg5[%swap3A_194, %swap3A_195, %swap3A_196], %broadcast_in_dim3A_35 {strides = array<i32>} : memref<48x8x128xf32, #tpu.memory_space<vmem>>, vector<16xf32>,
      %swap3A_198 = arith.constant 0 : i32
      %swap3A_199 = arith.index_cast %scan3A_183 : i32 to index
      %swap3A_200 = arith.index_cast %swap3A_198 : i32 to index
      %swap3A_201 = arith.constant 48 : index
      %swap3A_202 = tpu.vector_load %arg5[%swap3A_199, %swap3A_200, %swap3A_201] {strides = array<i32>} : memref<48x8x128xf32, #tpu.memory_space<vmem>>, vector<16xf32>,
      tpu.vector_store %arg5[%swap3A_199, %swap3A_200, %swap3A_201], %broadcast_in_dim3A_35 {strides = array<i32>} : memref<48x8x128xf32, #tpu.memory_space<vmem>>, vector<16xf32>,
      %swap3A_203 = arith.constant 0 : i32
      %swap3A_204 = arith.index_cast %scan3A_183 : i32 to index
      %swap3A_205 = arith.index_cast %swap3A_203 : i32 to index
      %swap3A_206 = arith.constant 64 : index
      %swap3A_207 = tpu.vector_load %arg5[%swap3A_204, %swap3A_205, %swap3A_206] {strides = array<i32>} : memref<48x8x128xf32, #tpu.memory_space<vmem>>, vector<16xf32>,
      tpu.vector_store %arg5[%swap3A_204, %swap3A_205, %swap3A_206], %broadcast_in_dim3A_35 {strides = array<i32>} : memref<48x8x128xf32, #tpu.memory_space<vmem>>, vector<16xf32>,
      %swap3A_208 = arith.constant 0 : i32
      %swap3A_209 = arith.index_cast %scan3A_183 : i32 to index
      %swap3A_210 = arith.index_cast %swap3A_208 : i32 to index
      %swap3A_211 = arith.constant 80 : index
      %swap3A_212 = tpu.vector_load %arg5[%swap3A_209, %swap3A_210, %swap3A_211] {strides = array<i32>} : memref<48x8x128xf32, #tpu.memory_space<vmem>>, vector<16xf32>,
      tpu.vector_store %arg5[%swap3A_209, %swap3A_210, %swap3A_211], %broadcast_in_dim3A_35 {strides = array<i32>} : memref<48x8x128xf32, #tpu.memory_space<vmem>>, vector<16xf32>,
      %swap3A_213 = arith.constant 0 : i32
      %swap3A_214 = arith.index_cast %scan3A_183 : i32 to index
      %swap3A_215 = arith.index_cast %swap3A_213 : i32 to index
      %swap3A_216 = arith.constant 96 : index
      %swap3A_217 = tpu.vector_load %arg5[%swap3A_214, %swap3A_215, %swap3A_216] {strides = array<i32>} : memref<48x8x128xf32, #tpu.memory_space<vmem>>, vector<16xf32>,
      tpu.vector_store %arg5[%swap3A_214, %swap3A_215, %swap3A_216], %broadcast_in_dim3A_35 {strides = array<i32>} : memref<48x8x128xf32, #tpu.memory_space<vmem>>, vector<16xf32>,
      %swap3A_218 = arith.constant 0 : i32
      %swap3A_219 = arith.index_cast %scan3A_183 : i32 to index
      %swap3A_220 = arith.index_cast %swap3A_218 : i32 to index
      %swap3A_221 = arith.constant 112 : index
      %swap3A_222 = tpu.vector_load %arg5[%swap3A_219, %swap3A_220, %swap3A_221] {strides = array<i32>} : memref<48x8x128xf32, #tpu.memory_space<vmem>>, vector<16xf32>,
      tpu.vector_store %arg5[%swap3A_219, %swap3A_220, %swap3A_221], %broadcast_in_dim3A_35 {strides = array<i32>} : memref<48x8x128xf32, #tpu.memory_space<vmem>>, vector<16xf32>,
      %swap3A_223 = arith.constant 1 : i32
      %swap3A_224 = arith.index_cast %scan3A_183 : i32 to index
      %swap3A_225 = arith.index_cast %swap3A_223 : i32 to index
      %swap3A_226 = arith.constant 0 : index
      %swap3A_227 = tpu.vector_load %arg5[%swap3A_224, %swap3A_225, %swap3A_226] {strides = array<i32>} : memref<48x8x128xf32, #tpu.memory_space<vmem>>, vector<16xf32>,
      tpu.vector_store %arg5[%swap3A_224, %swap3A_225, %swap3A_226], %broadcast_in_dim3A_35 {strides = array<i32>} : memref<48x8x128xf32, #tpu.memory_space<vmem>>, vector<16xf32>,
      %swap3A_228 = arith.constant 1 : i32
      %swap3A_229 = arith.index_cast %scan3A_183 : i32 to index
      %swap3A_230 = arith.index_cast %swap3A_228 : i32 to index
      %swap3A_231 = arith.constant 16 : index
      %swap3A_232 = tpu.vector_load %arg5[%swap3A_229, %swap3A_230, %swap3A_231] {strides = array<i32>} : memref<48x8x128xf32, #tpu.memory_space<vmem>>, vector<16xf32>,
      tpu.vector_store %arg5[%swap3A_229, %swap3A_230, %swap3A_231], %broadcast_in_dim3A_35 {strides = array<i32>} : memref<48x8x128xf32, #tpu.memory_space<vmem>>, vector<16xf32>,
      %swap3A_233 = arith.constant 1 : i32
      %swap3A_234 = arith.index_cast %scan3A_183 : i32 to index
      %swap3A_235 = arith.index_cast %swap3A_233 : i32 to index
      %swap3A_236 = arith.constant 32 : index
      %swap3A_237 = tpu.vector_load %arg5[%swap3A_234, %swap3A_235, %swap3A_236] {strides = array<i32>} : memref<48x8x128xf32, #tpu.memory_space<vmem>>, vector<16xf32>,
      tpu.vector_store %arg5[%swap3A_234, %swap3A_235, %swap3A_236], %broadcast_in_dim3A_35 {strides = array<i32>} : memref<48x8x128xf32, #tpu.memory_space<vmem>>, vector<16xf32>,
      %swap3A_238 = arith.constant 1 : i32
      %swap3A_239 = arith.index_cast %scan3A_183 : i32 to index
      %swap3A_240 = arith.index_cast %swap3A_238 : i32 to index
      %swap3A_241 = arith.constant 48 : index
      %swap3A_242 = tpu.vector_load %arg5[%swap3A_239, %swap3A_240, %swap3A_241] {strides = array<i32>} : memref<48x8x128xf32, #tpu.memory_space<vmem>>, vector<16xf32>,
      tpu.vector_store %arg5[%swap3A_239, %swap3A_240, %swap3A_241], %broadcast_in_dim3A_35 {strides = array<i32>} : memref<48x8x128xf32, #tpu.memory_space<vmem>>, vector<16xf32>,
      %swap3A_243 = arith.constant 1 : i32
      %swap3A_244 = arith.index_cast %scan3A_183 : i32 to index
      %swap3A_245 = arith.index_cast %swap3A_243 : i32 to index
      %swap3A_246 = arith.constant 64 : index
      %swap3A_247 = tpu.vector_load %arg5[%swap3A_244, %swap3A_245, %swap3A_246] {strides = array<i32>} : memref<48x8x128xf32, #tpu.memory_space<vmem>>, vector<16xf32>,
      tpu.vector_store %arg5[%swap3A_244, %swap3A_245, %swap3A_246], %broadcast_in_dim3A_35 {strides = array<i32>} : memref<48x8x128xf32, #tpu.memory_space<vmem>>, vector<16xf32>,
      %swap3A_248 = arith.constant 1 : i32
      %swap3A_249 = arith.index_cast %scan3A_183 : i32 to index
      %swap3A_250 = arith.index_cast %swap3A_248 : i32 to index
      %swap3A_251 = arith.constant 80 : index
      %swap3A_252 = tpu.vector_load %arg5[%swap3A_249, %swap3A_250, %swap3A_251] {strides = array<i32>} : memref<48x8x128xf32, #tpu.memory_space<vmem>>, vector<16xf32>,
      tpu.vector_store %arg5[%swap3A_249, %swap3A_250, %swap3A_251], %broadcast_in_dim3A_35 {strides = array<i32>} : memref<48x8x128xf32, #tpu.memory_space<vmem>>, vector<16xf32>,
      %swap3A_253 = arith.constant 1 : i32
      %swap3A_254 = arith.index_cast %scan3A_183 : i32 to index
      %swap3A_255 = arith.index_cast %swap3A_253 : i32 to index
      %swap3A_256 = arith.constant 96 : index
      %swap3A_257 = tpu.vector_load %arg5[%swap3A_254, %swap3A_255, %swap3A_256] {strides = array<i32>} : memref<48x8x128xf32, #tpu.memory_space<vmem>>, vector<16xf32>,
      tpu.vector_store %arg5[%swap3A_254, %swap3A_255, %swap3A_256], %broadcast_in_dim3A_35 {strides = array<i32>} : memref<48x8x128xf32, #tpu.memory_space<vmem>>, vector<16xf32>,
      %swap3A_258 = arith.constant 1 : i32
      %swap3A_259 = arith.index_cast %scan3A_183 : i32 to index
      %swap3A_260 = arith.index_cast %swap3A_258 : i32 to index
      %swap3A_261 = arith.constant 112 : index
      %swap3A_262 = tpu.vector_load %arg5[%swap3A_259, %swap3A_260, %swap3A_261] {strides = array<i32>} : memref<48x8x128xf32, #tpu.memory_space<vmem>>, vector<16xf32>,
      tpu.vector_store %arg5[%swap3A_259, %swap3A_260, %swap3A_261], %broadcast_in_dim3A_35 {strides = array<i32>} : memref<48x8x128xf32, #tpu.memory_space<vmem>>, vector<16xf32>,
      %swap3A_263 = arith.constant 2 : i32
      %swap3A_264 = arith.index_cast %scan3A_183 : i32 to index
      %swap3A_265 = arith.index_cast %swap3A_263 : i32 to index
      %swap3A_266 = arith.constant 0 : index
      %swap3A_267 = tpu.vector_load %arg5[%swap3A_264, %swap3A_265, %swap3A_266] {strides = array<i32>} : memref<48x8x128xf32, #tpu.memory_space<vmem>>, vector<16xf32>,
      tpu.vector_store %arg5[%swap3A_264, %swap3A_265, %swap3A_266], %broadcast_in_dim3A_35 {strides = array<i32>} : memref<48x8x128xf32, #tpu.memory_space<vmem>>, vector<16xf32>,
      %swap3A_268 = arith.constant 2 : i32
      %swap3A_269 = arith.index_cast %scan3A_183 : i32 to index
      %swap3A_270 = arith.index_cast %swap3A_268 : i32 to index
      %swap3A_271 = arith.constant 16 : index
      %swap3A_272 = tpu.vector_load %arg5[%swap3A_269, %swap3A_270, %swap3A_271] {strides = array<i32>} : memref<48x8x128xf32, #tpu.memory_space<vmem>>, vector<16xf32>,
      tpu.vector_store %arg5[%swap3A_269, %swap3A_270, %swap3A_271], %broadcast_in_dim3A_35 {strides = array<i32>} : memref<48x8x128xf32, #tpu.memory_space<vmem>>, vector<16xf32>,
      %swap3A_273 = arith.constant 2 : i32
      %swap3A_274 = arith.index_cast %scan3A_183 : i32 to index
      %swap3A_275 = arith.index_cast %swap3A_273 : i32 to index
      %swap3A_276 = arith.constant 32 : index
      %swap3A_277 = tpu.vector_load %arg5[%swap3A_274, %swap3A_275, %swap3A_276] {strides = array<i32>} : memref<48x8x128xf32, #tpu.memory_space<vmem>>, vector<16xf32>,
      tpu.vector_store %arg5[%swap3A_274, %swap3A_275, %swap3A_276], %broadcast_in_dim3A_35 {strides = array<i32>} : memref<48x8x128xf32, #tpu.memory_space<vmem>>, vector<16xf32>,
      %swap3A_278 = arith.constant 2 : i32
      %swap3A_279 = arith.index_cast %scan3A_183 : i32 to index
      %swap3A_280 = arith.index_cast %swap3A_278 : i32 to index
      %swap3A_281 = arith.constant 48 : index
      %swap3A_282 = tpu.vector_load %arg5[%swap3A_279, %swap3A_280, %swap3A_281] {strides = array<i32>} : memref<48x8x128xf32, #tpu.memory_space<vmem>>, vector<16xf32>,
      tpu.vector_store %arg5[%swap3A_279, %swap3A_280, %swap3A_281], %broadcast_in_dim3A_35 {strides = array<i32>} : memref<48x8x128xf32, #tpu.memory_space<vmem>>, vector<16xf32>,
      %swap3A_283 = arith.constant 2 : i32
      %swap3A_284 = arith.index_cast %scan3A_183 : i32 to index
      %swap3A_285 = arith.index_cast %swap3A_283 : i32 to index
      %swap3A_286 = arith.constant 64 : index
      %swap3A_287 = tpu.vector_load %arg5[%swap3A_284, %swap3A_285, %swap3A_286] {strides = array<i32>} : memref<48x8x128xf32, #tpu.memory_space<vmem>>, vector<16xf32>,
      tpu.vector_store %arg5[%swap3A_284, %swap3A_285, %swap3A_286], %broadcast_in_dim3A_35 {strides = array<i32>} : memref<48x8x128xf32, #tpu.memory_space<vmem>>, vector<16xf32>,
      %swap3A_288 = arith.constant 2 : i32
      %swap3A_289 = arith.index_cast %scan3A_183 : i32 to index
      %swap3A_290 = arith.index_cast %swap3A_288 : i32 to index
      %swap3A_291 = arith.constant 80 : index
      %swap3A_292 = tpu.vector_load %arg5[%swap3A_289, %swap3A_290, %swap3A_291] {strides = array<i32>} : memref<48x8x128xf32, #tpu.memory_space<vmem>>, vector<16xf32>,
      tpu.vector_store %arg5[%swap3A_289, %swap3A_290, %swap3A_291], %broadcast_in_dim3A_35 {strides = array<i32>} : memref<48x8x128xf32, #tpu.memory_space<vmem>>, vector<16xf32>,
      %swap3A_293 = arith.constant 2 : i32
      %swap3A_294 = arith.index_cast %scan3A_183 : i32 to index
      %swap3A_295 = arith.index_cast %swap3A_293 : i32 to index
      %swap3A_296 = arith.constant 96 : index
      %swap3A_297 = tpu.vector_load %arg5[%swap3A_294, %swap3A_295, %swap3A_296] {strides = array<i32>} : memref<48x8x128xf32, #tpu.memory_space<vmem>>, vector<16xf32>,
      tpu.vector_store %arg5[%swap3A_294, %swap3A_295, %swap3A_296], %broadcast_in_dim3A_35 {strides = array<i32>} : memref<48x8x128xf32, #tpu.memory_space<vmem>>, vector<16xf32>,
      %swap3A_298 = arith.constant 2 : i32
      %swap3A_299 = arith.index_cast %scan3A_183 : i32 to index
      %swap3A_300 = arith.index_cast %swap3A_298 : i32 to index
      %swap3A_301 = arith.constant 112 : index
      %swap3A_302 = tpu.vector_load %arg5[%swap3A_299, %swap3A_300, %swap3A_301] {strides = array<i32>} : memref<48x8x128xf32, #tpu.memory_space<vmem>>, vector<16xf32>,
      tpu.vector_store %arg5[%swap3A_299, %swap3A_300, %swap3A_301], %broadcast_in_dim3A_35 {strides = array<i32>} : memref<48x8x128xf32, #tpu.memory_space<vmem>>, vector<16xf32>,
      %swap3A_303 = arith.constant 3 : i32
      %swap3A_304 = arith.index_cast %scan3A_183 : i32 to index
      %swap3A_305 = arith.index_cast %swap3A_303 : i32 to index
      %swap3A_306 = arith.constant 0 : index
      %swap3A_307 = tpu.vector_load %arg5[%swap3A_304, %swap3A_305, %swap3A_306] {strides = array<i32>} : memref<48x8x128xf32, #tpu.memory_space<vmem>>, vector<16xf32>,
      tpu.vector_store %arg5[%swap3A_304, %swap3A_305, %swap3A_306], %broadcast_in_dim3A_35 {strides = array<i32>} : memref<48x8x128xf32, #tpu.memory_space<vmem>>, vector<16xf32>,
      %swap3A_308 = arith.constant 3 : i32
      %swap3A_309 = arith.index_cast %scan3A_183 : i32 to index
      %swap3A_310 = arith.index_cast %swap3A_308 : i32 to index
      %swap3A_311 = arith.constant 16 : index
      %swap3A_312 = tpu.vector_load %arg5[%swap3A_309, %swap3A_310, %swap3A_311] {strides = array<i32>} : memref<48x8x128xf32, #tpu.memory_space<vmem>>, vector<16xf32>,
      tpu.vector_store %arg5[%swap3A_309, %swap3A_310, %swap3A_311], %broadcast_in_dim3A_35 {strides = array<i32>} : memref<48x8x128xf32, #tpu.memory_space<vmem>>, vector<16xf32>,
      %swap3A_313 = arith.constant 3 : i32
      %swap3A_314 = arith.index_cast %scan3A_183 : i32 to index
      %swap3A_315 = arith.index_cast %swap3A_313 : i32 to index
      %swap3A_316 = arith.constant 32 : index
      %swap3A_317 = tpu.vector_load %arg5[%swap3A_314, %swap3A_315, %swap3A_316] {strides = array<i32>} : memref<48x8x128xf32, #tpu.memory_space<vmem>>, vector<16xf32>,
      tpu.vector_store %arg5[%swap3A_314, %swap3A_315, %swap3A_316], %broadcast_in_dim3A_35 {strides = array<i32>} : memref<48x8x128xf32, #tpu.memory_space<vmem>>, vector<16xf32>,
      %swap3A_318 = arith.constant 3 : i32
      %swap3A_319 = arith.index_cast %scan3A_183 : i32 to index
      %swap3A_320 = arith.index_cast %swap3A_318 : i32 to index
      %swap3A_321 = arith.constant 48 : index
      %swap3A_322 = tpu.vector_load %arg5[%swap3A_319, %swap3A_320, %swap3A_321] {strides = array<i32>} : memref<48x8x128xf32, #tpu.memory_space<vmem>>, vector<16xf32>,
      tpu.vector_store %arg5[%swap3A_319, %swap3A_320, %swap3A_321], %broadcast_in_dim3A_35 {strides = array<i32>} : memref<48x8x128xf32, #tpu.memory_space<vmem>>, vector<16xf32>,
      %swap3A_323 = arith.constant 3 : i32
      %swap3A_324 = arith.index_cast %scan3A_183 : i32 to index
      %swap3A_325 = arith.index_cast %swap3A_323 : i32 to index
      %swap3A_326 = arith.constant 64 : index
      %swap3A_327 = tpu.vector_load %arg5[%swap3A_324, %swap3A_325, %swap3A_326] {strides = array<i32>} : memref<48x8x128xf32, #tpu.memory_space<vmem>>, vector<16xf32>,
      tpu.vector_store %arg5[%swap3A_324, %swap3A_325, %swap3A_326], %broadcast_in_dim3A_35 {strides = array<i32>} : memref<48x8x128xf32, #tpu.memory_space<vmem>>, vector<16xf32>,
      %swap3A_328 = arith.constant 3 : i32
      %swap3A_329 = arith.index_cast %scan3A_183 : i32 to index
      %swap3A_330 = arith.index_cast %swap3A_328 : i32 to index
      %swap3A_331 = arith.constant 80 : index
      %swap3A_332 = tpu.vector_load %arg5[%swap3A_329, %swap3A_330, %swap3A_331] {strides = array<i32>} : memref<48x8x128xf32, #tpu.memory_space<vmem>>, vector<16xf32>,
      tpu.vector_store %arg5[%swap3A_329, %swap3A_330, %swap3A_331], %broadcast_in_dim3A_35 {strides = array<i32>} : memref<48x8x128xf32, #tpu.memory_space<vmem>>, vector<16xf32>,
      %swap3A_333 = arith.constant 3 : i32
      %swap3A_334 = arith.index_cast %scan3A_183 : i32 to index
      %swap3A_335 = arith.index_cast %swap3A_333 : i32 to index
      %swap3A_336 = arith.constant 96 : index
      %swap3A_337 = tpu.vector_load %arg5[%swap3A_334, %swap3A_335, %swap3A_336] {strides = array<i32>} : memref<48x8x128xf32, #tpu.memory_space<vmem>>, vector<16xf32>,
      tpu.vector_store %arg5[%swap3A_334, %swap3A_335, %swap3A_336], %broadcast_in_dim3A_35 {strides = array<i32>} : memref<48x8x128xf32, #tpu.memory_space<vmem>>, vector<16xf32>,
      %swap3A_338 = arith.constant 3 : i32
      %swap3A_339 = arith.index_cast %scan3A_183 : i32 to index
      %swap3A_340 = arith.index_cast %swap3A_338 : i32 to index
      %swap3A_341 = arith.constant 112 : index
      %swap3A_342 = tpu.vector_load %arg5[%swap3A_339, %swap3A_340, %swap3A_341] {strides = array<i32>} : memref<48x8x128xf32, #tpu.memory_space<vmem>>, vector<16xf32>,
      tpu.vector_store %arg5[%swap3A_339, %swap3A_340, %swap3A_341], %broadcast_in_dim3A_35 {strides = array<i32>} : memref<48x8x128xf32, #tpu.memory_space<vmem>>, vector<16xf32>,
      %swap3A_343 = arith.constant 4 : i32
      %swap3A_344 = arith.index_cast %scan3A_183 : i32 to index
      %swap3A_345 = arith.index_cast %swap3A_343 : i32 to index
      %swap3A_346 = arith.constant 0 : index
      %swap3A_347 = tpu.vector_load %arg5[%swap3A_344, %swap3A_345, %swap3A_346] {strides = array<i32>} : memref<48x8x128xf32, #tpu.memory_space<vmem>>, vector<16xf32>,
      tpu.vector_store %arg5[%swap3A_344, %swap3A_345, %swap3A_346], %broadcast_in_dim3A_35 {strides = array<i32>} : memref<48x8x128xf32, #tpu.memory_space<vmem>>, vector<16xf32>,
      %swap3A_348 = arith.constant 4 : i32
      %swap3A_349 = arith.index_cast %scan3A_183 : i32 to index
      %swap3A_350 = arith.index_cast %swap3A_348 : i32 to index
      %swap3A_351 = arith.constant 16 : index
      %swap3A_352 = tpu.vector_load %arg5[%swap3A_349, %swap3A_350, %swap3A_351] {strides = array<i32>} : memref<48x8x128xf32, #tpu.memory_space<vmem>>, vector<16xf32>,
      tpu.vector_store %arg5[%swap3A_349, %swap3A_350, %swap3A_351], %broadcast_in_dim3A_35 {strides = array<i32>} : memref<48x8x128xf32, #tpu.memory_space<vmem>>, vector<16xf32>,
      %swap3A_353 = arith.constant 4 : i32
      %swap3A_354 = arith.index_cast %scan3A_183 : i32 to index
      %swap3A_355 = arith.index_cast %swap3A_353 : i32 to index
      %swap3A_356 = arith.constant 32 : index
      %swap3A_357 = tpu.vector_load %arg5[%swap3A_354, %swap3A_355, %swap3A_356] {strides = array<i32>} : memref<48x8x128xf32, #tpu.memory_space<vmem>>, vector<16xf32>,
      tpu.vector_store %arg5[%swap3A_354, %swap3A_355, %swap3A_356], %broadcast_in_dim3A_35 {strides = array<i32>} : memref<48x8x128xf32, #tpu.memory_space<vmem>>, vector<16xf32>,
      %swap3A_358 = arith.constant 4 : i32
      %swap3A_359 = arith.index_cast %scan3A_183 : i32 to index
      %swap3A_360 = arith.index_cast %swap3A_358 : i32 to index
      %swap3A_361 = arith.constant 48 : index
      %swap3A_362 = tpu.vector_load %arg5[%swap3A_359, %swap3A_360, %swap3A_361] {strides = array<i32>} : memref<48x8x128xf32, #tpu.memory_space<vmem>>, vector<16xf32>,
      tpu.vector_store %arg5[%swap3A_359, %swap3A_360, %swap3A_361], %broadcast_in_dim3A_35 {strides = array<i32>} : memref<48x8x128xf32, #tpu.memory_space<vmem>>, vector<16xf32>,
      %swap3A_363 = arith.constant 4 : i32
      %swap3A_364 = arith.index_cast %scan3A_183 : i32 to index
      %swap3A_365 = arith.index_cast %swap3A_363 : i32 to index
      %swap3A_366 = arith.constant 64 : index
      %swap3A_367 = tpu.vector_load %arg5[%swap3A_364, %swap3A_365, %swap3A_366] {strides = array<i32>} : memref<48x8x128xf32, #tpu.memory_space<vmem>>, vector<16xf32>,
      tpu.vector_store %arg5[%swap3A_364, %swap3A_365, %swap3A_366], %broadcast_in_dim3A_35 {strides = array<i32>} : memref<48x8x128xf32, #tpu.memory_space<vmem>>, vector<16xf32>,
      %swap3A_368 = arith.constant 4 : i32
      %swap3A_369 = arith.index_cast %scan3A_183 : i32 to index
      %swap3A_370 = arith.index_cast %swap3A_368 : i32 to index
      %swap3A_371 = arith.constant 80 : index
      %swap3A_372 = tpu.vector_load %arg5[%swap3A_369, %swap3A_370, %swap3A_371] {strides = array<i32>} : memref<48x8x128xf32, #tpu.memory_space<vmem>>, vector<16xf32>,
      tpu.vector_store %arg5[%swap3A_369, %swap3A_370, %swap3A_371], %broadcast_in_dim3A_35 {strides = array<i32>} : memref<48x8x128xf32, #tpu.memory_space<vmem>>, vector<16xf32>,
      %swap3A_373 = arith.constant 4 : i32
      %swap3A_374 = arith.index_cast %scan3A_183 : i32 to index
      %swap3A_375 = arith.index_cast %swap3A_373 : i32 to index
      %swap3A_376 = arith.constant 96 : index
      %swap3A_377 = tpu.vector_load %arg5[%swap3A_374, %swap3A_375, %swap3A_376] {strides = array<i32>} : memref<48x8x128xf32, #tpu.memory_space<vmem>>, vector<16xf32>,
      tpu.vector_store %arg5[%swap3A_374, %swap3A_375, %swap3A_376], %broadcast_in_dim3A_35 {strides = array<i32>} : memref<48x8x128xf32, #tpu.memory_space<vmem>>, vector<16xf32>,
      %swap3A_378 = arith.constant 4 : i32
      %swap3A_379 = arith.index_cast %scan3A_183 : i32 to index
      %swap3A_380 = arith.index_cast %swap3A_378 : i32 to index
      %swap3A_381 = arith.constant 112 : index
      %swap3A_382 = tpu.vector_load %arg5[%swap3A_379, %swap3A_380, %swap3A_381] {strides = array<i32>} : memref<48x8x128xf32, #tpu.memory_space<vmem>>, vector<16xf32>,
      tpu.vector_store %arg5[%swap3A_379, %swap3A_380, %swap3A_381], %broadcast_in_dim3A_35 {strides = array<i32>} : memref<48x8x128xf32, #tpu.memory_space<vmem>>, vector<16xf32>,
      %swap3A_383 = arith.constant 5 : i32
      %swap3A_384 = arith.index_cast %scan3A_183 : i32 to index
      %swap3A_385 = arith.index_cast %swap3A_383 : i32 to index
      %swap3A_386 = arith.constant 0 : index
      %swap3A_387 = tpu.vector_load %arg5[%swap3A_384, %swap3A_385, %swap3A_386] {strides = array<i32>} : memref<48x8x128xf32, #tpu.memory_space<vmem>>, vector<16xf32>,
      tpu.vector_store %arg5[%swap3A_384, %swap3A_385, %swap3A_386], %broadcast_in_dim3A_35 {strides = array<i32>} : memref<48x8x128xf32, #tpu.memory_space<vmem>>, vector<16xf32>,
      %swap3A_388 = arith.constant 5 : i32
      %swap3A_389 = arith.index_cast %scan3A_183 : i32 to index
      %swap3A_390 = arith.index_cast %swap3A_388 : i32 to index
      %swap3A_391 = arith.constant 16 : index
      %swap3A_392 = tpu.vector_load %arg5[%swap3A_389, %swap3A_390, %swap3A_391] {strides = array<i32>} : memref<48x8x128xf32, #tpu.memory_space<vmem>>, vector<16xf32>,
      tpu.vector_store %arg5[%swap3A_389, %swap3A_390, %swap3A_391], %broadcast_in_dim3A_35 {strides = array<i32>} : memref<48x8x128xf32, #tpu.memory_space<vmem>>, vector<16xf32>,
      %swap3A_393 = arith.constant 5 : i32
      %swap3A_394 = arith.index_cast %scan3A_183 : i32 to index
      %swap3A_395 = arith.index_cast %swap3A_393 : i32 to index
      %swap3A_396 = arith.constant 32 : index
      %swap3A_397 = tpu.vector_load %arg5[%swap3A_394, %swap3A_395, %swap3A_396] {strides = array<i32>} : memref<48x8x128xf32, #tpu.memory_space<vmem>>, vector<16xf32>,
      tpu.vector_store %arg5[%swap3A_394, %swap3A_395, %swap3A_396], %broadcast_in_dim3A_35 {strides = array<i32>} : memref<48x8x128xf32, #tpu.memory_space<vmem>>, vector<16xf32>,
      %swap3A_398 = arith.constant 5 : i32
      %swap3A_399 = arith.index_cast %scan3A_183 : i32 to index
      %swap3A_400 = arith.index_cast %swap3A_398 : i32 to index
      %swap3A_401 = arith.constant 48 : index
      %swap3A_402 = tpu.vector_load %arg5[%swap3A_399, %swap3A_400, %swap3A_401] {strides = array<i32>} : memref<48x8x128xf32, #tpu.memory_space<vmem>>, vector<16xf32>,
      tpu.vector_store %arg5[%swap3A_399, %swap3A_400, %swap3A_401], %broadcast_in_dim3A_35 {strides = array<i32>} : memref<48x8x128xf32, #tpu.memory_space<vmem>>, vector<16xf32>,
      %swap3A_403 = arith.constant 5 : i32
      %swap3A_404 = arith.index_cast %scan3A_183 : i32 to index
      %swap3A_405 = arith.index_cast %swap3A_403 : i32 to index
      %swap3A_406 = arith.constant 64 : index
      %swap3A_407 = tpu.vector_load %arg5[%swap3A_404, %swap3A_405, %swap3A_406] {strides = array<i32>} : memref<48x8x128xf32, #tpu.memory_space<vmem>>, vector<16xf32>,
      tpu.vector_store %arg5[%swap3A_404, %swap3A_405, %swap3A_406], %broadcast_in_dim3A_35 {strides = array<i32>} : memref<48x8x128xf32, #tpu.memory_space<vmem>>, vector<16xf32>,
      %swap3A_408 = arith.constant 5 : i32
      %swap3A_409 = arith.index_cast %scan3A_183 : i32 to index
      %swap3A_410 = arith.index_cast %swap3A_408 : i32 to index
      %swap3A_411 = arith.constant 80 : index
      %swap3A_412 = tpu.vector_load %arg5[%swap3A_409, %swap3A_410, %swap3A_411] {strides = array<i32>} : memref<48x8x128xf32, #tpu.memory_space<vmem>>, vector<16xf32>,
      tpu.vector_store %arg5[%swap3A_409, %swap3A_410, %swap3A_411], %broadcast_in_dim3A_35 {strides = array<i32>} : memref<48x8x128xf32, #tpu.memory_space<vmem>>, vector<16xf32>,
      %swap3A_413 = arith.constant 5 : i32
      %swap3A_414 = arith.index_cast %scan3A_183 : i32 to index
      %swap3A_415 = arith.index_cast %swap3A_413 : i32 to index
      %swap3A_416 = arith.constant 96 : index
      %swap3A_417 = tpu.vector_load %arg5[%swap3A_414, %swap3A_415, %swap3A_416] {strides = array<i32>} : memref<48x8x128xf32, #tpu.memory_space<vmem>>, vector<16xf32>,
      tpu.vector_store %arg5[%swap3A_414, %swap3A_415, %swap3A_416], %broadcast_in_dim3A_35 {strides = array<i32>} : memref<48x8x128xf32, #tpu.memory_space<vmem>>, vector<16xf32>,
      %swap3A_418 = arith.constant 5 : i32
      %swap3A_419 = arith.index_cast %scan3A_183 : i32 to index
      %swap3A_420 = arith.index_cast %swap3A_418 : i32 to index
      %swap3A_421 = arith.constant 112 : index
      %swap3A_422 = tpu.vector_load %arg5[%swap3A_419, %swap3A_420, %swap3A_421] {strides = array<i32>} : memref<48x8x128xf32, #tpu.memory_space<vmem>>, vector<16xf32>,
      tpu.vector_store %arg5[%swap3A_419, %swap3A_420, %swap3A_421], %broadcast_in_dim3A_35 {strides = array<i32>} : memref<48x8x128xf32, #tpu.memory_space<vmem>>, vector<16xf32>,
      %swap3A_423 = arith.constant 6 : i32
      %swap3A_424 = arith.index_cast %scan3A_183 : i32 to index
      %swap3A_425 = arith.index_cast %swap3A_423 : i32 to index
      %swap3A_426 = arith.constant 0 : index
      %swap3A_427 = tpu.vector_load %arg5[%swap3A_424, %swap3A_425, %swap3A_426] {strides = array<i32>} : memref<48x8x128xf32, #tpu.memory_space<vmem>>, vector<16xf32>,
      tpu.vector_store %arg5[%swap3A_424, %swap3A_425, %swap3A_426], %broadcast_in_dim3A_35 {strides = array<i32>} : memref<48x8x128xf32, #tpu.memory_space<vmem>>, vector<16xf32>,
      %swap3A_428 = arith.constant 6 : i32
      %swap3A_429 = arith.index_cast %scan3A_183 : i32 to index
      %swap3A_430 = arith.index_cast %swap3A_428 : i32 to index
      %swap3A_431 = arith.constant 16 : index
      %swap3A_432 = tpu.vector_load %arg5[%swap3A_429, %swap3A_430, %swap3A_431] {strides = array<i32>} : memref<48x8x128xf32, #tpu.memory_space<vmem>>, vector<16xf32>,
      tpu.vector_store %arg5[%swap3A_429, %swap3A_430, %swap3A_431], %broadcast_in_dim3A_35 {strides = array<i32>} : memref<48x8x128xf32, #tpu.memory_space<vmem>>, vector<16xf32>,
      %swap3A_433 = arith.constant 6 : i32
      %swap3A_434 = arith.index_cast %scan3A_183 : i32 to index
      %swap3A_435 = arith.index_cast %swap3A_433 : i32 to index
      %swap3A_436 = arith.constant 32 : index
      %swap3A_437 = tpu.vector_load %arg5[%swap3A_434, %swap3A_435, %swap3A_436] {strides = array<i32>} : memref<48x8x128xf32, #tpu.memory_space<vmem>>, vector<16xf32>,
      tpu.vector_store %arg5[%swap3A_434, %swap3A_435, %swap3A_436], %broadcast_in_dim3A_35 {strides = array<i32>} : memref<48x8x128xf32, #tpu.memory_space<vmem>>, vector<16xf32>,
      %swap3A_438 = arith.constant 6 : i32
      %swap3A_439 = arith.index_cast %scan3A_183 : i32 to index
      %swap3A_440 = arith.index_cast %swap3A_438 : i32 to index
      %swap3A_441 = arith.constant 48 : index
      %swap3A_442 = tpu.vector_load %arg5[%swap3A_439, %swap3A_440, %swap3A_441] {strides = array<i32>} : memref<48x8x128xf32, #tpu.memory_space<vmem>>, vector<16xf32>,
      tpu.vector_store %arg5[%swap3A_439, %swap3A_440, %swap3A_441], %broadcast_in_dim3A_35 {strides = array<i32>} : memref<48x8x128xf32, #tpu.memory_space<vmem>>, vector<16xf32>,
      %swap3A_443 = arith.constant 6 : i32
      %swap3A_444 = arith.index_cast %scan3A_183 : i32 to index
      %swap3A_445 = arith.index_cast %swap3A_443 : i32 to index
      %swap3A_446 = arith.constant 64 : index
      %swap3A_447 = tpu.vector_load %arg5[%swap3A_444, %swap3A_445, %swap3A_446] {strides = array<i32>} : memref<48x8x128xf32, #tpu.memory_space<vmem>>, vector<16xf32>,
      tpu.vector_store %arg5[%swap3A_444, %swap3A_445, %swap3A_446], %broadcast_in_dim3A_35 {strides = array<i32>} : memref<48x8x128xf32, #tpu.memory_space<vmem>>, vector<16xf32>,
      %swap3A_448 = arith.constant 6 : i32
      %swap3A_449 = arith.index_cast %scan3A_183 : i32 to index
      %swap3A_450 = arith.index_cast %swap3A_448 : i32 to index
      %swap3A_451 = arith.constant 80 : index
      %swap3A_452 = tpu.vector_load %arg5[%swap3A_449, %swap3A_450, %swap3A_451] {strides = array<i32>} : memref<48x8x128xf32, #tpu.memory_space<vmem>>, vector<16xf32>,
      tpu.vector_store %arg5[%swap3A_449, %swap3A_450, %swap3A_451], %broadcast_in_dim3A_35 {strides = array<i32>} : memref<48x8x128xf32, #tpu.memory_space<vmem>>, vector<16xf32>,
      %swap3A_453 = arith.constant 6 : i32
      %swap3A_454 = arith.index_cast %scan3A_183 : i32 to index
      %swap3A_455 = arith.index_cast %swap3A_453 : i32 to index
      %swap3A_456 = arith.constant 96 : index
      %swap3A_457 = tpu.vector_load %arg5[%swap3A_454, %swap3A_455, %swap3A_456] {strides = array<i32>} : memref<48x8x128xf32, #tpu.memory_space<vmem>>, vector<16xf32>,
      tpu.vector_store %arg5[%swap3A_454, %swap3A_455, %swap3A_456], %broadcast_in_dim3A_35 {strides = array<i32>} : memref<48x8x128xf32, #tpu.memory_space<vmem>>, vector<16xf32>,
      %swap3A_458 = arith.constant 6 : i32
      %swap3A_459 = arith.index_cast %scan3A_183 : i32 to index
      %swap3A_460 = arith.index_cast %swap3A_458 : i32 to index
      %swap3A_461 = arith.constant 112 : index
      %swap3A_462 = tpu.vector_load %arg5[%swap3A_459, %swap3A_460, %swap3A_461] {strides = array<i32>} : memref<48x8x128xf32, #tpu.memory_space<vmem>>, vector<16xf32>,
      tpu.vector_store %arg5[%swap3A_459, %swap3A_460, %swap3A_461], %broadcast_in_dim3A_35 {strides = array<i32>} : memref<48x8x128xf32, #tpu.memory_space<vmem>>, vector<16xf32>,
      %swap3A_463 = arith.constant 7 : i32
      %swap3A_464 = arith.index_cast %scan3A_183 : i32 to index
      %swap3A_465 = arith.index_cast %swap3A_463 : i32 to index
      %swap3A_466 = arith.constant 0 : index
      %swap3A_467 = tpu.vector_load %arg5[%swap3A_464, %swap3A_465, %swap3A_466] {strides = array<i32>} : memref<48x8x128xf32, #tpu.memory_space<vmem>>, vector<16xf32>,
      tpu.vector_store %arg5[%swap3A_464, %swap3A_465, %swap3A_466], %broadcast_in_dim3A_35 {strides = array<i32>} : memref<48x8x128xf32, #tpu.memory_space<vmem>>, vector<16xf32>,
      %swap3A_468 = arith.constant 7 : i32
      %swap3A_469 = arith.index_cast %scan3A_183 : i32 to index
      %swap3A_470 = arith.index_cast %swap3A_468 : i32 to index
      %swap3A_471 = arith.constant 16 : index
      %swap3A_472 = tpu.vector_load %arg5[%swap3A_469, %swap3A_470, %swap3A_471] {strides = array<i32>} : memref<48x8x128xf32, #tpu.memory_space<vmem>>, vector<16xf32>,
      tpu.vector_store %arg5[%swap3A_469, %swap3A_470, %swap3A_471], %broadcast_in_dim3A_35 {strides = array<i32>} : memref<48x8x128xf32, #tpu.memory_space<vmem>>, vector<16xf32>,
      %swap3A_473 = arith.constant 7 : i32
      %swap3A_474 = arith.index_cast %scan3A_183 : i32 to index
      %swap3A_475 = arith.index_cast %swap3A_473 : i32 to index
      %swap3A_476 = arith.constant 32 : index
      %swap3A_477 = tpu.vector_load %arg5[%swap3A_474, %swap3A_475, %swap3A_476] {strides = array<i32>} : memref<48x8x128xf32, #tpu.memory_space<vmem>>, vector<16xf32>,
      tpu.vector_store %arg5[%swap3A_474, %swap3A_475, %swap3A_476], %broadcast_in_dim3A_35 {strides = array<i32>} : memref<48x8x128xf32, #tpu.memory_space<vmem>>, vector<16xf32>,
      %swap3A_478 = arith.constant 7 : i32
      %swap3A_479 = arith.index_cast %scan3A_183 : i32 to index
      %swap3A_480 = arith.index_cast %swap3A_478 : i32 to index
      %swap3A_481 = arith.constant 48 : index
      %swap3A_482 = tpu.vector_load %arg5[%swap3A_479, %swap3A_480, %swap3A_481] {strides = array<i32>} : memref<48x8x128xf32, #tpu.memory_space<vmem>>, vector<16xf32>,
      tpu.vector_store %arg5[%swap3A_479, %swap3A_480, %swap3A_481], %broadcast_in_dim3A_35 {strides = array<i32>} : memref<48x8x128xf32, #tpu.memory_space<vmem>>, vector<16xf32>,
      %swap3A_483 = arith.constant 7 : i32
      %swap3A_484 = arith.index_cast %scan3A_183 : i32 to index
      %swap3A_485 = arith.index_cast %swap3A_483 : i32 to index
      %swap3A_486 = arith.constant 64 : index
      %swap3A_487 = tpu.vector_load %arg5[%swap3A_484, %swap3A_485, %swap3A_486] {strides = array<i32>} : memref<48x8x128xf32, #tpu.memory_space<vmem>>, vector<16xf32>,
      tpu.vector_store %arg5[%swap3A_484, %swap3A_485, %swap3A_486], %broadcast_in_dim3A_35 {strides = array<i32>} : memref<48x8x128xf32, #tpu.memory_space<vmem>>, vector<16xf32>,
      %swap3A_488 = arith.constant 7 : i32
      %swap3A_489 = arith.index_cast %scan3A_183 : i32 to index
      %swap3A_490 = arith.index_cast %swap3A_488 : i32 to index
      %swap3A_491 = arith.constant 80 : index
      %swap3A_492 = tpu.vector_load %arg5[%swap3A_489, %swap3A_490, %swap3A_491] {strides = array<i32>} : memref<48x8x128xf32, #tpu.memory_space<vmem>>, vector<16xf32>,
      tpu.vector_store %arg5[%swap3A_489, %swap3A_490, %swap3A_491], %broadcast_in_dim3A_35 {strides = array<i32>} : memref<48x8x128xf32, #tpu.memory_space<vmem>>, vector<16xf32>,
      %swap3A_493 = arith.constant 7 : i32
      %swap3A_494 = arith.index_cast %scan3A_183 : i32 to index
      %swap3A_495 = arith.index_cast %swap3A_493 : i32 to index
      %swap3A_496 = arith.constant 96 : index
      %swap3A_497 = tpu.vector_load %arg5[%swap3A_494, %swap3A_495, %swap3A_496] {strides = array<i32>} : memref<48x8x128xf32, #tpu.memory_space<vmem>>, vector<16xf32>,
      tpu.vector_store %arg5[%swap3A_494, %swap3A_495, %swap3A_496], %broadcast_in_dim3A_35 {strides = array<i32>} : memref<48x8x128xf32, #tpu.memory_space<vmem>>, vector<16xf32>,
      %swap3A_498 = arith.constant 7 : i32
      %swap3A_499 = arith.index_cast %scan3A_183 : i32 to index
      %swap3A_500 = arith.index_cast %swap3A_498 : i32 to index
      %swap3A_501 = arith.constant 112 : index
      %swap3A_502 = tpu.vector_load %arg5[%swap3A_499, %swap3A_500, %swap3A_501] {strides = array<i32>} : memref<48x8x128xf32, #tpu.memory_space<vmem>>, vector<16xf32>,
      tpu.vector_store %arg5[%swap3A_499, %swap3A_500, %swap3A_501], %broadcast_in_dim3A_35 {strides = array<i32>} : memref<48x8x128xf32, #tpu.memory_space<vmem>>, vector<16xf32>,
    }
    %scan3A_42 = arith.constant 48 : i32
    %add3A_43 = arith.constant 0 : i32
    %add3A_44 = arith.addi %mul3A_32, %add3A_43 : i32
    %scan3A_45 = arith.constant 0 : i32
    %scan3A_46 = arith.constant 0 : i32
    %scan3A_47 = arith.constant 16 : i32
    %scan3A_48 = arith.addi %scan3A_46, %scan3A_47 : i32
    %scan3A_49 = arith.constant 1 : i32
    scf.for %scan3A_183 = %scan3A_46 to %scan3A_48 step %scan3A_49  : i32 {
      %mul3A_184 = arith.constant 8 : i32
      %mul3A_185 = arith.muli %scan3A_183, %mul3A_184 : i32
      %add3A_186 = arith.constant 0 : i32
      %add3A_187 = arith.addi %mul3A_185, %add3A_186 : i32
      %mul3A_188 = arith.constant 16 : i32
      %mul3A_189 = arith.muli %add3A_187, %mul3A_188 : i32
      %get3A = arith.index_cast %mul3A_189 : i32 to index
      %get3A_190 = tpu.vector_load %arg4[%get3A] {strides = array<i32>} : memref<2048xi32, #tpu.memory_space<vmem>>, vector<16xi32>,
      %sub3A_191 = vector.broadcast %add3A_44 : i32 to vector<16xi32>
      %sub3A_192 = arith.subi %get3A_190, %sub3A_191 : vector<16xi32>
      %shift_right_arithmetic3A = arith.constant 3 : i32
      %shift_right_arithmetic3A_193 = vector.broadcast %shift_right_arithmetic3A : i32 to vector<16xi32>
      %shift_right_arithmetic3A_194 = arith.shrsi %sub3A_192, %shift_right_arithmetic3A_193 : vector<16xi32>
      %mul3A_195 = arith.constant 16 : i32
      %mul3A_196 = vector.broadcast %mul3A_195 : i32 to vector<16xi32>
      %mul3A_197 = arith.muli %shift_right_arithmetic3A_194, %mul3A_196 : vector<16xi32>
      %shift_right_arithmetic3A_198 = arith.constant 7 : i32
      %shift_right_arithmetic3A_199 = arith.shrsi %mul3A_189, %shift_right_arithmetic3A_198 : i32
      %add3A_200 = vector.broadcast %shift_right_arithmetic3A_199 : i32 to vector<16xi32>
      %add3A_201 = arith.addi %mul3A_197, %add3A_200 : vector<16xi32>
      %and3A_202 = arith.constant 7 : i32
      %and3A_203 = vector.broadcast %and3A_202 : i32 to vector<16xi32>
      %and3A_204 = arith.andi %sub3A_192, %and3A_203 : vector<16xi32>
      %and3A_205 = arith.constant 127 : i32
      %and3A_206 = arith.andi %mul3A_189, %and3A_205 : i32
      %add3A_207 = vector.broadcast %and3A_206 : i32 to vector<16xi32>
      %add3A_208 = arith.addi %add3A_207, %iota3A : vector<16xi32>
      %lt3A_209 = arith.constant 24 : i32
      %lt3A_210 = vector.broadcast %lt3A_209 : i32 to vector<16xi32>
      %lt3A_211 = arith.cmpi ult, %sub3A_192, %lt3A_210 : vector<16xi32>
      tpu.vector_store_idx %arg5[%add3A_201, %and3A_204, %add3A_208], %broadcast_in_dim3A_37 masked %lt3A_211 : memref<48x8x128xf32, #tpu.memory_space<vmem>>[vector<16xi32>, vector<16xi32>, vector<16xi32>], vector<16xf32>, vector<16xi1>
      %mul3A_212 = arith.constant 8 : i32
      %mul3A_213 = arith.muli %scan3A_183, %mul3A_212 : i32
      %add3A_214 = arith.constant 1 : i32
      %add3A_215 = arith.addi %mul3A_213, %add3A_214 : i32
      %mul3A_216 = arith.constant 16 : i32
      %mul3A_217 = arith.muli %add3A_215, %mul3A_216 : i32
      %get3A_218 = arith.index_cast %mul3A_217 : i32 to index
      %get3A_219 = tpu.vector_load %arg4[%get3A_218] {strides = array<i32>} : memref<2048xi32, #tpu.memory_space<vmem>>, vector<16xi32>,
      %sub3A_220 = vector.broadcast %add3A_44 : i32 to vector<16xi32>
      %sub3A_221 = arith.subi %get3A_219, %sub3A_220 : vector<16xi32>
      %shift_right_arithmetic3A_222 = arith.constant 3 : i32
      %shift_right_arithmetic3A_223 = vector.broadcast %shift_right_arithmetic3A_222 : i32 to vector<16xi32>
      %shift_right_arithmetic3A_224 = arith.shrsi %sub3A_221, %shift_right_arithmetic3A_223 : vector<16xi32>
      %mul3A_225 = arith.constant 16 : i32
      %mul3A_226 = vector.broadcast %mul3A_225 : i32 to vector<16xi32>
      %mul3A_227 = arith.muli %shift_right_arithmetic3A_224, %mul3A_226 : vector<16xi32>
      %shift_right_arithmetic3A_228 = arith.constant 7 : i32
      %shift_right_arithmetic3A_229 = arith.shrsi %mul3A_217, %shift_right_arithmetic3A_228 : i32
      %add3A_230 = vector.broadcast %shift_right_arithmetic3A_229 : i32 to vector<16xi32>
      %add3A_231 = arith.addi %mul3A_227, %add3A_230 : vector<16xi32>
      %and3A_232 = arith.constant 7 : i32
      %and3A_233 = vector.broadcast %and3A_232 : i32 to vector<16xi32>
      %and3A_234 = arith.andi %sub3A_221, %and3A_233 : vector<16xi32>
      %and3A_235 = arith.constant 127 : i32
      %and3A_236 = arith.andi %mul3A_217, %and3A_235 : i32
      %add3A_237 = vector.broadcast %and3A_236 : i32 to vector<16xi32>
      %add3A_238 = arith.addi %add3A_237, %iota3A : vector<16xi32>
      %lt3A_239 = arith.constant 24 : i32
      %lt3A_240 = vector.broadcast %lt3A_239 : i32 to vector<16xi32>
      %lt3A_241 = arith.cmpi ult, %sub3A_221, %lt3A_240 : vector<16xi32>
      tpu.vector_store_idx %arg5[%add3A_231, %and3A_234, %add3A_238], %broadcast_in_dim3A_37 masked %lt3A_241 : memref<48x8x128xf32, #tpu.memory_space<vmem>>[vector<16xi32>, vector<16xi32>, vector<16xi32>], vector<16xf32>, vector<16xi1>
      %mul3A_242 = arith.constant 8 : i32
      %mul3A_243 = arith.muli %scan3A_183, %mul3A_242 : i32
      %add3A_244 = arith.constant 2 : i32
      %add3A_245 = arith.addi %mul3A_243, %add3A_244 : i32
      %mul3A_246 = arith.constant 16 : i32
      %mul3A_247 = arith.muli %add3A_245, %mul3A_246 : i32
      %get3A_248 = arith.index_cast %mul3A_247 : i32 to index
      %get3A_249 = tpu.vector_load %arg4[%get3A_248] {strides = array<i32>} : memref<2048xi32, #tpu.memory_space<vmem>>, vector<16xi32>,
      %sub3A_250 = vector.broadcast %add3A_44 : i32 to vector<16xi32>
      %sub3A_251 = arith.subi %get3A_249, %sub3A_250 : vector<16xi32>
      %shift_right_arithmetic3A_252 = arith.constant 3 : i32
      %shift_right_arithmetic3A_253 = vector.broadcast %shift_right_arithmetic3A_252 : i32 to vector<16xi32>
      %shift_right_arithmetic3A_254 = arith.shrsi %sub3A_251, %shift_right_arithmetic3A_253 : vector<16xi32>
      %mul3A_255 = arith.constant 16 : i32
      %mul3A_256 = vector.broadcast %mul3A_255 : i32 to vector<16xi32>
      %mul3A_257 = arith.muli %shift_right_arithmetic3A_254, %mul3A_256 : vector<16xi32>
      %shift_right_arithmetic3A_258 = arith.constant 7 : i32
      %shift_right_arithmetic3A_259 = arith.shrsi %mul3A_247, %shift_right_arithmetic3A_258 : i32
      %add3A_260 = vector.broadcast %shift_right_arithmetic3A_259 : i32 to vector<16xi32>
      %add3A_261 = arith.addi %mul3A_257, %add3A_260 : vector<16xi32>
      %and3A_262 = arith.constant 7 : i32
      %and3A_263 = vector.broadcast %and3A_262 : i32 to vector<16xi32>
      %and3A_264 = arith.andi %sub3A_251, %and3A_263 : vector<16xi32>
      %and3A_265 = arith.constant 127 : i32
      %and3A_266 = arith.andi %mul3A_247, %and3A_265 : i32
      %add3A_267 = vector.broadcast %and3A_266 : i32 to vector<16xi32>
      %add3A_268 = arith.addi %add3A_267, %iota3A : vector<16xi32>
      %lt3A_269 = arith.constant 24 : i32
      %lt3A_270 = vector.broadcast %lt3A_269 : i32 to vector<16xi32>
      %lt3A_271 = arith.cmpi ult, %sub3A_251, %lt3A_270 : vector<16xi32>
      tpu.vector_store_idx %arg5[%add3A_261, %and3A_264, %add3A_268], %broadcast_in_dim3A_37 masked %lt3A_271 : memref<48x8x128xf32, #tpu.memory_space<vmem>>[vector<16xi32>, vector<16xi32>, vector<16xi32>], vector<16xf32>, vector<16xi1>
      %mul3A_272 = arith.constant 8 : i32
      %mul3A_273 = arith.muli %scan3A_183, %mul3A_272 : i32
      %add3A_274 = arith.constant 3 : i32
      %add3A_275 = arith.addi %mul3A_273, %add3A_274 : i32
      %mul3A_276 = arith.constant 16 : i32
      %mul3A_277 = arith.muli %add3A_275, %mul3A_276 : i32
      %get3A_278 = arith.index_cast %mul3A_277 : i32 to index
      %get3A_279 = tpu.vector_load %arg4[%get3A_278] {strides = array<i32>} : memref<2048xi32, #tpu.memory_space<vmem>>, vector<16xi32>,
      %sub3A_280 = vector.broadcast %add3A_44 : i32 to vector<16xi32>
      %sub3A_281 = arith.subi %get3A_279, %sub3A_280 : vector<16xi32>
      %shift_right_arithmetic3A_282 = arith.constant 3 : i32
      %shift_right_arithmetic3A_283 = vector.broadcast %shift_right_arithmetic3A_282 : i32 to vector<16xi32>
      %shift_right_arithmetic3A_284 = arith.shrsi %sub3A_281, %shift_right_arithmetic3A_283 : vector<16xi32>
      %mul3A_285 = arith.constant 16 : i32
      %mul3A_286 = vector.broadcast %mul3A_285 : i32 to vector<16xi32>
      %mul3A_287 = arith.muli %shift_right_arithmetic3A_284, %mul3A_286 : vector<16xi32>
      %shift_right_arithmetic3A_288 = arith.constant 7 : i32
      %shift_right_arithmetic3A_289 = arith.shrsi %mul3A_277, %shift_right_arithmetic3A_288 : i32
      %add3A_290 = vector.broadcast %shift_right_arithmetic3A_289 : i32 to vector<16xi32>
      %add3A_291 = arith.addi %mul3A_287, %add3A_290 : vector<16xi32>
      %and3A_292 = arith.constant 7 : i32
      %and3A_293 = vector.broadcast %and3A_292 : i32 to vector<16xi32>
      %and3A_294 = arith.andi %sub3A_281, %and3A_293 : vector<16xi32>
      %and3A_295 = arith.constant 127 : i32
      %and3A_296 = arith.andi %mul3A_277, %and3A_295 : i32
      %add3A_297 = vector.broadcast %and3A_296 : i32 to vector<16xi32>
      %add3A_298 = arith.addi %add3A_297, %iota3A : vector<16xi32>
      %lt3A_299 = arith.constant 24 : i32
      %lt3A_300 = vector.broadcast %lt3A_299 : i32 to vector<16xi32>
      %lt3A_301 = arith.cmpi ult, %sub3A_281, %lt3A_300 : vector<16xi32>
      tpu.vector_store_idx %arg5[%add3A_291, %and3A_294, %add3A_298], %broadcast_in_dim3A_37 masked %lt3A_301 : memref<48x8x128xf32, #tpu.memory_space<vmem>>[vector<16xi32>, vector<16xi32>, vector<16xi32>], vector<16xf32>, vector<16xi1>
      %mul3A_302 = arith.constant 8 : i32
      %mul3A_303 = arith.muli %scan3A_183, %mul3A_302 : i32
      %add3A_304 = arith.constant 4 : i32
      %add3A_305 = arith.addi %mul3A_303, %add3A_304 : i32
      %mul3A_306 = arith.constant 16 : i32
      %mul3A_307 = arith.muli %add3A_305, %mul3A_306 : i32
      %get3A_308 = arith.index_cast %mul3A_307 : i32 to index
      %get3A_309 = tpu.vector_load %arg4[%get3A_308] {strides = array<i32>} : memref<2048xi32, #tpu.memory_space<vmem>>, vector<16xi32>,
      %sub3A_310 = vector.broadcast %add3A_44 : i32 to vector<16xi32>
      %sub3A_311 = arith.subi %get3A_309, %sub3A_310 : vector<16xi32>
      %shift_right_arithmetic3A_312 = arith.constant 3 : i32
      %shift_right_arithmetic3A_313 = vector.broadcast %shift_right_arithmetic3A_312 : i32 to vector<16xi32>
      %shift_right_arithmetic3A_314 = arith.shrsi %sub3A_311, %shift_right_arithmetic3A_313 : vector<16xi32>
      %mul3A_315 = arith.constant 16 : i32
      %mul3A_316 = vector.broadcast %mul3A_315 : i32 to vector<16xi32>
      %mul3A_317 = arith.muli %shift_right_arithmetic3A_314, %mul3A_316 : vector<16xi32>
      %shift_right_arithmetic3A_318 = arith.constant 7 : i32
      %shift_right_arithmetic3A_319 = arith.shrsi %mul3A_307, %shift_right_arithmetic3A_318 : i32
      %add3A_320 = vector.broadcast %shift_right_arithmetic3A_319 : i32 to vector<16xi32>
      %add3A_321 = arith.addi %mul3A_317, %add3A_320 : vector<16xi32>
      %and3A_322 = arith.constant 7 : i32
      %and3A_323 = vector.broadcast %and3A_322 : i32 to vector<16xi32>
      %and3A_324 = arith.andi %sub3A_311, %and3A_323 : vector<16xi32>
      %and3A_325 = arith.constant 127 : i32
      %and3A_326 = arith.andi %mul3A_307, %and3A_325 : i32
      %add3A_327 = vector.broadcast %and3A_326 : i32 to vector<16xi32>
      %add3A_328 = arith.addi %add3A_327, %iota3A : vector<16xi32>
      %lt3A_329 = arith.constant 24 : i32
      %lt3A_330 = vector.broadcast %lt3A_329 : i32 to vector<16xi32>
      %lt3A_331 = arith.cmpi ult, %sub3A_311, %lt3A_330 : vector<16xi32>
      tpu.vector_store_idx %arg5[%add3A_321, %and3A_324, %add3A_328], %broadcast_in_dim3A_37 masked %lt3A_331 : memref<48x8x128xf32, #tpu.memory_space<vmem>>[vector<16xi32>, vector<16xi32>, vector<16xi32>], vector<16xf32>, vector<16xi1>
      %mul3A_332 = arith.constant 8 : i32
      %mul3A_333 = arith.muli %scan3A_183, %mul3A_332 : i32
      %add3A_334 = arith.constant 5 : i32
      %add3A_335 = arith.addi %mul3A_333, %add3A_334 : i32
      %mul3A_336 = arith.constant 16 : i32
      %mul3A_337 = arith.muli %add3A_335, %mul3A_336 : i32
      %get3A_338 = arith.index_cast %mul3A_337 : i32 to index
      %get3A_339 = tpu.vector_load %arg4[%get3A_338] {strides = array<i32>} : memref<2048xi32, #tpu.memory_space<vmem>>, vector<16xi32>,
      %sub3A_340 = vector.broadcast %add3A_44 : i32 to vector<16xi32>
      %sub3A_341 = arith.subi %get3A_339, %sub3A_340 : vector<16xi32>
      %shift_right_arithmetic3A_342 = arith.constant 3 : i32
      %shift_right_arithmetic3A_343 = vector.broadcast %shift_right_arithmetic3A_342 : i32 to vector<16xi32>
      %shift_right_arithmetic3A_344 = arith.shrsi %sub3A_341, %shift_right_arithmetic3A_343 : vector<16xi32>
      %mul3A_345 = arith.constant 16 : i32
      %mul3A_346 = vector.broadcast %mul3A_345 : i32 to vector<16xi32>
      %mul3A_347 = arith.muli %shift_right_arithmetic3A_344, %mul3A_346 : vector<16xi32>
      %shift_right_arithmetic3A_348 = arith.constant 7 : i32
      %shift_right_arithmetic3A_349 = arith.shrsi %mul3A_337, %shift_right_arithmetic3A_348 : i32
      %add3A_350 = vector.broadcast %shift_right_arithmetic3A_349 : i32 to vector<16xi32>
      %add3A_351 = arith.addi %mul3A_347, %add3A_350 : vector<16xi32>
      %and3A_352 = arith.constant 7 : i32
      %and3A_353 = vector.broadcast %and3A_352 : i32 to vector<16xi32>
      %and3A_354 = arith.andi %sub3A_341, %and3A_353 : vector<16xi32>
      %and3A_355 = arith.constant 127 : i32
      %and3A_356 = arith.andi %mul3A_337, %and3A_355 : i32
      %add3A_357 = vector.broadcast %and3A_356 : i32 to vector<16xi32>
      %add3A_358 = arith.addi %add3A_357, %iota3A : vector<16xi32>
      %lt3A_359 = arith.constant 24 : i32
      %lt3A_360 = vector.broadcast %lt3A_359 : i32 to vector<16xi32>
      %lt3A_361 = arith.cmpi ult, %sub3A_341, %lt3A_360 : vector<16xi32>
      tpu.vector_store_idx %arg5[%add3A_351, %and3A_354, %add3A_358], %broadcast_in_dim3A_37 masked %lt3A_361 : memref<48x8x128xf32, #tpu.memory_space<vmem>>[vector<16xi32>, vector<16xi32>, vector<16xi32>], vector<16xf32>, vector<16xi1>
      %mul3A_362 = arith.constant 8 : i32
      %mul3A_363 = arith.muli %scan3A_183, %mul3A_362 : i32
      %add3A_364 = arith.constant 6 : i32
      %add3A_365 = arith.addi %mul3A_363, %add3A_364 : i32
      %mul3A_366 = arith.constant 16 : i32
      %mul3A_367 = arith.muli %add3A_365, %mul3A_366 : i32
      %get3A_368 = arith.index_cast %mul3A_367 : i32 to index
      %get3A_369 = tpu.vector_load %arg4[%get3A_368] {strides = array<i32>} : memref<2048xi32, #tpu.memory_space<vmem>>, vector<16xi32>,
      %sub3A_370 = vector.broadcast %add3A_44 : i32 to vector<16xi32>
      %sub3A_371 = arith.subi %get3A_369, %sub3A_370 : vector<16xi32>
      %shift_right_arithmetic3A_372 = arith.constant 3 : i32
      %shift_right_arithmetic3A_373 = vector.broadcast %shift_right_arithmetic3A_372 : i32 to vector<16xi32>
      %shift_right_arithmetic3A_374 = arith.shrsi %sub3A_371, %shift_right_arithmetic3A_373 : vector<16xi32>
      %mul3A_375 = arith.constant 16 : i32
      %mul3A_376 = vector.broadcast %mul3A_375 : i32 to vector<16xi32>
      %mul3A_377 = arith.muli %shift_right_arithmetic3A_374, %mul3A_376 : vector<16xi32>
      %shift_right_arithmetic3A_378 = arith.constant 7 : i32
      %shift_right_arithmetic3A_379 = arith.shrsi %mul3A_367, %shift_right_arithmetic3A_378 : i32
      %add3A_380 = vector.broadcast %shift_right_arithmetic3A_379 : i32 to vector<16xi32>
      %add3A_381 = arith.addi %mul3A_377, %add3A_380 : vector<16xi32>
      %and3A_382 = arith.constant 7 : i32
      %and3A_383 = vector.broadcast %and3A_382 : i32 to vector<16xi32>
      %and3A_384 = arith.andi %sub3A_371, %and3A_383 : vector<16xi32>
      %and3A_385 = arith.constant 127 : i32
      %and3A_386 = arith.andi %mul3A_367, %and3A_385 : i32
      %add3A_387 = vector.broadcast %and3A_386 : i32 to vector<16xi32>
      %add3A_388 = arith.addi %add3A_387, %iota3A : vector<16xi32>
      %lt3A_389 = arith.constant 24 : i32
      %lt3A_390 = vector.broadcast %lt3A_389 : i32 to vector<16xi32>
      %lt3A_391 = arith.cmpi ult, %sub3A_371, %lt3A_390 : vector<16xi32>
      tpu.vector_store_idx %arg5[%add3A_381, %and3A_384, %add3A_388], %broadcast_in_dim3A_37 masked %lt3A_391 : memref<48x8x128xf32, #tpu.memory_space<vmem>>[vector<16xi32>, vector<16xi32>, vector<16xi32>], vector<16xf32>, vector<16xi1>
      %mul3A_392 = arith.constant 8 : i32
      %mul3A_393 = arith.muli %scan3A_183, %mul3A_392 : i32
      %add3A_394 = arith.constant 7 : i32
      %add3A_395 = arith.addi %mul3A_393, %add3A_394 : i32
      %mul3A_396 = arith.constant 16 : i32
      %mul3A_397 = arith.muli %add3A_395, %mul3A_396 : i32
      %get3A_398 = arith.index_cast %mul3A_397 : i32 to index
      %get3A_399 = tpu.vector_load %arg4[%get3A_398] {strides = array<i32>} : memref<2048xi32, #tpu.memory_space<vmem>>, vector<16xi32>,
      %sub3A_400 = vector.broadcast %add3A_44 : i32 to vector<16xi32>
      %sub3A_401 = arith.subi %get3A_399, %sub3A_400 : vector<16xi32>
      %shift_right_arithmetic3A_402 = arith.constant 3 : i32
      %shift_right_arithmetic3A_403 = vector.broadcast %shift_right_arithmetic3A_402 : i32 to vector<16xi32>
      %shift_right_arithmetic3A_404 = arith.shrsi %sub3A_401, %shift_right_arithmetic3A_403 : vector<16xi32>
      %mul3A_405 = arith.constant 16 : i32
      %mul3A_406 = vector.broadcast %mul3A_405 : i32 to vector<16xi32>
      %mul3A_407 = arith.muli %shift_right_arithmetic3A_404, %mul3A_406 : vector<16xi32>
      %shift_right_arithmetic3A_408 = arith.constant 7 : i32
      %shift_right_arithmetic3A_409 = arith.shrsi %mul3A_397, %shift_right_arithmetic3A_408 : i32
      %add3A_410 = vector.broadcast %shift_right_arithmetic3A_409 : i32 to vector<16xi32>
      %add3A_411 = arith.addi %mul3A_407, %add3A_410 : vector<16xi32>
      %and3A_412 = arith.constant 7 : i32
      %and3A_413 = vector.broadcast %and3A_412 : i32 to vector<16xi32>
      %and3A_414 = arith.andi %sub3A_401, %and3A_413 : vector<16xi32>
      %and3A_415 = arith.constant 127 : i32
      %and3A_416 = arith.andi %mul3A_397, %and3A_415 : i32
      %add3A_417 = vector.broadcast %and3A_416 : i32 to vector<16xi32>
      %add3A_418 = arith.addi %add3A_417, %iota3A : vector<16xi32>
      %lt3A_419 = arith.constant 24 : i32
      %lt3A_420 = vector.broadcast %lt3A_419 : i32 to vector<16xi32>
      %lt3A_421 = arith.cmpi ult, %sub3A_401, %lt3A_420 : vector<16xi32>
      tpu.vector_store_idx %arg5[%add3A_411, %and3A_414, %add3A_418], %broadcast_in_dim3A_37 masked %lt3A_421 : memref<48x8x128xf32, #tpu.memory_space<vmem>>[vector<16xi32>, vector<16xi32>, vector<16xi32>], vector<16xf32>, vector<16xi1>
    }
    %scan3A_50 = arith.constant 16 : i32
    %mul3A_51 = arith.constant 125 : i32
    %mul3A_52 = arith.muli %select_n3A, %mul3A_51 : i32
    %add3A_53 = arith.constant 0 : i32
    %add3A_54 = arith.addi %mul3A_32, %add3A_53 : i32
    %jit3A_55 = arith.constant 8 : i32
    %div3A_56 = arith.divsi %add3A_54, %jit3A_55 : i32
    %sign3A_57 = arith.constant 0 : i32
    %sign3A_58 = arith.cmpi sgt, %add3A_54, %sign3A_57 : i32
    %sign3A_59 = arith.extui %sign3A_58 : i1 to i32
    %sign3A_60 = arith.constant 0 : i32
    %sign3A_61 = arith.cmpi slt, %add3A_54, %sign3A_60 : i32
    %sign3A_62 = arith.extui %sign3A_61 : i1 to i32
    %sign3A_63 = arith.subi %sign3A_59, %sign3A_62 : i32
    %sign3A_64 = arith.constant 0 : i32
    %sign3A_65 = arith.cmpi sgt, %jit3A_55, %sign3A_64 : i32
    %sign3A_66 = arith.extui %sign3A_65 : i1 to i32
    %sign3A_67 = arith.constant 0 : i32
    %sign3A_68 = arith.cmpi slt, %jit3A_55, %sign3A_67 : i32
    %sign3A_69 = arith.extui %sign3A_68 : i1 to i32
    %sign3A_70 = arith.subi %sign3A_66, %sign3A_69 : i32
    %ne3A_71 = arith.cmpi ne, %sign3A_63, %sign3A_70 : i32
    %rem3A_72 = arith.remsi %add3A_54, %jit3A_55 : i32
    %ne3A_73 = arith.constant 0 : i32
    %ne3A_74 = arith.cmpi ne, %rem3A_72, %ne3A_73 : i32
    %and3A_75 = arith.andi %ne3A_71, %ne3A_74 : i1
    %sub3A_76 = arith.constant 1 : i32
    %sub3A_77 = arith.subi %div3A_56, %sub3A_76 : i32
    %select_n3A_78 = arith.select %and3A_75, %sub3A_77, %div3A_56 : i32
    %add3A_79 = arith.addi %mul3A_52, %select_n3A_78 : i32
    %mul3A_80 = arith.constant 16 : i32
    %mul3A_81 = arith.muli %add3A_79, %mul3A_80 : i32
    %dma_start3A = arith.constant 0 : i32
    %dma_start3A_82 = arith.constant 0 : i32
    %dma_start3A_83 = arith.constant 0 : i32
    %dma_start3A_84 = tpu.memref_slice %arg5[%dma_start3A, %dma_start3A_82, %dma_start3A_83] : memref<48x8x128xf32, #tpu.memory_space<vmem>> -> memref<48x8x128xf32, #tpu.memory_space<vmem>>
    %dma_start3A_85 = arith.constant 0 : i32
    %dma_start3A_86 = arith.constant 0 : i32
    %dma_start3A_87 = tpu.memref_slice %arg3[%mul3A_81, %dma_start3A_85, %dma_start3A_86] : memref<32000x8x128xf32, #tpu.memory_space<hbm>> -> memref<48x8x128xf32, #tpu.memory_space<hbm>>
    %dma_start3A_88 = arith.constant 0 : i32
    %dma_start3A_89 = arith.constant 0 : i32
    %dma_start3A_90 = tpu.memref_slice %arg3[%mul3A_81, %dma_start3A_88, %dma_start3A_89] : memref<32000x8x128xf32, #tpu.memory_space<hbm>> -> memref<48x8x128xf32, #tpu.memory_space<hbm>>
    %dma_start3A_91 = arith.constant 0 : i32
    %dma_start3A_92 = arith.constant 0 : i32
    %dma_start3A_93 = arith.constant 0 : i32
    %dma_start3A_94 = tpu.memref_slice %arg5[%dma_start3A_91, %dma_start3A_92, %dma_start3A_93] : memref<48x8x128xf32, #tpu.memory_space<vmem>> -> memref<48x8x128xf32, #tpu.memory_space<vmem>>
    tpu.enqueue_dma source(%dma_start3A_94 : memref<48x8x128xf32, #tpu.memory_space<vmem>>) target(%dma_start3A_90 : memref<48x8x128xf32, #tpu.memory_space<hbm>>) target_semaphore(%arg7 : memref<!tpu.dma_semaphore, #tpu.memory_space<semaphore_mem>>)
    %scan3A_95 = arith.constant 0 : i32
    %scan3A_96 = arith.constant 0 : i32
    %scan3A_97 = arith.constant 48 : i32
    %scan3A_98 = arith.addi %scan3A_96, %scan3A_97 : i32
    %scan3A_99 = arith.constant 1 : i32
    scf.for %scan3A_183 = %scan3A_96 to %scan3A_98 step %scan3A_99  : i32 {
      %swap3A = arith.constant 0 : i32
      %swap3A_184 = arith.index_cast %scan3A_183 : i32 to index
      %swap3A_185 = arith.index_cast %swap3A : i32 to index
      %swap3A_186 = arith.constant 0 : index
      %swap3A_187 = tpu.vector_load %arg6[%swap3A_184, %swap3A_185, %swap3A_186] {strides = array<i32>} : memref<48x8x128xf32, #tpu.memory_space<vmem>>, vector<16xf32>,
      tpu.vector_store %arg6[%swap3A_184, %swap3A_185, %swap3A_186], %broadcast_in_dim3A_35 {strides = array<i32>} : memref<48x8x128xf32, #tpu.memory_space<vmem>>, vector<16xf32>,
      %swap3A_188 = arith.constant 0 : i32
      %swap3A_189 = arith.index_cast %scan3A_183 : i32 to index
      %swap3A_190 = arith.index_cast %swap3A_188 : i32 to index
      %swap3A_191 = arith.constant 16 : index
      %swap3A_192 = tpu.vector_load %arg6[%swap3A_189, %swap3A_190, %swap3A_191] {strides = array<i32>} : memref<48x8x128xf32, #tpu.memory_space<vmem>>, vector<16xf32>,
      tpu.vector_store %arg6[%swap3A_189, %swap3A_190, %swap3A_191], %broadcast_in_dim3A_35 {strides = array<i32>} : memref<48x8x128xf32, #tpu.memory_space<vmem>>, vector<16xf32>,
      %swap3A_193 = arith.constant 0 : i32
      %swap3A_194 = arith.index_cast %scan3A_183 : i32 to index
      %swap3A_195 = arith.index_cast %swap3A_193 : i32 to index
      %swap3A_196 = arith.constant 32 : index
      %swap3A_197 = tpu.vector_load %arg6[%swap3A_194, %swap3A_195, %swap3A_196] {strides = array<i32>} : memref<48x8x128xf32, #tpu.memory_space<vmem>>, vector<16xf32>,
      tpu.vector_store %arg6[%swap3A_194, %swap3A_195, %swap3A_196], %broadcast_in_dim3A_35 {strides = array<i32>} : memref<48x8x128xf32, #tpu.memory_space<vmem>>, vector<16xf32>,
      %swap3A_198 = arith.constant 0 : i32
      %swap3A_199 = arith.index_cast %scan3A_183 : i32 to index
      %swap3A_200 = arith.index_cast %swap3A_198 : i32 to index
      %swap3A_201 = arith.constant 48 : index
      %swap3A_202 = tpu.vector_load %arg6[%swap3A_199, %swap3A_200, %swap3A_201] {strides = array<i32>} : memref<48x8x128xf32, #tpu.memory_space<vmem>>, vector<16xf32>,
      tpu.vector_store %arg6[%swap3A_199, %swap3A_200, %swap3A_201], %broadcast_in_dim3A_35 {strides = array<i32>} : memref<48x8x128xf32, #tpu.memory_space<vmem>>, vector<16xf32>,
      %swap3A_203 = arith.constant 0 : i32
      %swap3A_204 = arith.index_cast %scan3A_183 : i32 to index
      %swap3A_205 = arith.index_cast %swap3A_203 : i32 to index
      %swap3A_206 = arith.constant 64 : index
      %swap3A_207 = tpu.vector_load %arg6[%swap3A_204, %swap3A_205, %swap3A_206] {strides = array<i32>} : memref<48x8x128xf32, #tpu.memory_space<vmem>>, vector<16xf32>,
      tpu.vector_store %arg6[%swap3A_204, %swap3A_205, %swap3A_206], %broadcast_in_dim3A_35 {strides = array<i32>} : memref<48x8x128xf32, #tpu.memory_space<vmem>>, vector<16xf32>,
      %swap3A_208 = arith.constant 0 : i32
      %swap3A_209 = arith.index_cast %scan3A_183 : i32 to index
      %swap3A_210 = arith.index_cast %swap3A_208 : i32 to index
      %swap3A_211 = arith.constant 80 : index
      %swap3A_212 = tpu.vector_load %arg6[%swap3A_209, %swap3A_210, %swap3A_211] {strides = array<i32>} : memref<48x8x128xf32, #tpu.memory_space<vmem>>, vector<16xf32>,
      tpu.vector_store %arg6[%swap3A_209, %swap3A_210, %swap3A_211], %broadcast_in_dim3A_35 {strides = array<i32>} : memref<48x8x128xf32, #tpu.memory_space<vmem>>, vector<16xf32>,
      %swap3A_213 = arith.constant 0 : i32
      %swap3A_214 = arith.index_cast %scan3A_183 : i32 to index
      %swap3A_215 = arith.index_cast %swap3A_213 : i32 to index
      %swap3A_216 = arith.constant 96 : index
      %swap3A_217 = tpu.vector_load %arg6[%swap3A_214, %swap3A_215, %swap3A_216] {strides = array<i32>} : memref<48x8x128xf32, #tpu.memory_space<vmem>>, vector<16xf32>,
      tpu.vector_store %arg6[%swap3A_214, %swap3A_215, %swap3A_216], %broadcast_in_dim3A_35 {strides = array<i32>} : memref<48x8x128xf32, #tpu.memory_space<vmem>>, vector<16xf32>,
      %swap3A_218 = arith.constant 0 : i32
      %swap3A_219 = arith.index_cast %scan3A_183 : i32 to index
      %swap3A_220 = arith.index_cast %swap3A_218 : i32 to index
      %swap3A_221 = arith.constant 112 : index
      %swap3A_222 = tpu.vector_load %arg6[%swap3A_219, %swap3A_220, %swap3A_221] {strides = array<i32>} : memref<48x8x128xf32, #tpu.memory_space<vmem>>, vector<16xf32>,
      tpu.vector_store %arg6[%swap3A_219, %swap3A_220, %swap3A_221], %broadcast_in_dim3A_35 {strides = array<i32>} : memref<48x8x128xf32, #tpu.memory_space<vmem>>, vector<16xf32>,
      %swap3A_223 = arith.constant 1 : i32
      %swap3A_224 = arith.index_cast %scan3A_183 : i32 to index
      %swap3A_225 = arith.index_cast %swap3A_223 : i32 to index
      %swap3A_226 = arith.constant 0 : index
      %swap3A_227 = tpu.vector_load %arg6[%swap3A_224, %swap3A_225, %swap3A_226] {strides = array<i32>} : memref<48x8x128xf32, #tpu.memory_space<vmem>>, vector<16xf32>,
      tpu.vector_store %arg6[%swap3A_224, %swap3A_225, %swap3A_226], %broadcast_in_dim3A_35 {strides = array<i32>} : memref<48x8x128xf32, #tpu.memory_space<vmem>>, vector<16xf32>,
      %swap3A_228 = arith.constant 1 : i32
      %swap3A_229 = arith.index_cast %scan3A_183 : i32 to index
      %swap3A_230 = arith.index_cast %swap3A_228 : i32 to index
      %swap3A_231 = arith.constant 16 : index
      %swap3A_232 = tpu.vector_load %arg6[%swap3A_229, %swap3A_230, %swap3A_231] {strides = array<i32>} : memref<48x8x128xf32, #tpu.memory_space<vmem>>, vector<16xf32>,
      tpu.vector_store %arg6[%swap3A_229, %swap3A_230, %swap3A_231], %broadcast_in_dim3A_35 {strides = array<i32>} : memref<48x8x128xf32, #tpu.memory_space<vmem>>, vector<16xf32>,
      %swap3A_233 = arith.constant 1 : i32
      %swap3A_234 = arith.index_cast %scan3A_183 : i32 to index
      %swap3A_235 = arith.index_cast %swap3A_233 : i32 to index
      %swap3A_236 = arith.constant 32 : index
      %swap3A_237 = tpu.vector_load %arg6[%swap3A_234, %swap3A_235, %swap3A_236] {strides = array<i32>} : memref<48x8x128xf32, #tpu.memory_space<vmem>>, vector<16xf32>,
      tpu.vector_store %arg6[%swap3A_234, %swap3A_235, %swap3A_236], %broadcast_in_dim3A_35 {strides = array<i32>} : memref<48x8x128xf32, #tpu.memory_space<vmem>>, vector<16xf32>,
      %swap3A_238 = arith.constant 1 : i32
      %swap3A_239 = arith.index_cast %scan3A_183 : i32 to index
      %swap3A_240 = arith.index_cast %swap3A_238 : i32 to index
      %swap3A_241 = arith.constant 48 : index
      %swap3A_242 = tpu.vector_load %arg6[%swap3A_239, %swap3A_240, %swap3A_241] {strides = array<i32>} : memref<48x8x128xf32, #tpu.memory_space<vmem>>, vector<16xf32>,
      tpu.vector_store %arg6[%swap3A_239, %swap3A_240, %swap3A_241], %broadcast_in_dim3A_35 {strides = array<i32>} : memref<48x8x128xf32, #tpu.memory_space<vmem>>, vector<16xf32>,
      %swap3A_243 = arith.constant 1 : i32
      %swap3A_244 = arith.index_cast %scan3A_183 : i32 to index
      %swap3A_245 = arith.index_cast %swap3A_243 : i32 to index
      %swap3A_246 = arith.constant 64 : index
      %swap3A_247 = tpu.vector_load %arg6[%swap3A_244, %swap3A_245, %swap3A_246] {strides = array<i32>} : memref<48x8x128xf32, #tpu.memory_space<vmem>>, vector<16xf32>,
      tpu.vector_store %arg6[%swap3A_244, %swap3A_245, %swap3A_246], %broadcast_in_dim3A_35 {strides = array<i32>} : memref<48x8x128xf32, #tpu.memory_space<vmem>>, vector<16xf32>,
      %swap3A_248 = arith.constant 1 : i32
      %swap3A_249 = arith.index_cast %scan3A_183 : i32 to index
      %swap3A_250 = arith.index_cast %swap3A_248 : i32 to index
      %swap3A_251 = arith.constant 80 : index
      %swap3A_252 = tpu.vector_load %arg6[%swap3A_249, %swap3A_250, %swap3A_251] {strides = array<i32>} : memref<48x8x128xf32, #tpu.memory_space<vmem>>, vector<16xf32>,
      tpu.vector_store %arg6[%swap3A_249, %swap3A_250, %swap3A_251], %broadcast_in_dim3A_35 {strides = array<i32>} : memref<48x8x128xf32, #tpu.memory_space<vmem>>, vector<16xf32>,
      %swap3A_253 = arith.constant 1 : i32
      %swap3A_254 = arith.index_cast %scan3A_183 : i32 to index
      %swap3A_255 = arith.index_cast %swap3A_253 : i32 to index
      %swap3A_256 = arith.constant 96 : index
      %swap3A_257 = tpu.vector_load %arg6[%swap3A_254, %swap3A_255, %swap3A_256] {strides = array<i32>} : memref<48x8x128xf32, #tpu.memory_space<vmem>>, vector<16xf32>,
      tpu.vector_store %arg6[%swap3A_254, %swap3A_255, %swap3A_256], %broadcast_in_dim3A_35 {strides = array<i32>} : memref<48x8x128xf32, #tpu.memory_space<vmem>>, vector<16xf32>,
      %swap3A_258 = arith.constant 1 : i32
      %swap3A_259 = arith.index_cast %scan3A_183 : i32 to index
      %swap3A_260 = arith.index_cast %swap3A_258 : i32 to index
      %swap3A_261 = arith.constant 112 : index
      %swap3A_262 = tpu.vector_load %arg6[%swap3A_259, %swap3A_260, %swap3A_261] {strides = array<i32>} : memref<48x8x128xf32, #tpu.memory_space<vmem>>, vector<16xf32>,
      tpu.vector_store %arg6[%swap3A_259, %swap3A_260, %swap3A_261], %broadcast_in_dim3A_35 {strides = array<i32>} : memref<48x8x128xf32, #tpu.memory_space<vmem>>, vector<16xf32>,
      %swap3A_263 = arith.constant 2 : i32
      %swap3A_264 = arith.index_cast %scan3A_183 : i32 to index
      %swap3A_265 = arith.index_cast %swap3A_263 : i32 to index
      %swap3A_266 = arith.constant 0 : index
      %swap3A_267 = tpu.vector_load %arg6[%swap3A_264, %swap3A_265, %swap3A_266] {strides = array<i32>} : memref<48x8x128xf32, #tpu.memory_space<vmem>>, vector<16xf32>,
      tpu.vector_store %arg6[%swap3A_264, %swap3A_265, %swap3A_266], %broadcast_in_dim3A_35 {strides = array<i32>} : memref<48x8x128xf32, #tpu.memory_space<vmem>>, vector<16xf32>,
      %swap3A_268 = arith.constant 2 : i32
      %swap3A_269 = arith.index_cast %scan3A_183 : i32 to index
      %swap3A_270 = arith.index_cast %swap3A_268 : i32 to index
      %swap3A_271 = arith.constant 16 : index
      %swap3A_272 = tpu.vector_load %arg6[%swap3A_269, %swap3A_270, %swap3A_271] {strides = array<i32>} : memref<48x8x128xf32, #tpu.memory_space<vmem>>, vector<16xf32>,
      tpu.vector_store %arg6[%swap3A_269, %swap3A_270, %swap3A_271], %broadcast_in_dim3A_35 {strides = array<i32>} : memref<48x8x128xf32, #tpu.memory_space<vmem>>, vector<16xf32>,
      %swap3A_273 = arith.constant 2 : i32
      %swap3A_274 = arith.index_cast %scan3A_183 : i32 to index
      %swap3A_275 = arith.index_cast %swap3A_273 : i32 to index
      %swap3A_276 = arith.constant 32 : index
      %swap3A_277 = tpu.vector_load %arg6[%swap3A_274, %swap3A_275, %swap3A_276] {strides = array<i32>} : memref<48x8x128xf32, #tpu.memory_space<vmem>>, vector<16xf32>,
      tpu.vector_store %arg6[%swap3A_274, %swap3A_275, %swap3A_276], %broadcast_in_dim3A_35 {strides = array<i32>} : memref<48x8x128xf32, #tpu.memory_space<vmem>>, vector<16xf32>,
      %swap3A_278 = arith.constant 2 : i32
      %swap3A_279 = arith.index_cast %scan3A_183 : i32 to index
      %swap3A_280 = arith.index_cast %swap3A_278 : i32 to index
      %swap3A_281 = arith.constant 48 : index
      %swap3A_282 = tpu.vector_load %arg6[%swap3A_279, %swap3A_280, %swap3A_281] {strides = array<i32>} : memref<48x8x128xf32, #tpu.memory_space<vmem>>, vector<16xf32>,
      tpu.vector_store %arg6[%swap3A_279, %swap3A_280, %swap3A_281], %broadcast_in_dim3A_35 {strides = array<i32>} : memref<48x8x128xf32, #tpu.memory_space<vmem>>, vector<16xf32>,
      %swap3A_283 = arith.constant 2 : i32
      %swap3A_284 = arith.index_cast %scan3A_183 : i32 to index
      %swap3A_285 = arith.index_cast %swap3A_283 : i32 to index
      %swap3A_286 = arith.constant 64 : index
      %swap3A_287 = tpu.vector_load %arg6[%swap3A_284, %swap3A_285, %swap3A_286] {strides = array<i32>} : memref<48x8x128xf32, #tpu.memory_space<vmem>>, vector<16xf32>,
      tpu.vector_store %arg6[%swap3A_284, %swap3A_285, %swap3A_286], %broadcast_in_dim3A_35 {strides = array<i32>} : memref<48x8x128xf32, #tpu.memory_space<vmem>>, vector<16xf32>,
      %swap3A_288 = arith.constant 2 : i32
      %swap3A_289 = arith.index_cast %scan3A_183 : i32 to index
      %swap3A_290 = arith.index_cast %swap3A_288 : i32 to index
      %swap3A_291 = arith.constant 80 : index
      %swap3A_292 = tpu.vector_load %arg6[%swap3A_289, %swap3A_290, %swap3A_291] {strides = array<i32>} : memref<48x8x128xf32, #tpu.memory_space<vmem>>, vector<16xf32>,
      tpu.vector_store %arg6[%swap3A_289, %swap3A_290, %swap3A_291], %broadcast_in_dim3A_35 {strides = array<i32>} : memref<48x8x128xf32, #tpu.memory_space<vmem>>, vector<16xf32>,
      %swap3A_293 = arith.constant 2 : i32
      %swap3A_294 = arith.index_cast %scan3A_183 : i32 to index
      %swap3A_295 = arith.index_cast %swap3A_293 : i32 to index
      %swap3A_296 = arith.constant 96 : index
      %swap3A_297 = tpu.vector_load %arg6[%swap3A_294, %swap3A_295, %swap3A_296] {strides = array<i32>} : memref<48x8x128xf32, #tpu.memory_space<vmem>>, vector<16xf32>,
      tpu.vector_store %arg6[%swap3A_294, %swap3A_295, %swap3A_296], %broadcast_in_dim3A_35 {strides = array<i32>} : memref<48x8x128xf32, #tpu.memory_space<vmem>>, vector<16xf32>,
      %swap3A_298 = arith.constant 2 : i32
      %swap3A_299 = arith.index_cast %scan3A_183 : i32 to index
      %swap3A_300 = arith.index_cast %swap3A_298 : i32 to index
      %swap3A_301 = arith.constant 112 : index
      %swap3A_302 = tpu.vector_load %arg6[%swap3A_299, %swap3A_300, %swap3A_301] {strides = array<i32>} : memref<48x8x128xf32, #tpu.memory_space<vmem>>, vector<16xf32>,
      tpu.vector_store %arg6[%swap3A_299, %swap3A_300, %swap3A_301], %broadcast_in_dim3A_35 {strides = array<i32>} : memref<48x8x128xf32, #tpu.memory_space<vmem>>, vector<16xf32>,
      %swap3A_303 = arith.constant 3 : i32
      %swap3A_304 = arith.index_cast %scan3A_183 : i32 to index
      %swap3A_305 = arith.index_cast %swap3A_303 : i32 to index
      %swap3A_306 = arith.constant 0 : index
      %swap3A_307 = tpu.vector_load %arg6[%swap3A_304, %swap3A_305, %swap3A_306] {strides = array<i32>} : memref<48x8x128xf32, #tpu.memory_space<vmem>>, vector<16xf32>,
      tpu.vector_store %arg6[%swap3A_304, %swap3A_305, %swap3A_306], %broadcast_in_dim3A_35 {strides = array<i32>} : memref<48x8x128xf32, #tpu.memory_space<vmem>>, vector<16xf32>,
      %swap3A_308 = arith.constant 3 : i32
      %swap3A_309 = arith.index_cast %scan3A_183 : i32 to index
      %swap3A_310 = arith.index_cast %swap3A_308 : i32 to index
      %swap3A_311 = arith.constant 16 : index
      %swap3A_312 = tpu.vector_load %arg6[%swap3A_309, %swap3A_310, %swap3A_311] {strides = array<i32>} : memref<48x8x128xf32, #tpu.memory_space<vmem>>, vector<16xf32>,
      tpu.vector_store %arg6[%swap3A_309, %swap3A_310, %swap3A_311], %broadcast_in_dim3A_35 {strides = array<i32>} : memref<48x8x128xf32, #tpu.memory_space<vmem>>, vector<16xf32>,
      %swap3A_313 = arith.constant 3 : i32
      %swap3A_314 = arith.index_cast %scan3A_183 : i32 to index
      %swap3A_315 = arith.index_cast %swap3A_313 : i32 to index
      %swap3A_316 = arith.constant 32 : index
      %swap3A_317 = tpu.vector_load %arg6[%swap3A_314, %swap3A_315, %swap3A_316] {strides = array<i32>} : memref<48x8x128xf32, #tpu.memory_space<vmem>>, vector<16xf32>,
      tpu.vector_store %arg6[%swap3A_314, %swap3A_315, %swap3A_316], %broadcast_in_dim3A_35 {strides = array<i32>} : memref<48x8x128xf32, #tpu.memory_space<vmem>>, vector<16xf32>,
      %swap3A_318 = arith.constant 3 : i32
      %swap3A_319 = arith.index_cast %scan3A_183 : i32 to index
      %swap3A_320 = arith.index_cast %swap3A_318 : i32 to index
      %swap3A_321 = arith.constant 48 : index
      %swap3A_322 = tpu.vector_load %arg6[%swap3A_319, %swap3A_320, %swap3A_321] {strides = array<i32>} : memref<48x8x128xf32, #tpu.memory_space<vmem>>, vector<16xf32>,
      tpu.vector_store %arg6[%swap3A_319, %swap3A_320, %swap3A_321], %broadcast_in_dim3A_35 {strides = array<i32>} : memref<48x8x128xf32, #tpu.memory_space<vmem>>, vector<16xf32>,
      %swap3A_323 = arith.constant 3 : i32
      %swap3A_324 = arith.index_cast %scan3A_183 : i32 to index
      %swap3A_325 = arith.index_cast %swap3A_323 : i32 to index
      %swap3A_326 = arith.constant 64 : index
      %swap3A_327 = tpu.vector_load %arg6[%swap3A_324, %swap3A_325, %swap3A_326] {strides = array<i32>} : memref<48x8x128xf32, #tpu.memory_space<vmem>>, vector<16xf32>,
      tpu.vector_store %arg6[%swap3A_324, %swap3A_325, %swap3A_326], %broadcast_in_dim3A_35 {strides = array<i32>} : memref<48x8x128xf32, #tpu.memory_space<vmem>>, vector<16xf32>,
      %swap3A_328 = arith.constant 3 : i32
      %swap3A_329 = arith.index_cast %scan3A_183 : i32 to index
      %swap3A_330 = arith.index_cast %swap3A_328 : i32 to index
      %swap3A_331 = arith.constant 80 : index
      %swap3A_332 = tpu.vector_load %arg6[%swap3A_329, %swap3A_330, %swap3A_331] {strides = array<i32>} : memref<48x8x128xf32, #tpu.memory_space<vmem>>, vector<16xf32>,
      tpu.vector_store %arg6[%swap3A_329, %swap3A_330, %swap3A_331], %broadcast_in_dim3A_35 {strides = array<i32>} : memref<48x8x128xf32, #tpu.memory_space<vmem>>, vector<16xf32>,
      %swap3A_333 = arith.constant 3 : i32
      %swap3A_334 = arith.index_cast %scan3A_183 : i32 to index
      %swap3A_335 = arith.index_cast %swap3A_333 : i32 to index
      %swap3A_336 = arith.constant 96 : index
      %swap3A_337 = tpu.vector_load %arg6[%swap3A_334, %swap3A_335, %swap3A_336] {strides = array<i32>} : memref<48x8x128xf32, #tpu.memory_space<vmem>>, vector<16xf32>,
      tpu.vector_store %arg6[%swap3A_334, %swap3A_335, %swap3A_336], %broadcast_in_dim3A_35 {strides = array<i32>} : memref<48x8x128xf32, #tpu.memory_space<vmem>>, vector<16xf32>,
      %swap3A_338 = arith.constant 3 : i32
      %swap3A_339 = arith.index_cast %scan3A_183 : i32 to index
      %swap3A_340 = arith.index_cast %swap3A_338 : i32 to index
      %swap3A_341 = arith.constant 112 : index
      %swap3A_342 = tpu.vector_load %arg6[%swap3A_339, %swap3A_340, %swap3A_341] {strides = array<i32>} : memref<48x8x128xf32, #tpu.memory_space<vmem>>, vector<16xf32>,
      tpu.vector_store %arg6[%swap3A_339, %swap3A_340, %swap3A_341], %broadcast_in_dim3A_35 {strides = array<i32>} : memref<48x8x128xf32, #tpu.memory_space<vmem>>, vector<16xf32>,
      %swap3A_343 = arith.constant 4 : i32
      %swap3A_344 = arith.index_cast %scan3A_183 : i32 to index
      %swap3A_345 = arith.index_cast %swap3A_343 : i32 to index
      %swap3A_346 = arith.constant 0 : index
      %swap3A_347 = tpu.vector_load %arg6[%swap3A_344, %swap3A_345, %swap3A_346] {strides = array<i32>} : memref<48x8x128xf32, #tpu.memory_space<vmem>>, vector<16xf32>,
      tpu.vector_store %arg6[%swap3A_344, %swap3A_345, %swap3A_346], %broadcast_in_dim3A_35 {strides = array<i32>} : memref<48x8x128xf32, #tpu.memory_space<vmem>>, vector<16xf32>,
      %swap3A_348 = arith.constant 4 : i32
      %swap3A_349 = arith.index_cast %scan3A_183 : i32 to index
      %swap3A_350 = arith.index_cast %swap3A_348 : i32 to index
      %swap3A_351 = arith.constant 16 : index
      %swap3A_352 = tpu.vector_load %arg6[%swap3A_349, %swap3A_350, %swap3A_351] {strides = array<i32>} : memref<48x8x128xf32, #tpu.memory_space<vmem>>, vector<16xf32>,
      tpu.vector_store %arg6[%swap3A_349, %swap3A_350, %swap3A_351], %broadcast_in_dim3A_35 {strides = array<i32>} : memref<48x8x128xf32, #tpu.memory_space<vmem>>, vector<16xf32>,
      %swap3A_353 = arith.constant 4 : i32
      %swap3A_354 = arith.index_cast %scan3A_183 : i32 to index
      %swap3A_355 = arith.index_cast %swap3A_353 : i32 to index
      %swap3A_356 = arith.constant 32 : index
      %swap3A_357 = tpu.vector_load %arg6[%swap3A_354, %swap3A_355, %swap3A_356] {strides = array<i32>} : memref<48x8x128xf32, #tpu.memory_space<vmem>>, vector<16xf32>,
      tpu.vector_store %arg6[%swap3A_354, %swap3A_355, %swap3A_356], %broadcast_in_dim3A_35 {strides = array<i32>} : memref<48x8x128xf32, #tpu.memory_space<vmem>>, vector<16xf32>,
      %swap3A_358 = arith.constant 4 : i32
      %swap3A_359 = arith.index_cast %scan3A_183 : i32 to index
      %swap3A_360 = arith.index_cast %swap3A_358 : i32 to index
      %swap3A_361 = arith.constant 48 : index
      %swap3A_362 = tpu.vector_load %arg6[%swap3A_359, %swap3A_360, %swap3A_361] {strides = array<i32>} : memref<48x8x128xf32, #tpu.memory_space<vmem>>, vector<16xf32>,
      tpu.vector_store %arg6[%swap3A_359, %swap3A_360, %swap3A_361], %broadcast_in_dim3A_35 {strides = array<i32>} : memref<48x8x128xf32, #tpu.memory_space<vmem>>, vector<16xf32>,
      %swap3A_363 = arith.constant 4 : i32
      %swap3A_364 = arith.index_cast %scan3A_183 : i32 to index
      %swap3A_365 = arith.index_cast %swap3A_363 : i32 to index
      %swap3A_366 = arith.constant 64 : index
      %swap3A_367 = tpu.vector_load %arg6[%swap3A_364, %swap3A_365, %swap3A_366] {strides = array<i32>} : memref<48x8x128xf32, #tpu.memory_space<vmem>>, vector<16xf32>,
      tpu.vector_store %arg6[%swap3A_364, %swap3A_365, %swap3A_366], %broadcast_in_dim3A_35 {strides = array<i32>} : memref<48x8x128xf32, #tpu.memory_space<vmem>>, vector<16xf32>,
      %swap3A_368 = arith.constant 4 : i32
      %swap3A_369 = arith.index_cast %scan3A_183 : i32 to index
      %swap3A_370 = arith.index_cast %swap3A_368 : i32 to index
      %swap3A_371 = arith.constant 80 : index
      %swap3A_372 = tpu.vector_load %arg6[%swap3A_369, %swap3A_370, %swap3A_371] {strides = array<i32>} : memref<48x8x128xf32, #tpu.memory_space<vmem>>, vector<16xf32>,
      tpu.vector_store %arg6[%swap3A_369, %swap3A_370, %swap3A_371], %broadcast_in_dim3A_35 {strides = array<i32>} : memref<48x8x128xf32, #tpu.memory_space<vmem>>, vector<16xf32>,
      %swap3A_373 = arith.constant 4 : i32
      %swap3A_374 = arith.index_cast %scan3A_183 : i32 to index
      %swap3A_375 = arith.index_cast %swap3A_373 : i32 to index
      %swap3A_376 = arith.constant 96 : index
      %swap3A_377 = tpu.vector_load %arg6[%swap3A_374, %swap3A_375, %swap3A_376] {strides = array<i32>} : memref<48x8x128xf32, #tpu.memory_space<vmem>>, vector<16xf32>,
      tpu.vector_store %arg6[%swap3A_374, %swap3A_375, %swap3A_376], %broadcast_in_dim3A_35 {strides = array<i32>} : memref<48x8x128xf32, #tpu.memory_space<vmem>>, vector<16xf32>,
      %swap3A_378 = arith.constant 4 : i32
      %swap3A_379 = arith.index_cast %scan3A_183 : i32 to index
      %swap3A_380 = arith.index_cast %swap3A_378 : i32 to index
      %swap3A_381 = arith.constant 112 : index
      %swap3A_382 = tpu.vector_load %arg6[%swap3A_379, %swap3A_380, %swap3A_381] {strides = array<i32>} : memref<48x8x128xf32, #tpu.memory_space<vmem>>, vector<16xf32>,
      tpu.vector_store %arg6[%swap3A_379, %swap3A_380, %swap3A_381], %broadcast_in_dim3A_35 {strides = array<i32>} : memref<48x8x128xf32, #tpu.memory_space<vmem>>, vector<16xf32>,
      %swap3A_383 = arith.constant 5 : i32
      %swap3A_384 = arith.index_cast %scan3A_183 : i32 to index
      %swap3A_385 = arith.index_cast %swap3A_383 : i32 to index
      %swap3A_386 = arith.constant 0 : index
      %swap3A_387 = tpu.vector_load %arg6[%swap3A_384, %swap3A_385, %swap3A_386] {strides = array<i32>} : memref<48x8x128xf32, #tpu.memory_space<vmem>>, vector<16xf32>,
      tpu.vector_store %arg6[%swap3A_384, %swap3A_385, %swap3A_386], %broadcast_in_dim3A_35 {strides = array<i32>} : memref<48x8x128xf32, #tpu.memory_space<vmem>>, vector<16xf32>,
      %swap3A_388 = arith.constant 5 : i32
      %swap3A_389 = arith.index_cast %scan3A_183 : i32 to index
      %swap3A_390 = arith.index_cast %swap3A_388 : i32 to index
      %swap3A_391 = arith.constant 16 : index
      %swap3A_392 = tpu.vector_load %arg6[%swap3A_389, %swap3A_390, %swap3A_391] {strides = array<i32>} : memref<48x8x128xf32, #tpu.memory_space<vmem>>, vector<16xf32>,
      tpu.vector_store %arg6[%swap3A_389, %swap3A_390, %swap3A_391], %broadcast_in_dim3A_35 {strides = array<i32>} : memref<48x8x128xf32, #tpu.memory_space<vmem>>, vector<16xf32>,
      %swap3A_393 = arith.constant 5 : i32
      %swap3A_394 = arith.index_cast %scan3A_183 : i32 to index
      %swap3A_395 = arith.index_cast %swap3A_393 : i32 to index
      %swap3A_396 = arith.constant 32 : index
      %swap3A_397 = tpu.vector_load %arg6[%swap3A_394, %swap3A_395, %swap3A_396] {strides = array<i32>} : memref<48x8x128xf32, #tpu.memory_space<vmem>>, vector<16xf32>,
      tpu.vector_store %arg6[%swap3A_394, %swap3A_395, %swap3A_396], %broadcast_in_dim3A_35 {strides = array<i32>} : memref<48x8x128xf32, #tpu.memory_space<vmem>>, vector<16xf32>,
      %swap3A_398 = arith.constant 5 : i32
      %swap3A_399 = arith.index_cast %scan3A_183 : i32 to index
      %swap3A_400 = arith.index_cast %swap3A_398 : i32 to index
      %swap3A_401 = arith.constant 48 : index
      %swap3A_402 = tpu.vector_load %arg6[%swap3A_399, %swap3A_400, %swap3A_401] {strides = array<i32>} : memref<48x8x128xf32, #tpu.memory_space<vmem>>, vector<16xf32>,
      tpu.vector_store %arg6[%swap3A_399, %swap3A_400, %swap3A_401], %broadcast_in_dim3A_35 {strides = array<i32>} : memref<48x8x128xf32, #tpu.memory_space<vmem>>, vector<16xf32>,
      %swap3A_403 = arith.constant 5 : i32
      %swap3A_404 = arith.index_cast %scan3A_183 : i32 to index
      %swap3A_405 = arith.index_cast %swap3A_403 : i32 to index
      %swap3A_406 = arith.constant 64 : index
      %swap3A_407 = tpu.vector_load %arg6[%swap3A_404, %swap3A_405, %swap3A_406] {strides = array<i32>} : memref<48x8x128xf32, #tpu.memory_space<vmem>>, vector<16xf32>,
      tpu.vector_store %arg6[%swap3A_404, %swap3A_405, %swap3A_406], %broadcast_in_dim3A_35 {strides = array<i32>} : memref<48x8x128xf32, #tpu.memory_space<vmem>>, vector<16xf32>,
      %swap3A_408 = arith.constant 5 : i32
      %swap3A_409 = arith.index_cast %scan3A_183 : i32 to index
      %swap3A_410 = arith.index_cast %swap3A_408 : i32 to index
      %swap3A_411 = arith.constant 80 : index
      %swap3A_412 = tpu.vector_load %arg6[%swap3A_409, %swap3A_410, %swap3A_411] {strides = array<i32>} : memref<48x8x128xf32, #tpu.memory_space<vmem>>, vector<16xf32>,
      tpu.vector_store %arg6[%swap3A_409, %swap3A_410, %swap3A_411], %broadcast_in_dim3A_35 {strides = array<i32>} : memref<48x8x128xf32, #tpu.memory_space<vmem>>, vector<16xf32>,
      %swap3A_413 = arith.constant 5 : i32
      %swap3A_414 = arith.index_cast %scan3A_183 : i32 to index
      %swap3A_415 = arith.index_cast %swap3A_413 : i32 to index
      %swap3A_416 = arith.constant 96 : index
      %swap3A_417 = tpu.vector_load %arg6[%swap3A_414, %swap3A_415, %swap3A_416] {strides = array<i32>} : memref<48x8x128xf32, #tpu.memory_space<vmem>>, vector<16xf32>,
      tpu.vector_store %arg6[%swap3A_414, %swap3A_415, %swap3A_416], %broadcast_in_dim3A_35 {strides = array<i32>} : memref<48x8x128xf32, #tpu.memory_space<vmem>>, vector<16xf32>,
      %swap3A_418 = arith.constant 5 : i32
      %swap3A_419 = arith.index_cast %scan3A_183 : i32 to index
      %swap3A_420 = arith.index_cast %swap3A_418 : i32 to index
      %swap3A_421 = arith.constant 112 : index
      %swap3A_422 = tpu.vector_load %arg6[%swap3A_419, %swap3A_420, %swap3A_421] {strides = array<i32>} : memref<48x8x128xf32, #tpu.memory_space<vmem>>, vector<16xf32>,
      tpu.vector_store %arg6[%swap3A_419, %swap3A_420, %swap3A_421], %broadcast_in_dim3A_35 {strides = array<i32>} : memref<48x8x128xf32, #tpu.memory_space<vmem>>, vector<16xf32>,
      %swap3A_423 = arith.constant 6 : i32
      %swap3A_424 = arith.index_cast %scan3A_183 : i32 to index
      %swap3A_425 = arith.index_cast %swap3A_423 : i32 to index
      %swap3A_426 = arith.constant 0 : index
      %swap3A_427 = tpu.vector_load %arg6[%swap3A_424, %swap3A_425, %swap3A_426] {strides = array<i32>} : memref<48x8x128xf32, #tpu.memory_space<vmem>>, vector<16xf32>,
      tpu.vector_store %arg6[%swap3A_424, %swap3A_425, %swap3A_426], %broadcast_in_dim3A_35 {strides = array<i32>} : memref<48x8x128xf32, #tpu.memory_space<vmem>>, vector<16xf32>,
      %swap3A_428 = arith.constant 6 : i32
      %swap3A_429 = arith.index_cast %scan3A_183 : i32 to index
      %swap3A_430 = arith.index_cast %swap3A_428 : i32 to index
      %swap3A_431 = arith.constant 16 : index
      %swap3A_432 = tpu.vector_load %arg6[%swap3A_429, %swap3A_430, %swap3A_431] {strides = array<i32>} : memref<48x8x128xf32, #tpu.memory_space<vmem>>, vector<16xf32>,
      tpu.vector_store %arg6[%swap3A_429, %swap3A_430, %swap3A_431], %broadcast_in_dim3A_35 {strides = array<i32>} : memref<48x8x128xf32, #tpu.memory_space<vmem>>, vector<16xf32>,
      %swap3A_433 = arith.constant 6 : i32
      %swap3A_434 = arith.index_cast %scan3A_183 : i32 to index
      %swap3A_435 = arith.index_cast %swap3A_433 : i32 to index
      %swap3A_436 = arith.constant 32 : index
      %swap3A_437 = tpu.vector_load %arg6[%swap3A_434, %swap3A_435, %swap3A_436] {strides = array<i32>} : memref<48x8x128xf32, #tpu.memory_space<vmem>>, vector<16xf32>,
      tpu.vector_store %arg6[%swap3A_434, %swap3A_435, %swap3A_436], %broadcast_in_dim3A_35 {strides = array<i32>} : memref<48x8x128xf32, #tpu.memory_space<vmem>>, vector<16xf32>,
      %swap3A_438 = arith.constant 6 : i32
      %swap3A_439 = arith.index_cast %scan3A_183 : i32 to index
      %swap3A_440 = arith.index_cast %swap3A_438 : i32 to index
      %swap3A_441 = arith.constant 48 : index
      %swap3A_442 = tpu.vector_load %arg6[%swap3A_439, %swap3A_440, %swap3A_441] {strides = array<i32>} : memref<48x8x128xf32, #tpu.memory_space<vmem>>, vector<16xf32>,
      tpu.vector_store %arg6[%swap3A_439, %swap3A_440, %swap3A_441], %broadcast_in_dim3A_35 {strides = array<i32>} : memref<48x8x128xf32, #tpu.memory_space<vmem>>, vector<16xf32>,
      %swap3A_443 = arith.constant 6 : i32
      %swap3A_444 = arith.index_cast %scan3A_183 : i32 to index
      %swap3A_445 = arith.index_cast %swap3A_443 : i32 to index
      %swap3A_446 = arith.constant 64 : index
      %swap3A_447 = tpu.vector_load %arg6[%swap3A_444, %swap3A_445, %swap3A_446] {strides = array<i32>} : memref<48x8x128xf32, #tpu.memory_space<vmem>>, vector<16xf32>,
      tpu.vector_store %arg6[%swap3A_444, %swap3A_445, %swap3A_446], %broadcast_in_dim3A_35 {strides = array<i32>} : memref<48x8x128xf32, #tpu.memory_space<vmem>>, vector<16xf32>,
      %swap3A_448 = arith.constant 6 : i32
      %swap3A_449 = arith.index_cast %scan3A_183 : i32 to index
      %swap3A_450 = arith.index_cast %swap3A_448 : i32 to index
      %swap3A_451 = arith.constant 80 : index
      %swap3A_452 = tpu.vector_load %arg6[%swap3A_449, %swap3A_450, %swap3A_451] {strides = array<i32>} : memref<48x8x128xf32, #tpu.memory_space<vmem>>, vector<16xf32>,
      tpu.vector_store %arg6[%swap3A_449, %swap3A_450, %swap3A_451], %broadcast_in_dim3A_35 {strides = array<i32>} : memref<48x8x128xf32, #tpu.memory_space<vmem>>, vector<16xf32>,
      %swap3A_453 = arith.constant 6 : i32
      %swap3A_454 = arith.index_cast %scan3A_183 : i32 to index
      %swap3A_455 = arith.index_cast %swap3A_453 : i32 to index
      %swap3A_456 = arith.constant 96 : index
      %swap3A_457 = tpu.vector_load %arg6[%swap3A_454, %swap3A_455, %swap3A_456] {strides = array<i32>} : memref<48x8x128xf32, #tpu.memory_space<vmem>>, vector<16xf32>,
      tpu.vector_store %arg6[%swap3A_454, %swap3A_455, %swap3A_456], %broadcast_in_dim3A_35 {strides = array<i32>} : memref<48x8x128xf32, #tpu.memory_space<vmem>>, vector<16xf32>,
      %swap3A_458 = arith.constant 6 : i32
      %swap3A_459 = arith.index_cast %scan3A_183 : i32 to index
      %swap3A_460 = arith.index_cast %swap3A_458 : i32 to index
      %swap3A_461 = arith.constant 112 : index
      %swap3A_462 = tpu.vector_load %arg6[%swap3A_459, %swap3A_460, %swap3A_461] {strides = array<i32>} : memref<48x8x128xf32, #tpu.memory_space<vmem>>, vector<16xf32>,
      tpu.vector_store %arg6[%swap3A_459, %swap3A_460, %swap3A_461], %broadcast_in_dim3A_35 {strides = array<i32>} : memref<48x8x128xf32, #tpu.memory_space<vmem>>, vector<16xf32>,
      %swap3A_463 = arith.constant 7 : i32
      %swap3A_464 = arith.index_cast %scan3A_183 : i32 to index
      %swap3A_465 = arith.index_cast %swap3A_463 : i32 to index
      %swap3A_466 = arith.constant 0 : index
      %swap3A_467 = tpu.vector_load %arg6[%swap3A_464, %swap3A_465, %swap3A_466] {strides = array<i32>} : memref<48x8x128xf32, #tpu.memory_space<vmem>>, vector<16xf32>,
      tpu.vector_store %arg6[%swap3A_464, %swap3A_465, %swap3A_466], %broadcast_in_dim3A_35 {strides = array<i32>} : memref<48x8x128xf32, #tpu.memory_space<vmem>>, vector<16xf32>,
      %swap3A_468 = arith.constant 7 : i32
      %swap3A_469 = arith.index_cast %scan3A_183 : i32 to index
      %swap3A_470 = arith.index_cast %swap3A_468 : i32 to index
      %swap3A_471 = arith.constant 16 : index
      %swap3A_472 = tpu.vector_load %arg6[%swap3A_469, %swap3A_470, %swap3A_471] {strides = array<i32>} : memref<48x8x128xf32, #tpu.memory_space<vmem>>, vector<16xf32>,
      tpu.vector_store %arg6[%swap3A_469, %swap3A_470, %swap3A_471], %broadcast_in_dim3A_35 {strides = array<i32>} : memref<48x8x128xf32, #tpu.memory_space<vmem>>, vector<16xf32>,
      %swap3A_473 = arith.constant 7 : i32
      %swap3A_474 = arith.index_cast %scan3A_183 : i32 to index
      %swap3A_475 = arith.index_cast %swap3A_473 : i32 to index
      %swap3A_476 = arith.constant 32 : index
      %swap3A_477 = tpu.vector_load %arg6[%swap3A_474, %swap3A_475, %swap3A_476] {strides = array<i32>} : memref<48x8x128xf32, #tpu.memory_space<vmem>>, vector<16xf32>,
      tpu.vector_store %arg6[%swap3A_474, %swap3A_475, %swap3A_476], %broadcast_in_dim3A_35 {strides = array<i32>} : memref<48x8x128xf32, #tpu.memory_space<vmem>>, vector<16xf32>,
      %swap3A_478 = arith.constant 7 : i32
      %swap3A_479 = arith.index_cast %scan3A_183 : i32 to index
      %swap3A_480 = arith.index_cast %swap3A_478 : i32 to index
      %swap3A_481 = arith.constant 48 : index
      %swap3A_482 = tpu.vector_load %arg6[%swap3A_479, %swap3A_480, %swap3A_481] {strides = array<i32>} : memref<48x8x128xf32, #tpu.memory_space<vmem>>, vector<16xf32>,
      tpu.vector_store %arg6[%swap3A_479, %swap3A_480, %swap3A_481], %broadcast_in_dim3A_35 {strides = array<i32>} : memref<48x8x128xf32, #tpu.memory_space<vmem>>, vector<16xf32>,
      %swap3A_483 = arith.constant 7 : i32
      %swap3A_484 = arith.index_cast %scan3A_183 : i32 to index
      %swap3A_485 = arith.index_cast %swap3A_483 : i32 to index
      %swap3A_486 = arith.constant 64 : index
      %swap3A_487 = tpu.vector_load %arg6[%swap3A_484, %swap3A_485, %swap3A_486] {strides = array<i32>} : memref<48x8x128xf32, #tpu.memory_space<vmem>>, vector<16xf32>,
      tpu.vector_store %arg6[%swap3A_484, %swap3A_485, %swap3A_486], %broadcast_in_dim3A_35 {strides = array<i32>} : memref<48x8x128xf32, #tpu.memory_space<vmem>>, vector<16xf32>,
      %swap3A_488 = arith.constant 7 : i32
      %swap3A_489 = arith.index_cast %scan3A_183 : i32 to index
      %swap3A_490 = arith.index_cast %swap3A_488 : i32 to index
      %swap3A_491 = arith.constant 80 : index
      %swap3A_492 = tpu.vector_load %arg6[%swap3A_489, %swap3A_490, %swap3A_491] {strides = array<i32>} : memref<48x8x128xf32, #tpu.memory_space<vmem>>, vector<16xf32>,
      tpu.vector_store %arg6[%swap3A_489, %swap3A_490, %swap3A_491], %broadcast_in_dim3A_35 {strides = array<i32>} : memref<48x8x128xf32, #tpu.memory_space<vmem>>, vector<16xf32>,
      %swap3A_493 = arith.constant 7 : i32
      %swap3A_494 = arith.index_cast %scan3A_183 : i32 to index
      %swap3A_495 = arith.index_cast %swap3A_493 : i32 to index
      %swap3A_496 = arith.constant 96 : index
      %swap3A_497 = tpu.vector_load %arg6[%swap3A_494, %swap3A_495, %swap3A_496] {strides = array<i32>} : memref<48x8x128xf32, #tpu.memory_space<vmem>>, vector<16xf32>,
      tpu.vector_store %arg6[%swap3A_494, %swap3A_495, %swap3A_496], %broadcast_in_dim3A_35 {strides = array<i32>} : memref<48x8x128xf32, #tpu.memory_space<vmem>>, vector<16xf32>,
      %swap3A_498 = arith.constant 7 : i32
      %swap3A_499 = arith.index_cast %scan3A_183 : i32 to index
      %swap3A_500 = arith.index_cast %swap3A_498 : i32 to index
      %swap3A_501 = arith.constant 112 : index
      %swap3A_502 = tpu.vector_load %arg6[%swap3A_499, %swap3A_500, %swap3A_501] {strides = array<i32>} : memref<48x8x128xf32, #tpu.memory_space<vmem>>, vector<16xf32>,
      tpu.vector_store %arg6[%swap3A_499, %swap3A_500, %swap3A_501], %broadcast_in_dim3A_35 {strides = array<i32>} : memref<48x8x128xf32, #tpu.memory_space<vmem>>, vector<16xf32>,
    }
    %scan3A_100 = arith.constant 48 : i32
    %add3A_101 = arith.constant 24 : i32
    %add3A_102 = arith.addi %mul3A_32, %add3A_101 : i32
    %scan3A_103 = arith.constant 0 : i32
    %scan3A_104 = arith.constant 0 : i32
    %scan3A_105 = arith.constant 16 : i32
    %scan3A_106 = arith.addi %scan3A_104, %scan3A_105 : i32
    %scan3A_107 = arith.constant 1 : i32
    scf.for %scan3A_183 = %scan3A_104 to %scan3A_106 step %scan3A_107  : i32 {
      %mul3A_184 = arith.constant 8 : i32
      %mul3A_185 = arith.muli %scan3A_183, %mul3A_184 : i32
      %add3A_186 = arith.constant 0 : i32
      %add3A_187 = arith.addi %mul3A_185, %add3A_186 : i32
      %mul3A_188 = arith.constant 16 : i32
      %mul3A_189 = arith.muli %add3A_187, %mul3A_188 : i32
      %get3A = arith.index_cast %mul3A_189 : i32 to index
      %get3A_190 = tpu.vector_load %arg4[%get3A] {strides = array<i32>} : memref<2048xi32, #tpu.memory_space<vmem>>, vector<16xi32>,
      %sub3A_191 = vector.broadcast %add3A_102 : i32 to vector<16xi32>
      %sub3A_192 = arith.subi %get3A_190, %sub3A_191 : vector<16xi32>
      %shift_right_arithmetic3A = arith.constant 3 : i32
      %shift_right_arithmetic3A_193 = vector.broadcast %shift_right_arithmetic3A : i32 to vector<16xi32>
      %shift_right_arithmetic3A_194 = arith.shrsi %sub3A_192, %shift_right_arithmetic3A_193 : vector<16xi32>
      %mul3A_195 = arith.constant 16 : i32
      %mul3A_196 = vector.broadcast %mul3A_195 : i32 to vector<16xi32>
      %mul3A_197 = arith.muli %shift_right_arithmetic3A_194, %mul3A_196 : vector<16xi32>
      %shift_right_arithmetic3A_198 = arith.constant 7 : i32
      %shift_right_arithmetic3A_199 = arith.shrsi %mul3A_189, %shift_right_arithmetic3A_198 : i32
      %add3A_200 = vector.broadcast %shift_right_arithmetic3A_199 : i32 to vector<16xi32>
      %add3A_201 = arith.addi %mul3A_197, %add3A_200 : vector<16xi32>
      %and3A_202 = arith.constant 7 : i32
      %and3A_203 = vector.broadcast %and3A_202 : i32 to vector<16xi32>
      %and3A_204 = arith.andi %sub3A_192, %and3A_203 : vector<16xi32>
      %and3A_205 = arith.constant 127 : i32
      %and3A_206 = arith.andi %mul3A_189, %and3A_205 : i32
      %add3A_207 = vector.broadcast %and3A_206 : i32 to vector<16xi32>
      %add3A_208 = arith.addi %add3A_207, %iota3A : vector<16xi32>
      %lt3A_209 = arith.constant 24 : i32
      %lt3A_210 = vector.broadcast %lt3A_209 : i32 to vector<16xi32>
      %lt3A_211 = arith.cmpi ult, %sub3A_192, %lt3A_210 : vector<16xi32>
      tpu.vector_store_idx %arg6[%add3A_201, %and3A_204, %add3A_208], %broadcast_in_dim3A_37 masked %lt3A_211 : memref<48x8x128xf32, #tpu.memory_space<vmem>>[vector<16xi32>, vector<16xi32>, vector<16xi32>], vector<16xf32>, vector<16xi1>
      %mul3A_212 = arith.constant 8 : i32
      %mul3A_213 = arith.muli %scan3A_183, %mul3A_212 : i32
      %add3A_214 = arith.constant 1 : i32
      %add3A_215 = arith.addi %mul3A_213, %add3A_214 : i32
      %mul3A_216 = arith.constant 16 : i32
      %mul3A_217 = arith.muli %add3A_215, %mul3A_216 : i32
      %get3A_218 = arith.index_cast %mul3A_217 : i32 to index
      %get3A_219 = tpu.vector_load %arg4[%get3A_218] {strides = array<i32>} : memref<2048xi32, #tpu.memory_space<vmem>>, vector<16xi32>,
      %sub3A_220 = vector.broadcast %add3A_102 : i32 to vector<16xi32>
      %sub3A_221 = arith.subi %get3A_219, %sub3A_220 : vector<16xi32>
      %shift_right_arithmetic3A_222 = arith.constant 3 : i32
      %shift_right_arithmetic3A_223 = vector.broadcast %shift_right_arithmetic3A_222 : i32 to vector<16xi32>
      %shift_right_arithmetic3A_224 = arith.shrsi %sub3A_221, %shift_right_arithmetic3A_223 : vector<16xi32>
      %mul3A_225 = arith.constant 16 : i32
      %mul3A_226 = vector.broadcast %mul3A_225 : i32 to vector<16xi32>
      %mul3A_227 = arith.muli %shift_right_arithmetic3A_224, %mul3A_226 : vector<16xi32>
      %shift_right_arithmetic3A_228 = arith.constant 7 : i32
      %shift_right_arithmetic3A_229 = arith.shrsi %mul3A_217, %shift_right_arithmetic3A_228 : i32
      %add3A_230 = vector.broadcast %shift_right_arithmetic3A_229 : i32 to vector<16xi32>
      %add3A_231 = arith.addi %mul3A_227, %add3A_230 : vector<16xi32>
      %and3A_232 = arith.constant 7 : i32
      %and3A_233 = vector.broadcast %and3A_232 : i32 to vector<16xi32>
      %and3A_234 = arith.andi %sub3A_221, %and3A_233 : vector<16xi32>
      %and3A_235 = arith.constant 127 : i32
      %and3A_236 = arith.andi %mul3A_217, %and3A_235 : i32
      %add3A_237 = vector.broadcast %and3A_236 : i32 to vector<16xi32>
      %add3A_238 = arith.addi %add3A_237, %iota3A : vector<16xi32>
      %lt3A_239 = arith.constant 24 : i32
      %lt3A_240 = vector.broadcast %lt3A_239 : i32 to vector<16xi32>
      %lt3A_241 = arith.cmpi ult, %sub3A_221, %lt3A_240 : vector<16xi32>
      tpu.vector_store_idx %arg6[%add3A_231, %and3A_234, %add3A_238], %broadcast_in_dim3A_37 masked %lt3A_241 : memref<48x8x128xf32, #tpu.memory_space<vmem>>[vector<16xi32>, vector<16xi32>, vector<16xi32>], vector<16xf32>, vector<16xi1>
      %mul3A_242 = arith.constant 8 : i32
      %mul3A_243 = arith.muli %scan3A_183, %mul3A_242 : i32
      %add3A_244 = arith.constant 2 : i32
      %add3A_245 = arith.addi %mul3A_243, %add3A_244 : i32
      %mul3A_246 = arith.constant 16 : i32
      %mul3A_247 = arith.muli %add3A_245, %mul3A_246 : i32
      %get3A_248 = arith.index_cast %mul3A_247 : i32 to index
      %get3A_249 = tpu.vector_load %arg4[%get3A_248] {strides = array<i32>} : memref<2048xi32, #tpu.memory_space<vmem>>, vector<16xi32>,
      %sub3A_250 = vector.broadcast %add3A_102 : i32 to vector<16xi32>
      %sub3A_251 = arith.subi %get3A_249, %sub3A_250 : vector<16xi32>
      %shift_right_arithmetic3A_252 = arith.constant 3 : i32
      %shift_right_arithmetic3A_253 = vector.broadcast %shift_right_arithmetic3A_252 : i32 to vector<16xi32>
      %shift_right_arithmetic3A_254 = arith.shrsi %sub3A_251, %shift_right_arithmetic3A_253 : vector<16xi32>
      %mul3A_255 = arith.constant 16 : i32
      %mul3A_256 = vector.broadcast %mul3A_255 : i32 to vector<16xi32>
      %mul3A_257 = arith.muli %shift_right_arithmetic3A_254, %mul3A_256 : vector<16xi32>
      %shift_right_arithmetic3A_258 = arith.constant 7 : i32
      %shift_right_arithmetic3A_259 = arith.shrsi %mul3A_247, %shift_right_arithmetic3A_258 : i32
      %add3A_260 = vector.broadcast %shift_right_arithmetic3A_259 : i32 to vector<16xi32>
      %add3A_261 = arith.addi %mul3A_257, %add3A_260 : vector<16xi32>
      %and3A_262 = arith.constant 7 : i32
      %and3A_263 = vector.broadcast %and3A_262 : i32 to vector<16xi32>
      %and3A_264 = arith.andi %sub3A_251, %and3A_263 : vector<16xi32>
      %and3A_265 = arith.constant 127 : i32
      %and3A_266 = arith.andi %mul3A_247, %and3A_265 : i32
      %add3A_267 = vector.broadcast %and3A_266 : i32 to vector<16xi32>
      %add3A_268 = arith.addi %add3A_267, %iota3A : vector<16xi32>
      %lt3A_269 = arith.constant 24 : i32
      %lt3A_270 = vector.broadcast %lt3A_269 : i32 to vector<16xi32>
      %lt3A_271 = arith.cmpi ult, %sub3A_251, %lt3A_270 : vector<16xi32>
      tpu.vector_store_idx %arg6[%add3A_261, %and3A_264, %add3A_268], %broadcast_in_dim3A_37 masked %lt3A_271 : memref<48x8x128xf32, #tpu.memory_space<vmem>>[vector<16xi32>, vector<16xi32>, vector<16xi32>], vector<16xf32>, vector<16xi1>
      %mul3A_272 = arith.constant 8 : i32
      %mul3A_273 = arith.muli %scan3A_183, %mul3A_272 : i32
      %add3A_274 = arith.constant 3 : i32
      %add3A_275 = arith.addi %mul3A_273, %add3A_274 : i32
      %mul3A_276 = arith.constant 16 : i32
      %mul3A_277 = arith.muli %add3A_275, %mul3A_276 : i32
      %get3A_278 = arith.index_cast %mul3A_277 : i32 to index
      %get3A_279 = tpu.vector_load %arg4[%get3A_278] {strides = array<i32>} : memref<2048xi32, #tpu.memory_space<vmem>>, vector<16xi32>,
      %sub3A_280 = vector.broadcast %add3A_102 : i32 to vector<16xi32>
      %sub3A_281 = arith.subi %get3A_279, %sub3A_280 : vector<16xi32>
      %shift_right_arithmetic3A_282 = arith.constant 3 : i32
      %shift_right_arithmetic3A_283 = vector.broadcast %shift_right_arithmetic3A_282 : i32 to vector<16xi32>
      %shift_right_arithmetic3A_284 = arith.shrsi %sub3A_281, %shift_right_arithmetic3A_283 : vector<16xi32>
      %mul3A_285 = arith.constant 16 : i32
      %mul3A_286 = vector.broadcast %mul3A_285 : i32 to vector<16xi32>
      %mul3A_287 = arith.muli %shift_right_arithmetic3A_284, %mul3A_286 : vector<16xi32>
      %shift_right_arithmetic3A_288 = arith.constant 7 : i32
      %shift_right_arithmetic3A_289 = arith.shrsi %mul3A_277, %shift_right_arithmetic3A_288 : i32
      %add3A_290 = vector.broadcast %shift_right_arithmetic3A_289 : i32 to vector<16xi32>
      %add3A_291 = arith.addi %mul3A_287, %add3A_290 : vector<16xi32>
      %and3A_292 = arith.constant 7 : i32
      %and3A_293 = vector.broadcast %and3A_292 : i32 to vector<16xi32>
      %and3A_294 = arith.andi %sub3A_281, %and3A_293 : vector<16xi32>
      %and3A_295 = arith.constant 127 : i32
      %and3A_296 = arith.andi %mul3A_277, %and3A_295 : i32
      %add3A_297 = vector.broadcast %and3A_296 : i32 to vector<16xi32>
      %add3A_298 = arith.addi %add3A_297, %iota3A : vector<16xi32>
      %lt3A_299 = arith.constant 24 : i32
      %lt3A_300 = vector.broadcast %lt3A_299 : i32 to vector<16xi32>
      %lt3A_301 = arith.cmpi ult, %sub3A_281, %lt3A_300 : vector<16xi32>
      tpu.vector_store_idx %arg6[%add3A_291, %and3A_294, %add3A_298], %broadcast_in_dim3A_37 masked %lt3A_301 : memref<48x8x128xf32, #tpu.memory_space<vmem>>[vector<16xi32>, vector<16xi32>, vector<16xi32>], vector<16xf32>, vector<16xi1>
      %mul3A_302 = arith.constant 8 : i32
      %mul3A_303 = arith.muli %scan3A_183, %mul3A_302 : i32
      %add3A_304 = arith.constant 4 : i32
      %add3A_305 = arith.addi %mul3A_303, %add3A_304 : i32
      %mul3A_306 = arith.constant 16 : i32
      %mul3A_307 = arith.muli %add3A_305, %mul3A_306 : i32
      %get3A_308 = arith.index_cast %mul3A_307 : i32 to index
      %get3A_309 = tpu.vector_load %arg4[%get3A_308] {strides = array<i32>} : memref<2048xi32, #tpu.memory_space<vmem>>, vector<16xi32>,
      %sub3A_310 = vector.broadcast %add3A_102 : i32 to vector<16xi32>
      %sub3A_311 = arith.subi %get3A_309, %sub3A_310 : vector<16xi32>
      %shift_right_arithmetic3A_312 = arith.constant 3 : i32
      %shift_right_arithmetic3A_313 = vector.broadcast %shift_right_arithmetic3A_312 : i32 to vector<16xi32>
      %shift_right_arithmetic3A_314 = arith.shrsi %sub3A_311, %shift_right_arithmetic3A_313 : vector<16xi32>
      %mul3A_315 = arith.constant 16 : i32
      %mul3A_316 = vector.broadcast %mul3A_315 : i32 to vector<16xi32>
      %mul3A_317 = arith.muli %shift_right_arithmetic3A_314, %mul3A_316 : vector<16xi32>
      %shift_right_arithmetic3A_318 = arith.constant 7 : i32
      %shift_right_arithmetic3A_319 = arith.shrsi %mul3A_307, %shift_right_arithmetic3A_318 : i32
      %add3A_320 = vector.broadcast %shift_right_arithmetic3A_319 : i32 to vector<16xi32>
      %add3A_321 = arith.addi %mul3A_317, %add3A_320 : vector<16xi32>
      %and3A_322 = arith.constant 7 : i32
      %and3A_323 = vector.broadcast %and3A_322 : i32 to vector<16xi32>
      %and3A_324 = arith.andi %sub3A_311, %and3A_323 : vector<16xi32>
      %and3A_325 = arith.constant 127 : i32
      %and3A_326 = arith.andi %mul3A_307, %and3A_325 : i32
      %add3A_327 = vector.broadcast %and3A_326 : i32 to vector<16xi32>
      %add3A_328 = arith.addi %add3A_327, %iota3A : vector<16xi32>
      %lt3A_329 = arith.constant 24 : i32
      %lt3A_330 = vector.broadcast %lt3A_329 : i32 to vector<16xi32>
      %lt3A_331 = arith.cmpi ult, %sub3A_311, %lt3A_330 : vector<16xi32>
      tpu.vector_store_idx %arg6[%add3A_321, %and3A_324, %add3A_328], %broadcast_in_dim3A_37 masked %lt3A_331 : memref<48x8x128xf32, #tpu.memory_space<vmem>>[vector<16xi32>, vector<16xi32>, vector<16xi32>], vector<16xf32>, vector<16xi1>
      %mul3A_332 = arith.constant 8 : i32
      %mul3A_333 = arith.muli %scan3A_183, %mul3A_332 : i32
      %add3A_334 = arith.constant 5 : i32
      %add3A_335 = arith.addi %mul3A_333, %add3A_334 : i32
      %mul3A_336 = arith.constant 16 : i32
      %mul3A_337 = arith.muli %add3A_335, %mul3A_336 : i32
      %get3A_338 = arith.index_cast %mul3A_337 : i32 to index
      %get3A_339 = tpu.vector_load %arg4[%get3A_338] {strides = array<i32>} : memref<2048xi32, #tpu.memory_space<vmem>>, vector<16xi32>,
      %sub3A_340 = vector.broadcast %add3A_102 : i32 to vector<16xi32>
      %sub3A_341 = arith.subi %get3A_339, %sub3A_340 : vector<16xi32>
      %shift_right_arithmetic3A_342 = arith.constant 3 : i32
      %shift_right_arithmetic3A_343 = vector.broadcast %shift_right_arithmetic3A_342 : i32 to vector<16xi32>
      %shift_right_arithmetic3A_344 = arith.shrsi %sub3A_341, %shift_right_arithmetic3A_343 : vector<16xi32>
      %mul3A_345 = arith.constant 16 : i32
      %mul3A_346 = vector.broadcast %mul3A_345 : i32 to vector<16xi32>
      %mul3A_347 = arith.muli %shift_right_arithmetic3A_344, %mul3A_346 : vector<16xi32>
      %shift_right_arithmetic3A_348 = arith.constant 7 : i32
      %shift_right_arithmetic3A_349 = arith.shrsi %mul3A_337, %shift_right_arithmetic3A_348 : i32
      %add3A_350 = vector.broadcast %shift_right_arithmetic3A_349 : i32 to vector<16xi32>
      %add3A_351 = arith.addi %mul3A_347, %add3A_350 : vector<16xi32>
      %and3A_352 = arith.constant 7 : i32
      %and3A_353 = vector.broadcast %and3A_352 : i32 to vector<16xi32>
      %and3A_354 = arith.andi %sub3A_341, %and3A_353 : vector<16xi32>
      %and3A_355 = arith.constant 127 : i32
      %and3A_356 = arith.andi %mul3A_337, %and3A_355 : i32
      %add3A_357 = vector.broadcast %and3A_356 : i32 to vector<16xi32>
      %add3A_358 = arith.addi %add3A_357, %iota3A : vector<16xi32>
      %lt3A_359 = arith.constant 24 : i32
      %lt3A_360 = vector.broadcast %lt3A_359 : i32 to vector<16xi32>
      %lt3A_361 = arith.cmpi ult, %sub3A_341, %lt3A_360 : vector<16xi32>
      tpu.vector_store_idx %arg6[%add3A_351, %and3A_354, %add3A_358], %broadcast_in_dim3A_37 masked %lt3A_361 : memref<48x8x128xf32, #tpu.memory_space<vmem>>[vector<16xi32>, vector<16xi32>, vector<16xi32>], vector<16xf32>, vector<16xi1>
      %mul3A_362 = arith.constant 8 : i32
      %mul3A_363 = arith.muli %scan3A_183, %mul3A_362 : i32
      %add3A_364 = arith.constant 6 : i32
      %add3A_365 = arith.addi %mul3A_363, %add3A_364 : i32
      %mul3A_366 = arith.constant 16 : i32
      %mul3A_367 = arith.muli %add3A_365, %mul3A_366 : i32
      %get3A_368 = arith.index_cast %mul3A_367 : i32 to index
      %get3A_369 = tpu.vector_load %arg4[%get3A_368] {strides = array<i32>} : memref<2048xi32, #tpu.memory_space<vmem>>, vector<16xi32>,
      %sub3A_370 = vector.broadcast %add3A_102 : i32 to vector<16xi32>
      %sub3A_371 = arith.subi %get3A_369, %sub3A_370 : vector<16xi32>
      %shift_right_arithmetic3A_372 = arith.constant 3 : i32
      %shift_right_arithmetic3A_373 = vector.broadcast %shift_right_arithmetic3A_372 : i32 to vector<16xi32>
      %shift_right_arithmetic3A_374 = arith.shrsi %sub3A_371, %shift_right_arithmetic3A_373 : vector<16xi32>
      %mul3A_375 = arith.constant 16 : i32
      %mul3A_376 = vector.broadcast %mul3A_375 : i32 to vector<16xi32>
      %mul3A_377 = arith.muli %shift_right_arithmetic3A_374, %mul3A_376 : vector<16xi32>
      %shift_right_arithmetic3A_378 = arith.constant 7 : i32
      %shift_right_arithmetic3A_379 = arith.shrsi %mul3A_367, %shift_right_arithmetic3A_378 : i32
      %add3A_380 = vector.broadcast %shift_right_arithmetic3A_379 : i32 to vector<16xi32>
      %add3A_381 = arith.addi %mul3A_377, %add3A_380 : vector<16xi32>
      %and3A_382 = arith.constant 7 : i32
      %and3A_383 = vector.broadcast %and3A_382 : i32 to vector<16xi32>
      %and3A_384 = arith.andi %sub3A_371, %and3A_383 : vector<16xi32>
      %and3A_385 = arith.constant 127 : i32
      %and3A_386 = arith.andi %mul3A_367, %and3A_385 : i32
      %add3A_387 = vector.broadcast %and3A_386 : i32 to vector<16xi32>
      %add3A_388 = arith.addi %add3A_387, %iota3A : vector<16xi32>
      %lt3A_389 = arith.constant 24 : i32
      %lt3A_390 = vector.broadcast %lt3A_389 : i32 to vector<16xi32>
      %lt3A_391 = arith.cmpi ult, %sub3A_371, %lt3A_390 : vector<16xi32>
      tpu.vector_store_idx %arg6[%add3A_381, %and3A_384, %add3A_388], %broadcast_in_dim3A_37 masked %lt3A_391 : memref<48x8x128xf32, #tpu.memory_space<vmem>>[vector<16xi32>, vector<16xi32>, vector<16xi32>], vector<16xf32>, vector<16xi1>
      %mul3A_392 = arith.constant 8 : i32
      %mul3A_393 = arith.muli %scan3A_183, %mul3A_392 : i32
      %add3A_394 = arith.constant 7 : i32
      %add3A_395 = arith.addi %mul3A_393, %add3A_394 : i32
      %mul3A_396 = arith.constant 16 : i32
      %mul3A_397 = arith.muli %add3A_395, %mul3A_396 : i32
      %get3A_398 = arith.index_cast %mul3A_397 : i32 to index
      %get3A_399 = tpu.vector_load %arg4[%get3A_398] {strides = array<i32>} : memref<2048xi32, #tpu.memory_space<vmem>>, vector<16xi32>,
      %sub3A_400 = vector.broadcast %add3A_102 : i32 to vector<16xi32>
      %sub3A_401 = arith.subi %get3A_399, %sub3A_400 : vector<16xi32>
      %shift_right_arithmetic3A_402 = arith.constant 3 : i32
      %shift_right_arithmetic3A_403 = vector.broadcast %shift_right_arithmetic3A_402 : i32 to vector<16xi32>
      %shift_right_arithmetic3A_404 = arith.shrsi %sub3A_401, %shift_right_arithmetic3A_403 : vector<16xi32>
      %mul3A_405 = arith.constant 16 : i32
      %mul3A_406 = vector.broadcast %mul3A_405 : i32 to vector<16xi32>
      %mul3A_407 = arith.muli %shift_right_arithmetic3A_404, %mul3A_406 : vector<16xi32>
      %shift_right_arithmetic3A_408 = arith.constant 7 : i32
      %shift_right_arithmetic3A_409 = arith.shrsi %mul3A_397, %shift_right_arithmetic3A_408 : i32
      %add3A_410 = vector.broadcast %shift_right_arithmetic3A_409 : i32 to vector<16xi32>
      %add3A_411 = arith.addi %mul3A_407, %add3A_410 : vector<16xi32>
      %and3A_412 = arith.constant 7 : i32
      %and3A_413 = vector.broadcast %and3A_412 : i32 to vector<16xi32>
      %and3A_414 = arith.andi %sub3A_401, %and3A_413 : vector<16xi32>
      %and3A_415 = arith.constant 127 : i32
      %and3A_416 = arith.andi %mul3A_397, %and3A_415 : i32
      %add3A_417 = vector.broadcast %and3A_416 : i32 to vector<16xi32>
      %add3A_418 = arith.addi %add3A_417, %iota3A : vector<16xi32>
      %lt3A_419 = arith.constant 24 : i32
      %lt3A_420 = vector.broadcast %lt3A_419 : i32 to vector<16xi32>
      %lt3A_421 = arith.cmpi ult, %sub3A_401, %lt3A_420 : vector<16xi32>
      tpu.vector_store_idx %arg6[%add3A_411, %and3A_414, %add3A_418], %broadcast_in_dim3A_37 masked %lt3A_421 : memref<48x8x128xf32, #tpu.memory_space<vmem>>[vector<16xi32>, vector<16xi32>, vector<16xi32>], vector<16xf32>, vector<16xi1>
    }
    %scan3A_108 = arith.constant 16 : i32
    %mul3A_109 = arith.constant 125 : i32
    %mul3A_110 = arith.muli %select_n3A, %mul3A_109 : i32
    %add3A_111 = arith.constant 24 : i32
    %add3A_112 = arith.addi %mul3A_32, %add3A_111 : i32
    %jit3A_113 = arith.constant 8 : i32
    %div3A_114 = arith.divsi %add3A_112, %jit3A_113 : i32
    %sign3A_115 = arith.constant 0 : i32
    %sign3A_116 = arith.cmpi sgt, %add3A_112, %sign3A_115 : i32
    %sign3A_117 = arith.extui %sign3A_116 : i1 to i32
    %sign3A_118 = arith.constant 0 : i32
    %sign3A_119 = arith.cmpi slt, %add3A_112, %sign3A_118 : i32
    %sign3A_120 = arith.extui %sign3A_119 : i1 to i32
    %sign3A_121 = arith.subi %sign3A_117, %sign3A_120 : i32
    %sign3A_122 = arith.constant 0 : i32
    %sign3A_123 = arith.cmpi sgt, %jit3A_113, %sign3A_122 : i32
    %sign3A_124 = arith.extui %sign3A_123 : i1 to i32
    %sign3A_125 = arith.constant 0 : i32
    %sign3A_126 = arith.cmpi slt, %jit3A_113, %sign3A_125 : i32
    %sign3A_127 = arith.extui %sign3A_126 : i1 to i32
    %sign3A_128 = arith.subi %sign3A_124, %sign3A_127 : i32
    %ne3A_129 = arith.cmpi ne, %sign3A_121, %sign3A_128 : i32
    %rem3A_130 = arith.remsi %add3A_112, %jit3A_113 : i32
    %ne3A_131 = arith.constant 0 : i32
    %ne3A_132 = arith.cmpi ne, %rem3A_130, %ne3A_131 : i32
    %and3A_133 = arith.andi %ne3A_129, %ne3A_132 : i1
    %sub3A_134 = arith.constant 1 : i32
    %sub3A_135 = arith.subi %div3A_114, %sub3A_134 : i32
    %select_n3A_136 = arith.select %and3A_133, %sub3A_135, %div3A_114 : i32
    %add3A_137 = arith.addi %mul3A_110, %select_n3A_136 : i32
    %mul3A_138 = arith.constant 16 : i32
    %mul3A_139 = arith.muli %add3A_137, %mul3A_138 : i32
    %dma_start3A_140 = arith.constant 0 : i32
    %dma_start3A_141 = arith.constant 0 : i32
    %dma_start3A_142 = arith.constant 0 : i32
    %dma_start3A_143 = tpu.memref_slice %arg6[%dma_start3A_140, %dma_start3A_141, %dma_start3A_142] : memref<48x8x128xf32, #tpu.memory_space<vmem>> -> memref<48x8x128xf32, #tpu.memory_space<vmem>>
    %dma_start3A_144 = arith.constant 0 : i32
    %dma_start3A_145 = arith.constant 0 : i32
    %dma_start3A_146 = tpu.memref_slice %arg3[%mul3A_139, %dma_start3A_144, %dma_start3A_145] : memref<32000x8x128xf32, #tpu.memory_space<hbm>> -> memref<48x8x128xf32, #tpu.memory_space<hbm>>
    %dma_start3A_147 = arith.constant 0 : i32
    %dma_start3A_148 = arith.constant 0 : i32
    %dma_start3A_149 = tpu.memref_slice %arg3[%mul3A_139, %dma_start3A_147, %dma_start3A_148] : memref<32000x8x128xf32, #tpu.memory_space<hbm>> -> memref<48x8x128xf32, #tpu.memory_space<hbm>>
    %dma_start3A_150 = arith.constant 0 : i32
    %dma_start3A_151 = arith.constant 0 : i32
    %dma_start3A_152 = arith.constant 0 : i32
    %dma_start3A_153 = tpu.memref_slice %arg6[%dma_start3A_150, %dma_start3A_151, %dma_start3A_152] : memref<48x8x128xf32, #tpu.memory_space<vmem>> -> memref<48x8x128xf32, #tpu.memory_space<vmem>>
    tpu.enqueue_dma source(%dma_start3A_153 : memref<48x8x128xf32, #tpu.memory_space<vmem>>) target(%dma_start3A_149 : memref<48x8x128xf32, #tpu.memory_space<hbm>>) target_semaphore(%arg8 : memref<!tpu.dma_semaphore, #tpu.memory_space<semaphore_mem>>)
    %scan3A_154 = arith.constant 0 : i32
    %scan3A_155 = arith.constant 0 : i32
    %scan3A_156 = arith.constant 9 : i32
    %scan3A_157 = arith.addi %scan3A_155, %scan3A_156 : i32
    %scan3A_158 = arith.constant 1 : i32
    scf.for %scan3A_183 = %scan3A_155 to %scan3A_157 step %scan3A_158  : i32 {
      %mul3A_184 = arith.constant 2 : i32
      %mul3A_185 = arith.muli %mul3A_184, %scan3A_183 : i32
      %add3A_186 = arith.constant 2 : i32
      %add3A_187 = arith.addi %add3A_186, %mul3A_185 : i32
      %sub3A_188 = arith.constant 2 : i32
      %sub3A_189 = arith.subi %add3A_187, %sub3A_188 : i32
      %dma_wait3A_190 = arith.constant 0 : i32
      %dma_wait3A_191 = arith.constant 0 : i32
      %dma_wait3A_192 = arith.constant 0 : i32
      %dma_wait3A_193 = tpu.memref_slice %arg5[%dma_wait3A_190, %dma_wait3A_191, %dma_wait3A_192] : memref<48x8x128xf32, #tpu.memory_space<vmem>> -> memref<48x8x128xf32, #tpu.memory_space<vmem>>
      %dma_wait3A_194 = arith.constant 0 : i32
      %dma_wait3A_195 = arith.constant 0 : i32
      %dma_wait3A_196 = arith.constant 0 : i32
      %dma_wait3A_197 = tpu.memref_slice %arg3[%dma_wait3A_194, %dma_wait3A_195, %dma_wait3A_196] : memref<32000x8x128xf32, #tpu.memory_space<hbm>> -> memref<48x8x128xf32, #tpu.memory_space<hbm>>
      %dma_wait3A_198 = arith.constant 0 : i32
      %dma_wait3A_199 = arith.constant 0 : i32
      %dma_wait3A_200 = arith.constant 0 : i32
      %dma_wait3A_201 = tpu.memref_slice %arg3[%dma_wait3A_198, %dma_wait3A_199, %dma_wait3A_200] : memref<32000x8x128xf32, #tpu.memory_space<hbm>> -> memref<48x8x128xf32, #tpu.memory_space<hbm>>
      %dma_wait3A_202 = arith.constant 0 : i32
      %dma_wait3A_203 = arith.constant 0 : i32
      %dma_wait3A_204 = arith.constant 0 : i32
      %dma_wait3A_205 = tpu.memref_slice %arg5[%dma_wait3A_202, %dma_wait3A_203, %dma_wait3A_204] : memref<48x8x128xf32, #tpu.memory_space<vmem>> -> memref<48x8x128xf32, #tpu.memory_space<vmem>>
      tpu.wait_dma2 semaphore(%arg7 : memref<!tpu.dma_semaphore, #tpu.memory_space<semaphore_mem>>) src(%dma_wait3A_205 : memref<48x8x128xf32, #tpu.memory_space<vmem>>) dst(%dma_wait3A_201 : memref<48x8x128xf32, #tpu.memory_space<hbm>>)
      %mul3A_206 = arith.constant 24 : i32
      %mul3A_207 = arith.muli %sub3A_189, %mul3A_206 : i32
      %add3A_208 = arith.addi %mul3A_32, %mul3A_207 : i32
      %mul3A_209 = arith.constant 24 : i32
      %mul3A_210 = arith.muli %add3A_187, %mul3A_209 : i32
      %add3A_211 = arith.addi %mul3A_32, %mul3A_210 : i32
      %scan3A_212 = arith.constant 0 : i32
      %scan3A_213 = arith.constant 0 : i32
      %scan3A_214 = arith.constant 16 : i32
      %scan3A_215 = arith.addi %scan3A_213, %scan3A_214 : i32
      %scan3A_216 = arith.constant 1 : i32
      scf.for %scan3A_342 = %scan3A_213 to %scan3A_215 step %scan3A_216  : i32 {
        %mul3A_343 = arith.constant 8 : i32
        %mul3A_344 = arith.muli %scan3A_342, %mul3A_343 : i32
        %add3A_345 = arith.constant 0 : i32
        %add3A_346 = arith.addi %mul3A_344, %add3A_345 : i32
        %mul3A_347 = arith.constant 16 : i32
        %mul3A_348 = arith.muli %add3A_346, %mul3A_347 : i32
        %get3A = arith.index_cast %mul3A_348 : i32 to index
        %get3A_349 = tpu.vector_load %arg4[%get3A] {strides = array<i32>} : memref<2048xi32, #tpu.memory_space<vmem>>, vector<16xi32>,
        %and3A_350 = arith.constant 127 : i32
        %and3A_351 = arith.andi %mul3A_348, %and3A_350 : i32
        %add3A_352 = vector.broadcast %and3A_351 : i32 to vector<16xi32>
        %add3A_353 = arith.addi %add3A_352, %iota3A : vector<16xi32>
        %sub3A_354 = vector.broadcast %add3A_208 : i32 to vector<16xi32>
        %sub3A_355 = arith.subi %get3A_349, %sub3A_354 : vector<16xi32>
        %lt3A_356 = arith.constant 24 : i32
        %lt3A_357 = vector.broadcast %lt3A_356 : i32 to vector<16xi32>
        %lt3A_358 = arith.cmpi ult, %sub3A_355, %lt3A_357 : vector<16xi32>
        %shift_right_arithmetic3A = arith.constant 3 : i32
        %shift_right_arithmetic3A_359 = vector.broadcast %shift_right_arithmetic3A : i32 to vector<16xi32>
        %shift_right_arithmetic3A_360 = arith.shrsi %sub3A_355, %shift_right_arithmetic3A_359 : vector<16xi32>
        %mul3A_361 = arith.constant 16 : i32
        %mul3A_362 = vector.broadcast %mul3A_361 : i32 to vector<16xi32>
        %mul3A_363 = arith.muli %shift_right_arithmetic3A_360, %mul3A_362 : vector<16xi32>
        %shift_right_arithmetic3A_364 = arith.constant 7 : i32
        %shift_right_arithmetic3A_365 = arith.shrsi %mul3A_348, %shift_right_arithmetic3A_364 : i32
        %add3A_366 = vector.broadcast %shift_right_arithmetic3A_365 : i32 to vector<16xi32>
        %add3A_367 = arith.addi %mul3A_363, %add3A_366 : vector<16xi32>
        %and3A_368 = arith.constant 7 : i32
        %and3A_369 = vector.broadcast %and3A_368 : i32 to vector<16xi32>
        %and3A_370 = arith.andi %sub3A_355, %and3A_369 : vector<16xi32>
        tpu.vector_store_idx %arg5[%add3A_367, %and3A_370, %add3A_353], %broadcast_in_dim3A_35 masked %lt3A_358 : memref<48x8x128xf32, #tpu.memory_space<vmem>>[vector<16xi32>, vector<16xi32>, vector<16xi32>], vector<16xf32>, vector<16xi1>
        %sub3A_371 = vector.broadcast %add3A_211 : i32 to vector<16xi32>
        %sub3A_372 = arith.subi %get3A_349, %sub3A_371 : vector<16xi32>
        %lt3A_373 = arith.constant 24 : i32
        %lt3A_374 = vector.broadcast %lt3A_373 : i32 to vector<16xi32>
        %lt3A_375 = arith.cmpi ult, %sub3A_372, %lt3A_374 : vector<16xi32>
        %shift_right_arithmetic3A_376 = arith.constant 3 : i32
        %shift_right_arithmetic3A_377 = vector.broadcast %shift_right_arithmetic3A_376 : i32 to vector<16xi32>
        %shift_right_arithmetic3A_378 = arith.shrsi %sub3A_372, %shift_right_arithmetic3A_377 : vector<16xi32>
        %mul3A_379 = arith.constant 16 : i32
        %mul3A_380 = vector.broadcast %mul3A_379 : i32 to vector<16xi32>
        %mul3A_381 = arith.muli %shift_right_arithmetic3A_378, %mul3A_380 : vector<16xi32>
        %shift_right_arithmetic3A_382 = arith.constant 7 : i32
        %shift_right_arithmetic3A_383 = arith.shrsi %mul3A_348, %shift_right_arithmetic3A_382 : i32
        %add3A_384 = vector.broadcast %shift_right_arithmetic3A_383 : i32 to vector<16xi32>
        %add3A_385 = arith.addi %mul3A_381, %add3A_384 : vector<16xi32>
        %and3A_386 = arith.constant 7 : i32
        %and3A_387 = vector.broadcast %and3A_386 : i32 to vector<16xi32>
        %and3A_388 = arith.andi %sub3A_372, %and3A_387 : vector<16xi32>
        tpu.vector_store_idx %arg5[%add3A_385, %and3A_388, %add3A_353], %broadcast_in_dim3A_37 masked %lt3A_375 : memref<48x8x128xf32, #tpu.memory_space<vmem>>[vector<16xi32>, vector<16xi32>, vector<16xi32>], vector<16xf32>, vector<16xi1>
        %mul3A_389 = arith.constant 8 : i32
        %mul3A_390 = arith.muli %scan3A_342, %mul3A_389 : i32
        %add3A_391 = arith.constant 1 : i32
        %add3A_392 = arith.addi %mul3A_390, %add3A_391 : i32
        %mul3A_393 = arith.constant 16 : i32
        %mul3A_394 = arith.muli %add3A_392, %mul3A_393 : i32
        %get3A_395 = arith.index_cast %mul3A_394 : i32 to index
        %get3A_396 = tpu.vector_load %arg4[%get3A_395] {strides = array<i32>} : memref<2048xi32, #tpu.memory_space<vmem>>, vector<16xi32>,
        %and3A_397 = arith.constant 127 : i32
        %and3A_398 = arith.andi %mul3A_394, %and3A_397 : i32
        %add3A_399 = vector.broadcast %and3A_398 : i32 to vector<16xi32>
        %add3A_400 = arith.addi %add3A_399, %iota3A : vector<16xi32>
        %sub3A_401 = vector.broadcast %add3A_208 : i32 to vector<16xi32>
        %sub3A_402 = arith.subi %get3A_396, %sub3A_401 : vector<16xi32>
        %lt3A_403 = arith.constant 24 : i32
        %lt3A_404 = vector.broadcast %lt3A_403 : i32 to vector<16xi32>
        %lt3A_405 = arith.cmpi ult, %sub3A_402, %lt3A_404 : vector<16xi32>
        %shift_right_arithmetic3A_406 = arith.constant 3 : i32
        %shift_right_arithmetic3A_407 = vector.broadcast %shift_right_arithmetic3A_406 : i32 to vector<16xi32>
        %shift_right_arithmetic3A_408 = arith.shrsi %sub3A_402, %shift_right_arithmetic3A_407 : vector<16xi32>
        %mul3A_409 = arith.constant 16 : i32
        %mul3A_410 = vector.broadcast %mul3A_409 : i32 to vector<16xi32>
        %mul3A_411 = arith.muli %shift_right_arithmetic3A_408, %mul3A_410 : vector<16xi32>
        %shift_right_arithmetic3A_412 = arith.constant 7 : i32
        %shift_right_arithmetic3A_413 = arith.shrsi %mul3A_394, %shift_right_arithmetic3A_412 : i32
        %add3A_414 = vector.broadcast %shift_right_arithmetic3A_413 : i32 to vector<16xi32>
        %add3A_415 = arith.addi %mul3A_411, %add3A_414 : vector<16xi32>
        %and3A_416 = arith.constant 7 : i32
        %and3A_417 = vector.broadcast %and3A_416 : i32 to vector<16xi32>
        %and3A_418 = arith.andi %sub3A_402, %and3A_417 : vector<16xi32>
        tpu.vector_store_idx %arg5[%add3A_415, %and3A_418, %add3A_400], %broadcast_in_dim3A_35 masked %lt3A_405 : memref<48x8x128xf32, #tpu.memory_space<vmem>>[vector<16xi32>, vector<16xi32>, vector<16xi32>], vector<16xf32>, vector<16xi1>
        %sub3A_419 = vector.broadcast %add3A_211 : i32 to vector<16xi32>
        %sub3A_420 = arith.subi %get3A_396, %sub3A_419 : vector<16xi32>
        %lt3A_421 = arith.constant 24 : i32
        %lt3A_422 = vector.broadcast %lt3A_421 : i32 to vector<16xi32>
        %lt3A_423 = arith.cmpi ult, %sub3A_420, %lt3A_422 : vector<16xi32>
        %shift_right_arithmetic3A_424 = arith.constant 3 : i32
        %shift_right_arithmetic3A_425 = vector.broadcast %shift_right_arithmetic3A_424 : i32 to vector<16xi32>
        %shift_right_arithmetic3A_426 = arith.shrsi %sub3A_420, %shift_right_arithmetic3A_425 : vector<16xi32>
        %mul3A_427 = arith.constant 16 : i32
        %mul3A_428 = vector.broadcast %mul3A_427 : i32 to vector<16xi32>
        %mul3A_429 = arith.muli %shift_right_arithmetic3A_426, %mul3A_428 : vector<16xi32>
        %shift_right_arithmetic3A_430 = arith.constant 7 : i32
        %shift_right_arithmetic3A_431 = arith.shrsi %mul3A_394, %shift_right_arithmetic3A_430 : i32
        %add3A_432 = vector.broadcast %shift_right_arithmetic3A_431 : i32 to vector<16xi32>
        %add3A_433 = arith.addi %mul3A_429, %add3A_432 : vector<16xi32>
        %and3A_434 = arith.constant 7 : i32
        %and3A_435 = vector.broadcast %and3A_434 : i32 to vector<16xi32>
        %and3A_436 = arith.andi %sub3A_420, %and3A_435 : vector<16xi32>
        tpu.vector_store_idx %arg5[%add3A_433, %and3A_436, %add3A_400], %broadcast_in_dim3A_37 masked %lt3A_423 : memref<48x8x128xf32, #tpu.memory_space<vmem>>[vector<16xi32>, vector<16xi32>, vector<16xi32>], vector<16xf32>, vector<16xi1>
        %mul3A_437 = arith.constant 8 : i32
        %mul3A_438 = arith.muli %scan3A_342, %mul3A_437 : i32
        %add3A_439 = arith.constant 2 : i32
        %add3A_440 = arith.addi %mul3A_438, %add3A_439 : i32
        %mul3A_441 = arith.constant 16 : i32
        %mul3A_442 = arith.muli %add3A_440, %mul3A_441 : i32
        %get3A_443 = arith.index_cast %mul3A_442 : i32 to index
        %get3A_444 = tpu.vector_load %arg4[%get3A_443] {strides = array<i32>} : memref<2048xi32, #tpu.memory_space<vmem>>, vector<16xi32>,
        %and3A_445 = arith.constant 127 : i32
        %and3A_446 = arith.andi %mul3A_442, %and3A_445 : i32
        %add3A_447 = vector.broadcast %and3A_446 : i32 to vector<16xi32>
        %add3A_448 = arith.addi %add3A_447, %iota3A : vector<16xi32>
        %sub3A_449 = vector.broadcast %add3A_208 : i32 to vector<16xi32>
        %sub3A_450 = arith.subi %get3A_444, %sub3A_449 : vector<16xi32>
        %lt3A_451 = arith.constant 24 : i32
        %lt3A_452 = vector.broadcast %lt3A_451 : i32 to vector<16xi32>
        %lt3A_453 = arith.cmpi ult, %sub3A_450, %lt3A_452 : vector<16xi32>
        %shift_right_arithmetic3A_454 = arith.constant 3 : i32
        %shift_right_arithmetic3A_455 = vector.broadcast %shift_right_arithmetic3A_454 : i32 to vector<16xi32>
        %shift_right_arithmetic3A_456 = arith.shrsi %sub3A_450, %shift_right_arithmetic3A_455 : vector<16xi32>
        %mul3A_457 = arith.constant 16 : i32
        %mul3A_458 = vector.broadcast %mul3A_457 : i32 to vector<16xi32>
        %mul3A_459 = arith.muli %shift_right_arithmetic3A_456, %mul3A_458 : vector<16xi32>
        %shift_right_arithmetic3A_460 = arith.constant 7 : i32
        %shift_right_arithmetic3A_461 = arith.shrsi %mul3A_442, %shift_right_arithmetic3A_460 : i32
        %add3A_462 = vector.broadcast %shift_right_arithmetic3A_461 : i32 to vector<16xi32>
        %add3A_463 = arith.addi %mul3A_459, %add3A_462 : vector<16xi32>
        %and3A_464 = arith.constant 7 : i32
        %and3A_465 = vector.broadcast %and3A_464 : i32 to vector<16xi32>
        %and3A_466 = arith.andi %sub3A_450, %and3A_465 : vector<16xi32>
        tpu.vector_store_idx %arg5[%add3A_463, %and3A_466, %add3A_448], %broadcast_in_dim3A_35 masked %lt3A_453 : memref<48x8x128xf32, #tpu.memory_space<vmem>>[vector<16xi32>, vector<16xi32>, vector<16xi32>], vector<16xf32>, vector<16xi1>
        %sub3A_467 = vector.broadcast %add3A_211 : i32 to vector<16xi32>
        %sub3A_468 = arith.subi %get3A_444, %sub3A_467 : vector<16xi32>
        %lt3A_469 = arith.constant 24 : i32
        %lt3A_470 = vector.broadcast %lt3A_469 : i32 to vector<16xi32>
        %lt3A_471 = arith.cmpi ult, %sub3A_468, %lt3A_470 : vector<16xi32>
        %shift_right_arithmetic3A_472 = arith.constant 3 : i32
        %shift_right_arithmetic3A_473 = vector.broadcast %shift_right_arithmetic3A_472 : i32 to vector<16xi32>
        %shift_right_arithmetic3A_474 = arith.shrsi %sub3A_468, %shift_right_arithmetic3A_473 : vector<16xi32>
        %mul3A_475 = arith.constant 16 : i32
        %mul3A_476 = vector.broadcast %mul3A_475 : i32 to vector<16xi32>
        %mul3A_477 = arith.muli %shift_right_arithmetic3A_474, %mul3A_476 : vector<16xi32>
        %shift_right_arithmetic3A_478 = arith.constant 7 : i32
        %shift_right_arithmetic3A_479 = arith.shrsi %mul3A_442, %shift_right_arithmetic3A_478 : i32
        %add3A_480 = vector.broadcast %shift_right_arithmetic3A_479 : i32 to vector<16xi32>
        %add3A_481 = arith.addi %mul3A_477, %add3A_480 : vector<16xi32>
        %and3A_482 = arith.constant 7 : i32
        %and3A_483 = vector.broadcast %and3A_482 : i32 to vector<16xi32>
        %and3A_484 = arith.andi %sub3A_468, %and3A_483 : vector<16xi32>
        tpu.vector_store_idx %arg5[%add3A_481, %and3A_484, %add3A_448], %broadcast_in_dim3A_37 masked %lt3A_471 : memref<48x8x128xf32, #tpu.memory_space<vmem>>[vector<16xi32>, vector<16xi32>, vector<16xi32>], vector<16xf32>, vector<16xi1>
        %mul3A_485 = arith.constant 8 : i32
        %mul3A_486 = arith.muli %scan3A_342, %mul3A_485 : i32
        %add3A_487 = arith.constant 3 : i32
        %add3A_488 = arith.addi %mul3A_486, %add3A_487 : i32
        %mul3A_489 = arith.constant 16 : i32
        %mul3A_490 = arith.muli %add3A_488, %mul3A_489 : i32
        %get3A_491 = arith.index_cast %mul3A_490 : i32 to index
        %get3A_492 = tpu.vector_load %arg4[%get3A_491] {strides = array<i32>} : memref<2048xi32, #tpu.memory_space<vmem>>, vector<16xi32>,
        %and3A_493 = arith.constant 127 : i32
        %and3A_494 = arith.andi %mul3A_490, %and3A_493 : i32
        %add3A_495 = vector.broadcast %and3A_494 : i32 to vector<16xi32>
        %add3A_496 = arith.addi %add3A_495, %iota3A : vector<16xi32>
        %sub3A_497 = vector.broadcast %add3A_208 : i32 to vector<16xi32>
        %sub3A_498 = arith.subi %get3A_492, %sub3A_497 : vector<16xi32>
        %lt3A_499 = arith.constant 24 : i32
        %lt3A_500 = vector.broadcast %lt3A_499 : i32 to vector<16xi32>
        %lt3A_501 = arith.cmpi ult, %sub3A_498, %lt3A_500 : vector<16xi32>
        %shift_right_arithmetic3A_502 = arith.constant 3 : i32
        %shift_right_arithmetic3A_503 = vector.broadcast %shift_right_arithmetic3A_502 : i32 to vector<16xi32>
        %shift_right_arithmetic3A_504 = arith.shrsi %sub3A_498, %shift_right_arithmetic3A_503 : vector<16xi32>
        %mul3A_505 = arith.constant 16 : i32
        %mul3A_506 = vector.broadcast %mul3A_505 : i32 to vector<16xi32>
        %mul3A_507 = arith.muli %shift_right_arithmetic3A_504, %mul3A_506 : vector<16xi32>
        %shift_right_arithmetic3A_508 = arith.constant 7 : i32
        %shift_right_arithmetic3A_509 = arith.shrsi %mul3A_490, %shift_right_arithmetic3A_508 : i32
        %add3A_510 = vector.broadcast %shift_right_arithmetic3A_509 : i32 to vector<16xi32>
        %add3A_511 = arith.addi %mul3A_507, %add3A_510 : vector<16xi32>
        %and3A_512 = arith.constant 7 : i32
        %and3A_513 = vector.broadcast %and3A_512 : i32 to vector<16xi32>
        %and3A_514 = arith.andi %sub3A_498, %and3A_513 : vector<16xi32>
        tpu.vector_store_idx %arg5[%add3A_511, %and3A_514, %add3A_496], %broadcast_in_dim3A_35 masked %lt3A_501 : memref<48x8x128xf32, #tpu.memory_space<vmem>>[vector<16xi32>, vector<16xi32>, vector<16xi32>], vector<16xf32>, vector<16xi1>
        %sub3A_515 = vector.broadcast %add3A_211 : i32 to vector<16xi32>
        %sub3A_516 = arith.subi %get3A_492, %sub3A_515 : vector<16xi32>
        %lt3A_517 = arith.constant 24 : i32
        %lt3A_518 = vector.broadcast %lt3A_517 : i32 to vector<16xi32>
        %lt3A_519 = arith.cmpi ult, %sub3A_516, %lt3A_518 : vector<16xi32>
        %shift_right_arithmetic3A_520 = arith.constant 3 : i32
        %shift_right_arithmetic3A_521 = vector.broadcast %shift_right_arithmetic3A_520 : i32 to vector<16xi32>
        %shift_right_arithmetic3A_522 = arith.shrsi %sub3A_516, %shift_right_arithmetic3A_521 : vector<16xi32>
        %mul3A_523 = arith.constant 16 : i32
        %mul3A_524 = vector.broadcast %mul3A_523 : i32 to vector<16xi32>
        %mul3A_525 = arith.muli %shift_right_arithmetic3A_522, %mul3A_524 : vector<16xi32>
        %shift_right_arithmetic3A_526 = arith.constant 7 : i32
        %shift_right_arithmetic3A_527 = arith.shrsi %mul3A_490, %shift_right_arithmetic3A_526 : i32
        %add3A_528 = vector.broadcast %shift_right_arithmetic3A_527 : i32 to vector<16xi32>
        %add3A_529 = arith.addi %mul3A_525, %add3A_528 : vector<16xi32>
        %and3A_530 = arith.constant 7 : i32
        %and3A_531 = vector.broadcast %and3A_530 : i32 to vector<16xi32>
        %and3A_532 = arith.andi %sub3A_516, %and3A_531 : vector<16xi32>
        tpu.vector_store_idx %arg5[%add3A_529, %and3A_532, %add3A_496], %broadcast_in_dim3A_37 masked %lt3A_519 : memref<48x8x128xf32, #tpu.memory_space<vmem>>[vector<16xi32>, vector<16xi32>, vector<16xi32>], vector<16xf32>, vector<16xi1>
        %mul3A_533 = arith.constant 8 : i32
        %mul3A_534 = arith.muli %scan3A_342, %mul3A_533 : i32
        %add3A_535 = arith.constant 4 : i32
        %add3A_536 = arith.addi %mul3A_534, %add3A_535 : i32
        %mul3A_537 = arith.constant 16 : i32
        %mul3A_538 = arith.muli %add3A_536, %mul3A_537 : i32
        %get3A_539 = arith.index_cast %mul3A_538 : i32 to index
        %get3A_540 = tpu.vector_load %arg4[%get3A_539] {strides = array<i32>} : memref<2048xi32, #tpu.memory_space<vmem>>, vector<16xi32>,
        %and3A_541 = arith.constant 127 : i32
        %and3A_542 = arith.andi %mul3A_538, %and3A_541 : i32
        %add3A_543 = vector.broadcast %and3A_542 : i32 to vector<16xi32>
        %add3A_544 = arith.addi %add3A_543, %iota3A : vector<16xi32>
        %sub3A_545 = vector.broadcast %add3A_208 : i32 to vector<16xi32>
        %sub3A_546 = arith.subi %get3A_540, %sub3A_545 : vector<16xi32>
        %lt3A_547 = arith.constant 24 : i32
        %lt3A_548 = vector.broadcast %lt3A_547 : i32 to vector<16xi32>
        %lt3A_549 = arith.cmpi ult, %sub3A_546, %lt3A_548 : vector<16xi32>
        %shift_right_arithmetic3A_550 = arith.constant 3 : i32
        %shift_right_arithmetic3A_551 = vector.broadcast %shift_right_arithmetic3A_550 : i32 to vector<16xi32>
        %shift_right_arithmetic3A_552 = arith.shrsi %sub3A_546, %shift_right_arithmetic3A_551 : vector<16xi32>
        %mul3A_553 = arith.constant 16 : i32
        %mul3A_554 = vector.broadcast %mul3A_553 : i32 to vector<16xi32>
        %mul3A_555 = arith.muli %shift_right_arithmetic3A_552, %mul3A_554 : vector<16xi32>
        %shift_right_arithmetic3A_556 = arith.constant 7 : i32
        %shift_right_arithmetic3A_557 = arith.shrsi %mul3A_538, %shift_right_arithmetic3A_556 : i32
        %add3A_558 = vector.broadcast %shift_right_arithmetic3A_557 : i32 to vector<16xi32>
        %add3A_559 = arith.addi %mul3A_555, %add3A_558 : vector<16xi32>
        %and3A_560 = arith.constant 7 : i32
        %and3A_561 = vector.broadcast %and3A_560 : i32 to vector<16xi32>
        %and3A_562 = arith.andi %sub3A_546, %and3A_561 : vector<16xi32>
        tpu.vector_store_idx %arg5[%add3A_559, %and3A_562, %add3A_544], %broadcast_in_dim3A_35 masked %lt3A_549 : memref<48x8x128xf32, #tpu.memory_space<vmem>>[vector<16xi32>, vector<16xi32>, vector<16xi32>], vector<16xf32>, vector<16xi1>
        %sub3A_563 = vector.broadcast %add3A_211 : i32 to vector<16xi32>
        %sub3A_564 = arith.subi %get3A_540, %sub3A_563 : vector<16xi32>
        %lt3A_565 = arith.constant 24 : i32
        %lt3A_566 = vector.broadcast %lt3A_565 : i32 to vector<16xi32>
        %lt3A_567 = arith.cmpi ult, %sub3A_564, %lt3A_566 : vector<16xi32>
        %shift_right_arithmetic3A_568 = arith.constant 3 : i32
        %shift_right_arithmetic3A_569 = vector.broadcast %shift_right_arithmetic3A_568 : i32 to vector<16xi32>
        %shift_right_arithmetic3A_570 = arith.shrsi %sub3A_564, %shift_right_arithmetic3A_569 : vector<16xi32>
        %mul3A_571 = arith.constant 16 : i32
        %mul3A_572 = vector.broadcast %mul3A_571 : i32 to vector<16xi32>
        %mul3A_573 = arith.muli %shift_right_arithmetic3A_570, %mul3A_572 : vector<16xi32>
        %shift_right_arithmetic3A_574 = arith.constant 7 : i32
        %shift_right_arithmetic3A_575 = arith.shrsi %mul3A_538, %shift_right_arithmetic3A_574 : i32
        %add3A_576 = vector.broadcast %shift_right_arithmetic3A_575 : i32 to vector<16xi32>
        %add3A_577 = arith.addi %mul3A_573, %add3A_576 : vector<16xi32>
        %and3A_578 = arith.constant 7 : i32
        %and3A_579 = vector.broadcast %and3A_578 : i32 to vector<16xi32>
        %and3A_580 = arith.andi %sub3A_564, %and3A_579 : vector<16xi32>
        tpu.vector_store_idx %arg5[%add3A_577, %and3A_580, %add3A_544], %broadcast_in_dim3A_37 masked %lt3A_567 : memref<48x8x128xf32, #tpu.memory_space<vmem>>[vector<16xi32>, vector<16xi32>, vector<16xi32>], vector<16xf32>, vector<16xi1>
        %mul3A_581 = arith.constant 8 : i32
        %mul3A_582 = arith.muli %scan3A_342, %mul3A_581 : i32
        %add3A_583 = arith.constant 5 : i32
        %add3A_584 = arith.addi %mul3A_582, %add3A_583 : i32
        %mul3A_585 = arith.constant 16 : i32
        %mul3A_586 = arith.muli %add3A_584, %mul3A_585 : i32
        %get3A_587 = arith.index_cast %mul3A_586 : i32 to index
        %get3A_588 = tpu.vector_load %arg4[%get3A_587] {strides = array<i32>} : memref<2048xi32, #tpu.memory_space<vmem>>, vector<16xi32>,
        %and3A_589 = arith.constant 127 : i32
        %and3A_590 = arith.andi %mul3A_586, %and3A_589 : i32
        %add3A_591 = vector.broadcast %and3A_590 : i32 to vector<16xi32>
        %add3A_592 = arith.addi %add3A_591, %iota3A : vector<16xi32>
        %sub3A_593 = vector.broadcast %add3A_208 : i32 to vector<16xi32>
        %sub3A_594 = arith.subi %get3A_588, %sub3A_593 : vector<16xi32>
        %lt3A_595 = arith.constant 24 : i32
        %lt3A_596 = vector.broadcast %lt3A_595 : i32 to vector<16xi32>
        %lt3A_597 = arith.cmpi ult, %sub3A_594, %lt3A_596 : vector<16xi32>
        %shift_right_arithmetic3A_598 = arith.constant 3 : i32
        %shift_right_arithmetic3A_599 = vector.broadcast %shift_right_arithmetic3A_598 : i32 to vector<16xi32>
        %shift_right_arithmetic3A_600 = arith.shrsi %sub3A_594, %shift_right_arithmetic3A_599 : vector<16xi32>
        %mul3A_601 = arith.constant 16 : i32
        %mul3A_602 = vector.broadcast %mul3A_601 : i32 to vector<16xi32>
        %mul3A_603 = arith.muli %shift_right_arithmetic3A_600, %mul3A_602 : vector<16xi32>
        %shift_right_arithmetic3A_604 = arith.constant 7 : i32
        %shift_right_arithmetic3A_605 = arith.shrsi %mul3A_586, %shift_right_arithmetic3A_604 : i32
        %add3A_606 = vector.broadcast %shift_right_arithmetic3A_605 : i32 to vector<16xi32>
        %add3A_607 = arith.addi %mul3A_603, %add3A_606 : vector<16xi32>
        %and3A_608 = arith.constant 7 : i32
        %and3A_609 = vector.broadcast %and3A_608 : i32 to vector<16xi32>
        %and3A_610 = arith.andi %sub3A_594, %and3A_609 : vector<16xi32>
        tpu.vector_store_idx %arg5[%add3A_607, %and3A_610, %add3A_592], %broadcast_in_dim3A_35 masked %lt3A_597 : memref<48x8x128xf32, #tpu.memory_space<vmem>>[vector<16xi32>, vector<16xi32>, vector<16xi32>], vector<16xf32>, vector<16xi1>
        %sub3A_611 = vector.broadcast %add3A_211 : i32 to vector<16xi32>
        %sub3A_612 = arith.subi %get3A_588, %sub3A_611 : vector<16xi32>
        %lt3A_613 = arith.constant 24 : i32
        %lt3A_614 = vector.broadcast %lt3A_613 : i32 to vector<16xi32>
        %lt3A_615 = arith.cmpi ult, %sub3A_612, %lt3A_614 : vector<16xi32>
        %shift_right_arithmetic3A_616 = arith.constant 3 : i32
        %shift_right_arithmetic3A_617 = vector.broadcast %shift_right_arithmetic3A_616 : i32 to vector<16xi32>
        %shift_right_arithmetic3A_618 = arith.shrsi %sub3A_612, %shift_right_arithmetic3A_617 : vector<16xi32>
        %mul3A_619 = arith.constant 16 : i32
        %mul3A_620 = vector.broadcast %mul3A_619 : i32 to vector<16xi32>
        %mul3A_621 = arith.muli %shift_right_arithmetic3A_618, %mul3A_620 : vector<16xi32>
        %shift_right_arithmetic3A_622 = arith.constant 7 : i32
        %shift_right_arithmetic3A_623 = arith.shrsi %mul3A_586, %shift_right_arithmetic3A_622 : i32
        %add3A_624 = vector.broadcast %shift_right_arithmetic3A_623 : i32 to vector<16xi32>
        %add3A_625 = arith.addi %mul3A_621, %add3A_624 : vector<16xi32>
        %and3A_626 = arith.constant 7 : i32
        %and3A_627 = vector.broadcast %and3A_626 : i32 to vector<16xi32>
        %and3A_628 = arith.andi %sub3A_612, %and3A_627 : vector<16xi32>
        tpu.vector_store_idx %arg5[%add3A_625, %and3A_628, %add3A_592], %broadcast_in_dim3A_37 masked %lt3A_615 : memref<48x8x128xf32, #tpu.memory_space<vmem>>[vector<16xi32>, vector<16xi32>, vector<16xi32>], vector<16xf32>, vector<16xi1>
        %mul3A_629 = arith.constant 8 : i32
        %mul3A_630 = arith.muli %scan3A_342, %mul3A_629 : i32
        %add3A_631 = arith.constant 6 : i32
        %add3A_632 = arith.addi %mul3A_630, %add3A_631 : i32
        %mul3A_633 = arith.constant 16 : i32
        %mul3A_634 = arith.muli %add3A_632, %mul3A_633 : i32
        %get3A_635 = arith.index_cast %mul3A_634 : i32 to index
        %get3A_636 = tpu.vector_load %arg4[%get3A_635] {strides = array<i32>} : memref<2048xi32, #tpu.memory_space<vmem>>, vector<16xi32>,
        %and3A_637 = arith.constant 127 : i32
        %and3A_638 = arith.andi %mul3A_634, %and3A_637 : i32
        %add3A_639 = vector.broadcast %and3A_638 : i32 to vector<16xi32>
        %add3A_640 = arith.addi %add3A_639, %iota3A : vector<16xi32>
        %sub3A_641 = vector.broadcast %add3A_208 : i32 to vector<16xi32>
        %sub3A_642 = arith.subi %get3A_636, %sub3A_641 : vector<16xi32>
        %lt3A_643 = arith.constant 24 : i32
        %lt3A_644 = vector.broadcast %lt3A_643 : i32 to vector<16xi32>
        %lt3A_645 = arith.cmpi ult, %sub3A_642, %lt3A_644 : vector<16xi32>
        %shift_right_arithmetic3A_646 = arith.constant 3 : i32
        %shift_right_arithmetic3A_647 = vector.broadcast %shift_right_arithmetic3A_646 : i32 to vector<16xi32>
        %shift_right_arithmetic3A_648 = arith.shrsi %sub3A_642, %shift_right_arithmetic3A_647 : vector<16xi32>
        %mul3A_649 = arith.constant 16 : i32
        %mul3A_650 = vector.broadcast %mul3A_649 : i32 to vector<16xi32>
        %mul3A_651 = arith.muli %shift_right_arithmetic3A_648, %mul3A_650 : vector<16xi32>
        %shift_right_arithmetic3A_652 = arith.constant 7 : i32
        %shift_right_arithmetic3A_653 = arith.shrsi %mul3A_634, %shift_right_arithmetic3A_652 : i32
        %add3A_654 = vector.broadcast %shift_right_arithmetic3A_653 : i32 to vector<16xi32>
        %add3A_655 = arith.addi %mul3A_651, %add3A_654 : vector<16xi32>
        %and3A_656 = arith.constant 7 : i32
        %and3A_657 = vector.broadcast %and3A_656 : i32 to vector<16xi32>
        %and3A_658 = arith.andi %sub3A_642, %and3A_657 : vector<16xi32>
        tpu.vector_store_idx %arg5[%add3A_655, %and3A_658, %add3A_640], %broadcast_in_dim3A_35 masked %lt3A_645 : memref<48x8x128xf32, #tpu.memory_space<vmem>>[vector<16xi32>, vector<16xi32>, vector<16xi32>], vector<16xf32>, vector<16xi1>
        %sub3A_659 = vector.broadcast %add3A_211 : i32 to vector<16xi32>
        %sub3A_660 = arith.subi %get3A_636, %sub3A_659 : vector<16xi32>
        %lt3A_661 = arith.constant 24 : i32
        %lt3A_662 = vector.broadcast %lt3A_661 : i32 to vector<16xi32>
        %lt3A_663 = arith.cmpi ult, %sub3A_660, %lt3A_662 : vector<16xi32>
        %shift_right_arithmetic3A_664 = arith.constant 3 : i32
        %shift_right_arithmetic3A_665 = vector.broadcast %shift_right_arithmetic3A_664 : i32 to vector<16xi32>
        %shift_right_arithmetic3A_666 = arith.shrsi %sub3A_660, %shift_right_arithmetic3A_665 : vector<16xi32>
        %mul3A_667 = arith.constant 16 : i32
        %mul3A_668 = vector.broadcast %mul3A_667 : i32 to vector<16xi32>
        %mul3A_669 = arith.muli %shift_right_arithmetic3A_666, %mul3A_668 : vector<16xi32>
        %shift_right_arithmetic3A_670 = arith.constant 7 : i32
        %shift_right_arithmetic3A_671 = arith.shrsi %mul3A_634, %shift_right_arithmetic3A_670 : i32
        %add3A_672 = vector.broadcast %shift_right_arithmetic3A_671 : i32 to vector<16xi32>
        %add3A_673 = arith.addi %mul3A_669, %add3A_672 : vector<16xi32>
        %and3A_674 = arith.constant 7 : i32
        %and3A_675 = vector.broadcast %and3A_674 : i32 to vector<16xi32>
        %and3A_676 = arith.andi %sub3A_660, %and3A_675 : vector<16xi32>
        tpu.vector_store_idx %arg5[%add3A_673, %and3A_676, %add3A_640], %broadcast_in_dim3A_37 masked %lt3A_663 : memref<48x8x128xf32, #tpu.memory_space<vmem>>[vector<16xi32>, vector<16xi32>, vector<16xi32>], vector<16xf32>, vector<16xi1>
        %mul3A_677 = arith.constant 8 : i32
        %mul3A_678 = arith.muli %scan3A_342, %mul3A_677 : i32
        %add3A_679 = arith.constant 7 : i32
        %add3A_680 = arith.addi %mul3A_678, %add3A_679 : i32
        %mul3A_681 = arith.constant 16 : i32
        %mul3A_682 = arith.muli %add3A_680, %mul3A_681 : i32
        %get3A_683 = arith.index_cast %mul3A_682 : i32 to index
        %get3A_684 = tpu.vector_load %arg4[%get3A_683] {strides = array<i32>} : memref<2048xi32, #tpu.memory_space<vmem>>, vector<16xi32>,
        %and3A_685 = arith.constant 127 : i32
        %and3A_686 = arith.andi %mul3A_682, %and3A_685 : i32
        %add3A_687 = vector.broadcast %and3A_686 : i32 to vector<16xi32>
        %add3A_688 = arith.addi %add3A_687, %iota3A : vector<16xi32>
        %sub3A_689 = vector.broadcast %add3A_208 : i32 to vector<16xi32>
        %sub3A_690 = arith.subi %get3A_684, %sub3A_689 : vector<16xi32>
        %lt3A_691 = arith.constant 24 : i32
        %lt3A_692 = vector.broadcast %lt3A_691 : i32 to vector<16xi32>
        %lt3A_693 = arith.cmpi ult, %sub3A_690, %lt3A_692 : vector<16xi32>
        %shift_right_arithmetic3A_694 = arith.constant 3 : i32
        %shift_right_arithmetic3A_695 = vector.broadcast %shift_right_arithmetic3A_694 : i32 to vector<16xi32>
        %shift_right_arithmetic3A_696 = arith.shrsi %sub3A_690, %shift_right_arithmetic3A_695 : vector<16xi32>
        %mul3A_697 = arith.constant 16 : i32
        %mul3A_698 = vector.broadcast %mul3A_697 : i32 to vector<16xi32>
        %mul3A_699 = arith.muli %shift_right_arithmetic3A_696, %mul3A_698 : vector<16xi32>
        %shift_right_arithmetic3A_700 = arith.constant 7 : i32
        %shift_right_arithmetic3A_701 = arith.shrsi %mul3A_682, %shift_right_arithmetic3A_700 : i32
        %add3A_702 = vector.broadcast %shift_right_arithmetic3A_701 : i32 to vector<16xi32>
        %add3A_703 = arith.addi %mul3A_699, %add3A_702 : vector<16xi32>
        %and3A_704 = arith.constant 7 : i32
        %and3A_705 = vector.broadcast %and3A_704 : i32 to vector<16xi32>
        %and3A_706 = arith.andi %sub3A_690, %and3A_705 : vector<16xi32>
        tpu.vector_store_idx %arg5[%add3A_703, %and3A_706, %add3A_688], %broadcast_in_dim3A_35 masked %lt3A_693 : memref<48x8x128xf32, #tpu.memory_space<vmem>>[vector<16xi32>, vector<16xi32>, vector<16xi32>], vector<16xf32>, vector<16xi1>
        %sub3A_707 = vector.broadcast %add3A_211 : i32 to vector<16xi32>
        %sub3A_708 = arith.subi %get3A_684, %sub3A_707 : vector<16xi32>
        %lt3A_709 = arith.constant 24 : i32
        %lt3A_710 = vector.broadcast %lt3A_709 : i32 to vector<16xi32>
        %lt3A_711 = arith.cmpi ult, %sub3A_708, %lt3A_710 : vector<16xi32>
        %shift_right_arithmetic3A_712 = arith.constant 3 : i32
        %shift_right_arithmetic3A_713 = vector.broadcast %shift_right_arithmetic3A_712 : i32 to vector<16xi32>
        %shift_right_arithmetic3A_714 = arith.shrsi %sub3A_708, %shift_right_arithmetic3A_713 : vector<16xi32>
        %mul3A_715 = arith.constant 16 : i32
        %mul3A_716 = vector.broadcast %mul3A_715 : i32 to vector<16xi32>
        %mul3A_717 = arith.muli %shift_right_arithmetic3A_714, %mul3A_716 : vector<16xi32>
        %shift_right_arithmetic3A_718 = arith.constant 7 : i32
        %shift_right_arithmetic3A_719 = arith.shrsi %mul3A_682, %shift_right_arithmetic3A_718 : i32
        %add3A_720 = vector.broadcast %shift_right_arithmetic3A_719 : i32 to vector<16xi32>
        %add3A_721 = arith.addi %mul3A_717, %add3A_720 : vector<16xi32>
        %and3A_722 = arith.constant 7 : i32
        %and3A_723 = vector.broadcast %and3A_722 : i32 to vector<16xi32>
        %and3A_724 = arith.andi %sub3A_708, %and3A_723 : vector<16xi32>
        tpu.vector_store_idx %arg5[%add3A_721, %and3A_724, %add3A_688], %broadcast_in_dim3A_37 masked %lt3A_711 : memref<48x8x128xf32, #tpu.memory_space<vmem>>[vector<16xi32>, vector<16xi32>, vector<16xi32>], vector<16xf32>, vector<16xi1>
      }
      %scan3A_217 = arith.constant 16 : i32
      %mul3A_218 = arith.constant 125 : i32
      %mul3A_219 = arith.muli %select_n3A, %mul3A_218 : i32
      %mul3A_220 = arith.constant 24 : i32
      %mul3A_221 = arith.muli %add3A_187, %mul3A_220 : i32
      %add3A_222 = arith.addi %mul3A_32, %mul3A_221 : i32
      %jit3A_223 = arith.constant 8 : i32
      %div3A_224 = arith.divsi %add3A_222, %jit3A_223 : i32
      %sign3A_225 = arith.constant 0 : i32
      %sign3A_226 = arith.cmpi sgt, %add3A_222, %sign3A_225 : i32
      %sign3A_227 = arith.extui %sign3A_226 : i1 to i32
      %sign3A_228 = arith.constant 0 : i32
      %sign3A_229 = arith.cmpi slt, %add3A_222, %sign3A_228 : i32
      %sign3A_230 = arith.extui %sign3A_229 : i1 to i32
      %sign3A_231 = arith.subi %sign3A_227, %sign3A_230 : i32
      %sign3A_232 = arith.constant 0 : i32
      %sign3A_233 = arith.cmpi sgt, %jit3A_223, %sign3A_232 : i32
      %sign3A_234 = arith.extui %sign3A_233 : i1 to i32
      %sign3A_235 = arith.constant 0 : i32
      %sign3A_236 = arith.cmpi slt, %jit3A_223, %sign3A_235 : i32
      %sign3A_237 = arith.extui %sign3A_236 : i1 to i32
      %sign3A_238 = arith.subi %sign3A_234, %sign3A_237 : i32
      %ne3A_239 = arith.cmpi ne, %sign3A_231, %sign3A_238 : i32
      %rem3A_240 = arith.remsi %add3A_222, %jit3A_223 : i32
      %ne3A_241 = arith.constant 0 : i32
      %ne3A_242 = arith.cmpi ne, %rem3A_240, %ne3A_241 : i32
      %and3A_243 = arith.andi %ne3A_239, %ne3A_242 : i1
      %sub3A_244 = arith.constant 1 : i32
      %sub3A_245 = arith.subi %div3A_224, %sub3A_244 : i32
      %select_n3A_246 = arith.select %and3A_243, %sub3A_245, %div3A_224 : i32
      %add3A_247 = arith.addi %mul3A_219, %select_n3A_246 : i32
      %mul3A_248 = arith.constant 16 : i32
      %mul3A_249 = arith.muli %add3A_247, %mul3A_248 : i32
      %dma_start3A_250 = arith.constant 0 : i32
      %dma_start3A_251 = arith.constant 0 : i32
      %dma_start3A_252 = arith.constant 0 : i32
      %dma_start3A_253 = tpu.memref_slice %arg5[%dma_start3A_250, %dma_start3A_251, %dma_start3A_252] : memref<48x8x128xf32, #tpu.memory_space<vmem>> -> memref<48x8x128xf32, #tpu.memory_space<vmem>>
      %dma_start3A_254 = arith.constant 0 : i32
      %dma_start3A_255 = arith.constant 0 : i32
      %dma_start3A_256 = tpu.memref_slice %arg3[%mul3A_249, %dma_start3A_254, %dma_start3A_255] : memref<32000x8x128xf32, #tpu.memory_space<hbm>> -> memref<48x8x128xf32, #tpu.memory_space<hbm>>
      %dma_start3A_257 = arith.constant 0 : i32
      %dma_start3A_258 = arith.constant 0 : i32
      %dma_start3A_259 = tpu.memref_slice %arg3[%mul3A_249, %dma_start3A_257, %dma_start3A_258] : memref<32000x8x128xf32, #tpu.memory_space<hbm>> -> memref<48x8x128xf32, #tpu.memory_space<hbm>>
      %dma_start3A_260 = arith.constant 0 : i32
      %dma_start3A_261 = arith.constant 0 : i32
      %dma_start3A_262 = arith.constant 0 : i32
      %dma_start3A_263 = tpu.memref_slice %arg5[%dma_start3A_260, %dma_start3A_261, %dma_start3A_262] : memref<48x8x128xf32, #tpu.memory_space<vmem>> -> memref<48x8x128xf32, #tpu.memory_space<vmem>>
      tpu.enqueue_dma source(%dma_start3A_263 : memref<48x8x128xf32, #tpu.memory_space<vmem>>) target(%dma_start3A_259 : memref<48x8x128xf32, #tpu.memory_space<hbm>>) target_semaphore(%arg7 : memref<!tpu.dma_semaphore, #tpu.memory_space<semaphore_mem>>)
      %sub3A_264 = arith.constant 1 : i32
      %sub3A_265 = arith.subi %add3A_187, %sub3A_264 : i32
      %add3A_266 = arith.constant 1 : i32
      %add3A_267 = arith.addi %add3A_187, %add3A_266 : i32
      %dma_wait3A_268 = arith.constant 0 : i32
      %dma_wait3A_269 = arith.constant 0 : i32
      %dma_wait3A_270 = arith.constant 0 : i32
      %dma_wait3A_271 = tpu.memref_slice %arg6[%dma_wait3A_268, %dma_wait3A_269, %dma_wait3A_270] : memref<48x8x128xf32, #tpu.memory_space<vmem>> -> memref<48x8x128xf32, #tpu.memory_space<vmem>>
      %dma_wait3A_272 = arith.constant 0 : i32
      %dma_wait3A_273 = arith.constant 0 : i32
      %dma_wait3A_274 = arith.constant 0 : i32
      %dma_wait3A_275 = tpu.memref_slice %arg3[%dma_wait3A_272, %dma_wait3A_273, %dma_wait3A_274] : memref<32000x8x128xf32, #tpu.memory_space<hbm>> -> memref<48x8x128xf32, #tpu.memory_space<hbm>>
      %dma_wait3A_276 = arith.constant 0 : i32
      %dma_wait3A_277 = arith.constant 0 : i32
      %dma_wait3A_278 = arith.constant 0 : i32
      %dma_wait3A_279 = tpu.memref_slice %arg3[%dma_wait3A_276, %dma_wait3A_277, %dma_wait3A_278] : memref<32000x8x128xf32, #tpu.memory_space<hbm>> -> memref<48x8x128xf32, #tpu.memory_space<hbm>>
      %dma_wait3A_280 = arith.constant 0 : i32
      %dma_wait3A_281 = arith.constant 0 : i32
      %dma_wait3A_282 = arith.constant 0 : i32
      %dma_wait3A_283 = tpu.memref_slice %arg6[%dma_wait3A_280, %dma_wait3A_281, %dma_wait3A_282] : memref<48x8x128xf32, #tpu.memory_space<vmem>> -> memref<48x8x128xf32, #tpu.memory_space<vmem>>
      tpu.wait_dma2 semaphore(%arg8 : memref<!tpu.dma_semaphore, #tpu.memory_space<semaphore_mem>>) src(%dma_wait3A_283 : memref<48x8x128xf32, #tpu.memory_space<vmem>>) dst(%dma_wait3A_279 : memref<48x8x128xf32, #tpu.memory_space<hbm>>)
      %mul3A_284 = arith.constant 24 : i32
      %mul3A_285 = arith.muli %sub3A_265, %mul3A_284 : i32
      %add3A_286 = arith.addi %mul3A_32, %mul3A_285 : i32
      %mul3A_287 = arith.constant 24 : i32
      %mul3A_288 = arith.muli %add3A_267, %mul3A_287 : i32
      %add3A_289 = arith.addi %mul3A_32, %mul3A_288 : i32
      %scan3A_290 = arith.constant 0 : i32
      %scan3A_291 = arith.constant 0 : i32
      %scan3A_292 = arith.constant 16 : i32
      %scan3A_293 = arith.addi %scan3A_291, %scan3A_292 : i32
      %scan3A_294 = arith.constant 1 : i32
      scf.for %scan3A_342 = %scan3A_291 to %scan3A_293 step %scan3A_294  : i32 {
        %mul3A_343 = arith.constant 8 : i32
        %mul3A_344 = arith.muli %scan3A_342, %mul3A_343 : i32
        %add3A_345 = arith.constant 0 : i32
        %add3A_346 = arith.addi %mul3A_344, %add3A_345 : i32
        %mul3A_347 = arith.constant 16 : i32
        %mul3A_348 = arith.muli %add3A_346, %mul3A_347 : i32
        %get3A = arith.index_cast %mul3A_348 : i32 to index
        %get3A_349 = tpu.vector_load %arg4[%get3A] {strides = array<i32>} : memref<2048xi32, #tpu.memory_space<vmem>>, vector<16xi32>,
        %and3A_350 = arith.constant 127 : i32
        %and3A_351 = arith.andi %mul3A_348, %and3A_350 : i32
        %add3A_352 = vector.broadcast %and3A_351 : i32 to vector<16xi32>
        %add3A_353 = arith.addi %add3A_352, %iota3A : vector<16xi32>
        %sub3A_354 = vector.broadcast %add3A_286 : i32 to vector<16xi32>
        %sub3A_355 = arith.subi %get3A_349, %sub3A_354 : vector<16xi32>
        %lt3A_356 = arith.constant 24 : i32
        %lt3A_357 = vector.broadcast %lt3A_356 : i32 to vector<16xi32>
        %lt3A_358 = arith.cmpi ult, %sub3A_355, %lt3A_357 : vector<16xi32>
        %shift_right_arithmetic3A = arith.constant 3 : i32
        %shift_right_arithmetic3A_359 = vector.broadcast %shift_right_arithmetic3A : i32 to vector<16xi32>
        %shift_right_arithmetic3A_360 = arith.shrsi %sub3A_355, %shift_right_arithmetic3A_359 : vector<16xi32>
        %mul3A_361 = arith.constant 16 : i32
        %mul3A_362 = vector.broadcast %mul3A_361 : i32 to vector<16xi32>
        %mul3A_363 = arith.muli %shift_right_arithmetic3A_360, %mul3A_362 : vector<16xi32>
        %shift_right_arithmetic3A_364 = arith.constant 7 : i32
        %shift_right_arithmetic3A_365 = arith.shrsi %mul3A_348, %shift_right_arithmetic3A_364 : i32
        %add3A_366 = vector.broadcast %shift_right_arithmetic3A_365 : i32 to vector<16xi32>
        %add3A_367 = arith.addi %mul3A_363, %add3A_366 : vector<16xi32>
        %and3A_368 = arith.constant 7 : i32
        %and3A_369 = vector.broadcast %and3A_368 : i32 to vector<16xi32>
        %and3A_370 = arith.andi %sub3A_355, %and3A_369 : vector<16xi32>
        tpu.vector_store_idx %arg6[%add3A_367, %and3A_370, %add3A_353], %broadcast_in_dim3A_35 masked %lt3A_358 : memref<48x8x128xf32, #tpu.memory_space<vmem>>[vector<16xi32>, vector<16xi32>, vector<16xi32>], vector<16xf32>, vector<16xi1>
        %sub3A_371 = vector.broadcast %add3A_289 : i32 to vector<16xi32>
        %sub3A_372 = arith.subi %get3A_349, %sub3A_371 : vector<16xi32>
        %lt3A_373 = arith.constant 24 : i32
        %lt3A_374 = vector.broadcast %lt3A_373 : i32 to vector<16xi32>
        %lt3A_375 = arith.cmpi ult, %sub3A_372, %lt3A_374 : vector<16xi32>
        %shift_right_arithmetic3A_376 = arith.constant 3 : i32
        %shift_right_arithmetic3A_377 = vector.broadcast %shift_right_arithmetic3A_376 : i32 to vector<16xi32>
        %shift_right_arithmetic3A_378 = arith.shrsi %sub3A_372, %shift_right_arithmetic3A_377 : vector<16xi32>
        %mul3A_379 = arith.constant 16 : i32
        %mul3A_380 = vector.broadcast %mul3A_379 : i32 to vector<16xi32>
        %mul3A_381 = arith.muli %shift_right_arithmetic3A_378, %mul3A_380 : vector<16xi32>
        %shift_right_arithmetic3A_382 = arith.constant 7 : i32
        %shift_right_arithmetic3A_383 = arith.shrsi %mul3A_348, %shift_right_arithmetic3A_382 : i32
        %add3A_384 = vector.broadcast %shift_right_arithmetic3A_383 : i32 to vector<16xi32>
        %add3A_385 = arith.addi %mul3A_381, %add3A_384 : vector<16xi32>
        %and3A_386 = arith.constant 7 : i32
        %and3A_387 = vector.broadcast %and3A_386 : i32 to vector<16xi32>
        %and3A_388 = arith.andi %sub3A_372, %and3A_387 : vector<16xi32>
        tpu.vector_store_idx %arg6[%add3A_385, %and3A_388, %add3A_353], %broadcast_in_dim3A_37 masked %lt3A_375 : memref<48x8x128xf32, #tpu.memory_space<vmem>>[vector<16xi32>, vector<16xi32>, vector<16xi32>], vector<16xf32>, vector<16xi1>
        %mul3A_389 = arith.constant 8 : i32
        %mul3A_390 = arith.muli %scan3A_342, %mul3A_389 : i32
        %add3A_391 = arith.constant 1 : i32
        %add3A_392 = arith.addi %mul3A_390, %add3A_391 : i32
        %mul3A_393 = arith.constant 16 : i32
        %mul3A_394 = arith.muli %add3A_392, %mul3A_393 : i32
        %get3A_395 = arith.index_cast %mul3A_394 : i32 to index
        %get3A_396 = tpu.vector_load %arg4[%get3A_395] {strides = array<i32>} : memref<2048xi32, #tpu.memory_space<vmem>>, vector<16xi32>,
        %and3A_397 = arith.constant 127 : i32
        %and3A_398 = arith.andi %mul3A_394, %and3A_397 : i32
        %add3A_399 = vector.broadcast %and3A_398 : i32 to vector<16xi32>
        %add3A_400 = arith.addi %add3A_399, %iota3A : vector<16xi32>
        %sub3A_401 = vector.broadcast %add3A_286 : i32 to vector<16xi32>
        %sub3A_402 = arith.subi %get3A_396, %sub3A_401 : vector<16xi32>
        %lt3A_403 = arith.constant 24 : i32
        %lt3A_404 = vector.broadcast %lt3A_403 : i32 to vector<16xi32>
        %lt3A_405 = arith.cmpi ult, %sub3A_402, %lt3A_404 : vector<16xi32>
        %shift_right_arithmetic3A_406 = arith.constant 3 : i32
        %shift_right_arithmetic3A_407 = vector.broadcast %shift_right_arithmetic3A_406 : i32 to vector<16xi32>
        %shift_right_arithmetic3A_408 = arith.shrsi %sub3A_402, %shift_right_arithmetic3A_407 : vector<16xi32>
        %mul3A_409 = arith.constant 16 : i32
        %mul3A_410 = vector.broadcast %mul3A_409 : i32 to vector<16xi32>
        %mul3A_411 = arith.muli %shift_right_arithmetic3A_408, %mul3A_410 : vector<16xi32>
        %shift_right_arithmetic3A_412 = arith.constant 7 : i32
        %shift_right_arithmetic3A_413 = arith.shrsi %mul3A_394, %shift_right_arithmetic3A_412 : i32
        %add3A_414 = vector.broadcast %shift_right_arithmetic3A_413 : i32 to vector<16xi32>
        %add3A_415 = arith.addi %mul3A_411, %add3A_414 : vector<16xi32>
        %and3A_416 = arith.constant 7 : i32
        %and3A_417 = vector.broadcast %and3A_416 : i32 to vector<16xi32>
        %and3A_418 = arith.andi %sub3A_402, %and3A_417 : vector<16xi32>
        tpu.vector_store_idx %arg6[%add3A_415, %and3A_418, %add3A_400], %broadcast_in_dim3A_35 masked %lt3A_405 : memref<48x8x128xf32, #tpu.memory_space<vmem>>[vector<16xi32>, vector<16xi32>, vector<16xi32>], vector<16xf32>, vector<16xi1>
        %sub3A_419 = vector.broadcast %add3A_289 : i32 to vector<16xi32>
        %sub3A_420 = arith.subi %get3A_396, %sub3A_419 : vector<16xi32>
        %lt3A_421 = arith.constant 24 : i32
        %lt3A_422 = vector.broadcast %lt3A_421 : i32 to vector<16xi32>
        %lt3A_423 = arith.cmpi ult, %sub3A_420, %lt3A_422 : vector<16xi32>
        %shift_right_arithmetic3A_424 = arith.constant 3 : i32
        %shift_right_arithmetic3A_425 = vector.broadcast %shift_right_arithmetic3A_424 : i32 to vector<16xi32>
        %shift_right_arithmetic3A_426 = arith.shrsi %sub3A_420, %shift_right_arithmetic3A_425 : vector<16xi32>
        %mul3A_427 = arith.constant 16 : i32
        %mul3A_428 = vector.broadcast %mul3A_427 : i32 to vector<16xi32>
        %mul3A_429 = arith.muli %shift_right_arithmetic3A_426, %mul3A_428 : vector<16xi32>
        %shift_right_arithmetic3A_430 = arith.constant 7 : i32
        %shift_right_arithmetic3A_431 = arith.shrsi %mul3A_394, %shift_right_arithmetic3A_430 : i32
        %add3A_432 = vector.broadcast %shift_right_arithmetic3A_431 : i32 to vector<16xi32>
        %add3A_433 = arith.addi %mul3A_429, %add3A_432 : vector<16xi32>
        %and3A_434 = arith.constant 7 : i32
        %and3A_435 = vector.broadcast %and3A_434 : i32 to vector<16xi32>
        %and3A_436 = arith.andi %sub3A_420, %and3A_435 : vector<16xi32>
        tpu.vector_store_idx %arg6[%add3A_433, %and3A_436, %add3A_400], %broadcast_in_dim3A_37 masked %lt3A_423 : memref<48x8x128xf32, #tpu.memory_space<vmem>>[vector<16xi32>, vector<16xi32>, vector<16xi32>], vector<16xf32>, vector<16xi1>
        %mul3A_437 = arith.constant 8 : i32
        %mul3A_438 = arith.muli %scan3A_342, %mul3A_437 : i32
        %add3A_439 = arith.constant 2 : i32
        %add3A_440 = arith.addi %mul3A_438, %add3A_439 : i32
        %mul3A_441 = arith.constant 16 : i32
        %mul3A_442 = arith.muli %add3A_440, %mul3A_441 : i32
        %get3A_443 = arith.index_cast %mul3A_442 : i32 to index
        %get3A_444 = tpu.vector_load %arg4[%get3A_443] {strides = array<i32>} : memref<2048xi32, #tpu.memory_space<vmem>>, vector<16xi32>,
        %and3A_445 = arith.constant 127 : i32
        %and3A_446 = arith.andi %mul3A_442, %and3A_445 : i32
        %add3A_447 = vector.broadcast %and3A_446 : i32 to vector<16xi32>
        %add3A_448 = arith.addi %add3A_447, %iota3A : vector<16xi32>
        %sub3A_449 = vector.broadcast %add3A_286 : i32 to vector<16xi32>
        %sub3A_450 = arith.subi %get3A_444, %sub3A_449 : vector<16xi32>
        %lt3A_451 = arith.constant 24 : i32
        %lt3A_452 = vector.broadcast %lt3A_451 : i32 to vector<16xi32>
        %lt3A_453 = arith.cmpi ult, %sub3A_450, %lt3A_452 : vector<16xi32>
        %shift_right_arithmetic3A_454 = arith.constant 3 : i32
        %shift_right_arithmetic3A_455 = vector.broadcast %shift_right_arithmetic3A_454 : i32 to vector<16xi32>
        %shift_right_arithmetic3A_456 = arith.shrsi %sub3A_450, %shift_right_arithmetic3A_455 : vector<16xi32>
        %mul3A_457 = arith.constant 16 : i32
        %mul3A_458 = vector.broadcast %mul3A_457 : i32 to vector<16xi32>
        %mul3A_459 = arith.muli %shift_right_arithmetic3A_456, %mul3A_458 : vector<16xi32>
        %shift_right_arithmetic3A_460 = arith.constant 7 : i32
        %shift_right_arithmetic3A_461 = arith.shrsi %mul3A_442, %shift_right_arithmetic3A_460 : i32
        %add3A_462 = vector.broadcast %shift_right_arithmetic3A_461 : i32 to vector<16xi32>
        %add3A_463 = arith.addi %mul3A_459, %add3A_462 : vector<16xi32>
        %and3A_464 = arith.constant 7 : i32
        %and3A_465 = vector.broadcast %and3A_464 : i32 to vector<16xi32>
        %and3A_466 = arith.andi %sub3A_450, %and3A_465 : vector<16xi32>
        tpu.vector_store_idx %arg6[%add3A_463, %and3A_466, %add3A_448], %broadcast_in_dim3A_35 masked %lt3A_453 : memref<48x8x128xf32, #tpu.memory_space<vmem>>[vector<16xi32>, vector<16xi32>, vector<16xi32>], vector<16xf32>, vector<16xi1>
        %sub3A_467 = vector.broadcast %add3A_289 : i32 to vector<16xi32>
        %sub3A_468 = arith.subi %get3A_444, %sub3A_467 : vector<16xi32>
        %lt3A_469 = arith.constant 24 : i32
        %lt3A_470 = vector.broadcast %lt3A_469 : i32 to vector<16xi32>
        %lt3A_471 = arith.cmpi ult, %sub3A_468, %lt3A_470 : vector<16xi32>
        %shift_right_arithmetic3A_472 = arith.constant 3 : i32
        %shift_right_arithmetic3A_473 = vector.broadcast %shift_right_arithmetic3A_472 : i32 to vector<16xi32>
        %shift_right_arithmetic3A_474 = arith.shrsi %sub3A_468, %shift_right_arithmetic3A_473 : vector<16xi32>
        %mul3A_475 = arith.constant 16 : i32
        %mul3A_476 = vector.broadcast %mul3A_475 : i32 to vector<16xi32>
        %mul3A_477 = arith.muli %shift_right_arithmetic3A_474, %mul3A_476 : vector<16xi32>
        %shift_right_arithmetic3A_478 = arith.constant 7 : i32
        %shift_right_arithmetic3A_479 = arith.shrsi %mul3A_442, %shift_right_arithmetic3A_478 : i32
        %add3A_480 = vector.broadcast %shift_right_arithmetic3A_479 : i32 to vector<16xi32>
        %add3A_481 = arith.addi %mul3A_477, %add3A_480 : vector<16xi32>
        %and3A_482 = arith.constant 7 : i32
        %and3A_483 = vector.broadcast %and3A_482 : i32 to vector<16xi32>
        %and3A_484 = arith.andi %sub3A_468, %and3A_483 : vector<16xi32>
        tpu.vector_store_idx %arg6[%add3A_481, %and3A_484, %add3A_448], %broadcast_in_dim3A_37 masked %lt3A_471 : memref<48x8x128xf32, #tpu.memory_space<vmem>>[vector<16xi32>, vector<16xi32>, vector<16xi32>], vector<16xf32>, vector<16xi1>
        %mul3A_485 = arith.constant 8 : i32
        %mul3A_486 = arith.muli %scan3A_342, %mul3A_485 : i32
        %add3A_487 = arith.constant 3 : i32
        %add3A_488 = arith.addi %mul3A_486, %add3A_487 : i32
        %mul3A_489 = arith.constant 16 : i32
        %mul3A_490 = arith.muli %add3A_488, %mul3A_489 : i32
        %get3A_491 = arith.index_cast %mul3A_490 : i32 to index
        %get3A_492 = tpu.vector_load %arg4[%get3A_491] {strides = array<i32>} : memref<2048xi32, #tpu.memory_space<vmem>>, vector<16xi32>,
        %and3A_493 = arith.constant 127 : i32
        %and3A_494 = arith.andi %mul3A_490, %and3A_493 : i32
        %add3A_495 = vector.broadcast %and3A_494 : i32 to vector<16xi32>
        %add3A_496 = arith.addi %add3A_495, %iota3A : vector<16xi32>
        %sub3A_497 = vector.broadcast %add3A_286 : i32 to vector<16xi32>
        %sub3A_498 = arith.subi %get3A_492, %sub3A_497 : vector<16xi32>
        %lt3A_499 = arith.constant 24 : i32
        %lt3A_500 = vector.broadcast %lt3A_499 : i32 to vector<16xi32>
        %lt3A_501 = arith.cmpi ult, %sub3A_498, %lt3A_500 : vector<16xi32>
        %shift_right_arithmetic3A_502 = arith.constant 3 : i32
        %shift_right_arithmetic3A_503 = vector.broadcast %shift_right_arithmetic3A_502 : i32 to vector<16xi32>
        %shift_right_arithmetic3A_504 = arith.shrsi %sub3A_498, %shift_right_arithmetic3A_503 : vector<16xi32>
        %mul3A_505 = arith.constant 16 : i32
        %mul3A_506 = vector.broadcast %mul3A_505 : i32 to vector<16xi32>
        %mul3A_507 = arith.muli %shift_right_arithmetic3A_504, %mul3A_506 : vector<16xi32>
        %shift_right_arithmetic3A_508 = arith.constant 7 : i32
        %shift_right_arithmetic3A_509 = arith.shrsi %mul3A_490, %shift_right_arithmetic3A_508 : i32
        %add3A_510 = vector.broadcast %shift_right_arithmetic3A_509 : i32 to vector<16xi32>
        %add3A_511 = arith.addi %mul3A_507, %add3A_510 : vector<16xi32>
        %and3A_512 = arith.constant 7 : i32
        %and3A_513 = vector.broadcast %and3A_512 : i32 to vector<16xi32>
        %and3A_514 = arith.andi %sub3A_498, %and3A_513 : vector<16xi32>
        tpu.vector_store_idx %arg6[%add3A_511, %and3A_514, %add3A_496], %broadcast_in_dim3A_35 masked %lt3A_501 : memref<48x8x128xf32, #tpu.memory_space<vmem>>[vector<16xi32>, vector<16xi32>, vector<16xi32>], vector<16xf32>, vector<16xi1>
        %sub3A_515 = vector.broadcast %add3A_289 : i32 to vector<16xi32>
        %sub3A_516 = arith.subi %get3A_492, %sub3A_515 : vector<16xi32>
        %lt3A_517 = arith.constant 24 : i32
        %lt3A_518 = vector.broadcast %lt3A_517 : i32 to vector<16xi32>
        %lt3A_519 = arith.cmpi ult, %sub3A_516, %lt3A_518 : vector<16xi32>
        %shift_right_arithmetic3A_520 = arith.constant 3 : i32
        %shift_right_arithmetic3A_521 = vector.broadcast %shift_right_arithmetic3A_520 : i32 to vector<16xi32>
        %shift_right_arithmetic3A_522 = arith.shrsi %sub3A_516, %shift_right_arithmetic3A_521 : vector<16xi32>
        %mul3A_523 = arith.constant 16 : i32
        %mul3A_524 = vector.broadcast %mul3A_523 : i32 to vector<16xi32>
        %mul3A_525 = arith.muli %shift_right_arithmetic3A_522, %mul3A_524 : vector<16xi32>
        %shift_right_arithmetic3A_526 = arith.constant 7 : i32
        %shift_right_arithmetic3A_527 = arith.shrsi %mul3A_490, %shift_right_arithmetic3A_526 : i32
        %add3A_528 = vector.broadcast %shift_right_arithmetic3A_527 : i32 to vector<16xi32>
        %add3A_529 = arith.addi %mul3A_525, %add3A_528 : vector<16xi32>
        %and3A_530 = arith.constant 7 : i32
        %and3A_531 = vector.broadcast %and3A_530 : i32 to vector<16xi32>
        %and3A_532 = arith.andi %sub3A_516, %and3A_531 : vector<16xi32>
        tpu.vector_store_idx %arg6[%add3A_529, %and3A_532, %add3A_496], %broadcast_in_dim3A_37 masked %lt3A_519 : memref<48x8x128xf32, #tpu.memory_space<vmem>>[vector<16xi32>, vector<16xi32>, vector<16xi32>], vector<16xf32>, vector<16xi1>
        %mul3A_533 = arith.constant 8 : i32
        %mul3A_534 = arith.muli %scan3A_342, %mul3A_533 : i32
        %add3A_535 = arith.constant 4 : i32
        %add3A_536 = arith.addi %mul3A_534, %add3A_535 : i32
        %mul3A_537 = arith.constant 16 : i32
        %mul3A_538 = arith.muli %add3A_536, %mul3A_537 : i32
        %get3A_539 = arith.index_cast %mul3A_538 : i32 to index
        %get3A_540 = tpu.vector_load %arg4[%get3A_539] {strides = array<i32>} : memref<2048xi32, #tpu.memory_space<vmem>>, vector<16xi32>,
        %and3A_541 = arith.constant 127 : i32
        %and3A_542 = arith.andi %mul3A_538, %and3A_541 : i32
        %add3A_543 = vector.broadcast %and3A_542 : i32 to vector<16xi32>
        %add3A_544 = arith.addi %add3A_543, %iota3A : vector<16xi32>
        %sub3A_545 = vector.broadcast %add3A_286 : i32 to vector<16xi32>
        %sub3A_546 = arith.subi %get3A_540, %sub3A_545 : vector<16xi32>
        %lt3A_547 = arith.constant 24 : i32
        %lt3A_548 = vector.broadcast %lt3A_547 : i32 to vector<16xi32>
        %lt3A_549 = arith.cmpi ult, %sub3A_546, %lt3A_548 : vector<16xi32>
        %shift_right_arithmetic3A_550 = arith.constant 3 : i32
        %shift_right_arithmetic3A_551 = vector.broadcast %shift_right_arithmetic3A_550 : i32 to vector<16xi32>
        %shift_right_arithmetic3A_552 = arith.shrsi %sub3A_546, %shift_right_arithmetic3A_551 : vector<16xi32>
        %mul3A_553 = arith.constant 16 : i32
        %mul3A_554 = vector.broadcast %mul3A_553 : i32 to vector<16xi32>
        %mul3A_555 = arith.muli %shift_right_arithmetic3A_552, %mul3A_554 : vector<16xi32>
        %shift_right_arithmetic3A_556 = arith.constant 7 : i32
        %shift_right_arithmetic3A_557 = arith.shrsi %mul3A_538, %shift_right_arithmetic3A_556 : i32
        %add3A_558 = vector.broadcast %shift_right_arithmetic3A_557 : i32 to vector<16xi32>
        %add3A_559 = arith.addi %mul3A_555, %add3A_558 : vector<16xi32>
        %and3A_560 = arith.constant 7 : i32
        %and3A_561 = vector.broadcast %and3A_560 : i32 to vector<16xi32>
        %and3A_562 = arith.andi %sub3A_546, %and3A_561 : vector<16xi32>
        tpu.vector_store_idx %arg6[%add3A_559, %and3A_562, %add3A_544], %broadcast_in_dim3A_35 masked %lt3A_549 : memref<48x8x128xf32, #tpu.memory_space<vmem>>[vector<16xi32>, vector<16xi32>, vector<16xi32>], vector<16xf32>, vector<16xi1>
        %sub3A_563 = vector.broadcast %add3A_289 : i32 to vector<16xi32>
        %sub3A_564 = arith.subi %get3A_540, %sub3A_563 : vector<16xi32>
        %lt3A_565 = arith.constant 24 : i32
        %lt3A_566 = vector.broadcast %lt3A_565 : i32 to vector<16xi32>
        %lt3A_567 = arith.cmpi ult, %sub3A_564, %lt3A_566 : vector<16xi32>
        %shift_right_arithmetic3A_568 = arith.constant 3 : i32
        %shift_right_arithmetic3A_569 = vector.broadcast %shift_right_arithmetic3A_568 : i32 to vector<16xi32>
        %shift_right_arithmetic3A_570 = arith.shrsi %sub3A_564, %shift_right_arithmetic3A_569 : vector<16xi32>
        %mul3A_571 = arith.constant 16 : i32
        %mul3A_572 = vector.broadcast %mul3A_571 : i32 to vector<16xi32>
        %mul3A_573 = arith.muli %shift_right_arithmetic3A_570, %mul3A_572 : vector<16xi32>
        %shift_right_arithmetic3A_574 = arith.constant 7 : i32
        %shift_right_arithmetic3A_575 = arith.shrsi %mul3A_538, %shift_right_arithmetic3A_574 : i32
        %add3A_576 = vector.broadcast %shift_right_arithmetic3A_575 : i32 to vector<16xi32>
        %add3A_577 = arith.addi %mul3A_573, %add3A_576 : vector<16xi32>
        %and3A_578 = arith.constant 7 : i32
        %and3A_579 = vector.broadcast %and3A_578 : i32 to vector<16xi32>
        %and3A_580 = arith.andi %sub3A_564, %and3A_579 : vector<16xi32>
        tpu.vector_store_idx %arg6[%add3A_577, %and3A_580, %add3A_544], %broadcast_in_dim3A_37 masked %lt3A_567 : memref<48x8x128xf32, #tpu.memory_space<vmem>>[vector<16xi32>, vector<16xi32>, vector<16xi32>], vector<16xf32>, vector<16xi1>
        %mul3A_581 = arith.constant 8 : i32
        %mul3A_582 = arith.muli %scan3A_342, %mul3A_581 : i32
        %add3A_583 = arith.constant 5 : i32
        %add3A_584 = arith.addi %mul3A_582, %add3A_583 : i32
        %mul3A_585 = arith.constant 16 : i32
        %mul3A_586 = arith.muli %add3A_584, %mul3A_585 : i32
        %get3A_587 = arith.index_cast %mul3A_586 : i32 to index
        %get3A_588 = tpu.vector_load %arg4[%get3A_587] {strides = array<i32>} : memref<2048xi32, #tpu.memory_space<vmem>>, vector<16xi32>,
        %and3A_589 = arith.constant 127 : i32
        %and3A_590 = arith.andi %mul3A_586, %and3A_589 : i32
        %add3A_591 = vector.broadcast %and3A_590 : i32 to vector<16xi32>
        %add3A_592 = arith.addi %add3A_591, %iota3A : vector<16xi32>
        %sub3A_593 = vector.broadcast %add3A_286 : i32 to vector<16xi32>
        %sub3A_594 = arith.subi %get3A_588, %sub3A_593 : vector<16xi32>
        %lt3A_595 = arith.constant 24 : i32
        %lt3A_596 = vector.broadcast %lt3A_595 : i32 to vector<16xi32>
        %lt3A_597 = arith.cmpi ult, %sub3A_594, %lt3A_596 : vector<16xi32>
        %shift_right_arithmetic3A_598 = arith.constant 3 : i32
        %shift_right_arithmetic3A_599 = vector.broadcast %shift_right_arithmetic3A_598 : i32 to vector<16xi32>
        %shift_right_arithmetic3A_600 = arith.shrsi %sub3A_594, %shift_right_arithmetic3A_599 : vector<16xi32>
        %mul3A_601 = arith.constant 16 : i32
        %mul3A_602 = vector.broadcast %mul3A_601 : i32 to vector<16xi32>
        %mul3A_603 = arith.muli %shift_right_arithmetic3A_600, %mul3A_602 : vector<16xi32>
        %shift_right_arithmetic3A_604 = arith.constant 7 : i32
        %shift_right_arithmetic3A_605 = arith.shrsi %mul3A_586, %shift_right_arithmetic3A_604 : i32
        %add3A_606 = vector.broadcast %shift_right_arithmetic3A_605 : i32 to vector<16xi32>
        %add3A_607 = arith.addi %mul3A_603, %add3A_606 : vector<16xi32>
        %and3A_608 = arith.constant 7 : i32
        %and3A_609 = vector.broadcast %and3A_608 : i32 to vector<16xi32>
        %and3A_610 = arith.andi %sub3A_594, %and3A_609 : vector<16xi32>
        tpu.vector_store_idx %arg6[%add3A_607, %and3A_610, %add3A_592], %broadcast_in_dim3A_35 masked %lt3A_597 : memref<48x8x128xf32, #tpu.memory_space<vmem>>[vector<16xi32>, vector<16xi32>, vector<16xi32>], vector<16xf32>, vector<16xi1>
        %sub3A_611 = vector.broadcast %add3A_289 : i32 to vector<16xi32>
        %sub3A_612 = arith.subi %get3A_588, %sub3A_611 : vector<16xi32>
        %lt3A_613 = arith.constant 24 : i32
        %lt3A_614 = vector.broadcast %lt3A_613 : i32 to vector<16xi32>
        %lt3A_615 = arith.cmpi ult, %sub3A_612, %lt3A_614 : vector<16xi32>
        %shift_right_arithmetic3A_616 = arith.constant 3 : i32
        %shift_right_arithmetic3A_617 = vector.broadcast %shift_right_arithmetic3A_616 : i32 to vector<16xi32>
        %shift_right_arithmetic3A_618 = arith.shrsi %sub3A_612, %shift_right_arithmetic3A_617 : vector<16xi32>
        %mul3A_619 = arith.constant 16 : i32
        %mul3A_620 = vector.broadcast %mul3A_619 : i32 to vector<16xi32>
        %mul3A_621 = arith.muli %shift_right_arithmetic3A_618, %mul3A_620 : vector<16xi32>
        %shift_right_arithmetic3A_622 = arith.constant 7 : i32
        %shift_right_arithmetic3A_623 = arith.shrsi %mul3A_586, %shift_right_arithmetic3A_622 : i32
        %add3A_624 = vector.broadcast %shift_right_arithmetic3A_623 : i32 to vector<16xi32>
        %add3A_625 = arith.addi %mul3A_621, %add3A_624 : vector<16xi32>
        %and3A_626 = arith.constant 7 : i32
        %and3A_627 = vector.broadcast %and3A_626 : i32 to vector<16xi32>
        %and3A_628 = arith.andi %sub3A_612, %and3A_627 : vector<16xi32>
        tpu.vector_store_idx %arg6[%add3A_625, %and3A_628, %add3A_592], %broadcast_in_dim3A_37 masked %lt3A_615 : memref<48x8x128xf32, #tpu.memory_space<vmem>>[vector<16xi32>, vector<16xi32>, vector<16xi32>], vector<16xf32>, vector<16xi1>
        %mul3A_629 = arith.constant 8 : i32
        %mul3A_630 = arith.muli %scan3A_342, %mul3A_629 : i32
        %add3A_631 = arith.constant 6 : i32
        %add3A_632 = arith.addi %mul3A_630, %add3A_631 : i32
        %mul3A_633 = arith.constant 16 : i32
        %mul3A_634 = arith.muli %add3A_632, %mul3A_633 : i32
        %get3A_635 = arith.index_cast %mul3A_634 : i32 to index
        %get3A_636 = tpu.vector_load %arg4[%get3A_635] {strides = array<i32>} : memref<2048xi32, #tpu.memory_space<vmem>>, vector<16xi32>,
        %and3A_637 = arith.constant 127 : i32
        %and3A_638 = arith.andi %mul3A_634, %and3A_637 : i32
        %add3A_639 = vector.broadcast %and3A_638 : i32 to vector<16xi32>
        %add3A_640 = arith.addi %add3A_639, %iota3A : vector<16xi32>
        %sub3A_641 = vector.broadcast %add3A_286 : i32 to vector<16xi32>
        %sub3A_642 = arith.subi %get3A_636, %sub3A_641 : vector<16xi32>
        %lt3A_643 = arith.constant 24 : i32
        %lt3A_644 = vector.broadcast %lt3A_643 : i32 to vector<16xi32>
        %lt3A_645 = arith.cmpi ult, %sub3A_642, %lt3A_644 : vector<16xi32>
        %shift_right_arithmetic3A_646 = arith.constant 3 : i32
        %shift_right_arithmetic3A_647 = vector.broadcast %shift_right_arithmetic3A_646 : i32 to vector<16xi32>
        %shift_right_arithmetic3A_648 = arith.shrsi %sub3A_642, %shift_right_arithmetic3A_647 : vector<16xi32>
        %mul3A_649 = arith.constant 16 : i32
        %mul3A_650 = vector.broadcast %mul3A_649 : i32 to vector<16xi32>
        %mul3A_651 = arith.muli %shift_right_arithmetic3A_648, %mul3A_650 : vector<16xi32>
        %shift_right_arithmetic3A_652 = arith.constant 7 : i32
        %shift_right_arithmetic3A_653 = arith.shrsi %mul3A_634, %shift_right_arithmetic3A_652 : i32
        %add3A_654 = vector.broadcast %shift_right_arithmetic3A_653 : i32 to vector<16xi32>
        %add3A_655 = arith.addi %mul3A_651, %add3A_654 : vector<16xi32>
        %and3A_656 = arith.constant 7 : i32
        %and3A_657 = vector.broadcast %and3A_656 : i32 to vector<16xi32>
        %and3A_658 = arith.andi %sub3A_642, %and3A_657 : vector<16xi32>
        tpu.vector_store_idx %arg6[%add3A_655, %and3A_658, %add3A_640], %broadcast_in_dim3A_35 masked %lt3A_645 : memref<48x8x128xf32, #tpu.memory_space<vmem>>[vector<16xi32>, vector<16xi32>, vector<16xi32>], vector<16xf32>, vector<16xi1>
        %sub3A_659 = vector.broadcast %add3A_289 : i32 to vector<16xi32>
        %sub3A_660 = arith.subi %get3A_636, %sub3A_659 : vector<16xi32>
        %lt3A_661 = arith.constant 24 : i32
        %lt3A_662 = vector.broadcast %lt3A_661 : i32 to vector<16xi32>
        %lt3A_663 = arith.cmpi ult, %sub3A_660, %lt3A_662 : vector<16xi32>
        %shift_right_arithmetic3A_664 = arith.constant 3 : i32
        %shift_right_arithmetic3A_665 = vector.broadcast %shift_right_arithmetic3A_664 : i32 to vector<16xi32>
        %shift_right_arithmetic3A_666 = arith.shrsi %sub3A_660, %shift_right_arithmetic3A_665 : vector<16xi32>
        %mul3A_667 = arith.constant 16 : i32
        %mul3A_668 = vector.broadcast %mul3A_667 : i32 to vector<16xi32>
        %mul3A_669 = arith.muli %shift_right_arithmetic3A_666, %mul3A_668 : vector<16xi32>
        %shift_right_arithmetic3A_670 = arith.constant 7 : i32
        %shift_right_arithmetic3A_671 = arith.shrsi %mul3A_634, %shift_right_arithmetic3A_670 : i32
        %add3A_672 = vector.broadcast %shift_right_arithmetic3A_671 : i32 to vector<16xi32>
        %add3A_673 = arith.addi %mul3A_669, %add3A_672 : vector<16xi32>
        %and3A_674 = arith.constant 7 : i32
        %and3A_675 = vector.broadcast %and3A_674 : i32 to vector<16xi32>
        %and3A_676 = arith.andi %sub3A_660, %and3A_675 : vector<16xi32>
        tpu.vector_store_idx %arg6[%add3A_673, %and3A_676, %add3A_640], %broadcast_in_dim3A_37 masked %lt3A_663 : memref<48x8x128xf32, #tpu.memory_space<vmem>>[vector<16xi32>, vector<16xi32>, vector<16xi32>], vector<16xf32>, vector<16xi1>
        %mul3A_677 = arith.constant 8 : i32
        %mul3A_678 = arith.muli %scan3A_342, %mul3A_677 : i32
        %add3A_679 = arith.constant 7 : i32
        %add3A_680 = arith.addi %mul3A_678, %add3A_679 : i32
        %mul3A_681 = arith.constant 16 : i32
        %mul3A_682 = arith.muli %add3A_680, %mul3A_681 : i32
        %get3A_683 = arith.index_cast %mul3A_682 : i32 to index
        %get3A_684 = tpu.vector_load %arg4[%get3A_683] {strides = array<i32>} : memref<2048xi32, #tpu.memory_space<vmem>>, vector<16xi32>,
        %and3A_685 = arith.constant 127 : i32
        %and3A_686 = arith.andi %mul3A_682, %and3A_685 : i32
        %add3A_687 = vector.broadcast %and3A_686 : i32 to vector<16xi32>
        %add3A_688 = arith.addi %add3A_687, %iota3A : vector<16xi32>
        %sub3A_689 = vector.broadcast %add3A_286 : i32 to vector<16xi32>
        %sub3A_690 = arith.subi %get3A_684, %sub3A_689 : vector<16xi32>
        %lt3A_691 = arith.constant 24 : i32
        %lt3A_692 = vector.broadcast %lt3A_691 : i32 to vector<16xi32>
        %lt3A_693 = arith.cmpi ult, %sub3A_690, %lt3A_692 : vector<16xi32>
        %shift_right_arithmetic3A_694 = arith.constant 3 : i32
        %shift_right_arithmetic3A_695 = vector.broadcast %shift_right_arithmetic3A_694 : i32 to vector<16xi32>
        %shift_right_arithmetic3A_696 = arith.shrsi %sub3A_690, %shift_right_arithmetic3A_695 : vector<16xi32>
        %mul3A_697 = arith.constant 16 : i32
        %mul3A_698 = vector.broadcast %mul3A_697 : i32 to vector<16xi32>
        %mul3A_699 = arith.muli %shift_right_arithmetic3A_696, %mul3A_698 : vector<16xi32>
        %shift_right_arithmetic3A_700 = arith.constant 7 : i32
        %shift_right_arithmetic3A_701 = arith.shrsi %mul3A_682, %shift_right_arithmetic3A_700 : i32
        %add3A_702 = vector.broadcast %shift_right_arithmetic3A_701 : i32 to vector<16xi32>
        %add3A_703 = arith.addi %mul3A_699, %add3A_702 : vector<16xi32>
        %and3A_704 = arith.constant 7 : i32
        %and3A_705 = vector.broadcast %and3A_704 : i32 to vector<16xi32>
        %and3A_706 = arith.andi %sub3A_690, %and3A_705 : vector<16xi32>
        tpu.vector_store_idx %arg6[%add3A_703, %and3A_706, %add3A_688], %broadcast_in_dim3A_35 masked %lt3A_693 : memref<48x8x128xf32, #tpu.memory_space<vmem>>[vector<16xi32>, vector<16xi32>, vector<16xi32>], vector<16xf32>, vector<16xi1>
        %sub3A_707 = vector.broadcast %add3A_289 : i32 to vector<16xi32>
        %sub3A_708 = arith.subi %get3A_684, %sub3A_707 : vector<16xi32>
        %lt3A_709 = arith.constant 24 : i32
        %lt3A_710 = vector.broadcast %lt3A_709 : i32 to vector<16xi32>
        %lt3A_711 = arith.cmpi ult, %sub3A_708, %lt3A_710 : vector<16xi32>
        %shift_right_arithmetic3A_712 = arith.constant 3 : i32
        %shift_right_arithmetic3A_713 = vector.broadcast %shift_right_arithmetic3A_712 : i32 to vector<16xi32>
        %shift_right_arithmetic3A_714 = arith.shrsi %sub3A_708, %shift_right_arithmetic3A_713 : vector<16xi32>
        %mul3A_715 = arith.constant 16 : i32
        %mul3A_716 = vector.broadcast %mul3A_715 : i32 to vector<16xi32>
        %mul3A_717 = arith.muli %shift_right_arithmetic3A_714, %mul3A_716 : vector<16xi32>
        %shift_right_arithmetic3A_718 = arith.constant 7 : i32
        %shift_right_arithmetic3A_719 = arith.shrsi %mul3A_682, %shift_right_arithmetic3A_718 : i32
        %add3A_720 = vector.broadcast %shift_right_arithmetic3A_719 : i32 to vector<16xi32>
        %add3A_721 = arith.addi %mul3A_717, %add3A_720 : vector<16xi32>
        %and3A_722 = arith.constant 7 : i32
        %and3A_723 = vector.broadcast %and3A_722 : i32 to vector<16xi32>
        %and3A_724 = arith.andi %sub3A_708, %and3A_723 : vector<16xi32>
        tpu.vector_store_idx %arg6[%add3A_721, %and3A_724, %add3A_688], %broadcast_in_dim3A_37 masked %lt3A_711 : memref<48x8x128xf32, #tpu.memory_space<vmem>>[vector<16xi32>, vector<16xi32>, vector<16xi32>], vector<16xf32>, vector<16xi1>
      }
      %scan3A_295 = arith.constant 16 : i32
      %mul3A_296 = arith.constant 125 : i32
      %mul3A_297 = arith.muli %select_n3A, %mul3A_296 : i32
      %mul3A_298 = arith.constant 24 : i32
      %mul3A_299 = arith.muli %add3A_267, %mul3A_298 : i32
      %add3A_300 = arith.addi %mul3A_32, %mul3A_299 : i32
      %jit3A_301 = arith.constant 8 : i32
      %div3A_302 = arith.divsi %add3A_300, %jit3A_301 : i32
      %sign3A_303 = arith.constant 0 : i32
      %sign3A_304 = arith.cmpi sgt, %add3A_300, %sign3A_303 : i32
      %sign3A_305 = arith.extui %sign3A_304 : i1 to i32
      %sign3A_306 = arith.constant 0 : i32
      %sign3A_307 = arith.cmpi slt, %add3A_300, %sign3A_306 : i32
      %sign3A_308 = arith.extui %sign3A_307 : i1 to i32
      %sign3A_309 = arith.subi %sign3A_305, %sign3A_308 : i32
      %sign3A_310 = arith.constant 0 : i32
      %sign3A_311 = arith.cmpi sgt, %jit3A_301, %sign3A_310 : i32
      %sign3A_312 = arith.extui %sign3A_311 : i1 to i32
      %sign3A_313 = arith.constant 0 : i32
      %sign3A_314 = arith.cmpi slt, %jit3A_301, %sign3A_313 : i32
      %sign3A_315 = arith.extui %sign3A_314 : i1 to i32
      %sign3A_316 = arith.subi %sign3A_312, %sign3A_315 : i32
      %ne3A_317 = arith.cmpi ne, %sign3A_309, %sign3A_316 : i32
      %rem3A_318 = arith.remsi %add3A_300, %jit3A_301 : i32
      %ne3A_319 = arith.constant 0 : i32
      %ne3A_320 = arith.cmpi ne, %rem3A_318, %ne3A_319 : i32
      %and3A_321 = arith.andi %ne3A_317, %ne3A_320 : i1
      %sub3A_322 = arith.constant 1 : i32
      %sub3A_323 = arith.subi %div3A_302, %sub3A_322 : i32
      %select_n3A_324 = arith.select %and3A_321, %sub3A_323, %div3A_302 : i32
      %add3A_325 = arith.addi %mul3A_297, %select_n3A_324 : i32
      %mul3A_326 = arith.constant 16 : i32
      %mul3A_327 = arith.muli %add3A_325, %mul3A_326 : i32
      %dma_start3A_328 = arith.constant 0 : i32
      %dma_start3A_329 = arith.constant 0 : i32
      %dma_start3A_330 = arith.constant 0 : i32
      %dma_start3A_331 = tpu.memref_slice %arg6[%dma_start3A_328, %dma_start3A_329, %dma_start3A_330] : memref<48x8x128xf32, #tpu.memory_space<vmem>> -> memref<48x8x128xf32, #tpu.memory_space<vmem>>
      %dma_start3A_332 = arith.constant 0 : i32
      %dma_start3A_333 = arith.constant 0 : i32
      %dma_start3A_334 = tpu.memref_slice %arg3[%mul3A_327, %dma_start3A_332, %dma_start3A_333] : memref<32000x8x128xf32, #tpu.memory_space<hbm>> -> memref<48x8x128xf32, #tpu.memory_space<hbm>>
      %dma_start3A_335 = arith.constant 0 : i32
      %dma_start3A_336 = arith.constant 0 : i32
      %dma_start3A_337 = tpu.memref_slice %arg3[%mul3A_327, %dma_start3A_335, %dma_start3A_336] : memref<32000x8x128xf32, #tpu.memory_space<hbm>> -> memref<48x8x128xf32, #tpu.memory_space<hbm>>
      %dma_start3A_338 = arith.constant 0 : i32
      %dma_start3A_339 = arith.constant 0 : i32
      %dma_start3A_340 = arith.constant 0 : i32
      %dma_start3A_341 = tpu.memref_slice %arg6[%dma_start3A_338, %dma_start3A_339, %dma_start3A_340] : memref<48x8x128xf32, #tpu.memory_space<vmem>> -> memref<48x8x128xf32, #tpu.memory_space<vmem>>
      tpu.enqueue_dma source(%dma_start3A_341 : memref<48x8x128xf32, #tpu.memory_space<vmem>>) target(%dma_start3A_337 : memref<48x8x128xf32, #tpu.memory_space<hbm>>) target_semaphore(%arg8 : memref<!tpu.dma_semaphore, #tpu.memory_space<semaphore_mem>>)
    }
    %scan3A_159 = arith.constant 9 : i32
    %eq3A_160 = arith.constant 0 : i32
    %eq3A_161 = arith.cmpi eq, %select_n3A_30, %eq3A_160 : i32
    %convert_element_type3A = arith.extui %eq3A_161 : i1 to i32
    %cond3A = arith.constant 0 : i32
    %cond3A_162 = arith.cmpi ne, %convert_element_type3A, %cond3A : i32
    scf.if %cond3A_162 {
      %dma_wait3A_183 = arith.constant 0 : i32
      %dma_wait3A_184 = arith.constant 0 : i32
      %dma_wait3A_185 = arith.constant 0 : i32
      %dma_wait3A_186 = tpu.memref_slice %arg5[%dma_wait3A_183, %dma_wait3A_184, %dma_wait3A_185] : memref<48x8x128xf32, #tpu.memory_space<vmem>> -> memref<48x8x128xf32, #tpu.memory_space<vmem>>
      %dma_wait3A_187 = arith.constant 0 : i32
      %dma_wait3A_188 = arith.constant 0 : i32
      %dma_wait3A_189 = arith.constant 0 : i32
      %dma_wait3A_190 = tpu.memref_slice %arg3[%dma_wait3A_187, %dma_wait3A_188, %dma_wait3A_189] : memref<32000x8x128xf32, #tpu.memory_space<hbm>> -> memref<48x8x128xf32, #tpu.memory_space<hbm>>
      %dma_wait3A_191 = arith.constant 0 : i32
      %dma_wait3A_192 = arith.constant 0 : i32
      %dma_wait3A_193 = arith.constant 0 : i32
      %dma_wait3A_194 = tpu.memref_slice %arg3[%dma_wait3A_191, %dma_wait3A_192, %dma_wait3A_193] : memref<32000x8x128xf32, #tpu.memory_space<hbm>> -> memref<48x8x128xf32, #tpu.memory_space<hbm>>
      %dma_wait3A_195 = arith.constant 0 : i32
      %dma_wait3A_196 = arith.constant 0 : i32
      %dma_wait3A_197 = arith.constant 0 : i32
      %dma_wait3A_198 = tpu.memref_slice %arg5[%dma_wait3A_195, %dma_wait3A_196, %dma_wait3A_197] : memref<48x8x128xf32, #tpu.memory_space<vmem>> -> memref<48x8x128xf32, #tpu.memory_space<vmem>>
      tpu.wait_dma2 semaphore(%arg7 : memref<!tpu.dma_semaphore, #tpu.memory_space<semaphore_mem>>) src(%dma_wait3A_198 : memref<48x8x128xf32, #tpu.memory_space<vmem>>) dst(%dma_wait3A_194 : memref<48x8x128xf32, #tpu.memory_space<hbm>>)
      %add3A_199 = arith.constant 432 : i32
      %add3A_200 = arith.addi %mul3A_32, %add3A_199 : i32
      %add3A_201 = arith.constant 480 : i32
      %add3A_202 = arith.addi %mul3A_32, %add3A_201 : i32
      %scan3A_203 = arith.constant 0 : i32
      %scan3A_204 = arith.constant 0 : i32
      %scan3A_205 = arith.constant 16 : i32
      %scan3A_206 = arith.addi %scan3A_204, %scan3A_205 : i32
      %scan3A_207 = arith.constant 1 : i32
      scf.for %scan3A_270 = %scan3A_204 to %scan3A_206 step %scan3A_207  : i32 {
        %mul3A_271 = arith.constant 8 : i32
        %mul3A_272 = arith.muli %scan3A_270, %mul3A_271 : i32
        %add3A_273 = arith.constant 0 : i32
        %add3A_274 = arith.addi %mul3A_272, %add3A_273 : i32
        %mul3A_275 = arith.constant 16 : i32
        %mul3A_276 = arith.muli %add3A_274, %mul3A_275 : i32
        %get3A = arith.index_cast %mul3A_276 : i32 to index
        %get3A_277 = tpu.vector_load %arg4[%get3A] {strides = array<i32>} : memref<2048xi32, #tpu.memory_space<vmem>>, vector<16xi32>,
        %and3A_278 = arith.constant 127 : i32
        %and3A_279 = arith.andi %mul3A_276, %and3A_278 : i32
        %add3A_280 = vector.broadcast %and3A_279 : i32 to vector<16xi32>
        %add3A_281 = arith.addi %add3A_280, %iota3A : vector<16xi32>
        %sub3A_282 = vector.broadcast %add3A_200 : i32 to vector<16xi32>
        %sub3A_283 = arith.subi %get3A_277, %sub3A_282 : vector<16xi32>
        %lt3A_284 = arith.constant 24 : i32
        %lt3A_285 = vector.broadcast %lt3A_284 : i32 to vector<16xi32>
        %lt3A_286 = arith.cmpi ult, %sub3A_283, %lt3A_285 : vector<16xi32>
        %shift_right_arithmetic3A = arith.constant 3 : i32
        %shift_right_arithmetic3A_287 = vector.broadcast %shift_right_arithmetic3A : i32 to vector<16xi32>
        %shift_right_arithmetic3A_288 = arith.shrsi %sub3A_283, %shift_right_arithmetic3A_287 : vector<16xi32>
        %mul3A_289 = arith.constant 16 : i32
        %mul3A_290 = vector.broadcast %mul3A_289 : i32 to vector<16xi32>
        %mul3A_291 = arith.muli %shift_right_arithmetic3A_288, %mul3A_290 : vector<16xi32>
        %shift_right_arithmetic3A_292 = arith.constant 7 : i32
        %shift_right_arithmetic3A_293 = arith.shrsi %mul3A_276, %shift_right_arithmetic3A_292 : i32
        %add3A_294 = vector.broadcast %shift_right_arithmetic3A_293 : i32 to vector<16xi32>
        %add3A_295 = arith.addi %mul3A_291, %add3A_294 : vector<16xi32>
        %and3A_296 = arith.constant 7 : i32
        %and3A_297 = vector.broadcast %and3A_296 : i32 to vector<16xi32>
        %and3A_298 = arith.andi %sub3A_283, %and3A_297 : vector<16xi32>
        tpu.vector_store_idx %arg5[%add3A_295, %and3A_298, %add3A_281], %broadcast_in_dim3A_35 masked %lt3A_286 : memref<48x8x128xf32, #tpu.memory_space<vmem>>[vector<16xi32>, vector<16xi32>, vector<16xi32>], vector<16xf32>, vector<16xi1>
        %sub3A_299 = vector.broadcast %add3A_202 : i32 to vector<16xi32>
        %sub3A_300 = arith.subi %get3A_277, %sub3A_299 : vector<16xi32>
        %lt3A_301 = arith.constant 16 : i32
        %lt3A_302 = vector.broadcast %lt3A_301 : i32 to vector<16xi32>
        %lt3A_303 = arith.cmpi ult, %sub3A_300, %lt3A_302 : vector<16xi32>
        %shift_right_arithmetic3A_304 = arith.constant 3 : i32
        %shift_right_arithmetic3A_305 = vector.broadcast %shift_right_arithmetic3A_304 : i32 to vector<16xi32>
        %shift_right_arithmetic3A_306 = arith.shrsi %sub3A_300, %shift_right_arithmetic3A_305 : vector<16xi32>
        %mul3A_307 = arith.constant 16 : i32
        %mul3A_308 = vector.broadcast %mul3A_307 : i32 to vector<16xi32>
        %mul3A_309 = arith.muli %shift_right_arithmetic3A_306, %mul3A_308 : vector<16xi32>
        %shift_right_arithmetic3A_310 = arith.constant 7 : i32
        %shift_right_arithmetic3A_311 = arith.shrsi %mul3A_276, %shift_right_arithmetic3A_310 : i32
        %add3A_312 = vector.broadcast %shift_right_arithmetic3A_311 : i32 to vector<16xi32>
        %add3A_313 = arith.addi %mul3A_309, %add3A_312 : vector<16xi32>
        %and3A_314 = arith.constant 7 : i32
        %and3A_315 = vector.broadcast %and3A_314 : i32 to vector<16xi32>
        %and3A_316 = arith.andi %sub3A_300, %and3A_315 : vector<16xi32>
        tpu.vector_store_idx %arg5[%add3A_313, %and3A_316, %add3A_281], %broadcast_in_dim3A_37 masked %lt3A_303 : memref<48x8x128xf32, #tpu.memory_space<vmem>>[vector<16xi32>, vector<16xi32>, vector<16xi32>], vector<16xf32>, vector<16xi1>
        %mul3A_317 = arith.constant 8 : i32
        %mul3A_318 = arith.muli %scan3A_270, %mul3A_317 : i32
        %add3A_319 = arith.constant 1 : i32
        %add3A_320 = arith.addi %mul3A_318, %add3A_319 : i32
        %mul3A_321 = arith.constant 16 : i32
        %mul3A_322 = arith.muli %add3A_320, %mul3A_321 : i32
        %get3A_323 = arith.index_cast %mul3A_322 : i32 to index
        %get3A_324 = tpu.vector_load %arg4[%get3A_323] {strides = array<i32>} : memref<2048xi32, #tpu.memory_space<vmem>>, vector<16xi32>,
        %and3A_325 = arith.constant 127 : i32
        %and3A_326 = arith.andi %mul3A_322, %and3A_325 : i32
        %add3A_327 = vector.broadcast %and3A_326 : i32 to vector<16xi32>
        %add3A_328 = arith.addi %add3A_327, %iota3A : vector<16xi32>
        %sub3A_329 = vector.broadcast %add3A_200 : i32 to vector<16xi32>
        %sub3A_330 = arith.subi %get3A_324, %sub3A_329 : vector<16xi32>
        %lt3A_331 = arith.constant 24 : i32
        %lt3A_332 = vector.broadcast %lt3A_331 : i32 to vector<16xi32>
        %lt3A_333 = arith.cmpi ult, %sub3A_330, %lt3A_332 : vector<16xi32>
        %shift_right_arithmetic3A_334 = arith.constant 3 : i32
        %shift_right_arithmetic3A_335 = vector.broadcast %shift_right_arithmetic3A_334 : i32 to vector<16xi32>
        %shift_right_arithmetic3A_336 = arith.shrsi %sub3A_330, %shift_right_arithmetic3A_335 : vector<16xi32>
        %mul3A_337 = arith.constant 16 : i32
        %mul3A_338 = vector.broadcast %mul3A_337 : i32 to vector<16xi32>
        %mul3A_339 = arith.muli %shift_right_arithmetic3A_336, %mul3A_338 : vector<16xi32>
        %shift_right_arithmetic3A_340 = arith.constant 7 : i32
        %shift_right_arithmetic3A_341 = arith.shrsi %mul3A_322, %shift_right_arithmetic3A_340 : i32
        %add3A_342 = vector.broadcast %shift_right_arithmetic3A_341 : i32 to vector<16xi32>
        %add3A_343 = arith.addi %mul3A_339, %add3A_342 : vector<16xi32>
        %and3A_344 = arith.constant 7 : i32
        %and3A_345 = vector.broadcast %and3A_344 : i32 to vector<16xi32>
        %and3A_346 = arith.andi %sub3A_330, %and3A_345 : vector<16xi32>
        tpu.vector_store_idx %arg5[%add3A_343, %and3A_346, %add3A_328], %broadcast_in_dim3A_35 masked %lt3A_333 : memref<48x8x128xf32, #tpu.memory_space<vmem>>[vector<16xi32>, vector<16xi32>, vector<16xi32>], vector<16xf32>, vector<16xi1>
        %sub3A_347 = vector.broadcast %add3A_202 : i32 to vector<16xi32>
        %sub3A_348 = arith.subi %get3A_324, %sub3A_347 : vector<16xi32>
        %lt3A_349 = arith.constant 16 : i32
        %lt3A_350 = vector.broadcast %lt3A_349 : i32 to vector<16xi32>
        %lt3A_351 = arith.cmpi ult, %sub3A_348, %lt3A_350 : vector<16xi32>
        %shift_right_arithmetic3A_352 = arith.constant 3 : i32
        %shift_right_arithmetic3A_353 = vector.broadcast %shift_right_arithmetic3A_352 : i32 to vector<16xi32>
        %shift_right_arithmetic3A_354 = arith.shrsi %sub3A_348, %shift_right_arithmetic3A_353 : vector<16xi32>
        %mul3A_355 = arith.constant 16 : i32
        %mul3A_356 = vector.broadcast %mul3A_355 : i32 to vector<16xi32>
        %mul3A_357 = arith.muli %shift_right_arithmetic3A_354, %mul3A_356 : vector<16xi32>
        %shift_right_arithmetic3A_358 = arith.constant 7 : i32
        %shift_right_arithmetic3A_359 = arith.shrsi %mul3A_322, %shift_right_arithmetic3A_358 : i32
        %add3A_360 = vector.broadcast %shift_right_arithmetic3A_359 : i32 to vector<16xi32>
        %add3A_361 = arith.addi %mul3A_357, %add3A_360 : vector<16xi32>
        %and3A_362 = arith.constant 7 : i32
        %and3A_363 = vector.broadcast %and3A_362 : i32 to vector<16xi32>
        %and3A_364 = arith.andi %sub3A_348, %and3A_363 : vector<16xi32>
        tpu.vector_store_idx %arg5[%add3A_361, %and3A_364, %add3A_328], %broadcast_in_dim3A_37 masked %lt3A_351 : memref<48x8x128xf32, #tpu.memory_space<vmem>>[vector<16xi32>, vector<16xi32>, vector<16xi32>], vector<16xf32>, vector<16xi1>
        %mul3A_365 = arith.constant 8 : i32
        %mul3A_366 = arith.muli %scan3A_270, %mul3A_365 : i32
        %add3A_367 = arith.constant 2 : i32
        %add3A_368 = arith.addi %mul3A_366, %add3A_367 : i32
        %mul3A_369 = arith.constant 16 : i32
        %mul3A_370 = arith.muli %add3A_368, %mul3A_369 : i32
        %get3A_371 = arith.index_cast %mul3A_370 : i32 to index
        %get3A_372 = tpu.vector_load %arg4[%get3A_371] {strides = array<i32>} : memref<2048xi32, #tpu.memory_space<vmem>>, vector<16xi32>,
        %and3A_373 = arith.constant 127 : i32
        %and3A_374 = arith.andi %mul3A_370, %and3A_373 : i32
        %add3A_375 = vector.broadcast %and3A_374 : i32 to vector<16xi32>
        %add3A_376 = arith.addi %add3A_375, %iota3A : vector<16xi32>
        %sub3A_377 = vector.broadcast %add3A_200 : i32 to vector<16xi32>
        %sub3A_378 = arith.subi %get3A_372, %sub3A_377 : vector<16xi32>
        %lt3A_379 = arith.constant 24 : i32
        %lt3A_380 = vector.broadcast %lt3A_379 : i32 to vector<16xi32>
        %lt3A_381 = arith.cmpi ult, %sub3A_378, %lt3A_380 : vector<16xi32>
        %shift_right_arithmetic3A_382 = arith.constant 3 : i32
        %shift_right_arithmetic3A_383 = vector.broadcast %shift_right_arithmetic3A_382 : i32 to vector<16xi32>
        %shift_right_arithmetic3A_384 = arith.shrsi %sub3A_378, %shift_right_arithmetic3A_383 : vector<16xi32>
        %mul3A_385 = arith.constant 16 : i32
        %mul3A_386 = vector.broadcast %mul3A_385 : i32 to vector<16xi32>
        %mul3A_387 = arith.muli %shift_right_arithmetic3A_384, %mul3A_386 : vector<16xi32>
        %shift_right_arithmetic3A_388 = arith.constant 7 : i32
        %shift_right_arithmetic3A_389 = arith.shrsi %mul3A_370, %shift_right_arithmetic3A_388 : i32
        %add3A_390 = vector.broadcast %shift_right_arithmetic3A_389 : i32 to vector<16xi32>
        %add3A_391 = arith.addi %mul3A_387, %add3A_390 : vector<16xi32>
        %and3A_392 = arith.constant 7 : i32
        %and3A_393 = vector.broadcast %and3A_392 : i32 to vector<16xi32>
        %and3A_394 = arith.andi %sub3A_378, %and3A_393 : vector<16xi32>
        tpu.vector_store_idx %arg5[%add3A_391, %and3A_394, %add3A_376], %broadcast_in_dim3A_35 masked %lt3A_381 : memref<48x8x128xf32, #tpu.memory_space<vmem>>[vector<16xi32>, vector<16xi32>, vector<16xi32>], vector<16xf32>, vector<16xi1>
        %sub3A_395 = vector.broadcast %add3A_202 : i32 to vector<16xi32>
        %sub3A_396 = arith.subi %get3A_372, %sub3A_395 : vector<16xi32>
        %lt3A_397 = arith.constant 16 : i32
        %lt3A_398 = vector.broadcast %lt3A_397 : i32 to vector<16xi32>
        %lt3A_399 = arith.cmpi ult, %sub3A_396, %lt3A_398 : vector<16xi32>
        %shift_right_arithmetic3A_400 = arith.constant 3 : i32
        %shift_right_arithmetic3A_401 = vector.broadcast %shift_right_arithmetic3A_400 : i32 to vector<16xi32>
        %shift_right_arithmetic3A_402 = arith.shrsi %sub3A_396, %shift_right_arithmetic3A_401 : vector<16xi32>
        %mul3A_403 = arith.constant 16 : i32
        %mul3A_404 = vector.broadcast %mul3A_403 : i32 to vector<16xi32>
        %mul3A_405 = arith.muli %shift_right_arithmetic3A_402, %mul3A_404 : vector<16xi32>
        %shift_right_arithmetic3A_406 = arith.constant 7 : i32
        %shift_right_arithmetic3A_407 = arith.shrsi %mul3A_370, %shift_right_arithmetic3A_406 : i32
        %add3A_408 = vector.broadcast %shift_right_arithmetic3A_407 : i32 to vector<16xi32>
        %add3A_409 = arith.addi %mul3A_405, %add3A_408 : vector<16xi32>
        %and3A_410 = arith.constant 7 : i32
        %and3A_411 = vector.broadcast %and3A_410 : i32 to vector<16xi32>
        %and3A_412 = arith.andi %sub3A_396, %and3A_411 : vector<16xi32>
        tpu.vector_store_idx %arg5[%add3A_409, %and3A_412, %add3A_376], %broadcast_in_dim3A_37 masked %lt3A_399 : memref<48x8x128xf32, #tpu.memory_space<vmem>>[vector<16xi32>, vector<16xi32>, vector<16xi32>], vector<16xf32>, vector<16xi1>
        %mul3A_413 = arith.constant 8 : i32
        %mul3A_414 = arith.muli %scan3A_270, %mul3A_413 : i32
        %add3A_415 = arith.constant 3 : i32
        %add3A_416 = arith.addi %mul3A_414, %add3A_415 : i32
        %mul3A_417 = arith.constant 16 : i32
        %mul3A_418 = arith.muli %add3A_416, %mul3A_417 : i32
        %get3A_419 = arith.index_cast %mul3A_418 : i32 to index
        %get3A_420 = tpu.vector_load %arg4[%get3A_419] {strides = array<i32>} : memref<2048xi32, #tpu.memory_space<vmem>>, vector<16xi32>,
        %and3A_421 = arith.constant 127 : i32
        %and3A_422 = arith.andi %mul3A_418, %and3A_421 : i32
        %add3A_423 = vector.broadcast %and3A_422 : i32 to vector<16xi32>
        %add3A_424 = arith.addi %add3A_423, %iota3A : vector<16xi32>
        %sub3A_425 = vector.broadcast %add3A_200 : i32 to vector<16xi32>
        %sub3A_426 = arith.subi %get3A_420, %sub3A_425 : vector<16xi32>
        %lt3A_427 = arith.constant 24 : i32
        %lt3A_428 = vector.broadcast %lt3A_427 : i32 to vector<16xi32>
        %lt3A_429 = arith.cmpi ult, %sub3A_426, %lt3A_428 : vector<16xi32>
        %shift_right_arithmetic3A_430 = arith.constant 3 : i32
        %shift_right_arithmetic3A_431 = vector.broadcast %shift_right_arithmetic3A_430 : i32 to vector<16xi32>
        %shift_right_arithmetic3A_432 = arith.shrsi %sub3A_426, %shift_right_arithmetic3A_431 : vector<16xi32>
        %mul3A_433 = arith.constant 16 : i32
        %mul3A_434 = vector.broadcast %mul3A_433 : i32 to vector<16xi32>
        %mul3A_435 = arith.muli %shift_right_arithmetic3A_432, %mul3A_434 : vector<16xi32>
        %shift_right_arithmetic3A_436 = arith.constant 7 : i32
        %shift_right_arithmetic3A_437 = arith.shrsi %mul3A_418, %shift_right_arithmetic3A_436 : i32
        %add3A_438 = vector.broadcast %shift_right_arithmetic3A_437 : i32 to vector<16xi32>
        %add3A_439 = arith.addi %mul3A_435, %add3A_438 : vector<16xi32>
        %and3A_440 = arith.constant 7 : i32
        %and3A_441 = vector.broadcast %and3A_440 : i32 to vector<16xi32>
        %and3A_442 = arith.andi %sub3A_426, %and3A_441 : vector<16xi32>
        tpu.vector_store_idx %arg5[%add3A_439, %and3A_442, %add3A_424], %broadcast_in_dim3A_35 masked %lt3A_429 : memref<48x8x128xf32, #tpu.memory_space<vmem>>[vector<16xi32>, vector<16xi32>, vector<16xi32>], vector<16xf32>, vector<16xi1>
        %sub3A_443 = vector.broadcast %add3A_202 : i32 to vector<16xi32>
        %sub3A_444 = arith.subi %get3A_420, %sub3A_443 : vector<16xi32>
        %lt3A_445 = arith.constant 16 : i32
        %lt3A_446 = vector.broadcast %lt3A_445 : i32 to vector<16xi32>
        %lt3A_447 = arith.cmpi ult, %sub3A_444, %lt3A_446 : vector<16xi32>
        %shift_right_arithmetic3A_448 = arith.constant 3 : i32
        %shift_right_arithmetic3A_449 = vector.broadcast %shift_right_arithmetic3A_448 : i32 to vector<16xi32>
        %shift_right_arithmetic3A_450 = arith.shrsi %sub3A_444, %shift_right_arithmetic3A_449 : vector<16xi32>
        %mul3A_451 = arith.constant 16 : i32
        %mul3A_452 = vector.broadcast %mul3A_451 : i32 to vector<16xi32>
        %mul3A_453 = arith.muli %shift_right_arithmetic3A_450, %mul3A_452 : vector<16xi32>
        %shift_right_arithmetic3A_454 = arith.constant 7 : i32
        %shift_right_arithmetic3A_455 = arith.shrsi %mul3A_418, %shift_right_arithmetic3A_454 : i32
        %add3A_456 = vector.broadcast %shift_right_arithmetic3A_455 : i32 to vector<16xi32>
        %add3A_457 = arith.addi %mul3A_453, %add3A_456 : vector<16xi32>
        %and3A_458 = arith.constant 7 : i32
        %and3A_459 = vector.broadcast %and3A_458 : i32 to vector<16xi32>
        %and3A_460 = arith.andi %sub3A_444, %and3A_459 : vector<16xi32>
        tpu.vector_store_idx %arg5[%add3A_457, %and3A_460, %add3A_424], %broadcast_in_dim3A_37 masked %lt3A_447 : memref<48x8x128xf32, #tpu.memory_space<vmem>>[vector<16xi32>, vector<16xi32>, vector<16xi32>], vector<16xf32>, vector<16xi1>
        %mul3A_461 = arith.constant 8 : i32
        %mul3A_462 = arith.muli %scan3A_270, %mul3A_461 : i32
        %add3A_463 = arith.constant 4 : i32
        %add3A_464 = arith.addi %mul3A_462, %add3A_463 : i32
        %mul3A_465 = arith.constant 16 : i32
        %mul3A_466 = arith.muli %add3A_464, %mul3A_465 : i32
        %get3A_467 = arith.index_cast %mul3A_466 : i32 to index
        %get3A_468 = tpu.vector_load %arg4[%get3A_467] {strides = array<i32>} : memref<2048xi32, #tpu.memory_space<vmem>>, vector<16xi32>,
        %and3A_469 = arith.constant 127 : i32
        %and3A_470 = arith.andi %mul3A_466, %and3A_469 : i32
        %add3A_471 = vector.broadcast %and3A_470 : i32 to vector<16xi32>
        %add3A_472 = arith.addi %add3A_471, %iota3A : vector<16xi32>
        %sub3A_473 = vector.broadcast %add3A_200 : i32 to vector<16xi32>
        %sub3A_474 = arith.subi %get3A_468, %sub3A_473 : vector<16xi32>
        %lt3A_475 = arith.constant 24 : i32
        %lt3A_476 = vector.broadcast %lt3A_475 : i32 to vector<16xi32>
        %lt3A_477 = arith.cmpi ult, %sub3A_474, %lt3A_476 : vector<16xi32>
        %shift_right_arithmetic3A_478 = arith.constant 3 : i32
        %shift_right_arithmetic3A_479 = vector.broadcast %shift_right_arithmetic3A_478 : i32 to vector<16xi32>
        %shift_right_arithmetic3A_480 = arith.shrsi %sub3A_474, %shift_right_arithmetic3A_479 : vector<16xi32>
        %mul3A_481 = arith.constant 16 : i32
        %mul3A_482 = vector.broadcast %mul3A_481 : i32 to vector<16xi32>
        %mul3A_483 = arith.muli %shift_right_arithmetic3A_480, %mul3A_482 : vector<16xi32>
        %shift_right_arithmetic3A_484 = arith.constant 7 : i32
        %shift_right_arithmetic3A_485 = arith.shrsi %mul3A_466, %shift_right_arithmetic3A_484 : i32
        %add3A_486 = vector.broadcast %shift_right_arithmetic3A_485 : i32 to vector<16xi32>
        %add3A_487 = arith.addi %mul3A_483, %add3A_486 : vector<16xi32>
        %and3A_488 = arith.constant 7 : i32
        %and3A_489 = vector.broadcast %and3A_488 : i32 to vector<16xi32>
        %and3A_490 = arith.andi %sub3A_474, %and3A_489 : vector<16xi32>
        tpu.vector_store_idx %arg5[%add3A_487, %and3A_490, %add3A_472], %broadcast_in_dim3A_35 masked %lt3A_477 : memref<48x8x128xf32, #tpu.memory_space<vmem>>[vector<16xi32>, vector<16xi32>, vector<16xi32>], vector<16xf32>, vector<16xi1>
        %sub3A_491 = vector.broadcast %add3A_202 : i32 to vector<16xi32>
        %sub3A_492 = arith.subi %get3A_468, %sub3A_491 : vector<16xi32>
        %lt3A_493 = arith.constant 16 : i32
        %lt3A_494 = vector.broadcast %lt3A_493 : i32 to vector<16xi32>
        %lt3A_495 = arith.cmpi ult, %sub3A_492, %lt3A_494 : vector<16xi32>
        %shift_right_arithmetic3A_496 = arith.constant 3 : i32
        %shift_right_arithmetic3A_497 = vector.broadcast %shift_right_arithmetic3A_496 : i32 to vector<16xi32>
        %shift_right_arithmetic3A_498 = arith.shrsi %sub3A_492, %shift_right_arithmetic3A_497 : vector<16xi32>
        %mul3A_499 = arith.constant 16 : i32
        %mul3A_500 = vector.broadcast %mul3A_499 : i32 to vector<16xi32>
        %mul3A_501 = arith.muli %shift_right_arithmetic3A_498, %mul3A_500 : vector<16xi32>
        %shift_right_arithmetic3A_502 = arith.constant 7 : i32
        %shift_right_arithmetic3A_503 = arith.shrsi %mul3A_466, %shift_right_arithmetic3A_502 : i32
        %add3A_504 = vector.broadcast %shift_right_arithmetic3A_503 : i32 to vector<16xi32>
        %add3A_505 = arith.addi %mul3A_501, %add3A_504 : vector<16xi32>
        %and3A_506 = arith.constant 7 : i32
        %and3A_507 = vector.broadcast %and3A_506 : i32 to vector<16xi32>
        %and3A_508 = arith.andi %sub3A_492, %and3A_507 : vector<16xi32>
        tpu.vector_store_idx %arg5[%add3A_505, %and3A_508, %add3A_472], %broadcast_in_dim3A_37 masked %lt3A_495 : memref<48x8x128xf32, #tpu.memory_space<vmem>>[vector<16xi32>, vector<16xi32>, vector<16xi32>], vector<16xf32>, vector<16xi1>
        %mul3A_509 = arith.constant 8 : i32
        %mul3A_510 = arith.muli %scan3A_270, %mul3A_509 : i32
        %add3A_511 = arith.constant 5 : i32
        %add3A_512 = arith.addi %mul3A_510, %add3A_511 : i32
        %mul3A_513 = arith.constant 16 : i32
        %mul3A_514 = arith.muli %add3A_512, %mul3A_513 : i32
        %get3A_515 = arith.index_cast %mul3A_514 : i32 to index
        %get3A_516 = tpu.vector_load %arg4[%get3A_515] {strides = array<i32>} : memref<2048xi32, #tpu.memory_space<vmem>>, vector<16xi32>,
        %and3A_517 = arith.constant 127 : i32
        %and3A_518 = arith.andi %mul3A_514, %and3A_517 : i32
        %add3A_519 = vector.broadcast %and3A_518 : i32 to vector<16xi32>
        %add3A_520 = arith.addi %add3A_519, %iota3A : vector<16xi32>
        %sub3A_521 = vector.broadcast %add3A_200 : i32 to vector<16xi32>
        %sub3A_522 = arith.subi %get3A_516, %sub3A_521 : vector<16xi32>
        %lt3A_523 = arith.constant 24 : i32
        %lt3A_524 = vector.broadcast %lt3A_523 : i32 to vector<16xi32>
        %lt3A_525 = arith.cmpi ult, %sub3A_522, %lt3A_524 : vector<16xi32>
        %shift_right_arithmetic3A_526 = arith.constant 3 : i32
        %shift_right_arithmetic3A_527 = vector.broadcast %shift_right_arithmetic3A_526 : i32 to vector<16xi32>
        %shift_right_arithmetic3A_528 = arith.shrsi %sub3A_522, %shift_right_arithmetic3A_527 : vector<16xi32>
        %mul3A_529 = arith.constant 16 : i32
        %mul3A_530 = vector.broadcast %mul3A_529 : i32 to vector<16xi32>
        %mul3A_531 = arith.muli %shift_right_arithmetic3A_528, %mul3A_530 : vector<16xi32>
        %shift_right_arithmetic3A_532 = arith.constant 7 : i32
        %shift_right_arithmetic3A_533 = arith.shrsi %mul3A_514, %shift_right_arithmetic3A_532 : i32
        %add3A_534 = vector.broadcast %shift_right_arithmetic3A_533 : i32 to vector<16xi32>
        %add3A_535 = arith.addi %mul3A_531, %add3A_534 : vector<16xi32>
        %and3A_536 = arith.constant 7 : i32
        %and3A_537 = vector.broadcast %and3A_536 : i32 to vector<16xi32>
        %and3A_538 = arith.andi %sub3A_522, %and3A_537 : vector<16xi32>
        tpu.vector_store_idx %arg5[%add3A_535, %and3A_538, %add3A_520], %broadcast_in_dim3A_35 masked %lt3A_525 : memref<48x8x128xf32, #tpu.memory_space<vmem>>[vector<16xi32>, vector<16xi32>, vector<16xi32>], vector<16xf32>, vector<16xi1>
        %sub3A_539 = vector.broadcast %add3A_202 : i32 to vector<16xi32>
        %sub3A_540 = arith.subi %get3A_516, %sub3A_539 : vector<16xi32>
        %lt3A_541 = arith.constant 16 : i32
        %lt3A_542 = vector.broadcast %lt3A_541 : i32 to vector<16xi32>
        %lt3A_543 = arith.cmpi ult, %sub3A_540, %lt3A_542 : vector<16xi32>
        %shift_right_arithmetic3A_544 = arith.constant 3 : i32
        %shift_right_arithmetic3A_545 = vector.broadcast %shift_right_arithmetic3A_544 : i32 to vector<16xi32>
        %shift_right_arithmetic3A_546 = arith.shrsi %sub3A_540, %shift_right_arithmetic3A_545 : vector<16xi32>
        %mul3A_547 = arith.constant 16 : i32
        %mul3A_548 = vector.broadcast %mul3A_547 : i32 to vector<16xi32>
        %mul3A_549 = arith.muli %shift_right_arithmetic3A_546, %mul3A_548 : vector<16xi32>
        %shift_right_arithmetic3A_550 = arith.constant 7 : i32
        %shift_right_arithmetic3A_551 = arith.shrsi %mul3A_514, %shift_right_arithmetic3A_550 : i32
        %add3A_552 = vector.broadcast %shift_right_arithmetic3A_551 : i32 to vector<16xi32>
        %add3A_553 = arith.addi %mul3A_549, %add3A_552 : vector<16xi32>
        %and3A_554 = arith.constant 7 : i32
        %and3A_555 = vector.broadcast %and3A_554 : i32 to vector<16xi32>
        %and3A_556 = arith.andi %sub3A_540, %and3A_555 : vector<16xi32>
        tpu.vector_store_idx %arg5[%add3A_553, %and3A_556, %add3A_520], %broadcast_in_dim3A_37 masked %lt3A_543 : memref<48x8x128xf32, #tpu.memory_space<vmem>>[vector<16xi32>, vector<16xi32>, vector<16xi32>], vector<16xf32>, vector<16xi1>
        %mul3A_557 = arith.constant 8 : i32
        %mul3A_558 = arith.muli %scan3A_270, %mul3A_557 : i32
        %add3A_559 = arith.constant 6 : i32
        %add3A_560 = arith.addi %mul3A_558, %add3A_559 : i32
        %mul3A_561 = arith.constant 16 : i32
        %mul3A_562 = arith.muli %add3A_560, %mul3A_561 : i32
        %get3A_563 = arith.index_cast %mul3A_562 : i32 to index
        %get3A_564 = tpu.vector_load %arg4[%get3A_563] {strides = array<i32>} : memref<2048xi32, #tpu.memory_space<vmem>>, vector<16xi32>,
        %and3A_565 = arith.constant 127 : i32
        %and3A_566 = arith.andi %mul3A_562, %and3A_565 : i32
        %add3A_567 = vector.broadcast %and3A_566 : i32 to vector<16xi32>
        %add3A_568 = arith.addi %add3A_567, %iota3A : vector<16xi32>
        %sub3A_569 = vector.broadcast %add3A_200 : i32 to vector<16xi32>
        %sub3A_570 = arith.subi %get3A_564, %sub3A_569 : vector<16xi32>
        %lt3A_571 = arith.constant 24 : i32
        %lt3A_572 = vector.broadcast %lt3A_571 : i32 to vector<16xi32>
        %lt3A_573 = arith.cmpi ult, %sub3A_570, %lt3A_572 : vector<16xi32>
        %shift_right_arithmetic3A_574 = arith.constant 3 : i32
        %shift_right_arithmetic3A_575 = vector.broadcast %shift_right_arithmetic3A_574 : i32 to vector<16xi32>
        %shift_right_arithmetic3A_576 = arith.shrsi %sub3A_570, %shift_right_arithmetic3A_575 : vector<16xi32>
        %mul3A_577 = arith.constant 16 : i32
        %mul3A_578 = vector.broadcast %mul3A_577 : i32 to vector<16xi32>
        %mul3A_579 = arith.muli %shift_right_arithmetic3A_576, %mul3A_578 : vector<16xi32>
        %shift_right_arithmetic3A_580 = arith.constant 7 : i32
        %shift_right_arithmetic3A_581 = arith.shrsi %mul3A_562, %shift_right_arithmetic3A_580 : i32
        %add3A_582 = vector.broadcast %shift_right_arithmetic3A_581 : i32 to vector<16xi32>
        %add3A_583 = arith.addi %mul3A_579, %add3A_582 : vector<16xi32>
        %and3A_584 = arith.constant 7 : i32
        %and3A_585 = vector.broadcast %and3A_584 : i32 to vector<16xi32>
        %and3A_586 = arith.andi %sub3A_570, %and3A_585 : vector<16xi32>
        tpu.vector_store_idx %arg5[%add3A_583, %and3A_586, %add3A_568], %broadcast_in_dim3A_35 masked %lt3A_573 : memref<48x8x128xf32, #tpu.memory_space<vmem>>[vector<16xi32>, vector<16xi32>, vector<16xi32>], vector<16xf32>, vector<16xi1>
        %sub3A_587 = vector.broadcast %add3A_202 : i32 to vector<16xi32>
        %sub3A_588 = arith.subi %get3A_564, %sub3A_587 : vector<16xi32>
        %lt3A_589 = arith.constant 16 : i32
        %lt3A_590 = vector.broadcast %lt3A_589 : i32 to vector<16xi32>
        %lt3A_591 = arith.cmpi ult, %sub3A_588, %lt3A_590 : vector<16xi32>
        %shift_right_arithmetic3A_592 = arith.constant 3 : i32
        %shift_right_arithmetic3A_593 = vector.broadcast %shift_right_arithmetic3A_592 : i32 to vector<16xi32>
        %shift_right_arithmetic3A_594 = arith.shrsi %sub3A_588, %shift_right_arithmetic3A_593 : vector<16xi32>
        %mul3A_595 = arith.constant 16 : i32
        %mul3A_596 = vector.broadcast %mul3A_595 : i32 to vector<16xi32>
        %mul3A_597 = arith.muli %shift_right_arithmetic3A_594, %mul3A_596 : vector<16xi32>
        %shift_right_arithmetic3A_598 = arith.constant 7 : i32
        %shift_right_arithmetic3A_599 = arith.shrsi %mul3A_562, %shift_right_arithmetic3A_598 : i32
        %add3A_600 = vector.broadcast %shift_right_arithmetic3A_599 : i32 to vector<16xi32>
        %add3A_601 = arith.addi %mul3A_597, %add3A_600 : vector<16xi32>
        %and3A_602 = arith.constant 7 : i32
        %and3A_603 = vector.broadcast %and3A_602 : i32 to vector<16xi32>
        %and3A_604 = arith.andi %sub3A_588, %and3A_603 : vector<16xi32>
        tpu.vector_store_idx %arg5[%add3A_601, %and3A_604, %add3A_568], %broadcast_in_dim3A_37 masked %lt3A_591 : memref<48x8x128xf32, #tpu.memory_space<vmem>>[vector<16xi32>, vector<16xi32>, vector<16xi32>], vector<16xf32>, vector<16xi1>
        %mul3A_605 = arith.constant 8 : i32
        %mul3A_606 = arith.muli %scan3A_270, %mul3A_605 : i32
        %add3A_607 = arith.constant 7 : i32
        %add3A_608 = arith.addi %mul3A_606, %add3A_607 : i32
        %mul3A_609 = arith.constant 16 : i32
        %mul3A_610 = arith.muli %add3A_608, %mul3A_609 : i32
        %get3A_611 = arith.index_cast %mul3A_610 : i32 to index
        %get3A_612 = tpu.vector_load %arg4[%get3A_611] {strides = array<i32>} : memref<2048xi32, #tpu.memory_space<vmem>>, vector<16xi32>,
        %and3A_613 = arith.constant 127 : i32
        %and3A_614 = arith.andi %mul3A_610, %and3A_613 : i32
        %add3A_615 = vector.broadcast %and3A_614 : i32 to vector<16xi32>
        %add3A_616 = arith.addi %add3A_615, %iota3A : vector<16xi32>
        %sub3A_617 = vector.broadcast %add3A_200 : i32 to vector<16xi32>
        %sub3A_618 = arith.subi %get3A_612, %sub3A_617 : vector<16xi32>
        %lt3A_619 = arith.constant 24 : i32
        %lt3A_620 = vector.broadcast %lt3A_619 : i32 to vector<16xi32>
        %lt3A_621 = arith.cmpi ult, %sub3A_618, %lt3A_620 : vector<16xi32>
        %shift_right_arithmetic3A_622 = arith.constant 3 : i32
        %shift_right_arithmetic3A_623 = vector.broadcast %shift_right_arithmetic3A_622 : i32 to vector<16xi32>
        %shift_right_arithmetic3A_624 = arith.shrsi %sub3A_618, %shift_right_arithmetic3A_623 : vector<16xi32>
        %mul3A_625 = arith.constant 16 : i32
        %mul3A_626 = vector.broadcast %mul3A_625 : i32 to vector<16xi32>
        %mul3A_627 = arith.muli %shift_right_arithmetic3A_624, %mul3A_626 : vector<16xi32>
        %shift_right_arithmetic3A_628 = arith.constant 7 : i32
        %shift_right_arithmetic3A_629 = arith.shrsi %mul3A_610, %shift_right_arithmetic3A_628 : i32
        %add3A_630 = vector.broadcast %shift_right_arithmetic3A_629 : i32 to vector<16xi32>
        %add3A_631 = arith.addi %mul3A_627, %add3A_630 : vector<16xi32>
        %and3A_632 = arith.constant 7 : i32
        %and3A_633 = vector.broadcast %and3A_632 : i32 to vector<16xi32>
        %and3A_634 = arith.andi %sub3A_618, %and3A_633 : vector<16xi32>
        tpu.vector_store_idx %arg5[%add3A_631, %and3A_634, %add3A_616], %broadcast_in_dim3A_35 masked %lt3A_621 : memref<48x8x128xf32, #tpu.memory_space<vmem>>[vector<16xi32>, vector<16xi32>, vector<16xi32>], vector<16xf32>, vector<16xi1>
        %sub3A_635 = vector.broadcast %add3A_202 : i32 to vector<16xi32>
        %sub3A_636 = arith.subi %get3A_612, %sub3A_635 : vector<16xi32>
        %lt3A_637 = arith.constant 16 : i32
        %lt3A_638 = vector.broadcast %lt3A_637 : i32 to vector<16xi32>
        %lt3A_639 = arith.cmpi ult, %sub3A_636, %lt3A_638 : vector<16xi32>
        %shift_right_arithmetic3A_640 = arith.constant 3 : i32
        %shift_right_arithmetic3A_641 = vector.broadcast %shift_right_arithmetic3A_640 : i32 to vector<16xi32>
        %shift_right_arithmetic3A_642 = arith.shrsi %sub3A_636, %shift_right_arithmetic3A_641 : vector<16xi32>
        %mul3A_643 = arith.constant 16 : i32
        %mul3A_644 = vector.broadcast %mul3A_643 : i32 to vector<16xi32>
        %mul3A_645 = arith.muli %shift_right_arithmetic3A_642, %mul3A_644 : vector<16xi32>
        %shift_right_arithmetic3A_646 = arith.constant 7 : i32
        %shift_right_arithmetic3A_647 = arith.shrsi %mul3A_610, %shift_right_arithmetic3A_646 : i32
        %add3A_648 = vector.broadcast %shift_right_arithmetic3A_647 : i32 to vector<16xi32>
        %add3A_649 = arith.addi %mul3A_645, %add3A_648 : vector<16xi32>
        %and3A_650 = arith.constant 7 : i32
        %and3A_651 = vector.broadcast %and3A_650 : i32 to vector<16xi32>
        %and3A_652 = arith.andi %sub3A_636, %and3A_651 : vector<16xi32>
        tpu.vector_store_idx %arg5[%add3A_649, %and3A_652, %add3A_616], %broadcast_in_dim3A_37 masked %lt3A_639 : memref<48x8x128xf32, #tpu.memory_space<vmem>>[vector<16xi32>, vector<16xi32>, vector<16xi32>], vector<16xf32>, vector<16xi1>
      }
      %scan3A_208 = arith.constant 16 : i32
      %mul3A_209 = arith.constant 125 : i32
      %mul3A_210 = arith.muli %select_n3A, %mul3A_209 : i32
      %add3A_211 = arith.constant 480 : i32
      %add3A_212 = arith.addi %mul3A_32, %add3A_211 : i32
      %jit3A_213 = arith.constant 8 : i32
      %div3A_214 = arith.divsi %add3A_212, %jit3A_213 : i32
      %sign3A_215 = arith.constant 0 : i32
      %sign3A_216 = arith.cmpi sgt, %add3A_212, %sign3A_215 : i32
      %sign3A_217 = arith.extui %sign3A_216 : i1 to i32
      %sign3A_218 = arith.constant 0 : i32
      %sign3A_219 = arith.cmpi slt, %add3A_212, %sign3A_218 : i32
      %sign3A_220 = arith.extui %sign3A_219 : i1 to i32
      %sign3A_221 = arith.subi %sign3A_217, %sign3A_220 : i32
      %sign3A_222 = arith.constant 0 : i32
      %sign3A_223 = arith.cmpi sgt, %jit3A_213, %sign3A_222 : i32
      %sign3A_224 = arith.extui %sign3A_223 : i1 to i32
      %sign3A_225 = arith.constant 0 : i32
      %sign3A_226 = arith.cmpi slt, %jit3A_213, %sign3A_225 : i32
      %sign3A_227 = arith.extui %sign3A_226 : i1 to i32
      %sign3A_228 = arith.subi %sign3A_224, %sign3A_227 : i32
      %ne3A_229 = arith.cmpi ne, %sign3A_221, %sign3A_228 : i32
      %rem3A_230 = arith.remsi %add3A_212, %jit3A_213 : i32
      %ne3A_231 = arith.constant 0 : i32
      %ne3A_232 = arith.cmpi ne, %rem3A_230, %ne3A_231 : i32
      %and3A_233 = arith.andi %ne3A_229, %ne3A_232 : i1
      %sub3A_234 = arith.constant 1 : i32
      %sub3A_235 = arith.subi %div3A_214, %sub3A_234 : i32
      %select_n3A_236 = arith.select %and3A_233, %sub3A_235, %div3A_214 : i32
      %add3A_237 = arith.addi %mul3A_210, %select_n3A_236 : i32
      %mul3A_238 = arith.constant 16 : i32
      %mul3A_239 = arith.muli %add3A_237, %mul3A_238 : i32
      %dma_start3A_240 = arith.constant 0 : i32
      %dma_start3A_241 = arith.constant 0 : i32
      %dma_start3A_242 = arith.constant 0 : i32
      %dma_start3A_243 = tpu.memref_slice %arg5[%dma_start3A_240, %dma_start3A_241, %dma_start3A_242] : memref<48x8x128xf32, #tpu.memory_space<vmem>> -> memref<32x8x128xf32, #tpu.memory_space<vmem>>
      %dma_start3A_244 = arith.constant 0 : i32
      %dma_start3A_245 = arith.constant 0 : i32
      %dma_start3A_246 = tpu.memref_slice %arg3[%mul3A_239, %dma_start3A_244, %dma_start3A_245] : memref<32000x8x128xf32, #tpu.memory_space<hbm>> -> memref<32x8x128xf32, #tpu.memory_space<hbm>>
      %dma_start3A_247 = arith.constant 0 : i32
      %dma_start3A_248 = arith.constant 0 : i32
      %dma_start3A_249 = tpu.memref_slice %arg3[%mul3A_239, %dma_start3A_247, %dma_start3A_248] : memref<32000x8x128xf32, #tpu.memory_space<hbm>> -> memref<32x8x128xf32, #tpu.memory_space<hbm>>
      %dma_start3A_250 = arith.constant 0 : i32
      %dma_start3A_251 = arith.constant 0 : i32
      %dma_start3A_252 = arith.constant 0 : i32
      %dma_start3A_253 = tpu.memref_slice %arg5[%dma_start3A_250, %dma_start3A_251, %dma_start3A_252] : memref<48x8x128xf32, #tpu.memory_space<vmem>> -> memref<32x8x128xf32, #tpu.memory_space<vmem>>
      tpu.enqueue_dma source(%dma_start3A_253 : memref<32x8x128xf32, #tpu.memory_space<vmem>>) target(%dma_start3A_249 : memref<32x8x128xf32, #tpu.memory_space<hbm>>) target_semaphore(%arg7 : memref<!tpu.dma_semaphore, #tpu.memory_space<semaphore_mem>>)
      %dma_wait3A_254 = arith.constant 0 : i32
      %dma_wait3A_255 = arith.constant 0 : i32
      %dma_wait3A_256 = arith.constant 0 : i32
      %dma_wait3A_257 = tpu.memref_slice %arg5[%dma_wait3A_254, %dma_wait3A_255, %dma_wait3A_256] : memref<48x8x128xf32, #tpu.memory_space<vmem>> -> memref<32x8x128xf32, #tpu.memory_space<vmem>>
      %dma_wait3A_258 = arith.constant 0 : i32
      %dma_wait3A_259 = arith.constant 0 : i32
      %dma_wait3A_260 = arith.constant 0 : i32
      %dma_wait3A_261 = tpu.memref_slice %arg3[%dma_wait3A_258, %dma_wait3A_259, %dma_wait3A_260] : memref<32000x8x128xf32, #tpu.memory_space<hbm>> -> memref<32x8x128xf32, #tpu.memory_space<hbm>>
      %dma_wait3A_262 = arith.constant 0 : i32
      %dma_wait3A_263 = arith.constant 0 : i32
      %dma_wait3A_264 = arith.constant 0 : i32
      %dma_wait3A_265 = tpu.memref_slice %arg3[%dma_wait3A_262, %dma_wait3A_263, %dma_wait3A_264] : memref<32000x8x128xf32, #tpu.memory_space<hbm>> -> memref<32x8x128xf32, #tpu.memory_space<hbm>>
      %dma_wait3A_266 = arith.constant 0 : i32
      %dma_wait3A_267 = arith.constant 0 : i32
      %dma_wait3A_268 = arith.constant 0 : i32
      %dma_wait3A_269 = tpu.memref_slice %arg5[%dma_wait3A_266, %dma_wait3A_267, %dma_wait3A_268] : memref<48x8x128xf32, #tpu.memory_space<vmem>> -> memref<32x8x128xf32, #tpu.memory_space<vmem>>
      tpu.wait_dma2 semaphore(%arg7 : memref<!tpu.dma_semaphore, #tpu.memory_space<semaphore_mem>>) src(%dma_wait3A_269 : memref<32x8x128xf32, #tpu.memory_space<vmem>>) dst(%dma_wait3A_265 : memref<32x8x128xf32, #tpu.memory_space<hbm>>)
    } else {
    }
    %eq3A_163 = arith.constant 1 : i32
    %eq3A_164 = arith.cmpi eq, %select_n3A_30, %eq3A_163 : i32
    %convert_element_type3A_165 = arith.extui %eq3A_164 : i1 to i32
    %cond3A_166 = arith.constant 0 : i32
    %cond3A_167 = arith.cmpi ne, %convert_element_type3A_165, %cond3A_166 : i32
    scf.if %cond3A_167 {
      %dma_wait3A_183 = arith.constant 0 : i32
      %dma_wait3A_184 = arith.constant 0 : i32
      %dma_wait3A_185 = arith.constant 0 : i32
      %dma_wait3A_186 = tpu.memref_slice %arg5[%dma_wait3A_183, %dma_wait3A_184, %dma_wait3A_185] : memref<48x8x128xf32, #tpu.memory_space<vmem>> -> memref<48x8x128xf32, #tpu.memory_space<vmem>>
      %dma_wait3A_187 = arith.constant 0 : i32
      %dma_wait3A_188 = arith.constant 0 : i32
      %dma_wait3A_189 = arith.constant 0 : i32
      %dma_wait3A_190 = tpu.memref_slice %arg3[%dma_wait3A_187, %dma_wait3A_188, %dma_wait3A_189] : memref<32000x8x128xf32, #tpu.memory_space<hbm>> -> memref<48x8x128xf32, #tpu.memory_space<hbm>>
      %dma_wait3A_191 = arith.constant 0 : i32
      %dma_wait3A_192 = arith.constant 0 : i32
      %dma_wait3A_193 = arith.constant 0 : i32
      %dma_wait3A_194 = tpu.memref_slice %arg3[%dma_wait3A_191, %dma_wait3A_192, %dma_wait3A_193] : memref<32000x8x128xf32, #tpu.memory_space<hbm>> -> memref<48x8x128xf32, #tpu.memory_space<hbm>>
      %dma_wait3A_195 = arith.constant 0 : i32
      %dma_wait3A_196 = arith.constant 0 : i32
      %dma_wait3A_197 = arith.constant 0 : i32
      %dma_wait3A_198 = tpu.memref_slice %arg5[%dma_wait3A_195, %dma_wait3A_196, %dma_wait3A_197] : memref<48x8x128xf32, #tpu.memory_space<vmem>> -> memref<48x8x128xf32, #tpu.memory_space<vmem>>
      tpu.wait_dma2 semaphore(%arg7 : memref<!tpu.dma_semaphore, #tpu.memory_space<semaphore_mem>>) src(%dma_wait3A_198 : memref<48x8x128xf32, #tpu.memory_space<vmem>>) dst(%dma_wait3A_194 : memref<48x8x128xf32, #tpu.memory_space<hbm>>)
      %add3A_199 = arith.constant 432 : i32
      %add3A_200 = arith.addi %mul3A_32, %add3A_199 : i32
      %add3A_201 = arith.constant 480 : i32
      %add3A_202 = arith.addi %mul3A_32, %add3A_201 : i32
      %scan3A_203 = arith.constant 0 : i32
      %scan3A_204 = arith.constant 0 : i32
      %scan3A_205 = arith.constant 16 : i32
      %scan3A_206 = arith.addi %scan3A_204, %scan3A_205 : i32
      %scan3A_207 = arith.constant 1 : i32
      scf.for %scan3A_270 = %scan3A_204 to %scan3A_206 step %scan3A_207  : i32 {
        %mul3A_271 = arith.constant 8 : i32
        %mul3A_272 = arith.muli %scan3A_270, %mul3A_271 : i32
        %add3A_273 = arith.constant 0 : i32
        %add3A_274 = arith.addi %mul3A_272, %add3A_273 : i32
        %mul3A_275 = arith.constant 16 : i32
        %mul3A_276 = arith.muli %add3A_274, %mul3A_275 : i32
        %get3A = arith.index_cast %mul3A_276 : i32 to index
        %get3A_277 = tpu.vector_load %arg4[%get3A] {strides = array<i32>} : memref<2048xi32, #tpu.memory_space<vmem>>, vector<16xi32>,
        %and3A_278 = arith.constant 127 : i32
        %and3A_279 = arith.andi %mul3A_276, %and3A_278 : i32
        %add3A_280 = vector.broadcast %and3A_279 : i32 to vector<16xi32>
        %add3A_281 = arith.addi %add3A_280, %iota3A : vector<16xi32>
        %sub3A_282 = vector.broadcast %add3A_200 : i32 to vector<16xi32>
        %sub3A_283 = arith.subi %get3A_277, %sub3A_282 : vector<16xi32>
        %lt3A_284 = arith.constant 24 : i32
        %lt3A_285 = vector.broadcast %lt3A_284 : i32 to vector<16xi32>
        %lt3A_286 = arith.cmpi ult, %sub3A_283, %lt3A_285 : vector<16xi32>
        %shift_right_arithmetic3A = arith.constant 3 : i32
        %shift_right_arithmetic3A_287 = vector.broadcast %shift_right_arithmetic3A : i32 to vector<16xi32>
        %shift_right_arithmetic3A_288 = arith.shrsi %sub3A_283, %shift_right_arithmetic3A_287 : vector<16xi32>
        %mul3A_289 = arith.constant 16 : i32
        %mul3A_290 = vector.broadcast %mul3A_289 : i32 to vector<16xi32>
        %mul3A_291 = arith.muli %shift_right_arithmetic3A_288, %mul3A_290 : vector<16xi32>
        %shift_right_arithmetic3A_292 = arith.constant 7 : i32
        %shift_right_arithmetic3A_293 = arith.shrsi %mul3A_276, %shift_right_arithmetic3A_292 : i32
        %add3A_294 = vector.broadcast %shift_right_arithmetic3A_293 : i32 to vector<16xi32>
        %add3A_295 = arith.addi %mul3A_291, %add3A_294 : vector<16xi32>
        %and3A_296 = arith.constant 7 : i32
        %and3A_297 = vector.broadcast %and3A_296 : i32 to vector<16xi32>
        %and3A_298 = arith.andi %sub3A_283, %and3A_297 : vector<16xi32>
        tpu.vector_store_idx %arg5[%add3A_295, %and3A_298, %add3A_281], %broadcast_in_dim3A_35 masked %lt3A_286 : memref<48x8x128xf32, #tpu.memory_space<vmem>>[vector<16xi32>, vector<16xi32>, vector<16xi32>], vector<16xf32>, vector<16xi1>
        %sub3A_299 = vector.broadcast %add3A_202 : i32 to vector<16xi32>
        %sub3A_300 = arith.subi %get3A_277, %sub3A_299 : vector<16xi32>
        %lt3A_301 = arith.constant 24 : i32
        %lt3A_302 = vector.broadcast %lt3A_301 : i32 to vector<16xi32>
        %lt3A_303 = arith.cmpi ult, %sub3A_300, %lt3A_302 : vector<16xi32>
        %shift_right_arithmetic3A_304 = arith.constant 3 : i32
        %shift_right_arithmetic3A_305 = vector.broadcast %shift_right_arithmetic3A_304 : i32 to vector<16xi32>
        %shift_right_arithmetic3A_306 = arith.shrsi %sub3A_300, %shift_right_arithmetic3A_305 : vector<16xi32>
        %mul3A_307 = arith.constant 16 : i32
        %mul3A_308 = vector.broadcast %mul3A_307 : i32 to vector<16xi32>
        %mul3A_309 = arith.muli %shift_right_arithmetic3A_306, %mul3A_308 : vector<16xi32>
        %shift_right_arithmetic3A_310 = arith.constant 7 : i32
        %shift_right_arithmetic3A_311 = arith.shrsi %mul3A_276, %shift_right_arithmetic3A_310 : i32
        %add3A_312 = vector.broadcast %shift_right_arithmetic3A_311 : i32 to vector<16xi32>
        %add3A_313 = arith.addi %mul3A_309, %add3A_312 : vector<16xi32>
        %and3A_314 = arith.constant 7 : i32
        %and3A_315 = vector.broadcast %and3A_314 : i32 to vector<16xi32>
        %and3A_316 = arith.andi %sub3A_300, %and3A_315 : vector<16xi32>
        tpu.vector_store_idx %arg5[%add3A_313, %and3A_316, %add3A_281], %broadcast_in_dim3A_37 masked %lt3A_303 : memref<48x8x128xf32, #tpu.memory_space<vmem>>[vector<16xi32>, vector<16xi32>, vector<16xi32>], vector<16xf32>, vector<16xi1>
        %mul3A_317 = arith.constant 8 : i32
        %mul3A_318 = arith.muli %scan3A_270, %mul3A_317 : i32
        %add3A_319 = arith.constant 1 : i32
        %add3A_320 = arith.addi %mul3A_318, %add3A_319 : i32
        %mul3A_321 = arith.constant 16 : i32
        %mul3A_322 = arith.muli %add3A_320, %mul3A_321 : i32
        %get3A_323 = arith.index_cast %mul3A_322 : i32 to index
        %get3A_324 = tpu.vector_load %arg4[%get3A_323] {strides = array<i32>} : memref<2048xi32, #tpu.memory_space<vmem>>, vector<16xi32>,
        %and3A_325 = arith.constant 127 : i32
        %and3A_326 = arith.andi %mul3A_322, %and3A_325 : i32
        %add3A_327 = vector.broadcast %and3A_326 : i32 to vector<16xi32>
        %add3A_328 = arith.addi %add3A_327, %iota3A : vector<16xi32>
        %sub3A_329 = vector.broadcast %add3A_200 : i32 to vector<16xi32>
        %sub3A_330 = arith.subi %get3A_324, %sub3A_329 : vector<16xi32>
        %lt3A_331 = arith.constant 24 : i32
        %lt3A_332 = vector.broadcast %lt3A_331 : i32 to vector<16xi32>
        %lt3A_333 = arith.cmpi ult, %sub3A_330, %lt3A_332 : vector<16xi32>
        %shift_right_arithmetic3A_334 = arith.constant 3 : i32
        %shift_right_arithmetic3A_335 = vector.broadcast %shift_right_arithmetic3A_334 : i32 to vector<16xi32>
        %shift_right_arithmetic3A_336 = arith.shrsi %sub3A_330, %shift_right_arithmetic3A_335 : vector<16xi32>
        %mul3A_337 = arith.constant 16 : i32
        %mul3A_338 = vector.broadcast %mul3A_337 : i32 to vector<16xi32>
        %mul3A_339 = arith.muli %shift_right_arithmetic3A_336, %mul3A_338 : vector<16xi32>
        %shift_right_arithmetic3A_340 = arith.constant 7 : i32
        %shift_right_arithmetic3A_341 = arith.shrsi %mul3A_322, %shift_right_arithmetic3A_340 : i32
        %add3A_342 = vector.broadcast %shift_right_arithmetic3A_341 : i32 to vector<16xi32>
        %add3A_343 = arith.addi %mul3A_339, %add3A_342 : vector<16xi32>
        %and3A_344 = arith.constant 7 : i32
        %and3A_345 = vector.broadcast %and3A_344 : i32 to vector<16xi32>
        %and3A_346 = arith.andi %sub3A_330, %and3A_345 : vector<16xi32>
        tpu.vector_store_idx %arg5[%add3A_343, %and3A_346, %add3A_328], %broadcast_in_dim3A_35 masked %lt3A_333 : memref<48x8x128xf32, #tpu.memory_space<vmem>>[vector<16xi32>, vector<16xi32>, vector<16xi32>], vector<16xf32>, vector<16xi1>
        %sub3A_347 = vector.broadcast %add3A_202 : i32 to vector<16xi32>
        %sub3A_348 = arith.subi %get3A_324, %sub3A_347 : vector<16xi32>
        %lt3A_349 = arith.constant 24 : i32
        %lt3A_350 = vector.broadcast %lt3A_349 : i32 to vector<16xi32>
        %lt3A_351 = arith.cmpi ult, %sub3A_348, %lt3A_350 : vector<16xi32>
        %shift_right_arithmetic3A_352 = arith.constant 3 : i32
        %shift_right_arithmetic3A_353 = vector.broadcast %shift_right_arithmetic3A_352 : i32 to vector<16xi32>
        %shift_right_arithmetic3A_354 = arith.shrsi %sub3A_348, %shift_right_arithmetic3A_353 : vector<16xi32>
        %mul3A_355 = arith.constant 16 : i32
        %mul3A_356 = vector.broadcast %mul3A_355 : i32 to vector<16xi32>
        %mul3A_357 = arith.muli %shift_right_arithmetic3A_354, %mul3A_356 : vector<16xi32>
        %shift_right_arithmetic3A_358 = arith.constant 7 : i32
        %shift_right_arithmetic3A_359 = arith.shrsi %mul3A_322, %shift_right_arithmetic3A_358 : i32
        %add3A_360 = vector.broadcast %shift_right_arithmetic3A_359 : i32 to vector<16xi32>
        %add3A_361 = arith.addi %mul3A_357, %add3A_360 : vector<16xi32>
        %and3A_362 = arith.constant 7 : i32
        %and3A_363 = vector.broadcast %and3A_362 : i32 to vector<16xi32>
        %and3A_364 = arith.andi %sub3A_348, %and3A_363 : vector<16xi32>
        tpu.vector_store_idx %arg5[%add3A_361, %and3A_364, %add3A_328], %broadcast_in_dim3A_37 masked %lt3A_351 : memref<48x8x128xf32, #tpu.memory_space<vmem>>[vector<16xi32>, vector<16xi32>, vector<16xi32>], vector<16xf32>, vector<16xi1>
        %mul3A_365 = arith.constant 8 : i32
        %mul3A_366 = arith.muli %scan3A_270, %mul3A_365 : i32
        %add3A_367 = arith.constant 2 : i32
        %add3A_368 = arith.addi %mul3A_366, %add3A_367 : i32
        %mul3A_369 = arith.constant 16 : i32
        %mul3A_370 = arith.muli %add3A_368, %mul3A_369 : i32
        %get3A_371 = arith.index_cast %mul3A_370 : i32 to index
        %get3A_372 = tpu.vector_load %arg4[%get3A_371] {strides = array<i32>} : memref<2048xi32, #tpu.memory_space<vmem>>, vector<16xi32>,
        %and3A_373 = arith.constant 127 : i32
        %and3A_374 = arith.andi %mul3A_370, %and3A_373 : i32
        %add3A_375 = vector.broadcast %and3A_374 : i32 to vector<16xi32>
        %add3A_376 = arith.addi %add3A_375, %iota3A : vector<16xi32>
        %sub3A_377 = vector.broadcast %add3A_200 : i32 to vector<16xi32>
        %sub3A_378 = arith.subi %get3A_372, %sub3A_377 : vector<16xi32>
        %lt3A_379 = arith.constant 24 : i32
        %lt3A_380 = vector.broadcast %lt3A_379 : i32 to vector<16xi32>
        %lt3A_381 = arith.cmpi ult, %sub3A_378, %lt3A_380 : vector<16xi32>
        %shift_right_arithmetic3A_382 = arith.constant 3 : i32
        %shift_right_arithmetic3A_383 = vector.broadcast %shift_right_arithmetic3A_382 : i32 to vector<16xi32>
        %shift_right_arithmetic3A_384 = arith.shrsi %sub3A_378, %shift_right_arithmetic3A_383 : vector<16xi32>
        %mul3A_385 = arith.constant 16 : i32
        %mul3A_386 = vector.broadcast %mul3A_385 : i32 to vector<16xi32>
        %mul3A_387 = arith.muli %shift_right_arithmetic3A_384, %mul3A_386 : vector<16xi32>
        %shift_right_arithmetic3A_388 = arith.constant 7 : i32
        %shift_right_arithmetic3A_389 = arith.shrsi %mul3A_370, %shift_right_arithmetic3A_388 : i32
        %add3A_390 = vector.broadcast %shift_right_arithmetic3A_389 : i32 to vector<16xi32>
        %add3A_391 = arith.addi %mul3A_387, %add3A_390 : vector<16xi32>
        %and3A_392 = arith.constant 7 : i32
        %and3A_393 = vector.broadcast %and3A_392 : i32 to vector<16xi32>
        %and3A_394 = arith.andi %sub3A_378, %and3A_393 : vector<16xi32>
        tpu.vector_store_idx %arg5[%add3A_391, %and3A_394, %add3A_376], %broadcast_in_dim3A_35 masked %lt3A_381 : memref<48x8x128xf32, #tpu.memory_space<vmem>>[vector<16xi32>, vector<16xi32>, vector<16xi32>], vector<16xf32>, vector<16xi1>
        %sub3A_395 = vector.broadcast %add3A_202 : i32 to vector<16xi32>
        %sub3A_396 = arith.subi %get3A_372, %sub3A_395 : vector<16xi32>
        %lt3A_397 = arith.constant 24 : i32
        %lt3A_398 = vector.broadcast %lt3A_397 : i32 to vector<16xi32>
        %lt3A_399 = arith.cmpi ult, %sub3A_396, %lt3A_398 : vector<16xi32>
        %shift_right_arithmetic3A_400 = arith.constant 3 : i32
        %shift_right_arithmetic3A_401 = vector.broadcast %shift_right_arithmetic3A_400 : i32 to vector<16xi32>
        %shift_right_arithmetic3A_402 = arith.shrsi %sub3A_396, %shift_right_arithmetic3A_401 : vector<16xi32>
        %mul3A_403 = arith.constant 16 : i32
        %mul3A_404 = vector.broadcast %mul3A_403 : i32 to vector<16xi32>
        %mul3A_405 = arith.muli %shift_right_arithmetic3A_402, %mul3A_404 : vector<16xi32>
        %shift_right_arithmetic3A_406 = arith.constant 7 : i32
        %shift_right_arithmetic3A_407 = arith.shrsi %mul3A_370, %shift_right_arithmetic3A_406 : i32
        %add3A_408 = vector.broadcast %shift_right_arithmetic3A_407 : i32 to vector<16xi32>
        %add3A_409 = arith.addi %mul3A_405, %add3A_408 : vector<16xi32>
        %and3A_410 = arith.constant 7 : i32
        %and3A_411 = vector.broadcast %and3A_410 : i32 to vector<16xi32>
        %and3A_412 = arith.andi %sub3A_396, %and3A_411 : vector<16xi32>
        tpu.vector_store_idx %arg5[%add3A_409, %and3A_412, %add3A_376], %broadcast_in_dim3A_37 masked %lt3A_399 : memref<48x8x128xf32, #tpu.memory_space<vmem>>[vector<16xi32>, vector<16xi32>, vector<16xi32>], vector<16xf32>, vector<16xi1>
        %mul3A_413 = arith.constant 8 : i32
        %mul3A_414 = arith.muli %scan3A_270, %mul3A_413 : i32
        %add3A_415 = arith.constant 3 : i32
        %add3A_416 = arith.addi %mul3A_414, %add3A_415 : i32
        %mul3A_417 = arith.constant 16 : i32
        %mul3A_418 = arith.muli %add3A_416, %mul3A_417 : i32
        %get3A_419 = arith.index_cast %mul3A_418 : i32 to index
        %get3A_420 = tpu.vector_load %arg4[%get3A_419] {strides = array<i32>} : memref<2048xi32, #tpu.memory_space<vmem>>, vector<16xi32>,
        %and3A_421 = arith.constant 127 : i32
        %and3A_422 = arith.andi %mul3A_418, %and3A_421 : i32
        %add3A_423 = vector.broadcast %and3A_422 : i32 to vector<16xi32>
        %add3A_424 = arith.addi %add3A_423, %iota3A : vector<16xi32>
        %sub3A_425 = vector.broadcast %add3A_200 : i32 to vector<16xi32>
        %sub3A_426 = arith.subi %get3A_420, %sub3A_425 : vector<16xi32>
        %lt3A_427 = arith.constant 24 : i32
        %lt3A_428 = vector.broadcast %lt3A_427 : i32 to vector<16xi32>
        %lt3A_429 = arith.cmpi ult, %sub3A_426, %lt3A_428 : vector<16xi32>
        %shift_right_arithmetic3A_430 = arith.constant 3 : i32
        %shift_right_arithmetic3A_431 = vector.broadcast %shift_right_arithmetic3A_430 : i32 to vector<16xi32>
        %shift_right_arithmetic3A_432 = arith.shrsi %sub3A_426, %shift_right_arithmetic3A_431 : vector<16xi32>
        %mul3A_433 = arith.constant 16 : i32
        %mul3A_434 = vector.broadcast %mul3A_433 : i32 to vector<16xi32>
        %mul3A_435 = arith.muli %shift_right_arithmetic3A_432, %mul3A_434 : vector<16xi32>
        %shift_right_arithmetic3A_436 = arith.constant 7 : i32
        %shift_right_arithmetic3A_437 = arith.shrsi %mul3A_418, %shift_right_arithmetic3A_436 : i32
        %add3A_438 = vector.broadcast %shift_right_arithmetic3A_437 : i32 to vector<16xi32>
        %add3A_439 = arith.addi %mul3A_435, %add3A_438 : vector<16xi32>
        %and3A_440 = arith.constant 7 : i32
        %and3A_441 = vector.broadcast %and3A_440 : i32 to vector<16xi32>
        %and3A_442 = arith.andi %sub3A_426, %and3A_441 : vector<16xi32>
        tpu.vector_store_idx %arg5[%add3A_439, %and3A_442, %add3A_424], %broadcast_in_dim3A_35 masked %lt3A_429 : memref<48x8x128xf32, #tpu.memory_space<vmem>>[vector<16xi32>, vector<16xi32>, vector<16xi32>], vector<16xf32>, vector<16xi1>
        %sub3A_443 = vector.broadcast %add3A_202 : i32 to vector<16xi32>
        %sub3A_444 = arith.subi %get3A_420, %sub3A_443 : vector<16xi32>
        %lt3A_445 = arith.constant 24 : i32
        %lt3A_446 = vector.broadcast %lt3A_445 : i32 to vector<16xi32>
        %lt3A_447 = arith.cmpi ult, %sub3A_444, %lt3A_446 : vector<16xi32>
        %shift_right_arithmetic3A_448 = arith.constant 3 : i32
        %shift_right_arithmetic3A_449 = vector.broadcast %shift_right_arithmetic3A_448 : i32 to vector<16xi32>
        %shift_right_arithmetic3A_450 = arith.shrsi %sub3A_444, %shift_right_arithmetic3A_449 : vector<16xi32>
        %mul3A_451 = arith.constant 16 : i32
        %mul3A_452 = vector.broadcast %mul3A_451 : i32 to vector<16xi32>
        %mul3A_453 = arith.muli %shift_right_arithmetic3A_450, %mul3A_452 : vector<16xi32>
        %shift_right_arithmetic3A_454 = arith.constant 7 : i32
        %shift_right_arithmetic3A_455 = arith.shrsi %mul3A_418, %shift_right_arithmetic3A_454 : i32
        %add3A_456 = vector.broadcast %shift_right_arithmetic3A_455 : i32 to vector<16xi32>
        %add3A_457 = arith.addi %mul3A_453, %add3A_456 : vector<16xi32>
        %and3A_458 = arith.constant 7 : i32
        %and3A_459 = vector.broadcast %and3A_458 : i32 to vector<16xi32>
        %and3A_460 = arith.andi %sub3A_444, %and3A_459 : vector<16xi32>
        tpu.vector_store_idx %arg5[%add3A_457, %and3A_460, %add3A_424], %broadcast_in_dim3A_37 masked %lt3A_447 : memref<48x8x128xf32, #tpu.memory_space<vmem>>[vector<16xi32>, vector<16xi32>, vector<16xi32>], vector<16xf32>, vector<16xi1>
        %mul3A_461 = arith.constant 8 : i32
        %mul3A_462 = arith.muli %scan3A_270, %mul3A_461 : i32
        %add3A_463 = arith.constant 4 : i32
        %add3A_464 = arith.addi %mul3A_462, %add3A_463 : i32
        %mul3A_465 = arith.constant 16 : i32
        %mul3A_466 = arith.muli %add3A_464, %mul3A_465 : i32
        %get3A_467 = arith.index_cast %mul3A_466 : i32 to index
        %get3A_468 = tpu.vector_load %arg4[%get3A_467] {strides = array<i32>} : memref<2048xi32, #tpu.memory_space<vmem>>, vector<16xi32>,
        %and3A_469 = arith.constant 127 : i32
        %and3A_470 = arith.andi %mul3A_466, %and3A_469 : i32
        %add3A_471 = vector.broadcast %and3A_470 : i32 to vector<16xi32>
        %add3A_472 = arith.addi %add3A_471, %iota3A : vector<16xi32>
        %sub3A_473 = vector.broadcast %add3A_200 : i32 to vector<16xi32>
        %sub3A_474 = arith.subi %get3A_468, %sub3A_473 : vector<16xi32>
        %lt3A_475 = arith.constant 24 : i32
        %lt3A_476 = vector.broadcast %lt3A_475 : i32 to vector<16xi32>
        %lt3A_477 = arith.cmpi ult, %sub3A_474, %lt3A_476 : vector<16xi32>
        %shift_right_arithmetic3A_478 = arith.constant 3 : i32
        %shift_right_arithmetic3A_479 = vector.broadcast %shift_right_arithmetic3A_478 : i32 to vector<16xi32>
        %shift_right_arithmetic3A_480 = arith.shrsi %sub3A_474, %shift_right_arithmetic3A_479 : vector<16xi32>
        %mul3A_481 = arith.constant 16 : i32
        %mul3A_482 = vector.broadcast %mul3A_481 : i32 to vector<16xi32>
        %mul3A_483 = arith.muli %shift_right_arithmetic3A_480, %mul3A_482 : vector<16xi32>
        %shift_right_arithmetic3A_484 = arith.constant 7 : i32
        %shift_right_arithmetic3A_485 = arith.shrsi %mul3A_466, %shift_right_arithmetic3A_484 : i32
        %add3A_486 = vector.broadcast %shift_right_arithmetic3A_485 : i32 to vector<16xi32>
        %add3A_487 = arith.addi %mul3A_483, %add3A_486 : vector<16xi32>
        %and3A_488 = arith.constant 7 : i32
        %and3A_489 = vector.broadcast %and3A_488 : i32 to vector<16xi32>
        %and3A_490 = arith.andi %sub3A_474, %and3A_489 : vector<16xi32>
        tpu.vector_store_idx %arg5[%add3A_487, %and3A_490, %add3A_472], %broadcast_in_dim3A_35 masked %lt3A_477 : memref<48x8x128xf32, #tpu.memory_space<vmem>>[vector<16xi32>, vector<16xi32>, vector<16xi32>], vector<16xf32>, vector<16xi1>
        %sub3A_491 = vector.broadcast %add3A_202 : i32 to vector<16xi32>
        %sub3A_492 = arith.subi %get3A_468, %sub3A_491 : vector<16xi32>
        %lt3A_493 = arith.constant 24 : i32
        %lt3A_494 = vector.broadcast %lt3A_493 : i32 to vector<16xi32>
        %lt3A_495 = arith.cmpi ult, %sub3A_492, %lt3A_494 : vector<16xi32>
        %shift_right_arithmetic3A_496 = arith.constant 3 : i32
        %shift_right_arithmetic3A_497 = vector.broadcast %shift_right_arithmetic3A_496 : i32 to vector<16xi32>
        %shift_right_arithmetic3A_498 = arith.shrsi %sub3A_492, %shift_right_arithmetic3A_497 : vector<16xi32>
        %mul3A_499 = arith.constant 16 : i32
        %mul3A_500 = vector.broadcast %mul3A_499 : i32 to vector<16xi32>
        %mul3A_501 = arith.muli %shift_right_arithmetic3A_498, %mul3A_500 : vector<16xi32>
        %shift_right_arithmetic3A_502 = arith.constant 7 : i32
        %shift_right_arithmetic3A_503 = arith.shrsi %mul3A_466, %shift_right_arithmetic3A_502 : i32
        %add3A_504 = vector.broadcast %shift_right_arithmetic3A_503 : i32 to vector<16xi32>
        %add3A_505 = arith.addi %mul3A_501, %add3A_504 : vector<16xi32>
        %and3A_506 = arith.constant 7 : i32
        %and3A_507 = vector.broadcast %and3A_506 : i32 to vector<16xi32>
        %and3A_508 = arith.andi %sub3A_492, %and3A_507 : vector<16xi32>
        tpu.vector_store_idx %arg5[%add3A_505, %and3A_508, %add3A_472], %broadcast_in_dim3A_37 masked %lt3A_495 : memref<48x8x128xf32, #tpu.memory_space<vmem>>[vector<16xi32>, vector<16xi32>, vector<16xi32>], vector<16xf32>, vector<16xi1>
        %mul3A_509 = arith.constant 8 : i32
        %mul3A_510 = arith.muli %scan3A_270, %mul3A_509 : i32
        %add3A_511 = arith.constant 5 : i32
        %add3A_512 = arith.addi %mul3A_510, %add3A_511 : i32
        %mul3A_513 = arith.constant 16 : i32
        %mul3A_514 = arith.muli %add3A_512, %mul3A_513 : i32
        %get3A_515 = arith.index_cast %mul3A_514 : i32 to index
        %get3A_516 = tpu.vector_load %arg4[%get3A_515] {strides = array<i32>} : memref<2048xi32, #tpu.memory_space<vmem>>, vector<16xi32>,
        %and3A_517 = arith.constant 127 : i32
        %and3A_518 = arith.andi %mul3A_514, %and3A_517 : i32
        %add3A_519 = vector.broadcast %and3A_518 : i32 to vector<16xi32>
        %add3A_520 = arith.addi %add3A_519, %iota3A : vector<16xi32>
        %sub3A_521 = vector.broadcast %add3A_200 : i32 to vector<16xi32>
        %sub3A_522 = arith.subi %get3A_516, %sub3A_521 : vector<16xi32>
        %lt3A_523 = arith.constant 24 : i32
        %lt3A_524 = vector.broadcast %lt3A_523 : i32 to vector<16xi32>
        %lt3A_525 = arith.cmpi ult, %sub3A_522, %lt3A_524 : vector<16xi32>
        %shift_right_arithmetic3A_526 = arith.constant 3 : i32
        %shift_right_arithmetic3A_527 = vector.broadcast %shift_right_arithmetic3A_526 : i32 to vector<16xi32>
        %shift_right_arithmetic3A_528 = arith.shrsi %sub3A_522, %shift_right_arithmetic3A_527 : vector<16xi32>
        %mul3A_529 = arith.constant 16 : i32
        %mul3A_530 = vector.broadcast %mul3A_529 : i32 to vector<16xi32>
        %mul3A_531 = arith.muli %shift_right_arithmetic3A_528, %mul3A_530 : vector<16xi32>
        %shift_right_arithmetic3A_532 = arith.constant 7 : i32
        %shift_right_arithmetic3A_533 = arith.shrsi %mul3A_514, %shift_right_arithmetic3A_532 : i32
        %add3A_534 = vector.broadcast %shift_right_arithmetic3A_533 : i32 to vector<16xi32>
        %add3A_535 = arith.addi %mul3A_531, %add3A_534 : vector<16xi32>
        %and3A_536 = arith.constant 7 : i32
        %and3A_537 = vector.broadcast %and3A_536 : i32 to vector<16xi32>
        %and3A_538 = arith.andi %sub3A_522, %and3A_537 : vector<16xi32>
        tpu.vector_store_idx %arg5[%add3A_535, %and3A_538, %add3A_520], %broadcast_in_dim3A_35 masked %lt3A_525 : memref<48x8x128xf32, #tpu.memory_space<vmem>>[vector<16xi32>, vector<16xi32>, vector<16xi32>], vector<16xf32>, vector<16xi1>
        %sub3A_539 = vector.broadcast %add3A_202 : i32 to vector<16xi32>
        %sub3A_540 = arith.subi %get3A_516, %sub3A_539 : vector<16xi32>
        %lt3A_541 = arith.constant 24 : i32
        %lt3A_542 = vector.broadcast %lt3A_541 : i32 to vector<16xi32>
        %lt3A_543 = arith.cmpi ult, %sub3A_540, %lt3A_542 : vector<16xi32>
        %shift_right_arithmetic3A_544 = arith.constant 3 : i32
        %shift_right_arithmetic3A_545 = vector.broadcast %shift_right_arithmetic3A_544 : i32 to vector<16xi32>
        %shift_right_arithmetic3A_546 = arith.shrsi %sub3A_540, %shift_right_arithmetic3A_545 : vector<16xi32>
        %mul3A_547 = arith.constant 16 : i32
        %mul3A_548 = vector.broadcast %mul3A_547 : i32 to vector<16xi32>
        %mul3A_549 = arith.muli %shift_right_arithmetic3A_546, %mul3A_548 : vector<16xi32>
        %shift_right_arithmetic3A_550 = arith.constant 7 : i32
        %shift_right_arithmetic3A_551 = arith.shrsi %mul3A_514, %shift_right_arithmetic3A_550 : i32
        %add3A_552 = vector.broadcast %shift_right_arithmetic3A_551 : i32 to vector<16xi32>
        %add3A_553 = arith.addi %mul3A_549, %add3A_552 : vector<16xi32>
        %and3A_554 = arith.constant 7 : i32
        %and3A_555 = vector.broadcast %and3A_554 : i32 to vector<16xi32>
        %and3A_556 = arith.andi %sub3A_540, %and3A_555 : vector<16xi32>
        tpu.vector_store_idx %arg5[%add3A_553, %and3A_556, %add3A_520], %broadcast_in_dim3A_37 masked %lt3A_543 : memref<48x8x128xf32, #tpu.memory_space<vmem>>[vector<16xi32>, vector<16xi32>, vector<16xi32>], vector<16xf32>, vector<16xi1>
        %mul3A_557 = arith.constant 8 : i32
        %mul3A_558 = arith.muli %scan3A_270, %mul3A_557 : i32
        %add3A_559 = arith.constant 6 : i32
        %add3A_560 = arith.addi %mul3A_558, %add3A_559 : i32
        %mul3A_561 = arith.constant 16 : i32
        %mul3A_562 = arith.muli %add3A_560, %mul3A_561 : i32
        %get3A_563 = arith.index_cast %mul3A_562 : i32 to index
        %get3A_564 = tpu.vector_load %arg4[%get3A_563] {strides = array<i32>} : memref<2048xi32, #tpu.memory_space<vmem>>, vector<16xi32>,
        %and3A_565 = arith.constant 127 : i32
        %and3A_566 = arith.andi %mul3A_562, %and3A_565 : i32
        %add3A_567 = vector.broadcast %and3A_566 : i32 to vector<16xi32>
        %add3A_568 = arith.addi %add3A_567, %iota3A : vector<16xi32>
        %sub3A_569 = vector.broadcast %add3A_200 : i32 to vector<16xi32>
        %sub3A_570 = arith.subi %get3A_564, %sub3A_569 : vector<16xi32>
        %lt3A_571 = arith.constant 24 : i32
        %lt3A_572 = vector.broadcast %lt3A_571 : i32 to vector<16xi32>
        %lt3A_573 = arith.cmpi ult, %sub3A_570, %lt3A_572 : vector<16xi32>
        %shift_right_arithmetic3A_574 = arith.constant 3 : i32
        %shift_right_arithmetic3A_575 = vector.broadcast %shift_right_arithmetic3A_574 : i32 to vector<16xi32>
        %shift_right_arithmetic3A_576 = arith.shrsi %sub3A_570, %shift_right_arithmetic3A_575 : vector<16xi32>
        %mul3A_577 = arith.constant 16 : i32
        %mul3A_578 = vector.broadcast %mul3A_577 : i32 to vector<16xi32>
        %mul3A_579 = arith.muli %shift_right_arithmetic3A_576, %mul3A_578 : vector<16xi32>
        %shift_right_arithmetic3A_580 = arith.constant 7 : i32
        %shift_right_arithmetic3A_581 = arith.shrsi %mul3A_562, %shift_right_arithmetic3A_580 : i32
        %add3A_582 = vector.broadcast %shift_right_arithmetic3A_581 : i32 to vector<16xi32>
        %add3A_583 = arith.addi %mul3A_579, %add3A_582 : vector<16xi32>
        %and3A_584 = arith.constant 7 : i32
        %and3A_585 = vector.broadcast %and3A_584 : i32 to vector<16xi32>
        %and3A_586 = arith.andi %sub3A_570, %and3A_585 : vector<16xi32>
        tpu.vector_store_idx %arg5[%add3A_583, %and3A_586, %add3A_568], %broadcast_in_dim3A_35 masked %lt3A_573 : memref<48x8x128xf32, #tpu.memory_space<vmem>>[vector<16xi32>, vector<16xi32>, vector<16xi32>], vector<16xf32>, vector<16xi1>
        %sub3A_587 = vector.broadcast %add3A_202 : i32 to vector<16xi32>
        %sub3A_588 = arith.subi %get3A_564, %sub3A_587 : vector<16xi32>
        %lt3A_589 = arith.constant 24 : i32
        %lt3A_590 = vector.broadcast %lt3A_589 : i32 to vector<16xi32>
        %lt3A_591 = arith.cmpi ult, %sub3A_588, %lt3A_590 : vector<16xi32>
        %shift_right_arithmetic3A_592 = arith.constant 3 : i32
        %shift_right_arithmetic3A_593 = vector.broadcast %shift_right_arithmetic3A_592 : i32 to vector<16xi32>
        %shift_right_arithmetic3A_594 = arith.shrsi %sub3A_588, %shift_right_arithmetic3A_593 : vector<16xi32>
        %mul3A_595 = arith.constant 16 : i32
        %mul3A_596 = vector.broadcast %mul3A_595 : i32 to vector<16xi32>
        %mul3A_597 = arith.muli %shift_right_arithmetic3A_594, %mul3A_596 : vector<16xi32>
        %shift_right_arithmetic3A_598 = arith.constant 7 : i32
        %shift_right_arithmetic3A_599 = arith.shrsi %mul3A_562, %shift_right_arithmetic3A_598 : i32
        %add3A_600 = vector.broadcast %shift_right_arithmetic3A_599 : i32 to vector<16xi32>
        %add3A_601 = arith.addi %mul3A_597, %add3A_600 : vector<16xi32>
        %and3A_602 = arith.constant 7 : i32
        %and3A_603 = vector.broadcast %and3A_602 : i32 to vector<16xi32>
        %and3A_604 = arith.andi %sub3A_588, %and3A_603 : vector<16xi32>
        tpu.vector_store_idx %arg5[%add3A_601, %and3A_604, %add3A_568], %broadcast_in_dim3A_37 masked %lt3A_591 : memref<48x8x128xf32, #tpu.memory_space<vmem>>[vector<16xi32>, vector<16xi32>, vector<16xi32>], vector<16xf32>, vector<16xi1>
        %mul3A_605 = arith.constant 8 : i32
        %mul3A_606 = arith.muli %scan3A_270, %mul3A_605 : i32
        %add3A_607 = arith.constant 7 : i32
        %add3A_608 = arith.addi %mul3A_606, %add3A_607 : i32
        %mul3A_609 = arith.constant 16 : i32
        %mul3A_610 = arith.muli %add3A_608, %mul3A_609 : i32
        %get3A_611 = arith.index_cast %mul3A_610 : i32 to index
        %get3A_612 = tpu.vector_load %arg4[%get3A_611] {strides = array<i32>} : memref<2048xi32, #tpu.memory_space<vmem>>, vector<16xi32>,
        %and3A_613 = arith.constant 127 : i32
        %and3A_614 = arith.andi %mul3A_610, %and3A_613 : i32
        %add3A_615 = vector.broadcast %and3A_614 : i32 to vector<16xi32>
        %add3A_616 = arith.addi %add3A_615, %iota3A : vector<16xi32>
        %sub3A_617 = vector.broadcast %add3A_200 : i32 to vector<16xi32>
        %sub3A_618 = arith.subi %get3A_612, %sub3A_617 : vector<16xi32>
        %lt3A_619 = arith.constant 24 : i32
        %lt3A_620 = vector.broadcast %lt3A_619 : i32 to vector<16xi32>
        %lt3A_621 = arith.cmpi ult, %sub3A_618, %lt3A_620 : vector<16xi32>
        %shift_right_arithmetic3A_622 = arith.constant 3 : i32
        %shift_right_arithmetic3A_623 = vector.broadcast %shift_right_arithmetic3A_622 : i32 to vector<16xi32>
        %shift_right_arithmetic3A_624 = arith.shrsi %sub3A_618, %shift_right_arithmetic3A_623 : vector<16xi32>
        %mul3A_625 = arith.constant 16 : i32
        %mul3A_626 = vector.broadcast %mul3A_625 : i32 to vector<16xi32>
        %mul3A_627 = arith.muli %shift_right_arithmetic3A_624, %mul3A_626 : vector<16xi32>
        %shift_right_arithmetic3A_628 = arith.constant 7 : i32
        %shift_right_arithmetic3A_629 = arith.shrsi %mul3A_610, %shift_right_arithmetic3A_628 : i32
        %add3A_630 = vector.broadcast %shift_right_arithmetic3A_629 : i32 to vector<16xi32>
        %add3A_631 = arith.addi %mul3A_627, %add3A_630 : vector<16xi32>
        %and3A_632 = arith.constant 7 : i32
        %and3A_633 = vector.broadcast %and3A_632 : i32 to vector<16xi32>
        %and3A_634 = arith.andi %sub3A_618, %and3A_633 : vector<16xi32>
        tpu.vector_store_idx %arg5[%add3A_631, %and3A_634, %add3A_616], %broadcast_in_dim3A_35 masked %lt3A_621 : memref<48x8x128xf32, #tpu.memory_space<vmem>>[vector<16xi32>, vector<16xi32>, vector<16xi32>], vector<16xf32>, vector<16xi1>
        %sub3A_635 = vector.broadcast %add3A_202 : i32 to vector<16xi32>
        %sub3A_636 = arith.subi %get3A_612, %sub3A_635 : vector<16xi32>
        %lt3A_637 = arith.constant 24 : i32
        %lt3A_638 = vector.broadcast %lt3A_637 : i32 to vector<16xi32>
        %lt3A_639 = arith.cmpi ult, %sub3A_636, %lt3A_638 : vector<16xi32>
        %shift_right_arithmetic3A_640 = arith.constant 3 : i32
        %shift_right_arithmetic3A_641 = vector.broadcast %shift_right_arithmetic3A_640 : i32 to vector<16xi32>
        %shift_right_arithmetic3A_642 = arith.shrsi %sub3A_636, %shift_right_arithmetic3A_641 : vector<16xi32>
        %mul3A_643 = arith.constant 16 : i32
        %mul3A_644 = vector.broadcast %mul3A_643 : i32 to vector<16xi32>
        %mul3A_645 = arith.muli %shift_right_arithmetic3A_642, %mul3A_644 : vector<16xi32>
        %shift_right_arithmetic3A_646 = arith.constant 7 : i32
        %shift_right_arithmetic3A_647 = arith.shrsi %mul3A_610, %shift_right_arithmetic3A_646 : i32
        %add3A_648 = vector.broadcast %shift_right_arithmetic3A_647 : i32 to vector<16xi32>
        %add3A_649 = arith.addi %mul3A_645, %add3A_648 : vector<16xi32>
        %and3A_650 = arith.constant 7 : i32
        %and3A_651 = vector.broadcast %and3A_650 : i32 to vector<16xi32>
        %and3A_652 = arith.andi %sub3A_636, %and3A_651 : vector<16xi32>
        tpu.vector_store_idx %arg5[%add3A_649, %and3A_652, %add3A_616], %broadcast_in_dim3A_37 masked %lt3A_639 : memref<48x8x128xf32, #tpu.memory_space<vmem>>[vector<16xi32>, vector<16xi32>, vector<16xi32>], vector<16xf32>, vector<16xi1>
      }
      %scan3A_208 = arith.constant 16 : i32
      %mul3A_209 = arith.constant 125 : i32
      %mul3A_210 = arith.muli %select_n3A, %mul3A_209 : i32
      %add3A_211 = arith.constant 480 : i32
      %add3A_212 = arith.addi %mul3A_32, %add3A_211 : i32
      %jit3A_213 = arith.constant 8 : i32
      %div3A_214 = arith.divsi %add3A_212, %jit3A_213 : i32
      %sign3A_215 = arith.constant 0 : i32
      %sign3A_216 = arith.cmpi sgt, %add3A_212, %sign3A_215 : i32
      %sign3A_217 = arith.extui %sign3A_216 : i1 to i32
      %sign3A_218 = arith.constant 0 : i32
      %sign3A_219 = arith.cmpi slt, %add3A_212, %sign3A_218 : i32
      %sign3A_220 = arith.extui %sign3A_219 : i1 to i32
      %sign3A_221 = arith.subi %sign3A_217, %sign3A_220 : i32
      %sign3A_222 = arith.constant 0 : i32
      %sign3A_223 = arith.cmpi sgt, %jit3A_213, %sign3A_222 : i32
      %sign3A_224 = arith.extui %sign3A_223 : i1 to i32
      %sign3A_225 = arith.constant 0 : i32
      %sign3A_226 = arith.cmpi slt, %jit3A_213, %sign3A_225 : i32
      %sign3A_227 = arith.extui %sign3A_226 : i1 to i32
      %sign3A_228 = arith.subi %sign3A_224, %sign3A_227 : i32
      %ne3A_229 = arith.cmpi ne, %sign3A_221, %sign3A_228 : i32
      %rem3A_230 = arith.remsi %add3A_212, %jit3A_213 : i32
      %ne3A_231 = arith.constant 0 : i32
      %ne3A_232 = arith.cmpi ne, %rem3A_230, %ne3A_231 : i32
      %and3A_233 = arith.andi %ne3A_229, %ne3A_232 : i1
      %sub3A_234 = arith.constant 1 : i32
      %sub3A_235 = arith.subi %div3A_214, %sub3A_234 : i32
      %select_n3A_236 = arith.select %and3A_233, %sub3A_235, %div3A_214 : i32
      %add3A_237 = arith.addi %mul3A_210, %select_n3A_236 : i32
      %mul3A_238 = arith.constant 16 : i32
      %mul3A_239 = arith.muli %add3A_237, %mul3A_238 : i32
      %dma_start3A_240 = arith.constant 0 : i32
      %dma_start3A_241 = arith.constant 0 : i32
      %dma_start3A_242 = arith.constant 0 : i32
      %dma_start3A_243 = tpu.memref_slice %arg5[%dma_start3A_240, %dma_start3A_241, %dma_start3A_242] : memref<48x8x128xf32, #tpu.memory_space<vmem>> -> memref<48x8x128xf32, #tpu.memory_space<vmem>>
      %dma_start3A_244 = arith.constant 0 : i32
      %dma_start3A_245 = arith.constant 0 : i32
      %dma_start3A_246 = tpu.memref_slice %arg3[%mul3A_239, %dma_start3A_244, %dma_start3A_245] : memref<32000x8x128xf32, #tpu.memory_space<hbm>> -> memref<48x8x128xf32, #tpu.memory_space<hbm>>
      %dma_start3A_247 = arith.constant 0 : i32
      %dma_start3A_248 = arith.constant 0 : i32
      %dma_start3A_249 = tpu.memref_slice %arg3[%mul3A_239, %dma_start3A_247, %dma_start3A_248] : memref<32000x8x128xf32, #tpu.memory_space<hbm>> -> memref<48x8x128xf32, #tpu.memory_space<hbm>>
      %dma_start3A_250 = arith.constant 0 : i32
      %dma_start3A_251 = arith.constant 0 : i32
      %dma_start3A_252 = arith.constant 0 : i32
      %dma_start3A_253 = tpu.memref_slice %arg5[%dma_start3A_250, %dma_start3A_251, %dma_start3A_252] : memref<48x8x128xf32, #tpu.memory_space<vmem>> -> memref<48x8x128xf32, #tpu.memory_space<vmem>>
      tpu.enqueue_dma source(%dma_start3A_253 : memref<48x8x128xf32, #tpu.memory_space<vmem>>) target(%dma_start3A_249 : memref<48x8x128xf32, #tpu.memory_space<hbm>>) target_semaphore(%arg7 : memref<!tpu.dma_semaphore, #tpu.memory_space<semaphore_mem>>)
      %dma_wait3A_254 = arith.constant 0 : i32
      %dma_wait3A_255 = arith.constant 0 : i32
      %dma_wait3A_256 = arith.constant 0 : i32
      %dma_wait3A_257 = tpu.memref_slice %arg5[%dma_wait3A_254, %dma_wait3A_255, %dma_wait3A_256] : memref<48x8x128xf32, #tpu.memory_space<vmem>> -> memref<48x8x128xf32, #tpu.memory_space<vmem>>
      %dma_wait3A_258 = arith.constant 0 : i32
      %dma_wait3A_259 = arith.constant 0 : i32
      %dma_wait3A_260 = arith.constant 0 : i32
      %dma_wait3A_261 = tpu.memref_slice %arg3[%dma_wait3A_258, %dma_wait3A_259, %dma_wait3A_260] : memref<32000x8x128xf32, #tpu.memory_space<hbm>> -> memref<48x8x128xf32, #tpu.memory_space<hbm>>
      %dma_wait3A_262 = arith.constant 0 : i32
      %dma_wait3A_263 = arith.constant 0 : i32
      %dma_wait3A_264 = arith.constant 0 : i32
      %dma_wait3A_265 = tpu.memref_slice %arg3[%dma_wait3A_262, %dma_wait3A_263, %dma_wait3A_264] : memref<32000x8x128xf32, #tpu.memory_space<hbm>> -> memref<48x8x128xf32, #tpu.memory_space<hbm>>
      %dma_wait3A_266 = arith.constant 0 : i32
      %dma_wait3A_267 = arith.constant 0 : i32
      %dma_wait3A_268 = arith.constant 0 : i32
      %dma_wait3A_269 = tpu.memref_slice %arg5[%dma_wait3A_266, %dma_wait3A_267, %dma_wait3A_268] : memref<48x8x128xf32, #tpu.memory_space<vmem>> -> memref<48x8x128xf32, #tpu.memory_space<vmem>>
      tpu.wait_dma2 semaphore(%arg7 : memref<!tpu.dma_semaphore, #tpu.memory_space<semaphore_mem>>) src(%dma_wait3A_269 : memref<48x8x128xf32, #tpu.memory_space<vmem>>) dst(%dma_wait3A_265 : memref<48x8x128xf32, #tpu.memory_space<hbm>>)
    } else {
    }
    %dma_wait3A = arith.constant 0 : i32
    %dma_wait3A_168 = arith.constant 0 : i32
    %dma_wait3A_169 = arith.constant 0 : i32
    %dma_wait3A_170 = tpu.memref_slice %arg6[%dma_wait3A, %dma_wait3A_168, %dma_wait3A_169] : memref<48x8x128xf32, #tpu.memory_space<vmem>> -> memref<48x8x128xf32, #tpu.memory_space<vmem>>
    %dma_wait3A_171 = arith.constant 0 : i32
    %dma_wait3A_172 = arith.constant 0 : i32
    %dma_wait3A_173 = arith.constant 0 : i32
    %dma_wait3A_174 = tpu.memref_slice %arg3[%dma_wait3A_171, %dma_wait3A_172, %dma_wait3A_173] : memref<32000x8x128xf32, #tpu.memory_space<hbm>> -> memref<48x8x128xf32, #tpu.memory_space<hbm>>
    %dma_wait3A_175 = arith.constant 0 : i32
    %dma_wait3A_176 = arith.constant 0 : i32
    %dma_wait3A_177 = arith.constant 0 : i32
    %dma_wait3A_178 = tpu.memref_slice %arg3[%dma_wait3A_175, %dma_wait3A_176, %dma_wait3A_177] : memref<32000x8x128xf32, #tpu.memory_space<hbm>> -> memref<48x8x128xf32, #tpu.memory_space<hbm>>
    %dma_wait3A_179 = arith.constant 0 : i32
    %dma_wait3A_180 = arith.constant 0 : i32
    %dma_wait3A_181 = arith.constant 0 : i32
    %dma_wait3A_182 = tpu.memref_slice %arg6[%dma_wait3A_179, %dma_wait3A_180, %dma_wait3A_181] : memref<48x8x128xf32, #tpu.memory_space<vmem>> -> memref<48x8x128xf32, #tpu.memory_space<vmem>>
    tpu.wait_dma2 semaphore(%arg8 : memref<!tpu.dma_semaphore, #tpu.memory_space<semaphore_mem>>) src(%dma_wait3A_182 : memref<48x8x128xf32, #tpu.memory_space<vmem>>) dst(%dma_wait3A_178 : memref<48x8x128xf32, #tpu.memory_space<hbm>>)
    return
  }
}

</mosaic_0001>

<sc_bundles>
// kernel: kernel.3.cloned.1.call-start
scs
__scs_entry_jumppad:
0x0: {  	(pc) =	sbr.rel $0x88, $3  }
0x1: {  	(tag) =	ssettag $0x0;
	lr =	simm.s32 $0x1  }
0x2: {  	[smem:$0x3FA0] =	sst lr;
	_ =	strace $0xD0000000  }
0x3: {  	_ = 	snop  }
0x4: {  	_ = 	snop  }
0x5: {  	_ = 	snop  }
0x6: {  	_ = 	snop  }
0x7: {  	_ = 	snop  }
__scs_overlays_trampoline_lowered:
0x8: {  	[smem:$0x3FAF] =	sst s0  }
0x9: {  	[smem:$0x3FB0] =	sst s1  }
0xa: {  	[smem:$0x3FB1] =	sst s2  }
0xb: {  	[smem:$0x3FB2] =	sst s3  }
0xc: {  	[smem:$0x3FB3] =	sst s4  }
0xd: {  	[smem:$0x3FB4] =	sst s5  }
0xe: {  	[smem:$0x3FB5] =	sst s6  }
0xf: {  	[smem:$0x3FB6] =	sst s7  }
0x10: {  	[smem:$0x3FB7] =	sst s8  }
0x11: {  	[smem:$0x3FB8] =	sst s9;
	s0 =	simm.s32 @!p0 $0x0  }
0x12: {  	s1 =	sld [smem:$0x3F9E];
	s0 =	simm.s32 @p0 $0x1  }
0x13: {  	[smem:$0x3FB9] =	sst s0;
	s0 =	simm.s32 @!p1 $0x0  }
0x14: {  	s2 =	sld [smem:$0x3F9D];
	s0 =	simm.s32 @p1 $0x1  }
0x15: {  	[smem:$0x3FBA] =	sst s0;
	s0 =	simm.s32 @!p2 $0x0  }
0x16: {  	s3 =	sld [smem:$0x3FDB];
	s0 =	simm.s32 @p2 $0x1  }
0x17: {  	s4 =	simm.s32 $0x1BF5;
	[smem:$0x3FBC] =	sst s0  }
0x18: {  	s0 =	sld [smem:$0x3F9F];
	_ =	swait.ge [sflag:s4], $0x0  }
0x19: {  	s7 =	sld [smem:$0x3FA0]  }
0x1a: {  	s8 =	sadd.s32 $0xFFFFE003, lr  }
0x1b: {  	s9 =	sadd.s32 $0xFFFFFEF7, lr;
	s5 =	simm.s32 $0xFFFFFFFF;
	p2 =	slt.u32 s8, $0xFFFFF086  }
0x1c: {  	p1 =	slt.u32 s9, $0xF7A;
	s5 =	simm.s32 @!p2 $0x0  }
0x1d: {  	s5 =	simm.s32 @p1 $0x1;
	p0 =	seq.s32 s7, s2  }
0x1e: {  	s7 =	smul.u32 @!p0 $0xF7A, s2;
	p2 =	seq.s32 @!p0 s5, $0x0  }
0x1f: {  	s9 =	smul.u32 $0xF7A, s1;
	s8 =	simm.s32 @!p0 $0x1BF5;
	p2 =	por !p2, p0  }
0x20: {  	[sflag:s8] =	ssyncset.s32 @!p0 $0xFFFFF086;
	s6 =	sadd.s32 @!p0 s3, s7;
	s7 =	simm.s32 @!p0 $0x108  }
0x21: {  	s3 =	sadd.s32 s3, s9;
	s6 =	sadd.s32 @!p0 $0x88, s6;
	s7 =	simm.s32 @p2 $0x1082  }
0x22: {  	[simem:s7], [sflag:s8] =	dma.local @!p0 [hbm:s6], $0xF7A  }
0x23: {  	s9 =	sor.u32 $0xD0000000, s2;
	s6 =	simm.s32 $0x108;
	_ =	swait.ge @!p0 [sflag:s8], $0x0  }
0x24: {  	s3 =	sadd.s32 $0x88, s3;
	s6 =	simm.s32 @!p1 $0x1082;
	[sflag:s4] =	ssyncset.s32 $0xFFFFF086  }
0x25: {  	[simem:s6], [sflag:s4] =	dma.local [hbm:s3], $0xF7A  }
0x26: {  	[smem:$0x3FA0] =	sst s1;
	(tag) =	ssettag s2;
	_ =	strace s9  }
0x27: {  	s1 =	sld [smem:$0x3FB0]  }
0x28: {  	s2 =	sld [smem:$0x3FB1]  }
0x29: {  	s4 =	sld [smem:$0x3FB3]  }
0x2a: {  	p0 =	seq.s32 s5, $0x0;
	s5 =	sld [smem:$0x3FB4]  }
0x2b: {  	s6 =	sld [smem:$0x3FB5]  }
0x2c: {  	s7 =	sld [smem:$0x3FB6]  }
0x2d: {  	s3 =	simm.s32 $0x108;
	s8 =	sld [smem:$0x3FB7]  }
0x2e: {  	s3 =	simm.s32 @!p0 $0x1082;
	s9 =	sld [smem:$0x3FB8]  }
0x2f: {  	lr =	sadd.s32 s0, s3;
	s0 =	sld [smem:$0x3FAF]  }
0x30: {  	s3 =	sld [smem:$0x3FB2]  }
0x31: {  	[smem:$0x3FBB] =	sst s10  }
0x32: {  	s10 =	sld [smem:$0x3FB9];
	_ =	sdelay $0x3  }
0x33: {  	p0 =	seq.s32 s10, $0x1;
	s10 =	sld [smem:$0x3FBB];
	_ =	sdelay $0x3  }
0x34: {  	[smem:$0x3FBB] =	sst s10  }
0x35: {  	s10 =	sld [smem:$0x3FBA];
	_ =	sdelay $0x3  }
0x36: {  	p1 =	seq.s32 s10, $0x1;
	s10 =	sld [smem:$0x3FBB];
	_ =	sdelay $0x3  }
0x37: {  	[smem:$0x3FBB] =	sst s10  }
0x38: {  	s10 =	sld [smem:$0x3FBC]  }
0x39: {  	_ = 	snop;
	(pc) =	sbr.ind lr, $3  }
0x3a: {  	_ = 	snop  }
0x3b: {  	_ = 	snop  }
0x3c: {  	p2 =	seq.s32 s10, $0x1;
	s10 =	sld [smem:$0x3FBB]  }
0x3d: {  	_ =	shalt  }
0x3e: {  	_ =	shalt  }
0x3f: {  	_ =	shalt  }
0x40: {  	_ =	shalt  }
0x41: {  	_ =	shalt  }
0x42: {  	_ =	shalt  }
0x43: {  	_ =	shalt  }
0x44: {  	_ =	shalt  }
0x45: {  	_ =	shalt  }
0x46: {  	_ =	shalt  }
0x47: {  	_ =	shalt  }
0x48: {  	_ =	shalt  }
0x49: {  	_ =	shalt  }
0x4a: {  	_ =	shalt  }
0x4b: {  	_ =	shalt  }
0x4c: {  	_ =	shalt  }
0x4d: {  	_ =	shalt  }
0x4e: {  	_ =	shalt  }
0x4f: {  	_ =	shalt  }
0x50: {  	_ =	shalt  }
0x51: {  	_ =	shalt  }
0x52: {  	_ =	shalt  }
0x53: {  	_ =	shalt  }
0x54: {  	_ =	shalt  }
0x55: {  	_ =	shalt  }
0x56: {  	_ =	shalt  }
0x57: {  	_ =	shalt  }
0x58: {  	_ =	shalt  }
0x59: {  	_ =	shalt  }
0x5a: {  	_ =	shalt  }
0x5b: {  	_ =	shalt  }
0x5c: {  	_ =	shalt  }
0x5d: {  	_ =	shalt  }
0x5e: {  	_ =	shalt  }
0x5f: {  	_ =	shalt  }
0x60: {  	_ =	shalt  }
0x61: {  	_ =	shalt  }
0x62: {  	_ =	shalt  }
0x63: {  	_ =	shalt  }
0x64: {  	_ =	shalt  }
0x65: {  	_ =	shalt  }
0x66: {  	_ =	shalt  }
0x67: {  	_ =	shalt  }
0x68: {  	_ =	shalt  }
0x69: {  	_ =	shalt  }
0x6a: {  	_ =	shalt  }
0x6b: {  	_ =	shalt  }
0x6c: {  	_ =	shalt  }
0x6d: {  	_ =	shalt  }
0x6e: {  	_ =	shalt  }
0x6f: {  	_ =	shalt  }
0x70: {  	_ =	shalt  }
0x71: {  	_ =	shalt  }
0x72: {  	_ =	shalt  }
0x73: {  	_ =	shalt  }
0x74: {  	_ =	shalt  }
0x75: {  	_ =	shalt  }
0x76: {  	_ =	shalt  }
0x77: {  	_ =	shalt  }
0x78: {  	_ =	shalt  }
0x79: {  	_ =	shalt  }
0x7a: {  	_ =	shalt  }
0x7b: {  	_ =	shalt  }
0x7c: {  	_ =	shalt  }
0x7d: {  	_ =	shalt  }
0x7e: {  	_ =	shalt  }
0x7f: {  	_ =	shalt  }
0x80: {  	_ =	shalt  }
0x81: {  	_ =	shalt  }
0x82: {  	_ =	shalt  }
0x83: {  	_ =	shalt  }
0x84: {  	_ =	shalt  }
0x85: {  	_ =	shalt  }
0x86: {  	_ =	shalt  }
0x87: {  	_ =	shalt  }
.Lfunc_end0:
.L_simem_size_0:
called_computation_lowered:
.L_overlay_start_0:
0x88: {  	s2 =	sld [smem:$0x3FD9]  }
0x89: {  	s3 =	sld [smem:$0x3FFE];
	_ =	sdelay $0x1  }
0x8a: {  	s1 =	srdreg.scid  }
0x8b: {  	s0 =	sand.u32 $0x1, s1  }
0x8c: {  	s17 =	sshll.u32 s0, $0xA;
	s2 =	sadd.s32 s3, s2  }
0x8d: {  	s2 =	sadd.s32 s2, s17  }
0x8e: {  	[smem:$0x3FC7] =	sst s2  }
0x8f: {  	_ = 	snop  }
0x90: {  	s2 =	sld [smem:$0x3FD0];
	(tm) =	ssettm $0x1  }
0x91: {  	s18 =	sld [smem:$0x3FFB];
	_ =	sdelay $0x3  }
0x92: {  	_ =	strace s18  }
0x93: {  	s3 =	sld [smem:$0x3FFC];
	_ =	sdelay $0x3  }
0x94: {  	_ =	strace s3  }
0x95: {  	s3 =	sld [smem:$0x3FFD];
	_ =	sdelay $0x3  }
0x96: {  	_ =	strace s3  }
0x97: {  	_ =	strace $0x8FFFFFFF  }
0x98: {  	s19 =	sld [smem:$0x3FDB];
	_ =	sdelay $0x1  }
0x99: {  	s4 =	simm.s32 $_scs_section_size  }
0x9a: {  	s5 =	simm.s32 $_size__tile_overlayer_lowered;
	s6 =	simm.s32 $_tile_overlayer_lowered  }
0x9b: {  	s22 =	simm.s32 $0x1BFF;
	s21 =	sshll.u32 s6, $0x1;
	s3 =	sadd.s32 s4, s19  }
0x9c: {  	s7 =	simm.s32 $0x0;
	s20 =	sshll.u32 s5, $0x1;
	s5 =	sadd.s32 s21, s3  }
0x9d: {  	[timem:s7], [sflag:s22] =	dma.local [hbm:s5], s20  }
0x9e: {  	_ =	swait.ge [sflag:s22], s20  }
0x9f: {  	s4 =	ssub.s32 $0x0, s20;
	[sflag:s22] =	ssyncset.done $0x0  }
0xa0: {  	[sflag:s22] =	ssyncadd.s32 s4;
	_ =	sdelay $0x1  }
0xa1: {  	s23 =	simm.s32 $0x1B8B  }
0xa2: {  	_ =	swait.ge [sflag:s23], $0x1  }
0xa3: {  	[sflag:s23] =	ssyncset.done $0x0  }
0xa4: {  	s25 =	simm.s32 $0x1B8E;
	s24 =	sld [smem:$0x3FFE];
	[sflag:s23] =	ssyncadd.s32 $0xFFFFFFFF  }
0xa5: {  	s26 =	simm.s32 $execute0_lowered;
	[smem:$0x3FD2] =	sst s25  }
0xa6: {  	s5 =	sshll.u32 s26, $0x1;
	_ =	strace $0x80000046;
	[dreg:$0x1] =	wrdreg $0xFFFFFFFF  }
0xa7: {  	s28 =	simm.s32 $_size_execute0_lowered;
	s3 =	sadd.s32 s3, s5;
	[dreg:$0x0] =	wrdreg $0x0  }
0xa8: {  	s5 =	sshll.u32 s28, $0x1;
	[dreg:$0x2] =	wrdreg s3  }
0xa9: {  	[dreg:$0x3] =	wrdreg s5  }
0xaa: {  	[dreg:$0x4] =	wrdreg $0xC0  }
0xab: {  	_ =	task [dreg:s7], $0x5FFFF  }
0xac: {  	[dreg:$0x1] =	wrdreg $0xFFFFFFFF  }
0xad: {  	[dreg:$0x0] =	wrdreg $0x60  }
0xae: {  	[dreg:$0x2] =	wrdreg s24  }
0xaf: {  	[dreg:$0x3] =	wrdreg s2  }
0xb0: {  	[dreg:$0x4] =	wrdreg $0x9  }
0xb1: {  	_ =	task.clear_ibuf [dreg:s7], $0x5FFFF;
	_ =	strace $0x90000046  }
0xb2: {  	s29 =	simm.s32 $0x9;
	_ =	strace $0x80000048  }
0xb3: {  	_ =	swait.ge [sflag:s29], $0x1  }
0xb4: {  	[sflag:s29] =	ssyncadd.s32 $0xFFFFFFFF  }
0xb5: {  	_ =	strace $0x90000048  }
0xb6: {  	_ =	sfence  }
0xb7: {  	s30 =	sld [smem:$0x0];
	_ =	sdelay $0x2  }
0xb8: {  	s31 =	sshll.u32 s1, $0xD;
	s1 =	sshrl.u32 s1, $0x2  }
0xb9: {  	s3 =	sand.u32 $0x4000, s31;
	s1 =	sadd.s32 s1, s30  }
0xba: {  	s0 =	sor.u32 s3, s0;
	s1 =	sshll.u32 s1, $0x11  }
0xbb: {  	s0 =	sor.u32 s1, s0  }
0xbc: {  	s0 =	sadd.s32 $0x8F2B, s0  }
0xbd: {  	[sflag:s0] =	ssyncadd.remote.s32 $0x1  }
0xbe: {  	_ =	sfence.sel $0xFFFF  }
0xbf: {  	[dreg:$0x0] =	wrdreg $0xFFFFFFFF;
	(pc) =	sbr.abs _section_cstart, $3  }
0xc0: {  	[dreg:$0x1] =	wrdreg $0xFFFFFFFF  }
0xc1: {  	_ =	task.clear_ibuf [dreg:s7], $0x2FFFF;
	_ =	strace $0x9FFFFFFF  }
0xc2: {  	(tm) =	ssettm $0x7FFFFFFF  }
0xc3: {  	_ =	shalt  }
tec
execute0_lowered:
.L_overlay_start_1:
0x0: {  	(tag) =	ssettag $0x1  }
0x1: {  	s1 =	srdreg.scid;
	s7 =	rddreg [dreg:$0x0]  }
0x2: {  	s0 =	stileid.u32;
	s2 =	rddreg [dreg:$0x1];
	s4 =	simm.s32 $0x1  }
0x3: {  	s3 =	simm.s32 $0x0;
	s18 =	simm.s32 $0xC800;
	s20 =	sand.u32 $0x1, s1  }
0x4: {  	s19 =	simm.s32 $0x2;
	[smem:$0x7FF] =	sst s3;
	s1 =	sor.u32 s20, s0  }
0x5: {  	p0 =	seq.s32 s20, $0x1;
	s11 =	ssub.s32 $0x2, s20;
	p1 =	seq.s32 s1, $0x0  }
0x6: {  	s9 =	smul.u32 $0x3E, s20;
	s12 =	sshrl.u32 s11, $0x1;
	p1 =	por !p1, !p0  }
0x7: {  	s1 =	rddreg [dreg:$0x2];
	s15 =	ssub.s32 s11, s12;
	p1 =	por !p1, !p1  }
0x8: {  	_ =	strace $0x80000047;
	s15 =	smax.u32 s15, $0x1;
	s4 =	simm.s32 @!p1 $0x0  }
0x9: {  	p1 =	seq.s32 s20, $0x0;
	s10 =	ssub.s32 s0, s4;
	s4 =	smul.u32 $0x1F0, s20  }
0xa: {  	s20 =	simm.s32 $0x0;
	s6 =	sshll.u32 s10, $0x8;
	s5 =	smul.u32 $0x7D, s10  }
0xb: {  	s31 =	smul.u32 $0x3E800, s10;
	s8 =	sand.u32 $0x1FFFFF00, s6;
	s6 =	simm.s32 $0x1  }
0xc: {  	s13 =	sadd.s32 $0x1E0, s4;
	s17 =	sadd.s32 $0x1B0, s4;
	s12 =	sadd.s32 $0x48, s4  }
0xd: {  	s8 =	sadd.s32 s8, s7;
	s9 =	sadd.s32 s9, s5;
	s7 =	sadd.s32 $0x18, s4  }
0xe: {  	s14 =	sshrl.u32 s13, $0x3;
	s16 =	sadd.s32 $0x1E000, s31;
	v2 =	vmov s17;
	s17 =	simm.s32 $0x800  }
0xf: {  	s9 =	sshll.u32 s9, $0xB;
	s30 =	sshrl.u32 s7, $0x3;
	s8 =	sadd.s32 $0x400, s8  }
.Ltmp0:
0x10: {  	v4 =	vlaneseq.u32;
	s14 =	sadd.s32 s14, s5;
	s16 =	sand.u32 $0x1FFFF800, s16;
	(pc) =	sbr.rel .LBB2_1-.Ltmp0, $4  }
0x11: {  	v5 =	vimm.f32 $-5.000000000e+00;
	v6 =	vimm.f32 $5.000000000e+00;
	v7 =	vor.u32 $0x10, v4;
	s9 =	sand.u32 $0x1FFFF800, s9;
	s11 =	sadd.s32 s30, s5;
	s14 =	sshll.u32 s14, $0xB  }
0x12: {  	v8 =	vor.u32 $0x20, v4;
	v9 =	vor.u32 $0x30, v4;
	v3 =	vmov s13;
	s13 =	sadd.s32 s2, s16;
	s16 =	simm.s32 $0x3;
	s11 =	sshll.u32 s11, $0xB  }
0x13: {  	v10 =	vor.u32 $0x40, v4;
	v11 =	vor.u32 $0x50, v4;
	v12 =	vor.u32 $0x60, v4;
	s9 =	sadd.s32 s2, s9;
	s14 =	sand.u32 $0x1FFFF800, s14;
	s11 =	sand.u32 $0x1FFFF800, s11  }
0x14: {  	v13 =	vor.u32 $0x70, v4;
	v0 =	vmov s4;
	v1 =	vmov s7;
	s14 =	sadd.s32 s2, s14;
	s10 =	sadd.s32 s2, s11;
	s11 =	sadd.s32 $0x30, s4  }
.LBB2_22:
0x15: {  	s20 =	sadd.s32 $0x1, s20  }
0x16: {  	p2 =	sne.s32 s20, s15  }
.Ltmp1:
0x17: {  	_ = 	snop;
	(pc) =	sbr.rel @!p2 .LBB2_23-.Ltmp1, $4  }
0x18: {  	_ = 	snop  }
0x19: {  	_ =	swait.ge [sflag:s19], $0xC000  }
0x1a: {  	[sflag:s19] =	ssyncset.done $0x0  }
0x1b: {  	[sflag:s19] =	ssyncadd.s32 $0xFFFF4000  }
.LBB2_1:
0x1c: {  	[tilespmem:s3], [sflag:$0x3] =	stream.linear.gather [hbm4b:s8+s3], $0x800, $0x38;
	[tilespmem:$0x18800] =	vst v63  }
0x1d: {  	_ =	swait.ge [sflag:s16], $0x800  }
0x1e: {  	[sflag:s16] =	ssyncset.done $0x0  }
0x1f: {  	s21 =	simm.s32 $0x0;
	s22 =	simm.s32 $0x1000;
	[sflag:s16] =	ssyncadd.s32 $0xFFFFF800  }
.LBB2_2:
0x20: {  	p2 =	sne.s32 s22, $0x2F000;
	[tilespmem:s21+$0xBF0] =	vst v5  }
0x21: {  	[tilespmem:s21+$0x800] =	vst v5  }
0x22: {  	[tilespmem:s21+$0x810] =	vst v5  }
0x23: {  	[tilespmem:s21+$0x820] =	vst v5  }
0x24: {  	[tilespmem:s21+$0x830] =	vst v5  }
0x25: {  	[tilespmem:s21+$0x840] =	vst v5  }
0x26: {  	[tilespmem:s21+$0x850] =	vst v5  }
0x27: {  	[tilespmem:s21+$0x860] =	vst v5  }
0x28: {  	[tilespmem:s21+$0x870] =	vst v5  }
0x29: {  	[tilespmem:s21+$0x880] =	vst v5  }
0x2a: {  	[tilespmem:s21+$0x890] =	vst v5  }
0x2b: {  	[tilespmem:s21+$0x8A0] =	vst v5  }
0x2c: {  	[tilespmem:s21+$0x8B0] =	vst v5  }
0x2d: {  	[tilespmem:s21+$0x8C0] =	vst v5  }
0x2e: {  	[tilespmem:s21+$0x8D0] =	vst v5  }
0x2f: {  	[tilespmem:s21+$0x8E0] =	vst v5  }
0x30: {  	[tilespmem:s21+$0x8F0] =	vst v5  }
0x31: {  	[tilespmem:s21+$0x900] =	vst v5  }
0x32: {  	[tilespmem:s21+$0x910] =	vst v5  }
0x33: {  	[tilespmem:s21+$0x920] =	vst v5  }
0x34: {  	[tilespmem:s21+$0x930] =	vst v5  }
0x35: {  	[tilespmem:s21+$0x940] =	vst v5  }
0x36: {  	[tilespmem:s21+$0x950] =	vst v5  }
0x37: {  	[tilespmem:s21+$0x960] =	vst v5  }
0x38: {  	[tilespmem:s21+$0x970] =	vst v5  }
0x39: {  	[tilespmem:s21+$0x980] =	vst v5  }
0x3a: {  	[tilespmem:s21+$0x990] =	vst v5  }
0x3b: {  	[tilespmem:s21+$0x9A0] =	vst v5  }
0x3c: {  	[tilespmem:s21+$0x9B0] =	vst v5  }
0x3d: {  	[tilespmem:s21+$0x9C0] =	vst v5  }
0x3e: {  	[tilespmem:s21+$0x9D0] =	vst v5  }
0x3f: {  	[tilespmem:s21+$0x9E0] =	vst v5  }
0x40: {  	[tilespmem:s21+$0x9F0] =	vst v5  }
0x41: {  	[tilespmem:s21+$0xA00] =	vst v5  }
0x42: {  	[tilespmem:s21+$0xA10] =	vst v5  }
0x43: {  	[tilespmem:s21+$0xA20] =	vst v5  }
0x44: {  	[tilespmem:s21+$0xA30] =	vst v5  }
0x45: {  	[tilespmem:s21+$0xA40] =	vst v5  }
0x46: {  	[tilespmem:s21+$0xA50] =	vst v5  }
0x47: {  	[tilespmem:s21+$0xA60] =	vst v5  }
0x48: {  	[tilespmem:s21+$0xA70] =	vst v5  }
0x49: {  	[tilespmem:s21+$0xA80] =	vst v5  }
0x4a: {  	[tilespmem:s21+$0xA90] =	vst v5  }
0x4b: {  	[tilespmem:s21+$0xAA0] =	vst v5  }
0x4c: {  	[tilespmem:s21+$0xAB0] =	vst v5  }
0x4d: {  	[tilespmem:s21+$0xAC0] =	vst v5  }
0x4e: {  	[tilespmem:s21+$0xAD0] =	vst v5  }
0x4f: {  	[tilespmem:s21+$0xAE0] =	vst v5  }
0x50: {  	[tilespmem:s21+$0xAF0] =	vst v5  }
0x51: {  	[tilespmem:s21+$0xB00] =	vst v5  }
0x52: {  	[tilespmem:s21+$0xB10] =	vst v5  }
0x53: {  	[tilespmem:s21+$0xB20] =	vst v5  }
0x54: {  	[tilespmem:s21+$0xB30] =	vst v5  }
0x55: {  	[tilespmem:s21+$0xB40] =	vst v5  }
0x56: {  	[tilespmem:s21+$0xB50] =	vst v5  }
0x57: {  	[tilespmem:s21+$0xB60] =	vst v5  }
0x58: {  	[tilespmem:s21+$0xB70] =	vst v5  }
0x59: {  	[tilespmem:s21+$0xB80] =	vst v5  }
0x5a: {  	[tilespmem:s21+$0xB90] =	vst v5  }
.Ltmp2:
0x5b: {  	[tilespmem:s21+$0xBA0] =	vst v5;
	(pc) =	sbr.rel @p2 .LBB2_2-.Ltmp2, $4  }
0x5c: {  	[tilespmem:s21+$0xBB0] =	vst v5  }
0x5d: {  	[tilespmem:s21+$0xBC0] =	vst v5  }
0x5e: {  	[tilespmem:s21+$0xBD0] =	vst v5  }
0x5f: {  	[tilespmem:s21+$0xBE0] =	vst v5;
	s21 =	sshra.s32 s22, $0x2;
	s22 =	sadd.s32 $0x1000, s22  }
0x60: {  	[tilespmem:s21+$0xBF0] =	vst v5  }
0x61: {  	[tilespmem:s21+$0x800] =	vst v5  }
0x62: {  	[tilespmem:s21+$0x810] =	vst v5  }
0x63: {  	[tilespmem:s21+$0x820] =	vst v5  }
0x64: {  	[tilespmem:s21+$0x830] =	vst v5  }
0x65: {  	[tilespmem:s21+$0x840] =	vst v5  }
0x66: {  	[tilespmem:s21+$0x850] =	vst v5  }
0x67: {  	[tilespmem:s21+$0x860] =	vst v5  }
0x68: {  	[tilespmem:s21+$0x870] =	vst v5  }
0x69: {  	[tilespmem:s21+$0x880] =	vst v5  }
0x6a: {  	[tilespmem:s21+$0x890] =	vst v5  }
0x6b: {  	[tilespmem:s21+$0x8A0] =	vst v5  }
0x6c: {  	[tilespmem:s21+$0x8B0] =	vst v5  }
0x6d: {  	[tilespmem:s21+$0x8C0] =	vst v5  }
0x6e: {  	[tilespmem:s21+$0x8D0] =	vst v5  }
0x6f: {  	[tilespmem:s21+$0x8E0] =	vst v5  }
0x70: {  	[tilespmem:s21+$0x8F0] =	vst v5  }
0x71: {  	[tilespmem:s21+$0x900] =	vst v5  }
0x72: {  	[tilespmem:s21+$0x910] =	vst v5  }
0x73: {  	[tilespmem:s21+$0x920] =	vst v5  }
0x74: {  	[tilespmem:s21+$0x930] =	vst v5  }
0x75: {  	[tilespmem:s21+$0x940] =	vst v5  }
0x76: {  	[tilespmem:s21+$0x950] =	vst v5  }
0x77: {  	[tilespmem:s21+$0x960] =	vst v5  }
0x78: {  	[tilespmem:s21+$0x970] =	vst v5  }
0x79: {  	[tilespmem:s21+$0x980] =	vst v5  }
0x7a: {  	[tilespmem:s21+$0x990] =	vst v5  }
0x7b: {  	[tilespmem:s21+$0x9A0] =	vst v5  }
0x7c: {  	[tilespmem:s21+$0x9B0] =	vst v5  }
0x7d: {  	[tilespmem:s21+$0x9C0] =	vst v5  }
0x7e: {  	[tilespmem:s21+$0x9D0] =	vst v5  }
0x7f: {  	[tilespmem:s21+$0x9E0] =	vst v5  }
0x80: {  	[tilespmem:s21+$0x9F0] =	vst v5  }
0x81: {  	[tilespmem:s21+$0xA00] =	vst v5  }
0x82: {  	[tilespmem:s21+$0xA10] =	vst v5  }
0x83: {  	[tilespmem:s21+$0xA20] =	vst v5  }
0x84: {  	[tilespmem:s21+$0xA30] =	vst v5  }
0x85: {  	[tilespmem:s21+$0xA40] =	vst v5  }
0x86: {  	[tilespmem:s21+$0xA50] =	vst v5  }
0x87: {  	[tilespmem:s21+$0xA60] =	vst v5  }
0x88: {  	[tilespmem:s21+$0xA70] =	vst v5  }
0x89: {  	[tilespmem:s21+$0xA80] =	vst v5  }
0x8a: {  	[tilespmem:s21+$0xA90] =	vst v5  }
0x8b: {  	[tilespmem:s21+$0xAA0] =	vst v5  }
0x8c: {  	[tilespmem:s21+$0xAB0] =	vst v5  }
0x8d: {  	[tilespmem:s21+$0xAC0] =	vst v5  }
0x8e: {  	[tilespmem:s21+$0xAD0] =	vst v5  }
0x8f: {  	[tilespmem:s21+$0xAE0] =	vst v5  }
0x90: {  	[tilespmem:s21+$0xAF0] =	vst v5  }
0x91: {  	[tilespmem:s21+$0xB00] =	vst v5  }
0x92: {  	[tilespmem:s21+$0xB10] =	vst v5  }
0x93: {  	[tilespmem:s21+$0xB20] =	vst v5  }
0x94: {  	[tilespmem:s21+$0xB30] =	vst v5  }
0x95: {  	[tilespmem:s21+$0xB40] =	vst v5  }
0x96: {  	[tilespmem:s21+$0xB50] =	vst v5  }
0x97: {  	[tilespmem:s21+$0xB60] =	vst v5  }
0x98: {  	[tilespmem:s21+$0xB70] =	vst v5  }
0x99: {  	[tilespmem:s21+$0xB80] =	vst v5  }
0x9a: {  	[tilespmem:s21+$0xB90] =	vst v5  }
0x9b: {  	[tilespmem:s21+$0xBA0] =	vst v5  }
0x9c: {  	[tilespmem:s21+$0xBB0] =	vst v5  }
0x9d: {  	[tilespmem:s21+$0xBC0] =	vst v5  }
0x9e: {  	[tilespmem:s21+$0xBD0] =	vst v5  }
0x9f: {  	[tilespmem:s21+$0xBE0] =	vst v5;
	s21 =	simm.s32 $0x0;
	s22 =	simm.s32 $0x40  }
.LBB2_4:
0xa0: {  	v14 =	vld [tilespmem:s22+$0xFFFFFFC0];
	_ =	sdelay $0x4  }
0xa1: {  	v15 =	vsub.s32 v14, v0  }
0xa2: {  	v16 =	vshll.u32 v15, $0x1  }
0xa3: {  	v16 =	vand.u32 $0x3FFFF0, v16  }
0xa4: {  	v14 =	vshll.u32 v14, $0x7;
	v16 =	vadd.s32 s21, v16  }
0xa5: {  	v14 =	vand.u32 $0x380, v14;
	v16 =	vshll.u32 v16, $0xA  }
0xa6: {  	vm0 =	vlt.u32 v15, $0x18;
	v14 =	vor.u32 v14, v16  }
0xa7: {  	v14 =	vor.u32 v4, v14;
	_ =	sdelay $0x4  }
0xa8: {  	[tilespmem:v14+s17+$0x0] =	vst.idx.msk vm0, v6  }
0xa9: {  	v14 =	vld [tilespmem:s22+$0xFFFFFFD0];
	_ =	sdelay $0x4  }
0xaa: {  	v15 =	vsub.s32 v14, v0  }
0xab: {  	v57 =	vshll.u32 v15, $0x1  }
0xac: {  	v16 =	vand.u32 $0x3FFFF0, v57  }
0xad: {  	v14 =	vshll.u32 v14, $0x7;
	v16 =	vadd.s32 s21, v16  }
0xae: {  	v14 =	vand.u32 $0x380, v14;
	v16 =	vshll.u32 v16, $0xA  }
0xaf: {  	vm9 =	vlt.u32 v15, $0x18;
	v14 =	vor.u32 v14, v16  }
0xb0: {  	v14 =	vor.u32 v7, v14;
	_ =	sdelay $0x4  }
0xb1: {  	[tilespmem:v14+s17+$0x0] =	vst.idx.msk vm9, v6  }
0xb2: {  	v14 =	vld [tilespmem:s22+$0xFFFFFFE0];
	_ =	sdelay $0x4  }
0xb3: {  	v15 =	vsub.s32 v14, v0  }
0xb4: {  	v58 =	vshll.u32 v15, $0x1  }
0xb5: {  	v16 =	vand.u32 $0x3FFFF0, v58  }
0xb6: {  	v14 =	vshll.u32 v14, $0x7;
	v16 =	vadd.s32 s21, v16  }
0xb7: {  	v14 =	vand.u32 $0x380, v14;
	v16 =	vshll.u32 v16, $0xA  }
0xb8: {  	vm10 =	vlt.u32 v15, $0x18;
	v14 =	vor.u32 v14, v16  }
0xb9: {  	v14 =	vor.u32 v8, v14;
	_ =	sdelay $0x4  }
0xba: {  	[tilespmem:v14+s17+$0x0] =	vst.idx.msk vm10, v6  }
0xbb: {  	v14 =	vld [tilespmem:s22+$0xFFFFFFF0];
	_ =	sdelay $0x4  }
0xbc: {  	v15 =	vsub.s32 v14, v0  }
0xbd: {  	v59 =	vshll.u32 v15, $0x1  }
0xbe: {  	v16 =	vand.u32 $0x3FFFF0, v59  }
0xbf: {  	v14 =	vshll.u32 v14, $0x7;
	v16 =	vadd.s32 s21, v16  }
0xc0: {  	v14 =	vand.u32 $0x380, v14;
	v16 =	vshll.u32 v16, $0xA  }
0xc1: {  	vm11 =	vlt.u32 v15, $0x18;
	v14 =	vor.u32 v14, v16  }
0xc2: {  	v14 =	vor.u32 v9, v14;
	_ =	sdelay $0x4  }
0xc3: {  	[tilespmem:v14+s17+$0x0] =	vst.idx.msk vm11, v6  }
0xc4: {  	v14 =	vld [tilespmem:s22+$0x0];
	_ =	sdelay $0x4  }
0xc5: {  	v15 =	vsub.s32 v14, v0  }
0xc6: {  	v60 =	vshll.u32 v15, $0x1  }
0xc7: {  	v16 =	vand.u32 $0x3FFFF0, v60  }
0xc8: {  	v14 =	vshll.u32 v14, $0x7;
	v16 =	vadd.s32 s21, v16  }
0xc9: {  	v14 =	vand.u32 $0x380, v14;
	v16 =	vshll.u32 v16, $0xA  }
0xca: {  	vm12 =	vlt.u32 v15, $0x18;
	v14 =	vor.u32 v14, v16  }
0xcb: {  	v14 =	vor.u32 v10, v14;
	_ =	sdelay $0x4  }
0xcc: {  	[tilespmem:v14+s17+$0x0] =	vst.idx.msk vm12, v6  }
0xcd: {  	v14 =	vld [tilespmem:s22+$0x10];
	_ =	sdelay $0x4  }
0xce: {  	v15 =	vsub.s32 v14, v0  }
0xcf: {  	v61 =	vshll.u32 v15, $0x1  }
0xd0: {  	v16 =	vand.u32 $0x3FFFF0, v61  }
0xd1: {  	v14 =	vshll.u32 v14, $0x7;
	v16 =	vadd.s32 s21, v16  }
0xd2: {  	v14 =	vand.u32 $0x380, v14;
	v16 =	vshll.u32 v16, $0xA  }
0xd3: {  	vm13 =	vlt.u32 v15, $0x18;
	v14 =	vor.u32 v14, v16  }
0xd4: {  	v14 =	vor.u32 v11, v14;
	_ =	sdelay $0x4  }
0xd5: {  	[tilespmem:v14+s17+$0x0] =	vst.idx.msk vm13, v6  }
0xd6: {  	v14 =	vld [tilespmem:s22+$0x20];
	_ =	sdelay $0x4  }
0xd7: {  	v15 =	vsub.s32 v14, v0  }
0xd8: {  	v62 =	vshll.u32 v15, $0x1  }
0xd9: {  	v16 =	vand.u32 $0x3FFFF0, v62  }
0xda: {  	v14 =	vshll.u32 v14, $0x7;
	v16 =	vadd.s32 s21, v16  }
0xdb: {  	v14 =	vand.u32 $0x380, v14;
	v16 =	vshll.u32 v16, $0xA  }
0xdc: {  	vm14 =	vlt.u32 v15, $0x18;
	v14 =	vor.u32 v14, v16  }
0xdd: {  	v14 =	vor.u32 v12, v14;
	_ =	sdelay $0x4  }
0xde: {  	[tilespmem:v14+s17+$0x0] =	vst.idx.msk vm14, v6  }
0xdf: {  	v14 =	vld [tilespmem:s22+$0x30];
	_ =	sdelay $0x4  }
0xe0: {  	v15 =	vsub.s32 v14, v0  }
0xe1: {  	v63 =	vshll.u32 v15, $0x1  }
0xe2: {  	v16 =	vand.u32 $0x3FFFF0, v63  }
0xe3: {  	v14 =	vshll.u32 v14, $0x7;
	v16 =	vadd.s32 s21, v16  }
0xe4: {  	v14 =	vand.u32 $0x380, v14;
	v16 =	vshll.u32 v16, $0xA  }
0xe5: {  	vm15 =	vlt.u32 v15, $0x18;
	v14 =	vor.u32 v14, v16  }
0xe6: {  	p2 =	sne.s32 s21, $0xF;
	v14 =	vor.u32 v13, v14  }
.Ltmp3:
0xe7: {  	_ = 	snop;
	(pc) =	sbr.rel @p2 .LBB2_4-.Ltmp3, $2  }
0xe8: {  	_ =	sdelay $0x2  }
0xe9: {  	s22 =	sadd.s32 $0x80, s22;
	s21 =	sadd.s32 $0x1, s21;
	[tilespmem:v14+s17+$0x0] =	vst.idx.msk vm15, v6  }
0xea: {  	s21 =	simm.s32 $0x0;
	s22 =	simm.s32 $0x0;
	s23 =	simm.s32 $0x1000  }
0xeb: {  	[hbm4b:s9+s21] =	stream.linear.scatter [tilespmem:s17], [sflag:$0x1], $0xC000, $0x38;
	[tilespmem:$0x18800] =	vst v63  }
.LBB2_6:
0xec: {  	p2 =	sne.s32 s23, $0x2F000;
	[tilespmem:s22+$0xCBF0] =	vst v5  }
0xed: {  	[tilespmem:s22+$0xC800] =	vst v5  }
0xee: {  	[tilespmem:s22+$0xC810] =	vst v5  }
0xef: {  	[tilespmem:s22+$0xC820] =	vst v5  }
0xf0: {  	[tilespmem:s22+$0xC830] =	vst v5  }
0xf1: {  	[tilespmem:s22+$0xC840] =	vst v5  }
0xf2: {  	[tilespmem:s22+$0xC850] =	vst v5  }
0xf3: {  	[tilespmem:s22+$0xC860] =	vst v5  }
0xf4: {  	[tilespmem:s22+$0xC870] =	vst v5  }
0xf5: {  	[tilespmem:s22+$0xC880] =	vst v5  }
0xf6: {  	[tilespmem:s22+$0xC890] =	vst v5  }
0xf7: {  	[tilespmem:s22+$0xC8A0] =	vst v5  }
0xf8: {  	[tilespmem:s22+$0xC8B0] =	vst v5  }
0xf9: {  	[tilespmem:s22+$0xC8C0] =	vst v5  }
0xfa: {  	[tilespmem:s22+$0xC8D0] =	vst v5  }
0xfb: {  	[tilespmem:s22+$0xC8E0] =	vst v5  }
0xfc: {  	[tilespmem:s22+$0xC8F0] =	vst v5  }
0xfd: {  	[tilespmem:s22+$0xC900] =	vst v5  }
0xfe: {  	[tilespmem:s22+$0xC910] =	vst v5  }
0xff: {  	[tilespmem:s22+$0xC920] =	vst v5  }
0x100: {  	[tilespmem:s22+$0xC930] =	vst v5  }
0x101: {  	[tilespmem:s22+$0xC940] =	vst v5  }
0x102: {  	[tilespmem:s22+$0xC950] =	vst v5  }
0x103: {  	[tilespmem:s22+$0xC960] =	vst v5  }
0x104: {  	[tilespmem:s22+$0xC970] =	vst v5  }
0x105: {  	[tilespmem:s22+$0xC980] =	vst v5  }
0x106: {  	[tilespmem:s22+$0xC990] =	vst v5  }
0x107: {  	[tilespmem:s22+$0xC9A0] =	vst v5  }
0x108: {  	[tilespmem:s22+$0xC9B0] =	vst v5  }
0x109: {  	[tilespmem:s22+$0xC9C0] =	vst v5  }
0x10a: {  	[tilespmem:s22+$0xC9D0] =	vst v5  }
0x10b: {  	[tilespmem:s22+$0xC9E0] =	vst v5  }
0x10c: {  	[tilespmem:s22+$0xC9F0] =	vst v5  }
0x10d: {  	[tilespmem:s22+$0xCA00] =	vst v5  }
0x10e: {  	[tilespmem:s22+$0xCA10] =	vst v5  }
0x10f: {  	[tilespmem:s22+$0xCA20] =	vst v5  }
0x110: {  	[tilespmem:s22+$0xCA30] =	vst v5  }
0x111: {  	[tilespmem:s22+$0xCA40] =	vst v5  }
0x112: {  	[tilespmem:s22+$0xCA50] =	vst v5  }
0x113: {  	[tilespmem:s22+$0xCA60] =	vst v5  }
0x114: {  	[tilespmem:s22+$0xCA70] =	vst v5  }
0x115: {  	[tilespmem:s22+$0xCA80] =	vst v5  }
0x116: {  	[tilespmem:s22+$0xCA90] =	vst v5  }
0x117: {  	[tilespmem:s22+$0xCAA0] =	vst v5  }
0x118: {  	[tilespmem:s22+$0xCAB0] =	vst v5  }
0x119: {  	[tilespmem:s22+$0xCAC0] =	vst v5  }
0x11a: {  	[tilespmem:s22+$0xCAD0] =	vst v5  }
0x11b: {  	[tilespmem:s22+$0xCAE0] =	vst v5  }
0x11c: {  	[tilespmem:s22+$0xCAF0] =	vst v5  }
0x11d: {  	[tilespmem:s22+$0xCB00] =	vst v5  }
0x11e: {  	[tilespmem:s22+$0xCB10] =	vst v5  }
0x11f: {  	[tilespmem:s22+$0xCB20] =	vst v5  }
0x120: {  	[tilespmem:s22+$0xCB30] =	vst v5  }
0x121: {  	[tilespmem:s22+$0xCB40] =	vst v5  }
0x122: {  	[tilespmem:s22+$0xCB50] =	vst v5  }
0x123: {  	[tilespmem:s22+$0xCB60] =	vst v5  }
0x124: {  	[tilespmem:s22+$0xCB70] =	vst v5  }
0x125: {  	[tilespmem:s22+$0xCB80] =	vst v5  }
0x126: {  	[tilespmem:s22+$0xCB90] =	vst v5  }
.Ltmp4:
0x127: {  	[tilespmem:s22+$0xCBA0] =	vst v5;
	(pc) =	sbr.rel @p2 .LBB2_6-.Ltmp4, $4  }
0x128: {  	[tilespmem:s22+$0xCBB0] =	vst v5  }
0x129: {  	[tilespmem:s22+$0xCBC0] =	vst v5  }
0x12a: {  	[tilespmem:s22+$0xCBD0] =	vst v5  }
0x12b: {  	[tilespmem:s22+$0xCBE0] =	vst v5;
	s22 =	sshra.s32 s23, $0x2;
	s23 =	sadd.s32 $0x1000, s23  }
0x12c: {  	[tilespmem:s22+$0xCBF0] =	vst v5  }
0x12d: {  	[tilespmem:s22+$0xC800] =	vst v5  }
0x12e: {  	[tilespmem:s22+$0xC810] =	vst v5  }
0x12f: {  	[tilespmem:s22+$0xC820] =	vst v5  }
0x130: {  	[tilespmem:s22+$0xC830] =	vst v5  }
0x131: {  	[tilespmem:s22+$0xC840] =	vst v5  }
0x132: {  	[tilespmem:s22+$0xC850] =	vst v5  }
0x133: {  	[tilespmem:s22+$0xC860] =	vst v5  }
0x134: {  	[tilespmem:s22+$0xC870] =	vst v5  }
0x135: {  	[tilespmem:s22+$0xC880] =	vst v5  }
0x136: {  	[tilespmem:s22+$0xC890] =	vst v5  }
0x137: {  	[tilespmem:s22+$0xC8A0] =	vst v5  }
0x138: {  	[tilespmem:s22+$0xC8B0] =	vst v5  }
0x139: {  	[tilespmem:s22+$0xC8C0] =	vst v5  }
0x13a: {  	[tilespmem:s22+$0xC8D0] =	vst v5  }
0x13b: {  	[tilespmem:s22+$0xC8E0] =	vst v5  }
0x13c: {  	[tilespmem:s22+$0xC8F0] =	vst v5  }
0x13d: {  	[tilespmem:s22+$0xC900] =	vst v5  }
0x13e: {  	[tilespmem:s22+$0xC910] =	vst v5  }
0x13f: {  	[tilespmem:s22+$0xC920] =	vst v5  }
0x140: {  	[tilespmem:s22+$0xC930] =	vst v5  }
0x141: {  	[tilespmem:s22+$0xC940] =	vst v5  }
0x142: {  	[tilespmem:s22+$0xC950] =	vst v5  }
0x143: {  	[tilespmem:s22+$0xC960] =	vst v5  }
0x144: {  	[tilespmem:s22+$0xC970] =	vst v5  }
0x145: {  	[tilespmem:s22+$0xC980] =	vst v5  }
0x146: {  	[tilespmem:s22+$0xC990] =	vst v5  }
0x147: {  	[tilespmem:s22+$0xC9A0] =	vst v5  }
0x148: {  	[tilespmem:s22+$0xC9B0] =	vst v5  }
0x149: {  	[tilespmem:s22+$0xC9C0] =	vst v5  }
0x14a: {  	[tilespmem:s22+$0xC9D0] =	vst v5  }
0x14b: {  	[tilespmem:s22+$0xC9E0] =	vst v5  }
0x14c: {  	[tilespmem:s22+$0xC9F0] =	vst v5  }
0x14d: {  	[tilespmem:s22+$0xCA00] =	vst v5  }
0x14e: {  	[tilespmem:s22+$0xCA10] =	vst v5  }
0x14f: {  	[tilespmem:s22+$0xCA20] =	vst v5  }
0x150: {  	[tilespmem:s22+$0xCA30] =	vst v5  }
0x151: {  	[tilespmem:s22+$0xCA40] =	vst v5  }
0x152: {  	[tilespmem:s22+$0xCA50] =	vst v5  }
0x153: {  	[tilespmem:s22+$0xCA60] =	vst v5  }
0x154: {  	[tilespmem:s22+$0xCA70] =	vst v5  }
0x155: {  	[tilespmem:s22+$0xCA80] =	vst v5  }
0x156: {  	[tilespmem:s22+$0xCA90] =	vst v5  }
0x157: {  	[tilespmem:s22+$0xCAA0] =	vst v5  }
0x158: {  	[tilespmem:s22+$0xCAB0] =	vst v5  }
0x159: {  	[tilespmem:s22+$0xCAC0] =	vst v5  }
0x15a: {  	[tilespmem:s22+$0xCAD0] =	vst v5  }
0x15b: {  	[tilespmem:s22+$0xCAE0] =	vst v5  }
0x15c: {  	[tilespmem:s22+$0xCAF0] =	vst v5  }
0x15d: {  	[tilespmem:s22+$0xCB00] =	vst v5  }
0x15e: {  	[tilespmem:s22+$0xCB10] =	vst v5  }
0x15f: {  	[tilespmem:s22+$0xCB20] =	vst v5  }
0x160: {  	[tilespmem:s22+$0xCB30] =	vst v5  }
0x161: {  	[tilespmem:s22+$0xCB40] =	vst v5  }
0x162: {  	[tilespmem:s22+$0xCB50] =	vst v5  }
0x163: {  	[tilespmem:s22+$0xCB60] =	vst v5  }
0x164: {  	[tilespmem:s22+$0xCB70] =	vst v5  }
0x165: {  	[tilespmem:s22+$0xCB80] =	vst v5  }
0x166: {  	[tilespmem:s22+$0xCB90] =	vst v5  }
0x167: {  	[tilespmem:s22+$0xCBA0] =	vst v5  }
0x168: {  	[tilespmem:s22+$0xCBB0] =	vst v5  }
0x169: {  	[tilespmem:s22+$0xCBC0] =	vst v5  }
0x16a: {  	[tilespmem:s22+$0xCBD0] =	vst v5  }
0x16b: {  	[tilespmem:s22+$0xCBE0] =	vst v5;
	s22 =	simm.s32 $0x40  }
.LBB2_8:
0x16c: {  	v14 =	vld [tilespmem:s22+$0xFFFFFFC0];
	_ =	sdelay $0x4  }
0x16d: {  	v15 =	vsub.s32 v14, v1  }
0x16e: {  	v16 =	vshll.u32 v15, $0x1  }
0x16f: {  	v16 =	vand.u32 $0x3FFFF0, v16  }
0x170: {  	v14 =	vshll.u32 v14, $0x7;
	v16 =	vadd.s32 s21, v16  }
0x171: {  	v14 =	vand.u32 $0x380, v14;
	v16 =	vshll.u32 v16, $0xA  }
0x172: {  	vm0 =	vlt.u32 v15, $0x18;
	v14 =	vor.u32 v14, v16  }
0x173: {  	v14 =	vor.u32 v4, v14;
	_ =	sdelay $0x4  }
0x174: {  	[tilespmem:v14+s18+$0x0] =	vst.idx.msk vm0, v6  }
0x175: {  	v14 =	vld [tilespmem:s22+$0xFFFFFFD0];
	_ =	sdelay $0x4  }
0x176: {  	v15 =	vsub.s32 v14, v1  }
0x177: {  	v57 =	vshll.u32 v15, $0x1  }
0x178: {  	v16 =	vand.u32 $0x3FFFF0, v57  }
0x179: {  	v14 =	vshll.u32 v14, $0x7;
	v16 =	vadd.s32 s21, v16  }
0x17a: {  	v14 =	vand.u32 $0x380, v14;
	v16 =	vshll.u32 v16, $0xA  }
0x17b: {  	vm9 =	vlt.u32 v15, $0x18;
	v14 =	vor.u32 v14, v16  }
0x17c: {  	v14 =	vor.u32 v7, v14;
	_ =	sdelay $0x4  }
0x17d: {  	[tilespmem:v14+s18+$0x0] =	vst.idx.msk vm9, v6  }
0x17e: {  	v14 =	vld [tilespmem:s22+$0xFFFFFFE0];
	_ =	sdelay $0x4  }
0x17f: {  	v15 =	vsub.s32 v14, v1  }
0x180: {  	v58 =	vshll.u32 v15, $0x1  }
0x181: {  	v16 =	vand.u32 $0x3FFFF0, v58  }
0x182: {  	v14 =	vshll.u32 v14, $0x7;
	v16 =	vadd.s32 s21, v16  }
0x183: {  	v14 =	vand.u32 $0x380, v14;
	v16 =	vshll.u32 v16, $0xA  }
0x184: {  	vm10 =	vlt.u32 v15, $0x18;
	v14 =	vor.u32 v14, v16  }
0x185: {  	v14 =	vor.u32 v8, v14;
	_ =	sdelay $0x4  }
0x186: {  	[tilespmem:v14+s18+$0x0] =	vst.idx.msk vm10, v6  }
0x187: {  	v14 =	vld [tilespmem:s22+$0xFFFFFFF0];
	_ =	sdelay $0x4  }
0x188: {  	v15 =	vsub.s32 v14, v1  }
0x189: {  	v59 =	vshll.u32 v15, $0x1  }
0x18a: {  	v16 =	vand.u32 $0x3FFFF0, v59  }
0x18b: {  	v14 =	vshll.u32 v14, $0x7;
	v16 =	vadd.s32 s21, v16  }
0x18c: {  	v14 =	vand.u32 $0x380, v14;
	v16 =	vshll.u32 v16, $0xA  }
0x18d: {  	vm11 =	vlt.u32 v15, $0x18;
	v14 =	vor.u32 v14, v16  }
0x18e: {  	v14 =	vor.u32 v9, v14;
	_ =	sdelay $0x4  }
0x18f: {  	[tilespmem:v14+s18+$0x0] =	vst.idx.msk vm11, v6  }
0x190: {  	v14 =	vld [tilespmem:s22+$0x0];
	_ =	sdelay $0x4  }
0x191: {  	v15 =	vsub.s32 v14, v1  }
0x192: {  	v60 =	vshll.u32 v15, $0x1  }
0x193: {  	v16 =	vand.u32 $0x3FFFF0, v60  }
0x194: {  	v14 =	vshll.u32 v14, $0x7;
	v16 =	vadd.s32 s21, v16  }
0x195: {  	v14 =	vand.u32 $0x380, v14;
	v16 =	vshll.u32 v16, $0xA  }
0x196: {  	vm12 =	vlt.u32 v15, $0x18;
	v14 =	vor.u32 v14, v16  }
0x197: {  	v14 =	vor.u32 v10, v14;
	_ =	sdelay $0x4  }
0x198: {  	[tilespmem:v14+s18+$0x0] =	vst.idx.msk vm12, v6  }
0x199: {  	v14 =	vld [tilespmem:s22+$0x10];
	_ =	sdelay $0x4  }
0x19a: {  	v15 =	vsub.s32 v14, v1  }
0x19b: {  	v61 =	vshll.u32 v15, $0x1  }
0x19c: {  	v16 =	vand.u32 $0x3FFFF0, v61  }
0x19d: {  	v14 =	vshll.u32 v14, $0x7;
	v16 =	vadd.s32 s21, v16  }
0x19e: {  	v14 =	vand.u32 $0x380, v14;
	v16 =	vshll.u32 v16, $0xA  }
0x19f: {  	vm13 =	vlt.u32 v15, $0x18;
	v14 =	vor.u32 v14, v16  }
0x1a0: {  	v14 =	vor.u32 v11, v14;
	_ =	sdelay $0x4  }
0x1a1: {  	[tilespmem:v14+s18+$0x0] =	vst.idx.msk vm13, v6  }
0x1a2: {  	v14 =	vld [tilespmem:s22+$0x20];
	_ =	sdelay $0x4  }
0x1a3: {  	v15 =	vsub.s32 v14, v1  }
0x1a4: {  	v62 =	vshll.u32 v15, $0x1  }
0x1a5: {  	v16 =	vand.u32 $0x3FFFF0, v62  }
0x1a6: {  	v14 =	vshll.u32 v14, $0x7;
	v16 =	vadd.s32 s21, v16  }
0x1a7: {  	v14 =	vand.u32 $0x380, v14;
	v16 =	vshll.u32 v16, $0xA  }
0x1a8: {  	vm14 =	vlt.u32 v15, $0x18;
	v14 =	vor.u32 v14, v16  }
0x1a9: {  	v14 =	vor.u32 v12, v14;
	_ =	sdelay $0x4  }
0x1aa: {  	[tilespmem:v14+s18+$0x0] =	vst.idx.msk vm14, v6  }
0x1ab: {  	v14 =	vld [tilespmem:s22+$0x30];
	_ =	sdelay $0x4  }
0x1ac: {  	v15 =	vsub.s32 v14, v1  }
0x1ad: {  	v63 =	vshll.u32 v15, $0x1  }
0x1ae: {  	v16 =	vand.u32 $0x3FFFF0, v63  }
0x1af: {  	v14 =	vshll.u32 v14, $0x7;
	v16 =	vadd.s32 s21, v16  }
0x1b0: {  	v14 =	vand.u32 $0x380, v14;
	v16 =	vshll.u32 v16, $0xA  }
0x1b1: {  	vm15 =	vlt.u32 v15, $0x18;
	v14 =	vor.u32 v14, v16  }
0x1b2: {  	p2 =	sne.s32 s21, $0xF;
	v14 =	vor.u32 v13, v14  }
.Ltmp5:
0x1b3: {  	_ = 	snop;
	(pc) =	sbr.rel @p2 .LBB2_8-.Ltmp5, $2  }
0x1b4: {  	_ =	sdelay $0x2  }
0x1b5: {  	s22 =	sadd.s32 $0x80, s22;
	s21 =	sadd.s32 $0x1, s21;
	[tilespmem:v14+s18+$0x0] =	vst.idx.msk vm15, v6  }
0x1b6: {  	s21 =	simm.s32 $0x0  }
0x1b7: {  	[hbm4b:s10+s21] =	stream.linear.scatter [tilespmem:s18], [sflag:$0x2], $0xC000, $0x38;
	[tilespmem:$0x18800] =	vst v63  }
.LBB2_10:
0x1b8: {  	s22 =	smul.u32 $0x30, s21  }
0x1b9: {  	_ =	swait.ge [sflag:s6], $0xC000  }
0x1ba: {  	[sflag:s6] =	ssyncset.done $0x0;
	s24 =	sadd.s32 s4, s22;
	s23 =	sadd.s32 s22, s11  }
0x1bb: {  	s25 =	simm.s32 $0x0;
	[sflag:s6] =	ssyncadd.s32 $0xFFFF4000;
	v14 =	vmov s24;
	v15 =	vmov s23;
	s24 =	simm.s32 $0x40  }
.LBB2_11:
0x1bc: {  	v16 =	vld [tilespmem:s24+$0xFFFFFFC0];
	_ =	sdelay $0x4  }
0x1bd: {  	v17 =	vsub.s32 v16, v14  }
0x1be: {  	v19 =	vsub.s32 v16, v15;
	v18 =	vshll.u32 v17, $0x1  }
0x1bf: {  	v20 =	vshll.u32 v19, $0x1;
	v18 =	vand.u32 $0x3FFFF0, v18  }
0x1c0: {  	v16 =	vshll.u32 v16, $0x7;
	v20 =	vand.u32 $0x3FFFF0, v20;
	v18 =	vadd.s32 s25, v18  }
0x1c1: {  	v16 =	vand.u32 $0x380, v16;
	v20 =	vadd.s32 s25, v20;
	v18 =	vshll.u32 v18, $0xA  }
0x1c2: {  	vm0 =	vlt.u32 v17, $0x18;
	v35 =	vshll.u32 v20, $0xA;
	v17 =	vor.u32 v16, v18  }
0x1c3: {  	vm1 =	vlt.u32 v19, $0x18;
	v16 =	vor.u32 v16, v35;
	v17 =	vor.u32 v4, v17  }
0x1c4: {  	v16 =	vor.u32 v4, v16;
	_ =	sdelay $0x3  }
0x1c5: {  	[tilespmem:v17+s17+$0x0] =	vst.idx.msk vm0, v5  }
0x1c6: {  	[tilespmem:v16+s17+$0x0] =	vst.idx.msk vm1, v6  }
0x1c7: {  	v16 =	vld [tilespmem:s24+$0xFFFFFFD0];
	_ =	sdelay $0x4  }
0x1c8: {  	v17 =	vsub.s32 v16, v14  }
0x1c9: {  	v37 =	vsub.s32 v16, v15;
	v36 =	vshll.u32 v17, $0x1  }
0x1ca: {  	v38 =	vshll.u32 v37, $0x1;
	v18 =	vand.u32 $0x3FFFF0, v36  }
0x1cb: {  	v16 =	vshll.u32 v16, $0x7;
	v20 =	vand.u32 $0x3FFFF0, v38;
	v18 =	vadd.s32 s25, v18  }
0x1cc: {  	v16 =	vand.u32 $0x380, v16;
	v20 =	vadd.s32 s25, v20;
	v18 =	vshll.u32 v18, $0xA  }
0x1cd: {  	vm14 =	vlt.u32 v17, $0x18;
	v39 =	vshll.u32 v20, $0xA;
	v17 =	vor.u32 v16, v18  }
0x1ce: {  	vm15 =	vlt.u32 v37, $0x18;
	v16 =	vor.u32 v16, v39;
	v17 =	vor.u32 v7, v17  }
0x1cf: {  	v16 =	vor.u32 v7, v16;
	_ =	sdelay $0x3  }
0x1d0: {  	[tilespmem:v17+s17+$0x0] =	vst.idx.msk vm14, v5  }
0x1d1: {  	[tilespmem:v16+s17+$0x0] =	vst.idx.msk vm15, v6  }
0x1d2: {  	v16 =	vld [tilespmem:s24+$0xFFFFFFE0];
	_ =	sdelay $0x4  }
0x1d3: {  	v17 =	vsub.s32 v16, v14  }
0x1d4: {  	v41 =	vsub.s32 v16, v15;
	v40 =	vshll.u32 v17, $0x1  }
0x1d5: {  	v42 =	vshll.u32 v41, $0x1;
	v18 =	vand.u32 $0x3FFFF0, v40  }
0x1d6: {  	v16 =	vshll.u32 v16, $0x7;
	v20 =	vand.u32 $0x3FFFF0, v42;
	v18 =	vadd.s32 s25, v18  }
0x1d7: {  	v16 =	vand.u32 $0x380, v16;
	v20 =	vadd.s32 s25, v20;
	v18 =	vshll.u32 v18, $0xA  }
0x1d8: {  	vm4 =	vlt.u32 v17, $0x18;
	v43 =	vshll.u32 v20, $0xA;
	v17 =	vor.u32 v16, v18  }
0x1d9: {  	vm5 =	vlt.u32 v41, $0x18;
	v16 =	vor.u32 v16, v43;
	v17 =	vor.u32 v8, v17  }
0x1da: {  	v16 =	vor.u32 v8, v16;
	_ =	sdelay $0x3  }
0x1db: {  	[tilespmem:v17+s17+$0x0] =	vst.idx.msk vm4, v5  }
0x1dc: {  	[tilespmem:v16+s17+$0x0] =	vst.idx.msk vm5, v6  }
0x1dd: {  	v16 =	vld [tilespmem:s24+$0xFFFFFFF0];
	_ =	sdelay $0x4  }
0x1de: {  	v17 =	vsub.s32 v16, v14  }
0x1df: {  	v45 =	vsub.s32 v16, v15;
	v44 =	vshll.u32 v17, $0x1  }
0x1e0: {  	v46 =	vshll.u32 v45, $0x1;
	v18 =	vand.u32 $0x3FFFF0, v44  }
0x1e1: {  	v16 =	vshll.u32 v16, $0x7;
	v20 =	vand.u32 $0x3FFFF0, v46;
	v18 =	vadd.s32 s25, v18  }
0x1e2: {  	v16 =	vand.u32 $0x380, v16;
	v20 =	vadd.s32 s25, v20;
	v18 =	vshll.u32 v18, $0xA  }
0x1e3: {  	vm6 =	vlt.u32 v17, $0x18;
	v47 =	vshll.u32 v20, $0xA;
	v17 =	vor.u32 v16, v18  }
0x1e4: {  	vm7 =	vlt.u32 v45, $0x18;
	v16 =	vor.u32 v16, v47;
	v17 =	vor.u32 v9, v17  }
0x1e5: {  	v16 =	vor.u32 v9, v16;
	_ =	sdelay $0x3  }
0x1e6: {  	[tilespmem:v17+s17+$0x0] =	vst.idx.msk vm6, v5  }
0x1e7: {  	[tilespmem:v16+s17+$0x0] =	vst.idx.msk vm7, v6  }
0x1e8: {  	v16 =	vld [tilespmem:s24+$0x0];
	_ =	sdelay $0x4  }
0x1e9: {  	v17 =	vsub.s32 v16, v14  }
0x1ea: {  	v49 =	vsub.s32 v16, v15;
	v48 =	vshll.u32 v17, $0x1  }
0x1eb: {  	v50 =	vshll.u32 v49, $0x1;
	v18 =	vand.u32 $0x3FFFF0, v48  }
0x1ec: {  	v16 =	vshll.u32 v16, $0x7;
	v20 =	vand.u32 $0x3FFFF0, v50;
	v18 =	vadd.s32 s25, v18  }
0x1ed: {  	v16 =	vand.u32 $0x380, v16;
	v20 =	vadd.s32 s25, v20;
	v18 =	vshll.u32 v18, $0xA  }
0x1ee: {  	vm8 =	vlt.u32 v17, $0x18;
	v51 =	vshll.u32 v20, $0xA;
	v17 =	vor.u32 v16, v18  }
0x1ef: {  	vm9 =	vlt.u32 v49, $0x18;
	v16 =	vor.u32 v16, v51;
	v17 =	vor.u32 v10, v17  }
0x1f0: {  	v16 =	vor.u32 v10, v16;
	_ =	sdelay $0x3  }
0x1f1: {  	[tilespmem:v17+s17+$0x0] =	vst.idx.msk vm8, v5  }
0x1f2: {  	[tilespmem:v16+s17+$0x0] =	vst.idx.msk vm9, v6  }
0x1f3: {  	v16 =	vld [tilespmem:s24+$0x10];
	_ =	sdelay $0x4  }
0x1f4: {  	v17 =	vsub.s32 v16, v14  }
0x1f5: {  	v53 =	vsub.s32 v16, v15;
	v52 =	vshll.u32 v17, $0x1  }
0x1f6: {  	v54 =	vshll.u32 v53, $0x1;
	v18 =	vand.u32 $0x3FFFF0, v52  }
0x1f7: {  	v16 =	vshll.u32 v16, $0x7;
	v20 =	vand.u32 $0x3FFFF0, v54;
	v18 =	vadd.s32 s25, v18  }
0x1f8: {  	v16 =	vand.u32 $0x380, v16;
	v20 =	vadd.s32 s25, v20;
	v18 =	vshll.u32 v18, $0xA  }
0x1f9: {  	vm10 =	vlt.u32 v17, $0x18;
	v55 =	vshll.u32 v20, $0xA;
	v17 =	vor.u32 v16, v18  }
0x1fa: {  	vm11 =	vlt.u32 v53, $0x18;
	v16 =	vor.u32 v16, v55;
	v17 =	vor.u32 v11, v17  }
0x1fb: {  	v16 =	vor.u32 v11, v16;
	_ =	sdelay $0x3  }
0x1fc: {  	[tilespmem:v17+s17+$0x0] =	vst.idx.msk vm10, v5  }
0x1fd: {  	[tilespmem:v16+s17+$0x0] =	vst.idx.msk vm11, v6  }
0x1fe: {  	v16 =	vld [tilespmem:s24+$0x20];
	_ =	sdelay $0x4  }
0x1ff: {  	v17 =	vsub.s32 v16, v14  }
0x200: {  	v57 =	vsub.s32 v16, v15;
	v56 =	vshll.u32 v17, $0x1  }
0x201: {  	v58 =	vshll.u32 v57, $0x1;
	v18 =	vand.u32 $0x3FFFF0, v56  }
0x202: {  	v16 =	vshll.u32 v16, $0x7;
	v20 =	vand.u32 $0x3FFFF0, v58;
	v18 =	vadd.s32 s25, v18  }
0x203: {  	v16 =	vand.u32 $0x380, v16;
	v20 =	vadd.s32 s25, v20;
	v18 =	vshll.u32 v18, $0xA  }
0x204: {  	vm12 =	vlt.u32 v17, $0x18;
	v59 =	vshll.u32 v20, $0xA;
	v17 =	vor.u32 v16, v18  }
0x205: {  	vm13 =	vlt.u32 v57, $0x18;
	v16 =	vor.u32 v16, v59;
	v17 =	vor.u32 v12, v17  }
0x206: {  	v16 =	vor.u32 v12, v16;
	_ =	sdelay $0x3  }
0x207: {  	[tilespmem:v17+s17+$0x0] =	vst.idx.msk vm12, v5  }
0x208: {  	[tilespmem:v16+s17+$0x0] =	vst.idx.msk vm13, v6  }
0x209: {  	v16 =	vld [tilespmem:s24+$0x30];
	_ =	sdelay $0x4  }
0x20a: {  	v17 =	vsub.s32 v16, v14  }
0x20b: {  	v61 =	vsub.s32 v16, v15;
	v60 =	vshll.u32 v17, $0x1  }
0x20c: {  	v62 =	vshll.u32 v61, $0x1;
	v18 =	vand.u32 $0x3FFFF0, v60  }
0x20d: {  	v16 =	vshll.u32 v16, $0x7;
	v20 =	vand.u32 $0x3FFFF0, v62;
	v18 =	vadd.s32 s25, v18  }
0x20e: {  	v16 =	vand.u32 $0x380, v16;
	v20 =	vadd.s32 s25, v20;
	v18 =	vshll.u32 v18, $0xA  }
0x20f: {  	vm14 =	vlt.u32 v17, $0x18;
	v63 =	vshll.u32 v20, $0xA;
	v17 =	vor.u32 v16, v18  }
0x210: {  	vm15 =	vlt.u32 v61, $0x18;
	v16 =	vor.u32 v16, v63;
	v17 =	vor.u32 v13, v17  }
0x211: {  	p2 =	sne.s32 s25, $0xF;
	v16 =	vor.u32 v13, v16  }
.Ltmp6:
0x212: {  	_ = 	snop;
	(pc) =	sbr.rel @p2 .LBB2_11-.Ltmp6, $3  }
0x213: {  	_ =	sdelay $0x1  }
0x214: {  	[tilespmem:v17+s17+$0x0] =	vst.idx.msk vm14, v5  }
0x215: {  	s24 =	sadd.s32 $0x80, s24;
	s25 =	sadd.s32 $0x1, s25;
	[tilespmem:v16+s17+$0x0] =	vst.idx.msk vm15, v6  }
0x216: {  	s23 =	sshrl.u32 s23, $0x3  }
0x217: {  	s23 =	sadd.s32 s5, s23  }
0x218: {  	s23 =	sshll.u32 s23, $0xB  }
0x219: {  	s23 =	sand.u32 $0x1FFFF800, s23  }
0x21a: {  	s24 =	sadd.s32 s2, s23;
	s23 =	simm.s32 $0x0  }
0x21b: {  	[hbm4b:s24+s23] =	stream.linear.scatter [tilespmem:s17], [sflag:$0x1], $0xC000, $0x38;
	[tilespmem:$0x18800] =	vst v63  }
0x21c: {  	_ =	swait.ge [sflag:s19], $0xC000  }
0x21d: {  	s31 =	sadd.s32 s22, s7;
	s22 =	sadd.s32 s22, s12;
	[sflag:s19] =	ssyncset.done $0x0  }
0x21e: {  	v14 =	vmov s31;
	v15 =	vmov s22;
	s24 =	simm.s32 $0x40;
	[sflag:s19] =	ssyncadd.s32 $0xFFFF4000  }
.LBB2_13:
0x21f: {  	v16 =	vld [tilespmem:s24+$0xFFFFFFC0];
	_ =	sdelay $0x4  }
0x220: {  	v17 =	vsub.s32 v16, v14  }
0x221: {  	v19 =	vsub.s32 v16, v15;
	v18 =	vshll.u32 v17, $0x1  }
0x222: {  	v20 =	vshll.u32 v19, $0x1;
	v18 =	vand.u32 $0x3FFFF0, v18  }
0x223: {  	v16 =	vshll.u32 v16, $0x7;
	v20 =	vand.u32 $0x3FFFF0, v20;
	v18 =	vadd.s32 s23, v18  }
0x224: {  	v16 =	vand.u32 $0x380, v16;
	v20 =	vadd.s32 s23, v20;
	v18 =	vshll.u32 v18, $0xA  }
0x225: {  	vm0 =	vlt.u32 v17, $0x18;
	v35 =	vshll.u32 v20, $0xA;
	v17 =	vor.u32 v16, v18  }
0x226: {  	vm1 =	vlt.u32 v19, $0x18;
	v16 =	vor.u32 v16, v35;
	v17 =	vor.u32 v4, v17  }
0x227: {  	v16 =	vor.u32 v4, v16;
	_ =	sdelay $0x3  }
0x228: {  	[tilespmem:v17+s18+$0x0] =	vst.idx.msk vm0, v5  }
0x229: {  	[tilespmem:v16+s18+$0x0] =	vst.idx.msk vm1, v6  }
0x22a: {  	v16 =	vld [tilespmem:s24+$0xFFFFFFD0];
	_ =	sdelay $0x4  }
0x22b: {  	v17 =	vsub.s32 v16, v14  }
0x22c: {  	v37 =	vsub.s32 v16, v15;
	v36 =	vshll.u32 v17, $0x1  }
0x22d: {  	v38 =	vshll.u32 v37, $0x1;
	v18 =	vand.u32 $0x3FFFF0, v36  }
0x22e: {  	v16 =	vshll.u32 v16, $0x7;
	v20 =	vand.u32 $0x3FFFF0, v38;
	v18 =	vadd.s32 s23, v18  }
0x22f: {  	v16 =	vand.u32 $0x380, v16;
	v20 =	vadd.s32 s23, v20;
	v18 =	vshll.u32 v18, $0xA  }
0x230: {  	vm14 =	vlt.u32 v17, $0x18;
	v39 =	vshll.u32 v20, $0xA;
	v17 =	vor.u32 v16, v18  }
0x231: {  	vm15 =	vlt.u32 v37, $0x18;
	v16 =	vor.u32 v16, v39;
	v17 =	vor.u32 v7, v17  }
0x232: {  	v16 =	vor.u32 v7, v16;
	_ =	sdelay $0x3  }
0x233: {  	[tilespmem:v17+s18+$0x0] =	vst.idx.msk vm14, v5  }
0x234: {  	[tilespmem:v16+s18+$0x0] =	vst.idx.msk vm15, v6  }
0x235: {  	v16 =	vld [tilespmem:s24+$0xFFFFFFE0];
	_ =	sdelay $0x4  }
0x236: {  	v17 =	vsub.s32 v16, v14  }
0x237: {  	v41 =	vsub.s32 v16, v15;
	v40 =	vshll.u32 v17, $0x1  }
0x238: {  	v42 =	vshll.u32 v41, $0x1;
	v18 =	vand.u32 $0x3FFFF0, v40  }
0x239: {  	v16 =	vshll.u32 v16, $0x7;
	v20 =	vand.u32 $0x3FFFF0, v42;
	v18 =	vadd.s32 s23, v18  }
0x23a: {  	v16 =	vand.u32 $0x380, v16;
	v20 =	vadd.s32 s23, v20;
	v18 =	vshll.u32 v18, $0xA  }
0x23b: {  	vm4 =	vlt.u32 v17, $0x18;
	v43 =	vshll.u32 v20, $0xA;
	v17 =	vor.u32 v16, v18  }
0x23c: {  	vm5 =	vlt.u32 v41, $0x18;
	v16 =	vor.u32 v16, v43;
	v17 =	vor.u32 v8, v17  }
0x23d: {  	v16 =	vor.u32 v8, v16;
	_ =	sdelay $0x3  }
0x23e: {  	[tilespmem:v17+s18+$0x0] =	vst.idx.msk vm4, v5  }
0x23f: {  	[tilespmem:v16+s18+$0x0] =	vst.idx.msk vm5, v6  }
0x240: {  	v16 =	vld [tilespmem:s24+$0xFFFFFFF0];
	_ =	sdelay $0x4  }
0x241: {  	v17 =	vsub.s32 v16, v14  }
0x242: {  	v45 =	vsub.s32 v16, v15;
	v44 =	vshll.u32 v17, $0x1  }
0x243: {  	v46 =	vshll.u32 v45, $0x1;
	v18 =	vand.u32 $0x3FFFF0, v44  }
0x244: {  	v16 =	vshll.u32 v16, $0x7;
	v20 =	vand.u32 $0x3FFFF0, v46;
	v18 =	vadd.s32 s23, v18  }
0x245: {  	v16 =	vand.u32 $0x380, v16;
	v20 =	vadd.s32 s23, v20;
	v18 =	vshll.u32 v18, $0xA  }
0x246: {  	vm6 =	vlt.u32 v17, $0x18;
	v47 =	vshll.u32 v20, $0xA;
	v17 =	vor.u32 v16, v18  }
0x247: {  	vm7 =	vlt.u32 v45, $0x18;
	v16 =	vor.u32 v16, v47;
	v17 =	vor.u32 v9, v17  }
0x248: {  	v16 =	vor.u32 v9, v16;
	_ =	sdelay $0x3  }
0x249: {  	[tilespmem:v17+s18+$0x0] =	vst.idx.msk vm6, v5  }
0x24a: {  	[tilespmem:v16+s18+$0x0] =	vst.idx.msk vm7, v6  }
0x24b: {  	v16 =	vld [tilespmem:s24+$0x0];
	_ =	sdelay $0x4  }
0x24c: {  	v17 =	vsub.s32 v16, v14  }
0x24d: {  	v49 =	vsub.s32 v16, v15;
	v48 =	vshll.u32 v17, $0x1  }
0x24e: {  	v50 =	vshll.u32 v49, $0x1;
	v18 =	vand.u32 $0x3FFFF0, v48  }
0x24f: {  	v16 =	vshll.u32 v16, $0x7;
	v20 =	vand.u32 $0x3FFFF0, v50;
	v18 =	vadd.s32 s23, v18  }
0x250: {  	v16 =	vand.u32 $0x380, v16;
	v20 =	vadd.s32 s23, v20;
	v18 =	vshll.u32 v18, $0xA  }
0x251: {  	vm8 =	vlt.u32 v17, $0x18;
	v51 =	vshll.u32 v20, $0xA;
	v17 =	vor.u32 v16, v18  }
0x252: {  	vm9 =	vlt.u32 v49, $0x18;
	v16 =	vor.u32 v16, v51;
	v17 =	vor.u32 v10, v17  }
0x253: {  	v16 =	vor.u32 v10, v16;
	_ =	sdelay $0x3  }
0x254: {  	[tilespmem:v17+s18+$0x0] =	vst.idx.msk vm8, v5  }
0x255: {  	[tilespmem:v16+s18+$0x0] =	vst.idx.msk vm9, v6  }
0x256: {  	v16 =	vld [tilespmem:s24+$0x10];
	_ =	sdelay $0x4  }
0x257: {  	v17 =	vsub.s32 v16, v14  }
0x258: {  	v53 =	vsub.s32 v16, v15;
	v52 =	vshll.u32 v17, $0x1  }
0x259: {  	v54 =	vshll.u32 v53, $0x1;
	v18 =	vand.u32 $0x3FFFF0, v52  }
0x25a: {  	v16 =	vshll.u32 v16, $0x7;
	v20 =	vand.u32 $0x3FFFF0, v54;
	v18 =	vadd.s32 s23, v18  }
0x25b: {  	v16 =	vand.u32 $0x380, v16;
	v20 =	vadd.s32 s23, v20;
	v18 =	vshll.u32 v18, $0xA  }
0x25c: {  	vm10 =	vlt.u32 v17, $0x18;
	v55 =	vshll.u32 v20, $0xA;
	v17 =	vor.u32 v16, v18  }
0x25d: {  	vm11 =	vlt.u32 v53, $0x18;
	v16 =	vor.u32 v16, v55;
	v17 =	vor.u32 v11, v17  }
0x25e: {  	v16 =	vor.u32 v11, v16;
	_ =	sdelay $0x3  }
0x25f: {  	[tilespmem:v17+s18+$0x0] =	vst.idx.msk vm10, v5  }
0x260: {  	[tilespmem:v16+s18+$0x0] =	vst.idx.msk vm11, v6  }
0x261: {  	v16 =	vld [tilespmem:s24+$0x20];
	_ =	sdelay $0x4  }
0x262: {  	v17 =	vsub.s32 v16, v14  }
0x263: {  	v57 =	vsub.s32 v16, v15;
	v56 =	vshll.u32 v17, $0x1  }
0x264: {  	v58 =	vshll.u32 v57, $0x1;
	v18 =	vand.u32 $0x3FFFF0, v56  }
0x265: {  	v16 =	vshll.u32 v16, $0x7;
	v20 =	vand.u32 $0x3FFFF0, v58;
	v18 =	vadd.s32 s23, v18  }
0x266: {  	v16 =	vand.u32 $0x380, v16;
	v20 =	vadd.s32 s23, v20;
	v18 =	vshll.u32 v18, $0xA  }
0x267: {  	vm12 =	vlt.u32 v17, $0x18;
	v59 =	vshll.u32 v20, $0xA;
	v17 =	vor.u32 v16, v18  }
0x268: {  	vm13 =	vlt.u32 v57, $0x18;
	v16 =	vor.u32 v16, v59;
	v17 =	vor.u32 v12, v17  }
0x269: {  	v16 =	vor.u32 v12, v16;
	_ =	sdelay $0x3  }
0x26a: {  	[tilespmem:v17+s18+$0x0] =	vst.idx.msk vm12, v5  }
0x26b: {  	[tilespmem:v16+s18+$0x0] =	vst.idx.msk vm13, v6  }
0x26c: {  	v16 =	vld [tilespmem:s24+$0x30];
	_ =	sdelay $0x4  }
0x26d: {  	v17 =	vsub.s32 v16, v14  }
0x26e: {  	v61 =	vsub.s32 v16, v15;
	v60 =	vshll.u32 v17, $0x1  }
0x26f: {  	v62 =	vshll.u32 v61, $0x1;
	v18 =	vand.u32 $0x3FFFF0, v60  }
0x270: {  	v16 =	vshll.u32 v16, $0x7;
	v20 =	vand.u32 $0x3FFFF0, v62;
	v18 =	vadd.s32 s23, v18  }
0x271: {  	v16 =	vand.u32 $0x380, v16;
	v20 =	vadd.s32 s23, v20;
	v18 =	vshll.u32 v18, $0xA  }
0x272: {  	vm14 =	vlt.u32 v17, $0x18;
	v63 =	vshll.u32 v20, $0xA;
	v17 =	vor.u32 v16, v18  }
0x273: {  	vm15 =	vlt.u32 v61, $0x18;
	v16 =	vor.u32 v16, v63;
	v17 =	vor.u32 v13, v17  }
0x274: {  	p2 =	sne.s32 s23, $0xF;
	v16 =	vor.u32 v13, v16  }
.Ltmp7:
0x275: {  	_ = 	snop;
	(pc) =	sbr.rel @p2 .LBB2_13-.Ltmp7, $3  }
0x276: {  	_ =	sdelay $0x1  }
0x277: {  	[tilespmem:v17+s18+$0x0] =	vst.idx.msk vm14, v5  }
0x278: {  	s24 =	sadd.s32 $0x80, s24;
	s23 =	sadd.s32 $0x1, s23;
	[tilespmem:v16+s18+$0x0] =	vst.idx.msk vm15, v6  }
0x279: {  	s21 =	sadd.s32 $0x1, s21  }
0x27a: {  	s22 =	sshrl.u32 s22, $0x3;
	p2 =	sne.s32 s21, $0x9  }
.Ltmp8:
0x27b: {  	s22 =	sadd.s32 s5, s22;
	(pc) =	sbr.rel @p2 .LBB2_10-.Ltmp8, $4  }
0x27c: {  	s22 =	sshll.u32 s22, $0xB  }
0x27d: {  	s22 =	sand.u32 $0x1FFFF800, s22  }
0x27e: {  	s22 =	sadd.s32 s2, s22  }
0x27f: {  	[hbm4b:s22+s3] =	stream.linear.scatter [tilespmem:s18], [sflag:$0x2], $0xC000, $0x38;
	[tilespmem:$0x18800] =	vst v63  }
.Ltmp9:
0x280: {  	(pc) =	sbr.rel @p0 .LBB2_19-.Ltmp9, $1  }
0x281: {  	_ =	sdelay $0x3  }
0x282: {  	_ =	swait.ge [sflag:s6], $0xC000  }
0x283: {  	[sflag:s6] =	ssyncset.done $0x0  }
0x284: {  	s21 =	simm.s32 $0x0;
	s22 =	simm.s32 $0x40;
	[sflag:s6] =	ssyncadd.s32 $0xFFFF4000  }
.LBB2_17:
0x285: {  	v14 =	vld [tilespmem:s22+$0xFFFFFFC0];
	_ =	sdelay $0x4  }
0x286: {  	v15 =	vadd.s32 $0xFFFFFE50, v14  }
0x287: {  	v17 =	vadd.s32 $0xFFFFFE20, v14;
	v16 =	vshll.u32 v15, $0x1  }
0x288: {  	v18 =	vshll.u32 v17, $0x1;
	v16 =	vand.u32 $0x3FFFF0, v16  }
0x289: {  	v14 =	vshll.u32 v14, $0x7;
	v18 =	vand.u32 $0x3FFFF0, v18;
	v16 =	vadd.s32 s21, v16  }
0x28a: {  	v14 =	vand.u32 $0x380, v14;
	v18 =	vadd.s32 s21, v18;
	v16 =	vshll.u32 v16, $0xA  }
0x28b: {  	vm0 =	vlt.u32 v15, $0x18;
	v35 =	vshll.u32 v18, $0xA;
	v15 =	vor.u32 v14, v16  }
0x28c: {  	vm1 =	vlt.u32 v17, $0x10;
	v14 =	vor.u32 v14, v35;
	v15 =	vor.u32 v4, v15  }
0x28d: {  	v14 =	vor.u32 v4, v14;
	_ =	sdelay $0x3  }
0x28e: {  	[tilespmem:v15+s17+$0x0] =	vst.idx.msk vm0, v5  }
0x28f: {  	[tilespmem:v14+s17+$0x0] =	vst.idx.msk vm1, v6  }
0x290: {  	v14 =	vld [tilespmem:s22+$0xFFFFFFD0];
	_ =	sdelay $0x4  }
0x291: {  	v15 =	vadd.s32 $0xFFFFFE50, v14  }
0x292: {  	v37 =	vadd.s32 $0xFFFFFE20, v14;
	v36 =	vshll.u32 v15, $0x1  }
0x293: {  	v38 =	vshll.u32 v37, $0x1;
	v16 =	vand.u32 $0x3FFFF0, v36  }
0x294: {  	v14 =	vshll.u32 v14, $0x7;
	v18 =	vand.u32 $0x3FFFF0, v38;
	v16 =	vadd.s32 s21, v16  }
0x295: {  	v14 =	vand.u32 $0x380, v14;
	v18 =	vadd.s32 s21, v18;
	v16 =	vshll.u32 v16, $0xA  }
0x296: {  	vm14 =	vlt.u32 v15, $0x18;
	v39 =	vshll.u32 v18, $0xA;
	v15 =	vor.u32 v14, v16  }
0x297: {  	vm15 =	vlt.u32 v37, $0x10;
	v14 =	vor.u32 v14, v39;
	v15 =	vor.u32 v7, v15  }
0x298: {  	v14 =	vor.u32 v7, v14;
	_ =	sdelay $0x3  }
0x299: {  	[tilespmem:v15+s17+$0x0] =	vst.idx.msk vm14, v5  }
0x29a: {  	[tilespmem:v14+s17+$0x0] =	vst.idx.msk vm15, v6  }
0x29b: {  	v14 =	vld [tilespmem:s22+$0xFFFFFFE0];
	_ =	sdelay $0x4  }
0x29c: {  	v15 =	vadd.s32 $0xFFFFFE50, v14  }
0x29d: {  	v41 =	vadd.s32 $0xFFFFFE20, v14;
	v40 =	vshll.u32 v15, $0x1  }
0x29e: {  	v42 =	vshll.u32 v41, $0x1;
	v16 =	vand.u32 $0x3FFFF0, v40  }
0x29f: {  	v14 =	vshll.u32 v14, $0x7;
	v18 =	vand.u32 $0x3FFFF0, v42;
	v16 =	vadd.s32 s21, v16  }
0x2a0: {  	v14 =	vand.u32 $0x380, v14;
	v18 =	vadd.s32 s21, v18;
	v16 =	vshll.u32 v16, $0xA  }
0x2a1: {  	vm4 =	vlt.u32 v15, $0x18;
	v43 =	vshll.u32 v18, $0xA;
	v15 =	vor.u32 v14, v16  }
0x2a2: {  	vm5 =	vlt.u32 v41, $0x10;
	v14 =	vor.u32 v14, v43;
	v15 =	vor.u32 v8, v15  }
0x2a3: {  	v14 =	vor.u32 v8, v14;
	_ =	sdelay $0x3  }
0x2a4: {  	[tilespmem:v15+s17+$0x0] =	vst.idx.msk vm4, v5  }
0x2a5: {  	[tilespmem:v14+s17+$0x0] =	vst.idx.msk vm5, v6  }
0x2a6: {  	v14 =	vld [tilespmem:s22+$0xFFFFFFF0];
	_ =	sdelay $0x4  }
0x2a7: {  	v15 =	vadd.s32 $0xFFFFFE50, v14  }
0x2a8: {  	v45 =	vadd.s32 $0xFFFFFE20, v14;
	v44 =	vshll.u32 v15, $0x1  }
0x2a9: {  	v46 =	vshll.u32 v45, $0x1;
	v16 =	vand.u32 $0x3FFFF0, v44  }
0x2aa: {  	v14 =	vshll.u32 v14, $0x7;
	v18 =	vand.u32 $0x3FFFF0, v46;
	v16 =	vadd.s32 s21, v16  }
0x2ab: {  	v14 =	vand.u32 $0x380, v14;
	v18 =	vadd.s32 s21, v18;
	v16 =	vshll.u32 v16, $0xA  }
0x2ac: {  	vm6 =	vlt.u32 v15, $0x18;
	v47 =	vshll.u32 v18, $0xA;
	v15 =	vor.u32 v14, v16  }
0x2ad: {  	vm7 =	vlt.u32 v45, $0x10;
	v14 =	vor.u32 v14, v47;
	v15 =	vor.u32 v9, v15  }
0x2ae: {  	v14 =	vor.u32 v9, v14;
	_ =	sdelay $0x3  }
0x2af: {  	[tilespmem:v15+s17+$0x0] =	vst.idx.msk vm6, v5  }
0x2b0: {  	[tilespmem:v14+s17+$0x0] =	vst.idx.msk vm7, v6  }
0x2b1: {  	v14 =	vld [tilespmem:s22+$0x0];
	_ =	sdelay $0x4  }
0x2b2: {  	v15 =	vadd.s32 $0xFFFFFE50, v14  }
0x2b3: {  	v49 =	vadd.s32 $0xFFFFFE20, v14;
	v48 =	vshll.u32 v15, $0x1  }
0x2b4: {  	v50 =	vshll.u32 v49, $0x1;
	v16 =	vand.u32 $0x3FFFF0, v48  }
0x2b5: {  	v14 =	vshll.u32 v14, $0x7;
	v18 =	vand.u32 $0x3FFFF0, v50;
	v16 =	vadd.s32 s21, v16  }
0x2b6: {  	v14 =	vand.u32 $0x380, v14;
	v18 =	vadd.s32 s21, v18;
	v16 =	vshll.u32 v16, $0xA  }
0x2b7: {  	vm8 =	vlt.u32 v15, $0x18;
	v51 =	vshll.u32 v18, $0xA;
	v15 =	vor.u32 v14, v16  }
0x2b8: {  	vm9 =	vlt.u32 v49, $0x10;
	v14 =	vor.u32 v14, v51;
	v15 =	vor.u32 v10, v15  }
0x2b9: {  	v14 =	vor.u32 v10, v14;
	_ =	sdelay $0x3  }
0x2ba: {  	[tilespmem:v15+s17+$0x0] =	vst.idx.msk vm8, v5  }
0x2bb: {  	[tilespmem:v14+s17+$0x0] =	vst.idx.msk vm9, v6  }
0x2bc: {  	v14 =	vld [tilespmem:s22+$0x10];
	_ =	sdelay $0x4  }
0x2bd: {  	v15 =	vadd.s32 $0xFFFFFE50, v14  }
0x2be: {  	v53 =	vadd.s32 $0xFFFFFE20, v14;
	v52 =	vshll.u32 v15, $0x1  }
0x2bf: {  	v54 =	vshll.u32 v53, $0x1;
	v16 =	vand.u32 $0x3FFFF0, v52  }
0x2c0: {  	v14 =	vshll.u32 v14, $0x7;
	v18 =	vand.u32 $0x3FFFF0, v54;
	v16 =	vadd.s32 s21, v16  }
0x2c1: {  	v14 =	vand.u32 $0x380, v14;
	v18 =	vadd.s32 s21, v18;
	v16 =	vshll.u32 v16, $0xA  }
0x2c2: {  	vm10 =	vlt.u32 v15, $0x18;
	v55 =	vshll.u32 v18, $0xA;
	v15 =	vor.u32 v14, v16  }
0x2c3: {  	vm11 =	vlt.u32 v53, $0x10;
	v14 =	vor.u32 v14, v55;
	v15 =	vor.u32 v11, v15  }
0x2c4: {  	v14 =	vor.u32 v11, v14;
	_ =	sdelay $0x3  }
0x2c5: {  	[tilespmem:v15+s17+$0x0] =	vst.idx.msk vm10, v5  }
0x2c6: {  	[tilespmem:v14+s17+$0x0] =	vst.idx.msk vm11, v6  }
0x2c7: {  	v14 =	vld [tilespmem:s22+$0x20];
	_ =	sdelay $0x4  }
0x2c8: {  	v15 =	vadd.s32 $0xFFFFFE50, v14  }
0x2c9: {  	v57 =	vadd.s32 $0xFFFFFE20, v14;
	v56 =	vshll.u32 v15, $0x1  }
0x2ca: {  	v58 =	vshll.u32 v57, $0x1;
	v16 =	vand.u32 $0x3FFFF0, v56  }
0x2cb: {  	v14 =	vshll.u32 v14, $0x7;
	v18 =	vand.u32 $0x3FFFF0, v58;
	v16 =	vadd.s32 s21, v16  }
0x2cc: {  	v14 =	vand.u32 $0x380, v14;
	v18 =	vadd.s32 s21, v18;
	v16 =	vshll.u32 v16, $0xA  }
0x2cd: {  	vm12 =	vlt.u32 v15, $0x18;
	v59 =	vshll.u32 v18, $0xA;
	v15 =	vor.u32 v14, v16  }
0x2ce: {  	vm13 =	vlt.u32 v57, $0x10;
	v14 =	vor.u32 v14, v59;
	v15 =	vor.u32 v12, v15  }
0x2cf: {  	v14 =	vor.u32 v12, v14;
	_ =	sdelay $0x3  }
0x2d0: {  	[tilespmem:v15+s17+$0x0] =	vst.idx.msk vm12, v5  }
0x2d1: {  	[tilespmem:v14+s17+$0x0] =	vst.idx.msk vm13, v6  }
0x2d2: {  	v14 =	vld [tilespmem:s22+$0x30];
	_ =	sdelay $0x4  }
0x2d3: {  	v15 =	vadd.s32 $0xFFFFFE50, v14  }
0x2d4: {  	v61 =	vadd.s32 $0xFFFFFE20, v14;
	v60 =	vshll.u32 v15, $0x1  }
0x2d5: {  	v62 =	vshll.u32 v61, $0x1;
	v16 =	vand.u32 $0x3FFFF0, v60  }
0x2d6: {  	v14 =	vshll.u32 v14, $0x7;
	v18 =	vand.u32 $0x3FFFF0, v62;
	v16 =	vadd.s32 s21, v16  }
0x2d7: {  	v14 =	vand.u32 $0x380, v14;
	v18 =	vadd.s32 s21, v18;
	v16 =	vshll.u32 v16, $0xA  }
0x2d8: {  	vm14 =	vlt.u32 v15, $0x18;
	v63 =	vshll.u32 v18, $0xA;
	v15 =	vor.u32 v14, v16  }
0x2d9: {  	vm15 =	vlt.u32 v61, $0x10;
	v14 =	vor.u32 v14, v63;
	v15 =	vor.u32 v13, v15  }
0x2da: {  	p2 =	sne.s32 s21, $0xF;
	v14 =	vor.u32 v13, v14  }
.Ltmp10:
0x2db: {  	_ = 	snop;
	(pc) =	sbr.rel @p2 .LBB2_17-.Ltmp10, $3  }
0x2dc: {  	_ =	sdelay $0x1  }
0x2dd: {  	[tilespmem:v15+s17+$0x0] =	vst.idx.msk vm14, v5  }
0x2de: {  	s22 =	sadd.s32 $0x80, s22;
	s21 =	sadd.s32 $0x1, s21;
	[tilespmem:v14+s17+$0x0] =	vst.idx.msk vm15, v6  }
.Ltmp11:
0x2df: {  	(pc) =	sbr.rel @p1 .LBB2_22-.Ltmp11, $4  }
0x2e0: {  	[hbm4b:s13+s3] =	stream.linear.scatter [tilespmem:s17], [sflag:$0x1], $0x8000, $0x38;
	[tilespmem:$0x18800] =	vst v63  }
0x2e1: {  	_ =	swait.ge [sflag:s6], $0x8000  }
0x2e2: {  	[sflag:s6] =	ssyncset.done $0x0  }
0x2e3: {  	[sflag:s6] =	ssyncadd.s32 $0xFFFF8000  }
.LBB2_19:
0x2e4: {  	_ =	swait.ge [sflag:s6], $0xC000  }
0x2e5: {  	[sflag:s6] =	ssyncset.done $0x0  }
0x2e6: {  	s21 =	simm.s32 $0x0;
	s22 =	simm.s32 $0x40;
	[sflag:s6] =	ssyncadd.s32 $0xFFFF4000  }
.LBB2_20:
0x2e7: {  	v14 =	vld [tilespmem:s22+$0xFFFFFFC0];
	_ =	sdelay $0x4  }
0x2e8: {  	v15 =	vsub.s32 v14, v2  }
0x2e9: {  	v17 =	vsub.s32 v14, v3;
	v16 =	vshll.u32 v15, $0x1  }
0x2ea: {  	v18 =	vshll.u32 v17, $0x1;
	v16 =	vand.u32 $0x3FFFF0, v16  }
0x2eb: {  	v14 =	vshll.u32 v14, $0x7;
	v18 =	vand.u32 $0x3FFFF0, v18;
	v16 =	vadd.s32 s21, v16  }
0x2ec: {  	v14 =	vand.u32 $0x380, v14;
	v18 =	vadd.s32 s21, v18;
	v16 =	vshll.u32 v16, $0xA  }
0x2ed: {  	vm0 =	vlt.u32 v15, $0x18;
	v35 =	vshll.u32 v18, $0xA;
	v15 =	vor.u32 v14, v16  }
0x2ee: {  	vm1 =	vlt.u32 v17, $0x18;
	v14 =	vor.u32 v14, v35;
	v15 =	vor.u32 v4, v15  }
0x2ef: {  	v14 =	vor.u32 v4, v14;
	_ =	sdelay $0x3  }
0x2f0: {  	[tilespmem:v15+s17+$0x0] =	vst.idx.msk vm0, v5  }
0x2f1: {  	[tilespmem:v14+s17+$0x0] =	vst.idx.msk vm1, v6  }
0x2f2: {  	v14 =	vld [tilespmem:s22+$0xFFFFFFD0];
	_ =	sdelay $0x4  }
0x2f3: {  	v15 =	vsub.s32 v14, v2  }
0x2f4: {  	v37 =	vsub.s32 v14, v3;
	v36 =	vshll.u32 v15, $0x1  }
0x2f5: {  	v38 =	vshll.u32 v37, $0x1;
	v16 =	vand.u32 $0x3FFFF0, v36  }
0x2f6: {  	v14 =	vshll.u32 v14, $0x7;
	v18 =	vand.u32 $0x3FFFF0, v38;
	v16 =	vadd.s32 s21, v16  }
0x2f7: {  	v14 =	vand.u32 $0x380, v14;
	v18 =	vadd.s32 s21, v18;
	v16 =	vshll.u32 v16, $0xA  }
0x2f8: {  	vm14 =	vlt.u32 v15, $0x18;
	v39 =	vshll.u32 v18, $0xA;
	v15 =	vor.u32 v14, v16  }
0x2f9: {  	vm15 =	vlt.u32 v37, $0x18;
	v14 =	vor.u32 v14, v39;
	v15 =	vor.u32 v7, v15  }
0x2fa: {  	v14 =	vor.u32 v7, v14;
	_ =	sdelay $0x3  }
0x2fb: {  	[tilespmem:v15+s17+$0x0] =	vst.idx.msk vm14, v5  }
0x2fc: {  	[tilespmem:v14+s17+$0x0] =	vst.idx.msk vm15, v6  }
0x2fd: {  	v14 =	vld [tilespmem:s22+$0xFFFFFFE0];
	_ =	sdelay $0x4  }
0x2fe: {  	v15 =	vsub.s32 v14, v2  }
0x2ff: {  	v41 =	vsub.s32 v14, v3;
	v40 =	vshll.u32 v15, $0x1  }
0x300: {  	v42 =	vshll.u32 v41, $0x1;
	v16 =	vand.u32 $0x3FFFF0, v40  }
0x301: {  	v14 =	vshll.u32 v14, $0x7;
	v18 =	vand.u32 $0x3FFFF0, v42;
	v16 =	vadd.s32 s21, v16  }
0x302: {  	v14 =	vand.u32 $0x380, v14;
	v18 =	vadd.s32 s21, v18;
	v16 =	vshll.u32 v16, $0xA  }
0x303: {  	vm4 =	vlt.u32 v15, $0x18;
	v43 =	vshll.u32 v18, $0xA;
	v15 =	vor.u32 v14, v16  }
0x304: {  	vm5 =	vlt.u32 v41, $0x18;
	v14 =	vor.u32 v14, v43;
	v15 =	vor.u32 v8, v15  }
0x305: {  	v14 =	vor.u32 v8, v14;
	_ =	sdelay $0x3  }
0x306: {  	[tilespmem:v15+s17+$0x0] =	vst.idx.msk vm4, v5  }
0x307: {  	[tilespmem:v14+s17+$0x0] =	vst.idx.msk vm5, v6  }
0x308: {  	v14 =	vld [tilespmem:s22+$0xFFFFFFF0];
	_ =	sdelay $0x4  }
0x309: {  	v15 =	vsub.s32 v14, v2  }
0x30a: {  	v45 =	vsub.s32 v14, v3;
	v44 =	vshll.u32 v15, $0x1  }
0x30b: {  	v46 =	vshll.u32 v45, $0x1;
	v16 =	vand.u32 $0x3FFFF0, v44  }
0x30c: {  	v14 =	vshll.u32 v14, $0x7;
	v18 =	vand.u32 $0x3FFFF0, v46;
	v16 =	vadd.s32 s21, v16  }
0x30d: {  	v14 =	vand.u32 $0x380, v14;
	v18 =	vadd.s32 s21, v18;
	v16 =	vshll.u32 v16, $0xA  }
0x30e: {  	vm6 =	vlt.u32 v15, $0x18;
	v47 =	vshll.u32 v18, $0xA;
	v15 =	vor.u32 v14, v16  }
0x30f: {  	vm7 =	vlt.u32 v45, $0x18;
	v14 =	vor.u32 v14, v47;
	v15 =	vor.u32 v9, v15  }
0x310: {  	v14 =	vor.u32 v9, v14;
	_ =	sdelay $0x3  }
0x311: {  	[tilespmem:v15+s17+$0x0] =	vst.idx.msk vm6, v5  }
0x312: {  	[tilespmem:v14+s17+$0x0] =	vst.idx.msk vm7, v6  }
0x313: {  	v14 =	vld [tilespmem:s22+$0x0];
	_ =	sdelay $0x4  }
0x314: {  	v15 =	vsub.s32 v14, v2  }
0x315: {  	v49 =	vsub.s32 v14, v3;
	v48 =	vshll.u32 v15, $0x1  }
0x316: {  	v50 =	vshll.u32 v49, $0x1;
	v16 =	vand.u32 $0x3FFFF0, v48  }
0x317: {  	v14 =	vshll.u32 v14, $0x7;
	v18 =	vand.u32 $0x3FFFF0, v50;
	v16 =	vadd.s32 s21, v16  }
0x318: {  	v14 =	vand.u32 $0x380, v14;
	v18 =	vadd.s32 s21, v18;
	v16 =	vshll.u32 v16, $0xA  }
0x319: {  	vm8 =	vlt.u32 v15, $0x18;
	v51 =	vshll.u32 v18, $0xA;
	v15 =	vor.u32 v14, v16  }
0x31a: {  	vm9 =	vlt.u32 v49, $0x18;
	v14 =	vor.u32 v14, v51;
	v15 =	vor.u32 v10, v15  }
0x31b: {  	v14 =	vor.u32 v10, v14;
	_ =	sdelay $0x3  }
0x31c: {  	[tilespmem:v15+s17+$0x0] =	vst.idx.msk vm8, v5  }
0x31d: {  	[tilespmem:v14+s17+$0x0] =	vst.idx.msk vm9, v6  }
0x31e: {  	v14 =	vld [tilespmem:s22+$0x10];
	_ =	sdelay $0x4  }
0x31f: {  	v15 =	vsub.s32 v14, v2  }
0x320: {  	v53 =	vsub.s32 v14, v3;
	v52 =	vshll.u32 v15, $0x1  }
0x321: {  	v54 =	vshll.u32 v53, $0x1;
	v16 =	vand.u32 $0x3FFFF0, v52  }
0x322: {  	v14 =	vshll.u32 v14, $0x7;
	v18 =	vand.u32 $0x3FFFF0, v54;
	v16 =	vadd.s32 s21, v16  }
0x323: {  	v14 =	vand.u32 $0x380, v14;
	v18 =	vadd.s32 s21, v18;
	v16 =	vshll.u32 v16, $0xA  }
0x324: {  	vm10 =	vlt.u32 v15, $0x18;
	v55 =	vshll.u32 v18, $0xA;
	v15 =	vor.u32 v14, v16  }
0x325: {  	vm11 =	vlt.u32 v53, $0x18;
	v14 =	vor.u32 v14, v55;
	v15 =	vor.u32 v11, v15  }
0x326: {  	v14 =	vor.u32 v11, v14;
	_ =	sdelay $0x3  }
0x327: {  	[tilespmem:v15+s17+$0x0] =	vst.idx.msk vm10, v5  }
0x328: {  	[tilespmem:v14+s17+$0x0] =	vst.idx.msk vm11, v6  }
0x329: {  	v14 =	vld [tilespmem:s22+$0x20];
	_ =	sdelay $0x4  }
0x32a: {  	v15 =	vsub.s32 v14, v2  }
0x32b: {  	v57 =	vsub.s32 v14, v3;
	v56 =	vshll.u32 v15, $0x1  }
0x32c: {  	v58 =	vshll.u32 v57, $0x1;
	v16 =	vand.u32 $0x3FFFF0, v56  }
0x32d: {  	v14 =	vshll.u32 v14, $0x7;
	v18 =	vand.u32 $0x3FFFF0, v58;
	v16 =	vadd.s32 s21, v16  }
0x32e: {  	v14 =	vand.u32 $0x380, v14;
	v18 =	vadd.s32 s21, v18;
	v16 =	vshll.u32 v16, $0xA  }
0x32f: {  	vm12 =	vlt.u32 v15, $0x18;
	v59 =	vshll.u32 v18, $0xA;
	v15 =	vor.u32 v14, v16  }
0x330: {  	vm13 =	vlt.u32 v57, $0x18;
	v14 =	vor.u32 v14, v59;
	v15 =	vor.u32 v12, v15  }
0x331: {  	v14 =	vor.u32 v12, v14;
	_ =	sdelay $0x3  }
0x332: {  	[tilespmem:v15+s17+$0x0] =	vst.idx.msk vm12, v5  }
0x333: {  	[tilespmem:v14+s17+$0x0] =	vst.idx.msk vm13, v6  }
0x334: {  	v14 =	vld [tilespmem:s22+$0x30];
	_ =	sdelay $0x4  }
0x335: {  	v15 =	vsub.s32 v14, v2  }
0x336: {  	v61 =	vsub.s32 v14, v3;
	v60 =	vshll.u32 v15, $0x1  }
0x337: {  	v62 =	vshll.u32 v61, $0x1;
	v16 =	vand.u32 $0x3FFFF0, v60  }
0x338: {  	v14 =	vshll.u32 v14, $0x7;
	v18 =	vand.u32 $0x3FFFF0, v62;
	v16 =	vadd.s32 s21, v16  }
0x339: {  	v14 =	vand.u32 $0x380, v14;
	v18 =	vadd.s32 s21, v18;
	v16 =	vshll.u32 v16, $0xA  }
0x33a: {  	vm14 =	vlt.u32 v15, $0x18;
	v63 =	vshll.u32 v18, $0xA;
	v15 =	vor.u32 v14, v16  }
0x33b: {  	vm15 =	vlt.u32 v61, $0x18;
	v14 =	vor.u32 v14, v63;
	v15 =	vor.u32 v13, v15  }
0x33c: {  	p2 =	sne.s32 s21, $0xF;
	v14 =	vor.u32 v13, v14  }
.Ltmp12:
0x33d: {  	_ = 	snop;
	(pc) =	sbr.rel @p2 .LBB2_20-.Ltmp12, $3  }
0x33e: {  	_ =	sdelay $0x1  }
0x33f: {  	[tilespmem:v15+s17+$0x0] =	vst.idx.msk vm14, v5  }
0x340: {  	s22 =	sadd.s32 $0x80, s22;
	s21 =	sadd.s32 $0x1, s21;
	[tilespmem:v14+s17+$0x0] =	vst.idx.msk vm15, v6  }
.Ltmp13:
0x341: {  	(pc) =	sbr.rel .LBB2_22-.Ltmp13, $4  }
0x342: {  	[hbm4b:s14+s3] =	stream.linear.scatter [tilespmem:s17], [sflag:$0x1], $0xC000, $0x38;
	[tilespmem:$0x18800] =	vst v63  }
0x343: {  	_ =	swait.ge [sflag:s6], $0xC000  }
0x344: {  	[sflag:s6] =	ssyncset.done $0x0  }
0x345: {  	[sflag:s6] =	ssyncadd.s32 $0xFFFF4000  }
.LBB2_23:
0x346: {  	_ =	sfence.sel $0x180000  }
0x347: {  	[bflag:$0x0] =	sbarrier.arrive $0xFFFF  }
0x348: {  	p0 =	sne.s32 s0, $0x0;
	_ =	strace $0x90000047  }
0x349: {  	s0 =	sadd.s32 @!p0 $0x100000, s1;
	[bflag:$0x2] =	sbarrier.arrive $0xFFFF  }
0x34a: {  	[sflag:s0] =	ssyncadd.tile.s32 @!p0 $0x1;
	_ =	shalt  }
.Lfunc_end2:
_tile_overlayer_lowered:
.L_overlay_start_2:
0x34b: {  	(tag) =	ssettag $0x2  }
0x34c: {  	s0 =	rddreg [dreg:$0x0];
	s2 =	stileid.u32  }
0x34d: {  	s1 =	rddreg [dreg:$0x1];
	p0 =	sne.s32 s2, $0x0  }
0x34e: {  	s3 =	rddreg [dreg:$0x2];
	[bflag:$0x3] =	sbarrier.arrive $0xFFFF;
	s2 =	simm.s32 @!p0 $0x1C03  }
0x34f: {  	[timem:s3], [sflag:s2] =	dma.local @!p0 [hbm:s0], s1  }
0x350: {  	s0 =	simm.s32 @!p0 $0x3  }
0x351: {  	_ =	swait.ge @!p0 [sflag:s0], s1  }
0x352: {  	s1 =	ssub.s32 @!p0 $0x0, s1;
	[sflag:s0] =	ssyncset.done @!p0 $0x0  }
0x353: {  	[sflag:s0] =	ssyncadd.s32 @!p0 s1  }
0x354: {  	[bflag:$0x3] =	sbarrier.arrive $0xFFFF  }
0x355: {  	_ =	shalt  }

</sc_bundles>
